<compile_context>
chip_gen: v7x
topology: tpu7x:2x2x1
jax: 0.10.2.dev20260603
libtpu: 0.0.44.dev20260713+nightly
codegen_flags: <defaults>
</compile_context>

<pallas_src>
import functools

import jax
import jax.numpy as jnp
from jax import lax
from jax.experimental import pallas as pl
from jax.experimental.pallas import tpu as pltpu
from jax.experimental.pallas import tpu_sc as plsc

N = 10000
E = 320000
D = 128
H = 128
G = 64

NC = 2
NS = 16
EPC = E // NC
EPW = E // (NC * NS)
C = 80
NCHUNK = EPW // C
NB = 4
GD = 3

ROWS_A = 640
ROWS_LAST = N - 15 * ROWS_A


def _make_sc_body(want_deg):
    def body(h_hbm, src_hbm, dst_hbm, z2_hbm, *refs):
        if want_deg:
            (agg_out, deg_out, src_v, dst_v, rows_v, ones_v, dstage,
             agg_sh, deg_sh, *sems) = refs
        else:
            (agg_out, src_v, dst_v, rows_v, agg_sh, *sems) = refs
        s_si = sems[0:NB]
        s_di = sems[NB:2 * NB]
        s_g = sems[2 * NB:3 * NB]
        s_s = sems[3 * NB:4 * NB]

        cid = lax.axis_index("c")
        sid = lax.axis_index("s")

        if want_deg:
            for j in range(ROWS_A // 16):
                dstage[pl.ds(j * 16, 16)] = jnp.zeros((16,), jnp.float32)
            for j in range(-(-C // 16)):
                ones_v[0, pl.ds(j * 16, 16)] = jnp.ones((16,), jnp.float32)

        @pl.when(sid < NS - 1)
        def _():
            r0 = sid * ROWS_A
            pltpu.sync_copy(z2_hbm.at[pl.ds(r0, ROWS_A)],
                            agg_sh.at[pl.ds(r0, ROWS_A)])
            if want_deg:
                pltpu.sync_copy(dstage, deg_sh.at[pl.ds(r0, ROWS_A)])

        @pl.when(sid == NS - 1)
        def _():
            r0 = 15 * ROWS_A
            pltpu.sync_copy(z2_hbm.at[pl.ds(r0, ROWS_LAST)],
                            agg_sh.at[pl.ds(r0, ROWS_LAST)])
            if want_deg:
                pltpu.sync_copy(dstage.at[pl.ds(0, ROWS_LAST)],
                                deg_sh.at[pl.ds(r0, ROWS_LAST)])

        plsc.subcore_barrier()

        e0 = cid * EPC + sid * EPW

        def src_start(b, i):
            pltpu.async_copy(src_hbm.at[pl.ds(e0 + i * C, C)], src_v.at[b],
                             s_si[b])

        def src_wait(b):
            pltpu.make_async_copy(src_hbm.at[pl.ds(0, C)], src_v.at[b],
                                  s_si[b]).wait()

        def dst_start(b, i):
            pltpu.async_copy(dst_hbm.at[pl.ds(e0 + i * C, C)], dst_v.at[b],
                             s_di[b])

        def dst_wait(b):
            pltpu.make_async_copy(dst_hbm.at[pl.ds(0, C)], dst_v.at[b],
                                  s_di[b]).wait()

        def gather_start(b):
            pltpu.async_copy(h_hbm.at[src_v.at[b]], rows_v.at[b], s_g[b])

        def gather_wait(b):
            pltpu.make_async_copy(h_hbm.at[src_v.at[b]], rows_v.at[b],
                                  s_g[b]).wait()

        def scatter_start(b):
            pltpu.async_copy(rows_v.at[b], agg_sh.at[dst_v.at[b]], s_s[b],
                             add=True)
            if want_deg:
                pltpu.async_copy(ones_v.at[0, pl.ds(0, C)],
                                 deg_sh.at[dst_v.at[b]], s_s[b], add=True)

        def scatter_wait(b):
            pltpu.make_async_copy(rows_v.at[b], agg_sh.at[dst_v.at[b]],
                                  s_s[b]).wait()
            if want_deg:
                pltpu.make_async_copy(ones_v.at[0, pl.ds(0, C)],
                                      deg_sh.at[dst_v.at[b]], s_s[b]).wait()

        for k in range(NB):
            src_start(k, k)
        for k in range(GD):
            dst_start(k, k)
        for k in range(GD):
            src_wait(k)
            gather_start(k)

        def outer(g, carry):
            for b in range(NB):
                i = NB * g + b
                bg = (b + GD) % NB

                @pl.when(i < NCHUNK)
                def _():
                    gather_wait(b)

                @pl.when(jnp.logical_and(i >= 1, i <= NCHUNK))
                def _():
                    scatter_wait(bg)

                @pl.when(i + GD < NCHUNK)
                def _():
                    src_wait(bg)
                    gather_start(bg)
                    dst_start(bg, i + GD)

                @pl.when(i + NB < NCHUNK)
                def _():
                    src_start(b, i + NB)

                @pl.when(i < NCHUNK)
                def _():
                    dst_wait(b)
                    scatter_start(b)
            return carry

        n_iter = -(-(NCHUNK + 2) // NB)
        lax.fori_loop(0, n_iter, outer, 0)

        plsc.subcore_barrier()

        @pl.when(sid < NS - 1)
        def _():
            r0 = sid * ROWS_A
            pltpu.sync_copy(agg_sh.at[pl.ds(r0, ROWS_A)],
                            agg_out.at[cid, pl.ds(r0, ROWS_A)])
            if want_deg:
                pltpu.sync_copy(deg_sh.at[pl.ds(r0, ROWS_A)], dstage)
                pltpu.sync_copy(dstage,
                                deg_out.at[pl.ds(cid * N + r0, ROWS_A)])

        @pl.when(sid == NS - 1)
        def _():
            r0 = 15 * ROWS_A
            pltpu.sync_copy(agg_sh.at[pl.ds(r0, ROWS_LAST)],
                            agg_out.at[cid, pl.ds(r0, ROWS_LAST)])
            if want_deg:
                pltpu.sync_copy(deg_sh.at[pl.ds(r0, ROWS_LAST)],
                                dstage.at[pl.ds(0, ROWS_LAST)])
                pltpu.sync_copy(dstage.at[pl.ds(0, ROWS_LAST)],
                                deg_out.at[pl.ds(cid * N + r0, ROWS_LAST)])

    return body


@functools.cache
def _get_sc_agg(want_deg):
    mesh = plsc.VectorSubcoreMesh(core_axis_name="c", subcore_axis_name="s")
    out_type = [jax.ShapeDtypeStruct((NC, N, D), jnp.float32)]
    scratch = [
        pltpu.VMEM((NB, C), jnp.int32),
        pltpu.VMEM((NB, C), jnp.int32),
        pltpu.VMEM((NB, C, D), jnp.float32),
    ]
    if want_deg:
        out_type.append(jax.ShapeDtypeStruct((NC * N,), jnp.float32))
        scratch += [
            pltpu.VMEM((1, 16 * -(-C // 16)), jnp.float32),
            pltpu.VMEM((ROWS_A,), jnp.float32),
        ]
    scratch.append(pltpu.VMEM_SHARED((N, D), jnp.float32))
    if want_deg:
        scratch.append(pltpu.VMEM_SHARED((N,), jnp.float32))
    scratch += [pltpu.SemaphoreType.DMA] * (4 * NB)
    return pl.kernel(
        _make_sc_body(want_deg),
        out_type=out_type,
        mesh=mesh,
        scratch_types=scratch,
    )


BM = 1000
GRID = N // BM


def _tc_layer_body(aggp_ref, degp_ref, h_ref, wl_ref, wr_ref, b_ref, o_ref):
    ap = aggp_ref[...]
    a = ap[0] + ap[1]
    dp = degp_ref[...]
    d = dp[0] + dp[1]
    mean = a / jnp.maximum(d, 1.0)
    out = (jnp.dot(mean, wl_ref[...], preferred_element_type=jnp.float32)
           + jnp.dot(h_ref[...], wr_ref[...], preferred_element_type=jnp.float32)
           + b_ref[...])
    o_ref[...] = jnp.maximum(out, 0.0)


_tc_layer = pl.pallas_call(
    _tc_layer_body,
    grid=(GRID,),
    in_specs=[
        pl.BlockSpec((NC, BM, D), lambda i: (0, i, 0)),
        pl.BlockSpec((NC, BM, 1), lambda i: (0, i, 0)),
        pl.BlockSpec((BM, D), lambda i: (i, 0)),
        pl.BlockSpec((D, H), lambda i: (0, 0)),
        pl.BlockSpec((D, H), lambda i: (0, 0)),
        pl.BlockSpec((1, H), lambda i: (0, 0)),
    ],
    out_specs=pl.BlockSpec((BM, H), lambda i: (i, 0)),
    out_shape=jax.ShapeDtypeStruct((N, H), jnp.float32),
)


def _tc_pool_body(aggp_ref, degp_ref, h_ref, wl_ref, wr_ref, b_ref,
                  bt_ref, wc1_ref, bc1_ref, wc2_ref, bc2_ref, o_ref,
                  sums, cnts):
    i = pl.program_id(0)

    @pl.when(i == 0)
    def _():
        sums[...] = jnp.zeros_like(sums)
        cnts[...] = jnp.zeros_like(cnts)

    ap = aggp_ref[...]
    a = ap[0] + ap[1]
    dp = degp_ref[...]
    d = dp[0] + dp[1]
    mean = a / jnp.maximum(d, 1.0)
    h = jnp.maximum(
        jnp.dot(mean, wl_ref[...], preferred_element_type=jnp.float32)
        + jnp.dot(h_ref[...], wr_ref[...], preferred_element_type=jnp.float32)
        + b_ref[...], 0.0)

    bt = bt_ref[...]
    mask = (bt == lax.broadcasted_iota(jnp.int32, (BM, G), 1)).astype(jnp.float32)
    dn = (((0,), (0,)), ((), ()))
    sums[...] += lax.dot_general(mask, h, dn, preferred_element_type=jnp.float32)
    cnts[...] += lax.dot_general(mask, jnp.ones((BM, H), jnp.float32), dn,
                                 preferred_element_type=jnp.float32)

    @pl.when(i == pl.num_programs(0) - 1)
    def _():
        g = sums[...] / jnp.maximum(cnts[...], 1.0)
        hid = jnp.maximum(
            jnp.dot(g, wc1_ref[...], preferred_element_type=jnp.float32)
            + bc1_ref[...], 0.0)
        o_ref[...] = (jnp.dot(hid, wc2_ref[...], preferred_element_type=jnp.float32)
                      + bc2_ref[...])


_tc_pool = pl.pallas_call(
    _tc_pool_body,
    grid=(GRID,),
    in_specs=[
        pl.BlockSpec((NC, BM, D), lambda i: (0, i, 0)),
        pl.BlockSpec((NC, BM, 1), lambda i: (0, i, 0)),
        pl.BlockSpec((BM, D), lambda i: (i, 0)),
        pl.BlockSpec((D, H), lambda i: (0, 0)),
        pl.BlockSpec((D, H), lambda i: (0, 0)),
        pl.BlockSpec((1, H), lambda i: (0, 0)),
        pl.BlockSpec((BM, 1), lambda i: (i, 0)),
        pl.BlockSpec((H, H // 2), lambda i: (0, 0)),
        pl.BlockSpec((1, H // 2), lambda i: (0, 0)),
        pl.BlockSpec((H // 2, H), lambda i: (0, 0)),
        pl.BlockSpec((1, H), lambda i: (0, 0)),
    ],
    out_specs=pl.BlockSpec((G, H), lambda i: (0, 0)),
    out_shape=jax.ShapeDtypeStruct((G, H), jnp.float32),
    scratch_shapes=[
        pltpu.VMEM((G, H), jnp.float32),
        pltpu.VMEM((G, H), jnp.float32),
    ],
)


def kernel(x, edge_index, batch, W1l, W1r, b1, W2l, W2r, b2, W3l, W3r, b3,
           Wc1, bc1, Wc2, bc2):
    src = edge_index[0]
    dst = edge_index[1]
    z2 = jnp.zeros((N, D), jnp.float32)

    sc_agg_deg = _get_sc_agg(True)
    sc_agg = _get_sc_agg(False)

    aggp, degp = sc_agg_deg(x, src, dst, z2)
    degp_r = degp.reshape(NC, N, 1)
    h = _tc_layer(aggp, degp_r, x, W1l, W1r, b1.reshape(1, H))

    res = sc_agg(h, src, dst, z2)
    aggp = res[0] if isinstance(res, (list, tuple)) else res
    h = _tc_layer(aggp, degp_r, h, W2l, W2r, b2.reshape(1, H))

    res = sc_agg(h, src, dst, z2)
    aggp = res[0] if isinstance(res, (list, tuple)) else res

    Wc2p = jnp.zeros((H // 2, H), jnp.float32).at[:, :2].set(Wc2)
    bc2p = jnp.zeros((1, H), jnp.float32).at[0, :2].set(bc2)
    out = _tc_pool(aggp, degp_r, h, W3l, W3r, b3.reshape(1, H),
                   batch.reshape(N, 1), Wc1, bc1.reshape(1, H // 2),
                   Wc2p, bc2p)
    return out[:, :2]

# --- scband reference (transcript-rebuilt; emitter-appended) ---
"""Pipeline reference for scband-graph-sageclassifier-76536317214877 (READ-ONLY COPY).

The authoritative reference and input builder live on the scoring server;
editing this copy changes nothing except your own understanding.
"""

import jax, jax.numpy as jnp
import numpy as np

N = 10000
E = 320000
D = 128
H = 128
G = 64


def setup_inputs(seed: int = 0) -> dict:
    key = jax.random.key(seed)
    ks = jax.random.split(key, 16)
    x = jax.random.normal(ks[0], (N, D), dtype=jnp.float32)
    edge_index = jax.random.randint(ks[1], (2, E), 0, N, dtype=jnp.int32)
    batch = jnp.sort(jax.random.randint(ks[2], (N,), 0, G, dtype=jnp.int32))
    s = 0.05
    params = {
        'W1l': jax.random.normal(ks[3], (D, H), dtype=jnp.float32) * s,
        'W1r': jax.random.normal(ks[4], (D, H), dtype=jnp.float32) * s,
        'b1': jnp.zeros((H,), dtype=jnp.float32),
        'W2l': jax.random.normal(ks[5], (H, H), dtype=jnp.float32) * s,
        'W2r': jax.random.normal(ks[6], (H, H), dtype=jnp.float32) * s,
        'b2': jnp.zeros((H,), dtype=jnp.float32),
        'W3l': jax.random.normal(ks[7], (H, H), dtype=jnp.float32) * s,
        'W3r': jax.random.normal(ks[8], (H, H), dtype=jnp.float32) * s,
        'b3': jnp.zeros((H,), dtype=jnp.float32),
        'Wc1': jax.random.normal(ks[9], (H, H // 2), dtype=jnp.float32) * s,
        'bc1': jnp.zeros((H // 2,), dtype=jnp.float32),
        'Wc2': jax.random.normal(ks[10], (H // 2, 2), dtype=jnp.float32) * s,
        'bc2': jnp.zeros((2,), dtype=jnp.float32),
    }
    inp = {'x': x, 'edge_index': edge_index, 'batch': batch}
    inp.update(params)
    return inp


def _sage_conv(h, edge_index, Wl, Wr, b):
    # PyG SAGEConv (mean aggregation): out = lin_l(mean_j x_j) + lin_r(x_i) + b
    src = edge_index[0]
    dst = edge_index[1]
    msg = jnp.take(h, src, axis=0)                       # gather  [E, d]
    agg = jax.ops.segment_sum(msg, dst, num_segments=N)  # scatter-add [N, d]
    deg = jax.ops.segment_sum(jnp.ones((E,), jnp.float32), dst, num_segments=N)
    mean = agg / jnp.maximum(deg, 1.0)[:, None]
    return mean @ Wl + h @ Wr + b


def _global_mean_pool(h, batch):
    s = jax.ops.segment_sum(h, batch, num_segments=G)
    cnt = jax.ops.segment_sum(jnp.ones((N,), jnp.float32), batch, num_segments=G)
    return s / jnp.maximum(cnt, 1.0)[:, None]


def reference(x, edge_index, batch, W1l, W1r, b1, W2l, W2r, b2, W3l, W3r, b3, Wc1, bc1, Wc2, bc2):
    # eval mode: dropout is identity
    h = _sage_conv(x, edge_index, W1l, W1r, b1)
    h = jax.nn.relu(h)
    h = _sage_conv(h, edge_index, W2l, W2r, b2)
    h = jax.nn.relu(h)
    h = _sage_conv(h, edge_index, W3l, W3r, b3)
    h = jax.nn.relu(h)
    g = _global_mean_pool(h, batch)
    hid = jax.nn.relu(g @ Wc1 + bc1)
    logits = hid @ Wc2 + bc2
    return logits

if __name__ == "__main__":
    import jax
    _d = setup_inputs()
    print(jax.jit(kernel)(*tuple(_d.values())))

</pallas_src>

<mosaic_0001>
#map = affine_map<(d0, d1) -> (0, 0)>
#map1 = affine_map<(d0, d1) -> (0)>
#map2 = affine_map<(d0, d1) -> (0, 0, 0)>
module attributes {stable_mosaic.version = 14 : i64} {
  func.func @body(%arg0: i32, %arg1: i32, %arg2: memref<10000x128xf32, #tpu.memory_space<hbm>>, %arg3: memref<320000xi32, #tpu.memory_space<hbm>>, %arg4: memref<320000xi32, #tpu.memory_space<hbm>>, %arg5: memref<10000x128xf32, #tpu.memory_space<hbm>>, %arg6: memref<2x10000x128xf32, #tpu.memory_space<hbm>>, %arg7: memref<4x80xi32, #tpu.memory_space<vmem>>, %arg8: memref<4x80xi32, #tpu.memory_space<vmem>>, %arg9: memref<4x80x128xf32, #tpu.memory_space<vmem>>, %arg10: memref<10000x128xf32, #tpu.memory_space<vmem_shared>>, %arg11: memref<!tpu.dma_semaphore, #tpu.memory_space<semaphore_mem>>, %arg12: memref<!tpu.dma_semaphore, #tpu.memory_space<semaphore_mem>>, %arg13: memref<!tpu.dma_semaphore, #tpu.memory_space<semaphore_mem>>, %arg14: memref<!tpu.dma_semaphore, #tpu.memory_space<semaphore_mem>>, %arg15: memref<!tpu.dma_semaphore, #tpu.memory_space<semaphore_mem>>, %arg16: memref<!tpu.dma_semaphore, #tpu.memory_space<semaphore_mem>>, %arg17: memref<!tpu.dma_semaphore, #tpu.memory_space<semaphore_mem>>, %arg18: memref<!tpu.dma_semaphore, #tpu.memory_space<semaphore_mem>>, %arg19: memref<!tpu.dma_semaphore, #tpu.memory_space<semaphore_mem>>, %arg20: memref<!tpu.dma_semaphore, #tpu.memory_space<semaphore_mem>>, %arg21: memref<!tpu.dma_semaphore, #tpu.memory_space<semaphore_mem>>, %arg22: memref<!tpu.dma_semaphore, #tpu.memory_space<semaphore_mem>>, %arg23: memref<!tpu.dma_semaphore, #tpu.memory_space<semaphore_mem>>, %arg24: memref<!tpu.dma_semaphore, #tpu.memory_space<semaphore_mem>>, %arg25: memref<!tpu.dma_semaphore, #tpu.memory_space<semaphore_mem>>, %arg26: memref<!tpu.dma_semaphore, #tpu.memory_space<semaphore_mem>>) attributes {dimension_semantics = [#tpu.dimension_semantics<core_parallel>, #tpu.dimension_semantics<subcore_parallel>], iteration_bounds = array<i64: 2, 16>, scalar_prefetch = 0 : i64, scratch_operands = 20 : i64, tpu.core_type = #tpu.core_type<sc_vector_subcore>, window_params = [{transform_indices = #map}, {transform_indices = #map1}, {transform_indices = #map1}, {transform_indices = #map}, {transform_indices = #map2}]} {
    %lt3A = arith.constant 15 : i32
    %lt3A_0 = arith.cmpi slt, %arg1, %lt3A : i32
    %convert_element_type3A = arith.extui %lt3A_0 : i1 to i32
    %cond3A = arith.constant 0 : i32
    %cond3A_1 = arith.cmpi ne, %convert_element_type3A, %cond3A : i32
    scf.if %cond3A_1 {
      %mul3A_169 = arith.constant 640 : i32
      %mul3A_170 = arith.muli %arg1, %mul3A_169 : i32
      "tpu.region"() ({
        %run_scoped3A = tpu.sem_alloc : memref<!tpu.dma_semaphore, #tpu.memory_space<semaphore_mem>>
        %dma_start3A_171 = arith.constant 0 : i32
        %dma_start3A_172 = tpu.memref_slice %arg10[%mul3A_170, %dma_start3A_171] : memref<10000x128xf32, #tpu.memory_space<vmem_shared>> -> memref<640x128xf32, #tpu.memory_space<vmem_shared>>
        %dma_start3A_173 = arith.constant 0 : i32
        %dma_start3A_174 = tpu.memref_slice %arg5[%mul3A_170, %dma_start3A_173] : memref<10000x128xf32, #tpu.memory_space<hbm>> -> memref<640x128xf32, #tpu.memory_space<hbm>>
        tpu.enqueue_dma source(%dma_start3A_174 : memref<640x128xf32, #tpu.memory_space<hbm>>) target(%dma_start3A_172 : memref<640x128xf32, #tpu.memory_space<vmem_shared>>) target_semaphore(%run_scoped3A : memref<!tpu.dma_semaphore, #tpu.memory_space<semaphore_mem>>)
        %dma_wait3A_175 = arith.constant 0 : i32
        %dma_wait3A_176 = tpu.memref_slice %arg10[%mul3A_170, %dma_wait3A_175] : memref<10000x128xf32, #tpu.memory_space<vmem_shared>> -> memref<640x128xf32, #tpu.memory_space<vmem_shared>>
        %dma_wait3A_177 = arith.constant 0 : i32
        %dma_wait3A_178 = tpu.memref_slice %arg5[%mul3A_170, %dma_wait3A_177] : memref<10000x128xf32, #tpu.memory_space<hbm>> -> memref<640x128xf32, #tpu.memory_space<hbm>>
        tpu.wait_dma2 semaphore(%run_scoped3A : memref<!tpu.dma_semaphore, #tpu.memory_space<semaphore_mem>>) src(%dma_wait3A_178 : memref<640x128xf32, #tpu.memory_space<hbm>>) dst(%dma_wait3A_176 : memref<640x128xf32, #tpu.memory_space<vmem_shared>>)
        tpu.yield
      }) : () -> ()
    } else {
    }
    %eq3A = arith.constant 15 : i32
    %eq3A_2 = arith.cmpi eq, %arg1, %eq3A : i32
    %convert_element_type3A_3 = arith.extui %eq3A_2 : i1 to i32
    %cond3A_4 = arith.constant 0 : i32
    %cond3A_5 = arith.cmpi ne, %convert_element_type3A_3, %cond3A_4 : i32
    scf.if %cond3A_5 {
      "tpu.region"() ({
        %run_scoped3A = tpu.sem_alloc : memref<!tpu.dma_semaphore, #tpu.memory_space<semaphore_mem>>
        %dma_start3A_169 = arith.constant 9600 : i32
        %dma_start3A_170 = arith.constant 0 : i32
        %dma_start3A_171 = tpu.memref_slice %arg10[%dma_start3A_169, %dma_start3A_170] : memref<10000x128xf32, #tpu.memory_space<vmem_shared>> -> memref<400x128xf32, #tpu.memory_space<vmem_shared>>
        %dma_start3A_172 = arith.constant 9600 : i32
        %dma_start3A_173 = arith.constant 0 : i32
        %dma_start3A_174 = tpu.memref_slice %arg5[%dma_start3A_172, %dma_start3A_173] : memref<10000x128xf32, #tpu.memory_space<hbm>> -> memref<400x128xf32, #tpu.memory_space<hbm>>
        tpu.enqueue_dma source(%dma_start3A_174 : memref<400x128xf32, #tpu.memory_space<hbm>>) target(%dma_start3A_171 : memref<400x128xf32, #tpu.memory_space<vmem_shared>>) target_semaphore(%run_scoped3A : memref<!tpu.dma_semaphore, #tpu.memory_space<semaphore_mem>>)
        %dma_wait3A_175 = arith.constant 9600 : i32
        %dma_wait3A_176 = arith.constant 0 : i32
        %dma_wait3A_177 = tpu.memref_slice %arg10[%dma_wait3A_175, %dma_wait3A_176] : memref<10000x128xf32, #tpu.memory_space<vmem_shared>> -> memref<400x128xf32, #tpu.memory_space<vmem_shared>>
        %dma_wait3A_178 = arith.constant 9600 : i32
        %dma_wait3A_179 = arith.constant 0 : i32
        %dma_wait3A_180 = tpu.memref_slice %arg5[%dma_wait3A_178, %dma_wait3A_179] : memref<10000x128xf32, #tpu.memory_space<hbm>> -> memref<400x128xf32, #tpu.memory_space<hbm>>
        tpu.wait_dma2 semaphore(%run_scoped3A : memref<!tpu.dma_semaphore, #tpu.memory_space<semaphore_mem>>) src(%dma_wait3A_180 : memref<400x128xf32, #tpu.memory_space<hbm>>) dst(%dma_wait3A_177 : memref<400x128xf32, #tpu.memory_space<vmem_shared>>)
        tpu.yield
      }) : () -> ()
    } else {
    }
    %barrier3A = arith.constant 0 : index
    tpu.barrier barrier_id(%barrier3A)
    %mul3A = arith.constant 160000 : i32
    %mul3A_6 = arith.muli %arg0, %mul3A : i32
    %mul3A_7 = arith.constant 10000 : i32
    %mul3A_8 = arith.muli %arg1, %mul3A_7 : i32
    %add3A = arith.addi %mul3A_6, %mul3A_8 : i32
    %add3A_9 = arith.constant 0 : i32
    %add3A_10 = arith.addi %add3A, %add3A_9 : i32
    %dma_start3A = arith.constant 0 : i32
    %dma_start3A_11 = arith.constant 0 : i32
    %dma_start3A_12 = tpu.memref_slice %arg7[%dma_start3A, %dma_start3A_11] : memref<4x80xi32, #tpu.memory_space<vmem>> -> memref<1x80xi32, #tpu.memory_space<vmem>>
    %dma_start3A_13 = tpu.memref_squeeze %dma_start3A_12 : memref<1x80xi32, #tpu.memory_space<vmem>> -> memref<80xi32, #tpu.memory_space<vmem>>
    %dma_start3A_14 = tpu.memref_slice %arg3[%add3A_10] : memref<320000xi32, #tpu.memory_space<hbm>> -> memref<80xi32, #tpu.memory_space<hbm>>
    %dma_start3A_15 = arith.constant 0 : i32
    %dma_start3A_16 = tpu.memref_slice %arg7[%dma_start3A, %dma_start3A_15] : memref<4x80xi32, #tpu.memory_space<vmem>> -> memref<1x80xi32, #tpu.memory_space<vmem>>
    %dma_start3A_17 = tpu.memref_squeeze %dma_start3A_16 : memref<1x80xi32, #tpu.memory_space<vmem>> -> memref<80xi32, #tpu.memory_space<vmem>>
    %dma_start3A_18 = tpu.memref_slice %arg3[%add3A_10] : memref<320000xi32, #tpu.memory_space<hbm>> -> memref<80xi32, #tpu.memory_space<hbm>>
    tpu.enqueue_dma source(%dma_start3A_18 : memref<80xi32, #tpu.memory_space<hbm>>) target(%dma_start3A_17 : memref<80xi32, #tpu.memory_space<vmem>>) target_semaphore(%arg11 : memref<!tpu.dma_semaphore, #tpu.memory_space<semaphore_mem>>)
    %add3A_19 = arith.constant 80 : i32
    %add3A_20 = arith.addi %add3A, %add3A_19 : i32
    %dma_start3A_21 = arith.constant 1 : i32
    %dma_start3A_22 = arith.constant 0 : i32
    %dma_start3A_23 = tpu.memref_slice %arg7[%dma_start3A_21, %dma_start3A_22] : memref<4x80xi32, #tpu.memory_space<vmem>> -> memref<1x80xi32, #tpu.memory_space<vmem>>
    %dma_start3A_24 = tpu.memref_squeeze %dma_start3A_23 : memref<1x80xi32, #tpu.memory_space<vmem>> -> memref<80xi32, #tpu.memory_space<vmem>>
    %dma_start3A_25 = tpu.memref_slice %arg3[%add3A_20] : memref<320000xi32, #tpu.memory_space<hbm>> -> memref<80xi32, #tpu.memory_space<hbm>>
    %dma_start3A_26 = arith.constant 0 : i32
    %dma_start3A_27 = tpu.memref_slice %arg7[%dma_start3A_21, %dma_start3A_26] : memref<4x80xi32, #tpu.memory_space<vmem>> -> memref<1x80xi32, #tpu.memory_space<vmem>>
    %dma_start3A_28 = tpu.memref_squeeze %dma_start3A_27 : memref<1x80xi32, #tpu.memory_space<vmem>> -> memref<80xi32, #tpu.memory_space<vmem>>
    %dma_start3A_29 = tpu.memref_slice %arg3[%add3A_20] : memref<320000xi32, #tpu.memory_space<hbm>> -> memref<80xi32, #tpu.memory_space<hbm>>
    tpu.enqueue_dma source(%dma_start3A_29 : memref<80xi32, #tpu.memory_space<hbm>>) target(%dma_start3A_28 : memref<80xi32, #tpu.memory_space<vmem>>) target_semaphore(%arg12 : memref<!tpu.dma_semaphore, #tpu.memory_space<semaphore_mem>>)
    %add3A_30 = arith.constant 160 : i32
    %add3A_31 = arith.addi %add3A, %add3A_30 : i32
    %dma_start3A_32 = arith.constant 2 : i32
    %dma_start3A_33 = arith.constant 0 : i32
    %dma_start3A_34 = tpu.memref_slice %arg7[%dma_start3A_32, %dma_start3A_33] : memref<4x80xi32, #tpu.memory_space<vmem>> -> memref<1x80xi32, #tpu.memory_space<vmem>>
    %dma_start3A_35 = tpu.memref_squeeze %dma_start3A_34 : memref<1x80xi32, #tpu.memory_space<vmem>> -> memref<80xi32, #tpu.memory_space<vmem>>
    %dma_start3A_36 = tpu.memref_slice %arg3[%add3A_31] : memref<320000xi32, #tpu.memory_space<hbm>> -> memref<80xi32, #tpu.memory_space<hbm>>
    %dma_start3A_37 = arith.constant 0 : i32
    %dma_start3A_38 = tpu.memref_slice %arg7[%dma_start3A_32, %dma_start3A_37] : memref<4x80xi32, #tpu.memory_space<vmem>> -> memref<1x80xi32, #tpu.memory_space<vmem>>
    %dma_start3A_39 = tpu.memref_squeeze %dma_start3A_38 : memref<1x80xi32, #tpu.memory_space<vmem>> -> memref<80xi32, #tpu.memory_space<vmem>>
    %dma_start3A_40 = tpu.memref_slice %arg3[%add3A_31] : memref<320000xi32, #tpu.memory_space<hbm>> -> memref<80xi32, #tpu.memory_space<hbm>>
    tpu.enqueue_dma source(%dma_start3A_40 : memref<80xi32, #tpu.memory_space<hbm>>) target(%dma_start3A_39 : memref<80xi32, #tpu.memory_space<vmem>>) target_semaphore(%arg13 : memref<!tpu.dma_semaphore, #tpu.memory_space<semaphore_mem>>)
    %add3A_41 = arith.constant 240 : i32
    %add3A_42 = arith.addi %add3A, %add3A_41 : i32
    %dma_start3A_43 = arith.constant 3 : i32
    %dma_start3A_44 = arith.constant 0 : i32
    %dma_start3A_45 = tpu.memref_slice %arg7[%dma_start3A_43, %dma_start3A_44] : memref<4x80xi32, #tpu.memory_space<vmem>> -> memref<1x80xi32, #tpu.memory_space<vmem>>
    %dma_start3A_46 = tpu.memref_squeeze %dma_start3A_45 : memref<1x80xi32, #tpu.memory_space<vmem>> -> memref<80xi32, #tpu.memory_space<vmem>>
    %dma_start3A_47 = tpu.memref_slice %arg3[%add3A_42] : memref<320000xi32, #tpu.memory_space<hbm>> -> memref<80xi32, #tpu.memory_space<hbm>>
    %dma_start3A_48 = arith.constant 0 : i32
    %dma_start3A_49 = tpu.memref_slice %arg7[%dma_start3A_43, %dma_start3A_48] : memref<4x80xi32, #tpu.memory_space<vmem>> -> memref<1x80xi32, #tpu.memory_space<vmem>>
    %dma_start3A_50 = tpu.memref_squeeze %dma_start3A_49 : memref<1x80xi32, #tpu.memory_space<vmem>> -> memref<80xi32, #tpu.memory_space<vmem>>
    %dma_start3A_51 = tpu.memref_slice %arg3[%add3A_42] : memref<320000xi32, #tpu.memory_space<hbm>> -> memref<80xi32, #tpu.memory_space<hbm>>
    tpu.enqueue_dma source(%dma_start3A_51 : memref<80xi32, #tpu.memory_space<hbm>>) target(%dma_start3A_50 : memref<80xi32, #tpu.memory_space<vmem>>) target_semaphore(%arg14 : memref<!tpu.dma_semaphore, #tpu.memory_space<semaphore_mem>>)
    %add3A_52 = arith.constant 0 : i32
    %add3A_53 = arith.addi %add3A, %add3A_52 : i32
    %dma_start3A_54 = arith.constant 0 : i32
    %dma_start3A_55 = arith.constant 0 : i32
    %dma_start3A_56 = tpu.memref_slice %arg8[%dma_start3A_54, %dma_start3A_55] : memref<4x80xi32, #tpu.memory_space<vmem>> -> memref<1x80xi32, #tpu.memory_space<vmem>>
    %dma_start3A_57 = tpu.memref_squeeze %dma_start3A_56 : memref<1x80xi32, #tpu.memory_space<vmem>> -> memref<80xi32, #tpu.memory_space<vmem>>
    %dma_start3A_58 = tpu.memref_slice %arg4[%add3A_53] : memref<320000xi32, #tpu.memory_space<hbm>> -> memref<80xi32, #tpu.memory_space<hbm>>
    %dma_start3A_59 = arith.constant 0 : i32
    %dma_start3A_60 = tpu.memref_slice %arg8[%dma_start3A_54, %dma_start3A_59] : memref<4x80xi32, #tpu.memory_space<vmem>> -> memref<1x80xi32, #tpu.memory_space<vmem>>
    %dma_start3A_61 = tpu.memref_squeeze %dma_start3A_60 : memref<1x80xi32, #tpu.memory_space<vmem>> -> memref<80xi32, #tpu.memory_space<vmem>>
    %dma_start3A_62 = tpu.memref_slice %arg4[%add3A_53] : memref<320000xi32, #tpu.memory_space<hbm>> -> memref<80xi32, #tpu.memory_space<hbm>>
    tpu.enqueue_dma source(%dma_start3A_62 : memref<80xi32, #tpu.memory_space<hbm>>) target(%dma_start3A_61 : memref<80xi32, #tpu.memory_space<vmem>>) target_semaphore(%arg15 : memref<!tpu.dma_semaphore, #tpu.memory_space<semaphore_mem>>)
    %add3A_63 = arith.constant 80 : i32
    %add3A_64 = arith.addi %add3A, %add3A_63 : i32
    %dma_start3A_65 = arith.constant 1 : i32
    %dma_start3A_66 = arith.constant 0 : i32
    %dma_start3A_67 = tpu.memref_slice %arg8[%dma_start3A_65, %dma_start3A_66] : memref<4x80xi32, #tpu.memory_space<vmem>> -> memref<1x80xi32, #tpu.memory_space<vmem>>
    %dma_start3A_68 = tpu.memref_squeeze %dma_start3A_67 : memref<1x80xi32, #tpu.memory_space<vmem>> -> memref<80xi32, #tpu.memory_space<vmem>>
    %dma_start3A_69 = tpu.memref_slice %arg4[%add3A_64] : memref<320000xi32, #tpu.memory_space<hbm>> -> memref<80xi32, #tpu.memory_space<hbm>>
    %dma_start3A_70 = arith.constant 0 : i32
    %dma_start3A_71 = tpu.memref_slice %arg8[%dma_start3A_65, %dma_start3A_70] : memref<4x80xi32, #tpu.memory_space<vmem>> -> memref<1x80xi32, #tpu.memory_space<vmem>>
    %dma_start3A_72 = tpu.memref_squeeze %dma_start3A_71 : memref<1x80xi32, #tpu.memory_space<vmem>> -> memref<80xi32, #tpu.memory_space<vmem>>
    %dma_start3A_73 = tpu.memref_slice %arg4[%add3A_64] : memref<320000xi32, #tpu.memory_space<hbm>> -> memref<80xi32, #tpu.memory_space<hbm>>
    tpu.enqueue_dma source(%dma_start3A_73 : memref<80xi32, #tpu.memory_space<hbm>>) target(%dma_start3A_72 : memref<80xi32, #tpu.memory_space<vmem>>) target_semaphore(%arg16 : memref<!tpu.dma_semaphore, #tpu.memory_space<semaphore_mem>>)
    %add3A_74 = arith.constant 160 : i32
    %add3A_75 = arith.addi %add3A, %add3A_74 : i32
    %dma_start3A_76 = arith.constant 2 : i32
    %dma_start3A_77 = arith.constant 0 : i32
    %dma_start3A_78 = tpu.memref_slice %arg8[%dma_start3A_76, %dma_start3A_77] : memref<4x80xi32, #tpu.memory_space<vmem>> -> memref<1x80xi32, #tpu.memory_space<vmem>>
    %dma_start3A_79 = tpu.memref_squeeze %dma_start3A_78 : memref<1x80xi32, #tpu.memory_space<vmem>> -> memref<80xi32, #tpu.memory_space<vmem>>
    %dma_start3A_80 = tpu.memref_slice %arg4[%add3A_75] : memref<320000xi32, #tpu.memory_space<hbm>> -> memref<80xi32, #tpu.memory_space<hbm>>
    %dma_start3A_81 = arith.constant 0 : i32
    %dma_start3A_82 = tpu.memref_slice %arg8[%dma_start3A_76, %dma_start3A_81] : memref<4x80xi32, #tpu.memory_space<vmem>> -> memref<1x80xi32, #tpu.memory_space<vmem>>
    %dma_start3A_83 = tpu.memref_squeeze %dma_start3A_82 : memref<1x80xi32, #tpu.memory_space<vmem>> -> memref<80xi32, #tpu.memory_space<vmem>>
    %dma_start3A_84 = tpu.memref_slice %arg4[%add3A_75] : memref<320000xi32, #tpu.memory_space<hbm>> -> memref<80xi32, #tpu.memory_space<hbm>>
    tpu.enqueue_dma source(%dma_start3A_84 : memref<80xi32, #tpu.memory_space<hbm>>) target(%dma_start3A_83 : memref<80xi32, #tpu.memory_space<vmem>>) target_semaphore(%arg17 : memref<!tpu.dma_semaphore, #tpu.memory_space<semaphore_mem>>)
    %dma_wait3A = arith.constant 0 : i32
    %dma_wait3A_85 = arith.constant 0 : i32
    %dma_wait3A_86 = tpu.memref_slice %arg7[%dma_wait3A, %dma_wait3A_85] : memref<4x80xi32, #tpu.memory_space<vmem>> -> memref<1x80xi32, #tpu.memory_space<vmem>>
    %dma_wait3A_87 = tpu.memref_squeeze %dma_wait3A_86 : memref<1x80xi32, #tpu.memory_space<vmem>> -> memref<80xi32, #tpu.memory_space<vmem>>
    %dma_wait3A_88 = arith.constant 0 : i32
    %dma_wait3A_89 = tpu.memref_slice %arg3[%dma_wait3A_88] : memref<320000xi32, #tpu.memory_space<hbm>> -> memref<80xi32, #tpu.memory_space<hbm>>
    %dma_wait3A_90 = arith.constant 0 : i32
    %dma_wait3A_91 = tpu.memref_slice %arg7[%dma_wait3A, %dma_wait3A_90] : memref<4x80xi32, #tpu.memory_space<vmem>> -> memref<1x80xi32, #tpu.memory_space<vmem>>
    %dma_wait3A_92 = tpu.memref_squeeze %dma_wait3A_91 : memref<1x80xi32, #tpu.memory_space<vmem>> -> memref<80xi32, #tpu.memory_space<vmem>>
    %dma_wait3A_93 = arith.constant 0 : i32
    %dma_wait3A_94 = tpu.memref_slice %arg3[%dma_wait3A_93] : memref<320000xi32, #tpu.memory_space<hbm>> -> memref<80xi32, #tpu.memory_space<hbm>>
    tpu.wait_dma2 semaphore(%arg11 : memref<!tpu.dma_semaphore, #tpu.memory_space<semaphore_mem>>) src(%dma_wait3A_94 : memref<80xi32, #tpu.memory_space<hbm>>) dst(%dma_wait3A_92 : memref<80xi32, #tpu.memory_space<vmem>>)
    %dma_start3A_95 = arith.constant 0 : i32
    %dma_start3A_96 = arith.constant 0 : i32
    %dma_start3A_97 = arith.constant 0 : i32
    %dma_start3A_98 = arith.constant 0 : i32
    %dma_start3A_99 = tpu.memref_slice %arg9[%dma_start3A_96, %dma_start3A_97, %dma_start3A_98] : memref<4x80x128xf32, #tpu.memory_space<vmem>> -> memref<1x80x128xf32, #tpu.memory_space<vmem>>
    %dma_start3A_100 = tpu.memref_squeeze %dma_start3A_99 : memref<1x80x128xf32, #tpu.memory_space<vmem>> -> memref<80x128xf32, #tpu.memory_space<vmem>>
    %dma_start3A_101 = arith.constant 0 : i32
    %dma_start3A_102 = tpu.memref_slice %arg7[%dma_start3A_95, %dma_start3A_101] : memref<4x80xi32, #tpu.memory_space<vmem>> -> memref<1x80xi32, #tpu.memory_space<vmem>>
    %dma_start3A_103 = tpu.memref_squeeze %dma_start3A_102 : memref<1x80xi32, #tpu.memory_space<vmem>> -> memref<80xi32, #tpu.memory_space<vmem>>
    %dma_start3A_104 = arith.constant 0 : i32
    %dma_start3A_105 = arith.constant 0 : i32
    %dma_start3A_106 = tpu.memref_slice %arg2[%dma_start3A_104, %dma_start3A_105] : memref<10000x128xf32, #tpu.memory_space<hbm>> -> memref<10000x128xf32, #tpu.memory_space<hbm>>
    tpu.enqueue_indirect_dma source(%dma_start3A_106 : memref<10000x128xf32, #tpu.memory_space<hbm>>) target(%dma_start3A_100 : memref<80x128xf32, #tpu.memory_space<vmem>>) offsets(%dma_start3A_103 : memref<80xi32, #tpu.memory_space<vmem>>) semaphore(%arg19 : memref<!tpu.dma_semaphore, #tpu.memory_space<semaphore_mem>>)
    %dma_wait3A_107 = arith.constant 1 : i32
    %dma_wait3A_108 = arith.constant 0 : i32
    %dma_wait3A_109 = tpu.memref_slice %arg7[%dma_wait3A_107, %dma_wait3A_108] : memref<4x80xi32, #tpu.memory_space<vmem>> -> memref<1x80xi32, #tpu.memory_space<vmem>>
    %dma_wait3A_110 = tpu.memref_squeeze %dma_wait3A_109 : memref<1x80xi32, #tpu.memory_space<vmem>> -> memref<80xi32, #tpu.memory_space<vmem>>
    %dma_wait3A_111 = arith.constant 0 : i32
    %dma_wait3A_112 = tpu.memref_slice %arg3[%dma_wait3A_111] : memref<320000xi32, #tpu.memory_space<hbm>> -> memref<80xi32, #tpu.memory_space<hbm>>
    %dma_wait3A_113 = arith.constant 0 : i32
    %dma_wait3A_114 = tpu.memref_slice %arg7[%dma_wait3A_107, %dma_wait3A_113] : memref<4x80xi32, #tpu.memory_space<vmem>> -> memref<1x80xi32, #tpu.memory_space<vmem>>
    %dma_wait3A_115 = tpu.memref_squeeze %dma_wait3A_114 : memref<1x80xi32, #tpu.memory_space<vmem>> -> memref<80xi32, #tpu.memory_space<vmem>>
    %dma_wait3A_116 = arith.constant 0 : i32
    %dma_wait3A_117 = tpu.memref_slice %arg3[%dma_wait3A_116] : memref<320000xi32, #tpu.memory_space<hbm>> -> memref<80xi32, #tpu.memory_space<hbm>>
    tpu.wait_dma2 semaphore(%arg12 : memref<!tpu.dma_semaphore, #tpu.memory_space<semaphore_mem>>) src(%dma_wait3A_117 : memref<80xi32, #tpu.memory_space<hbm>>) dst(%dma_wait3A_115 : memref<80xi32, #tpu.memory_space<vmem>>)
    %dma_start3A_118 = arith.constant 1 : i32
    %dma_start3A_119 = arith.constant 1 : i32
    %dma_start3A_120 = arith.constant 0 : i32
    %dma_start3A_121 = arith.constant 0 : i32
    %dma_start3A_122 = tpu.memref_slice %arg9[%dma_start3A_119, %dma_start3A_120, %dma_start3A_121] : memref<4x80x128xf32, #tpu.memory_space<vmem>> -> memref<1x80x128xf32, #tpu.memory_space<vmem>>
    %dma_start3A_123 = tpu.memref_squeeze %dma_start3A_122 : memref<1x80x128xf32, #tpu.memory_space<vmem>> -> memref<80x128xf32, #tpu.memory_space<vmem>>
    %dma_start3A_124 = arith.constant 0 : i32
    %dma_start3A_125 = tpu.memref_slice %arg7[%dma_start3A_118, %dma_start3A_124] : memref<4x80xi32, #tpu.memory_space<vmem>> -> memref<1x80xi32, #tpu.memory_space<vmem>>
    %dma_start3A_126 = tpu.memref_squeeze %dma_start3A_125 : memref<1x80xi32, #tpu.memory_space<vmem>> -> memref<80xi32, #tpu.memory_space<vmem>>
    %dma_start3A_127 = arith.constant 0 : i32
    %dma_start3A_128 = arith.constant 0 : i32
    %dma_start3A_129 = tpu.memref_slice %arg2[%dma_start3A_127, %dma_start3A_128] : memref<10000x128xf32, #tpu.memory_space<hbm>> -> memref<10000x128xf32, #tpu.memory_space<hbm>>
    tpu.enqueue_indirect_dma source(%dma_start3A_129 : memref<10000x128xf32, #tpu.memory_space<hbm>>) target(%dma_start3A_123 : memref<80x128xf32, #tpu.memory_space<vmem>>) offsets(%dma_start3A_126 : memref<80xi32, #tpu.memory_space<vmem>>) semaphore(%arg20 : memref<!tpu.dma_semaphore, #tpu.memory_space<semaphore_mem>>)
    %dma_wait3A_130 = arith.constant 2 : i32
    %dma_wait3A_131 = arith.constant 0 : i32
    %dma_wait3A_132 = tpu.memref_slice %arg7[%dma_wait3A_130, %dma_wait3A_131] : memref<4x80xi32, #tpu.memory_space<vmem>> -> memref<1x80xi32, #tpu.memory_space<vmem>>
    %dma_wait3A_133 = tpu.memref_squeeze %dma_wait3A_132 : memref<1x80xi32, #tpu.memory_space<vmem>> -> memref<80xi32, #tpu.memory_space<vmem>>
    %dma_wait3A_134 = arith.constant 0 : i32
    %dma_wait3A_135 = tpu.memref_slice %arg3[%dma_wait3A_134] : memref<320000xi32, #tpu.memory_space<hbm>> -> memref<80xi32, #tpu.memory_space<hbm>>
    %dma_wait3A_136 = arith.constant 0 : i32
    %dma_wait3A_137 = tpu.memref_slice %arg7[%dma_wait3A_130, %dma_wait3A_136] : memref<4x80xi32, #tpu.memory_space<vmem>> -> memref<1x80xi32, #tpu.memory_space<vmem>>
    %dma_wait3A_138 = tpu.memref_squeeze %dma_wait3A_137 : memref<1x80xi32, #tpu.memory_space<vmem>> -> memref<80xi32, #tpu.memory_space<vmem>>
    %dma_wait3A_139 = arith.constant 0 : i32
    %dma_wait3A_140 = tpu.memref_slice %arg3[%dma_wait3A_139] : memref<320000xi32, #tpu.memory_space<hbm>> -> memref<80xi32, #tpu.memory_space<hbm>>
    tpu.wait_dma2 semaphore(%arg13 : memref<!tpu.dma_semaphore, #tpu.memory_space<semaphore_mem>>) src(%dma_wait3A_140 : memref<80xi32, #tpu.memory_space<hbm>>) dst(%dma_wait3A_138 : memref<80xi32, #tpu.memory_space<vmem>>)
    %dma_start3A_141 = arith.constant 2 : i32
    %dma_start3A_142 = arith.constant 2 : i32
    %dma_start3A_143 = arith.constant 0 : i32
    %dma_start3A_144 = arith.constant 0 : i32
    %dma_start3A_145 = tpu.memref_slice %arg9[%dma_start3A_142, %dma_start3A_143, %dma_start3A_144] : memref<4x80x128xf32, #tpu.memory_space<vmem>> -> memref<1x80x128xf32, #tpu.memory_space<vmem>>
    %dma_start3A_146 = tpu.memref_squeeze %dma_start3A_145 : memref<1x80x128xf32, #tpu.memory_space<vmem>> -> memref<80x128xf32, #tpu.memory_space<vmem>>
    %dma_start3A_147 = arith.constant 0 : i32
    %dma_start3A_148 = tpu.memref_slice %arg7[%dma_start3A_141, %dma_start3A_147] : memref<4x80xi32, #tpu.memory_space<vmem>> -> memref<1x80xi32, #tpu.memory_space<vmem>>
    %dma_start3A_149 = tpu.memref_squeeze %dma_start3A_148 : memref<1x80xi32, #tpu.memory_space<vmem>> -> memref<80xi32, #tpu.memory_space<vmem>>
    %dma_start3A_150 = arith.constant 0 : i32
    %dma_start3A_151 = arith.constant 0 : i32
    %dma_start3A_152 = tpu.memref_slice %arg2[%dma_start3A_150, %dma_start3A_151] : memref<10000x128xf32, #tpu.memory_space<hbm>> -> memref<10000x128xf32, #tpu.memory_space<hbm>>
    tpu.enqueue_indirect_dma source(%dma_start3A_152 : memref<10000x128xf32, #tpu.memory_space<hbm>>) target(%dma_start3A_146 : memref<80x128xf32, #tpu.memory_space<vmem>>) offsets(%dma_start3A_149 : memref<80xi32, #tpu.memory_space<vmem>>) semaphore(%arg21 : memref<!tpu.dma_semaphore, #tpu.memory_space<semaphore_mem>>)
    %scan3A = arith.constant 0 : i32
    %scan3A_153 = arith.constant 0 : i32
    %scan3A_154 = arith.constant 32 : i32
    %scan3A_155 = arith.addi %scan3A_153, %scan3A_154 : i32
    %scan3A_156 = arith.constant 1 : i32
    scf.for %scan3A_169 = %scan3A_153 to %scan3A_155 step %scan3A_156  : i32 {
      %mul3A_170 = arith.constant 4 : i32
      %mul3A_171 = arith.muli %mul3A_170, %scan3A_169 : i32
      %add3A_172 = arith.constant 0 : i32
      %add3A_173 = arith.addi %mul3A_171, %add3A_172 : i32
      %lt3A_174 = arith.constant 125 : i32
      %lt3A_175 = arith.cmpi slt, %add3A_173, %lt3A_174 : i32
      %convert_element_type3A_176 = arith.extui %lt3A_175 : i1 to i32
      %cond3A_177 = arith.constant 0 : i32
      %cond3A_178 = arith.cmpi ne, %convert_element_type3A_176, %cond3A_177 : i32
      scf.if %cond3A_178 {
        %dma_wait3A_311 = arith.constant 0 : i32
        %dma_wait3A_312 = arith.constant 0 : i32
        %dma_wait3A_313 = arith.constant 0 : i32
        %dma_wait3A_314 = arith.constant 0 : i32
        %dma_wait3A_315 = tpu.memref_slice %arg9[%dma_wait3A_312, %dma_wait3A_313, %dma_wait3A_314] : memref<4x80x128xf32, #tpu.memory_space<vmem>> -> memref<1x80x128xf32, #tpu.memory_space<vmem>>
        %dma_wait3A_316 = tpu.memref_squeeze %dma_wait3A_315 : memref<1x80x128xf32, #tpu.memory_space<vmem>> -> memref<80x128xf32, #tpu.memory_space<vmem>>
        %dma_wait3A_317 = arith.constant 0 : i32
        %dma_wait3A_318 = tpu.memref_slice %arg7[%dma_wait3A_311, %dma_wait3A_317] : memref<4x80xi32, #tpu.memory_space<vmem>> -> memref<1x80xi32, #tpu.memory_space<vmem>>
        %dma_wait3A_319 = tpu.memref_squeeze %dma_wait3A_318 : memref<1x80xi32, #tpu.memory_space<vmem>> -> memref<80xi32, #tpu.memory_space<vmem>>
        %dma_wait3A_320 = arith.constant 0 : i32
        %dma_wait3A_321 = arith.constant 0 : i32
        %dma_wait3A_322 = tpu.memref_slice %arg2[%dma_wait3A_320, %dma_wait3A_321] : memref<10000x128xf32, #tpu.memory_space<hbm>> -> memref<10000x128xf32, #tpu.memory_space<hbm>>
        tpu.wait_indirect_dma semaphore(%arg19 : memref<!tpu.dma_semaphore, #tpu.memory_space<semaphore_mem>>) src(%dma_wait3A_322 : memref<10000x128xf32, #tpu.memory_space<hbm>>) dst(%dma_wait3A_316 : memref<80x128xf32, #tpu.memory_space<vmem>>)
      } else {
      }
      %ge3A = arith.constant 1 : i32
      %ge3A_179 = arith.cmpi sge, %add3A_173, %ge3A : i32
      %le3A = arith.constant 125 : i32
      %le3A_180 = arith.cmpi sle, %add3A_173, %le3A : i32
      %and3A = arith.andi %ge3A_179, %le3A_180 : i1
      %convert_element_type3A_181 = arith.extui %and3A : i1 to i32
      %cond3A_182 = arith.constant 0 : i32
      %cond3A_183 = arith.cmpi ne, %convert_element_type3A_181, %cond3A_182 : i32
      scf.if %cond3A_183 {
        %dma_wait3A_311 = arith.constant 3 : i32
        %dma_wait3A_312 = arith.constant 3 : i32
        %dma_wait3A_313 = arith.constant 0 : i32
        %dma_wait3A_314 = arith.constant 0 : i32
        %dma_wait3A_315 = tpu.memref_slice %arg9[%dma_wait3A_311, %dma_wait3A_313, %dma_wait3A_314] : memref<4x80x128xf32, #tpu.memory_space<vmem>> -> memref<1x80x128xf32, #tpu.memory_space<vmem>>
        %dma_wait3A_316 = tpu.memref_squeeze %dma_wait3A_315 : memref<1x80x128xf32, #tpu.memory_space<vmem>> -> memref<80x128xf32, #tpu.memory_space<vmem>>
        %dma_wait3A_317 = arith.constant 0 : i32
        %dma_wait3A_318 = tpu.memref_slice %arg8[%dma_wait3A_312, %dma_wait3A_317] : memref<4x80xi32, #tpu.memory_space<vmem>> -> memref<1x80xi32, #tpu.memory_space<vmem>>
        %dma_wait3A_319 = tpu.memref_squeeze %dma_wait3A_318 : memref<1x80xi32, #tpu.memory_space<vmem>> -> memref<80xi32, #tpu.memory_space<vmem>>
        %dma_wait3A_320 = arith.constant 0 : i32
        %dma_wait3A_321 = arith.constant 0 : i32
        %dma_wait3A_322 = tpu.memref_slice %arg10[%dma_wait3A_320, %dma_wait3A_321] : memref<10000x128xf32, #tpu.memory_space<vmem_shared>> -> memref<10000x128xf32, #tpu.memory_space<vmem_shared>>
        tpu.wait_indirect_dma semaphore(%arg26 : memref<!tpu.dma_semaphore, #tpu.memory_space<semaphore_mem>>) src(%dma_wait3A_316 : memref<80x128xf32, #tpu.memory_space<vmem>>) dst(%dma_wait3A_322 : memref<10000x128xf32, #tpu.memory_space<vmem_shared>>)
      } else {
      }
      %add3A_184 = arith.constant 3 : i32
      %add3A_185 = arith.addi %add3A_173, %add3A_184 : i32
      %lt3A_186 = arith.constant 125 : i32
      %lt3A_187 = arith.cmpi slt, %add3A_185, %lt3A_186 : i32
      %convert_element_type3A_188 = arith.extui %lt3A_187 : i1 to i32
      %cond3A_189 = arith.constant 0 : i32
      %cond3A_190 = arith.cmpi ne, %convert_element_type3A_188, %cond3A_189 : i32
      scf.if %cond3A_190 {
        %dma_wait3A_311 = arith.constant 3 : i32
        %dma_wait3A_312 = arith.constant 0 : i32
        %dma_wait3A_313 = tpu.memref_slice %arg7[%dma_wait3A_311, %dma_wait3A_312] : memref<4x80xi32, #tpu.memory_space<vmem>> -> memref<1x80xi32, #tpu.memory_space<vmem>>
        %dma_wait3A_314 = tpu.memref_squeeze %dma_wait3A_313 : memref<1x80xi32, #tpu.memory_space<vmem>> -> memref<80xi32, #tpu.memory_space<vmem>>
        %dma_wait3A_315 = arith.constant 0 : i32
        %dma_wait3A_316 = tpu.memref_slice %arg3[%dma_wait3A_315] : memref<320000xi32, #tpu.memory_space<hbm>> -> memref<80xi32, #tpu.memory_space<hbm>>
        %dma_wait3A_317 = arith.constant 0 : i32
        %dma_wait3A_318 = tpu.memref_slice %arg7[%dma_wait3A_311, %dma_wait3A_317] : memref<4x80xi32, #tpu.memory_space<vmem>> -> memref<1x80xi32, #tpu.memory_space<vmem>>
        %dma_wait3A_319 = tpu.memref_squeeze %dma_wait3A_318 : memref<1x80xi32, #tpu.memory_space<vmem>> -> memref<80xi32, #tpu.memory_space<vmem>>
        %dma_wait3A_320 = arith.constant 0 : i32
        %dma_wait3A_321 = tpu.memref_slice %arg3[%dma_wait3A_320] : memref<320000xi32, #tpu.memory_space<hbm>> -> memref<80xi32, #tpu.memory_space<hbm>>
        tpu.wait_dma2 semaphore(%arg14 : memref<!tpu.dma_semaphore, #tpu.memory_space<semaphore_mem>>) src(%dma_wait3A_321 : memref<80xi32, #tpu.memory_space<hbm>>) dst(%dma_wait3A_319 : memref<80xi32, #tpu.memory_space<vmem>>)
        %dma_start3A_322 = arith.constant 3 : i32
        %dma_start3A_323 = arith.constant 3 : i32
        %dma_start3A_324 = arith.constant 0 : i32
        %dma_start3A_325 = arith.constant 0 : i32
        %dma_start3A_326 = tpu.memref_slice %arg9[%dma_start3A_323, %dma_start3A_324, %dma_start3A_325] : memref<4x80x128xf32, #tpu.memory_space<vmem>> -> memref<1x80x128xf32, #tpu.memory_space<vmem>>
        %dma_start3A_327 = tpu.memref_squeeze %dma_start3A_326 : memref<1x80x128xf32, #tpu.memory_space<vmem>> -> memref<80x128xf32, #tpu.memory_space<vmem>>
        %dma_start3A_328 = arith.constant 0 : i32
        %dma_start3A_329 = tpu.memref_slice %arg7[%dma_start3A_322, %dma_start3A_328] : memref<4x80xi32, #tpu.memory_space<vmem>> -> memref<1x80xi32, #tpu.memory_space<vmem>>
        %dma_start3A_330 = tpu.memref_squeeze %dma_start3A_329 : memref<1x80xi32, #tpu.memory_space<vmem>> -> memref<80xi32, #tpu.memory_space<vmem>>
        %dma_start3A_331 = arith.constant 0 : i32
        %dma_start3A_332 = arith.constant 0 : i32
        %dma_start3A_333 = tpu.memref_slice %arg2[%dma_start3A_331, %dma_start3A_332] : memref<10000x128xf32, #tpu.memory_space<hbm>> -> memref<10000x128xf32, #tpu.memory_space<hbm>>
        tpu.enqueue_indirect_dma source(%dma_start3A_333 : memref<10000x128xf32, #tpu.memory_space<hbm>>) target(%dma_start3A_327 : memref<80x128xf32, #tpu.memory_space<vmem>>) offsets(%dma_start3A_330 : memref<80xi32, #tpu.memory_space<vmem>>) semaphore(%arg22 : memref<!tpu.dma_semaphore, #tpu.memory_space<semaphore_mem>>)
        %add3A_334 = arith.constant 3 : i32
        %add3A_335 = arith.addi %add3A_173, %add3A_334 : i32
        %mul3A_336 = arith.constant 80 : i32
        %mul3A_337 = arith.muli %add3A_335, %mul3A_336 : i32
        %add3A_338 = arith.addi %add3A, %mul3A_337 : i32
        %dma_start3A_339 = arith.constant 3 : i32
        %dma_start3A_340 = arith.constant 0 : i32
        %dma_start3A_341 = tpu.memref_slice %arg8[%dma_start3A_339, %dma_start3A_340] : memref<4x80xi32, #tpu.memory_space<vmem>> -> memref<1x80xi32, #tpu.memory_space<vmem>>
        %dma_start3A_342 = tpu.memref_squeeze %dma_start3A_341 : memref<1x80xi32, #tpu.memory_space<vmem>> -> memref<80xi32, #tpu.memory_space<vmem>>
        %dma_start3A_343 = tpu.memref_slice %arg4[%add3A_338] : memref<320000xi32, #tpu.memory_space<hbm>> -> memref<80xi32, #tpu.memory_space<hbm>>
        %dma_start3A_344 = arith.constant 0 : i32
        %dma_start3A_345 = tpu.memref_slice %arg8[%dma_start3A_339, %dma_start3A_344] : memref<4x80xi32, #tpu.memory_space<vmem>> -> memref<1x80xi32, #tpu.memory_space<vmem>>
        %dma_start3A_346 = tpu.memref_squeeze %dma_start3A_345 : memref<1x80xi32, #tpu.memory_space<vmem>> -> memref<80xi32, #tpu.memory_space<vmem>>
        %dma_start3A_347 = tpu.memref_slice %arg4[%add3A_338] : memref<320000xi32, #tpu.memory_space<hbm>> -> memref<80xi32, #tpu.memory_space<hbm>>
        tpu.enqueue_dma source(%dma_start3A_347 : memref<80xi32, #tpu.memory_space<hbm>>) target(%dma_start3A_346 : memref<80xi32, #tpu.memory_space<vmem>>) target_semaphore(%arg18 : memref<!tpu.dma_semaphore, #tpu.memory_space<semaphore_mem>>)
      } else {
      }
      %add3A_191 = arith.constant 4 : i32
      %add3A_192 = arith.addi %add3A_173, %add3A_191 : i32
      %lt3A_193 = arith.constant 125 : i32
      %lt3A_194 = arith.cmpi slt, %add3A_192, %lt3A_193 : i32
      %convert_element_type3A_195 = arith.extui %lt3A_194 : i1 to i32
      %cond3A_196 = arith.constant 0 : i32
      %cond3A_197 = arith.cmpi ne, %convert_element_type3A_195, %cond3A_196 : i32
      scf.if %cond3A_197 {
        %add3A_311 = arith.constant 4 : i32
        %add3A_312 = arith.addi %add3A_173, %add3A_311 : i32
        %mul3A_313 = arith.constant 80 : i32
        %mul3A_314 = arith.muli %add3A_312, %mul3A_313 : i32
        %add3A_315 = arith.addi %add3A, %mul3A_314 : i32
        %dma_start3A_316 = arith.constant 0 : i32
        %dma_start3A_317 = arith.constant 0 : i32
        %dma_start3A_318 = tpu.memref_slice %arg7[%dma_start3A_316, %dma_start3A_317] : memref<4x80xi32, #tpu.memory_space<vmem>> -> memref<1x80xi32, #tpu.memory_space<vmem>>
        %dma_start3A_319 = tpu.memref_squeeze %dma_start3A_318 : memref<1x80xi32, #tpu.memory_space<vmem>> -> memref<80xi32, #tpu.memory_space<vmem>>
        %dma_start3A_320 = tpu.memref_slice %arg3[%add3A_315] : memref<320000xi32, #tpu.memory_space<hbm>> -> memref<80xi32, #tpu.memory_space<hbm>>
        %dma_start3A_321 = arith.constant 0 : i32
        %dma_start3A_322 = tpu.memref_slice %arg7[%dma_start3A_316, %dma_start3A_321] : memref<4x80xi32, #tpu.memory_space<vmem>> -> memref<1x80xi32, #tpu.memory_space<vmem>>
        %dma_start3A_323 = tpu.memref_squeeze %dma_start3A_322 : memref<1x80xi32, #tpu.memory_space<vmem>> -> memref<80xi32, #tpu.memory_space<vmem>>
        %dma_start3A_324 = tpu.memref_slice %arg3[%add3A_315] : memref<320000xi32, #tpu.memory_space<hbm>> -> memref<80xi32, #tpu.memory_space<hbm>>
        tpu.enqueue_dma source(%dma_start3A_324 : memref<80xi32, #tpu.memory_space<hbm>>) target(%dma_start3A_323 : memref<80xi32, #tpu.memory_space<vmem>>) target_semaphore(%arg11 : memref<!tpu.dma_semaphore, #tpu.memory_space<semaphore_mem>>)
      } else {
      }
      %lt3A_198 = arith.constant 125 : i32
      %lt3A_199 = arith.cmpi slt, %add3A_173, %lt3A_198 : i32
      %convert_element_type3A_200 = arith.extui %lt3A_199 : i1 to i32
      %cond3A_201 = arith.constant 0 : i32
      %cond3A_202 = arith.cmpi ne, %convert_element_type3A_200, %cond3A_201 : i32
      scf.if %cond3A_202 {
        %dma_wait3A_311 = arith.constant 0 : i32
        %dma_wait3A_312 = arith.constant 0 : i32
        %dma_wait3A_313 = tpu.memref_slice %arg8[%dma_wait3A_311, %dma_wait3A_312] : memref<4x80xi32, #tpu.memory_space<vmem>> -> memref<1x80xi32, #tpu.memory_space<vmem>>
        %dma_wait3A_314 = tpu.memref_squeeze %dma_wait3A_313 : memref<1x80xi32, #tpu.memory_space<vmem>> -> memref<80xi32, #tpu.memory_space<vmem>>
        %dma_wait3A_315 = arith.constant 0 : i32
        %dma_wait3A_316 = tpu.memref_slice %arg4[%dma_wait3A_315] : memref<320000xi32, #tpu.memory_space<hbm>> -> memref<80xi32, #tpu.memory_space<hbm>>
        %dma_wait3A_317 = arith.constant 0 : i32
        %dma_wait3A_318 = tpu.memref_slice %arg8[%dma_wait3A_311, %dma_wait3A_317] : memref<4x80xi32, #tpu.memory_space<vmem>> -> memref<1x80xi32, #tpu.memory_space<vmem>>
        %dma_wait3A_319 = tpu.memref_squeeze %dma_wait3A_318 : memref<1x80xi32, #tpu.memory_space<vmem>> -> memref<80xi32, #tpu.memory_space<vmem>>
        %dma_wait3A_320 = arith.constant 0 : i32
        %dma_wait3A_321 = tpu.memref_slice %arg4[%dma_wait3A_320] : memref<320000xi32, #tpu.memory_space<hbm>> -> memref<80xi32, #tpu.memory_space<hbm>>
        tpu.wait_dma2 semaphore(%arg15 : memref<!tpu.dma_semaphore, #tpu.memory_space<semaphore_mem>>) src(%dma_wait3A_321 : memref<80xi32, #tpu.memory_space<hbm>>) dst(%dma_wait3A_319 : memref<80xi32, #tpu.memory_space<vmem>>)
        %dma_start3A_322 = arith.constant 0 : i32
        %dma_start3A_323 = arith.constant 0 : i32
        %dma_start3A_324 = arith.constant 0 : i32
        %dma_start3A_325 = arith.constant 0 : i32
        %dma_start3A_326 = tpu.memref_slice %arg9[%dma_start3A_322, %dma_start3A_324, %dma_start3A_325] : memref<4x80x128xf32, #tpu.memory_space<vmem>> -> memref<1x80x128xf32, #tpu.memory_space<vmem>>
        %dma_start3A_327 = tpu.memref_squeeze %dma_start3A_326 : memref<1x80x128xf32, #tpu.memory_space<vmem>> -> memref<80x128xf32, #tpu.memory_space<vmem>>
        %dma_start3A_328 = arith.constant 0 : i32
        %dma_start3A_329 = tpu.memref_slice %arg8[%dma_start3A_323, %dma_start3A_328] : memref<4x80xi32, #tpu.memory_space<vmem>> -> memref<1x80xi32, #tpu.memory_space<vmem>>
        %dma_start3A_330 = tpu.memref_squeeze %dma_start3A_329 : memref<1x80xi32, #tpu.memory_space<vmem>> -> memref<80xi32, #tpu.memory_space<vmem>>
        %dma_start3A_331 = arith.constant 0 : i32
        %dma_start3A_332 = arith.constant 0 : i32
        %dma_start3A_333 = tpu.memref_slice %arg10[%dma_start3A_331, %dma_start3A_332] : memref<10000x128xf32, #tpu.memory_space<vmem_shared>> -> memref<10000x128xf32, #tpu.memory_space<vmem_shared>>
        tpu.enqueue_indirect_dma source(%dma_start3A_327 : memref<80x128xf32, #tpu.memory_space<vmem>>) target(%dma_start3A_333 : memref<10000x128xf32, #tpu.memory_space<vmem_shared>>) offsets(%dma_start3A_330 : memref<80xi32, #tpu.memory_space<vmem>>) semaphore(%arg23 : memref<!tpu.dma_semaphore, #tpu.memory_space<semaphore_mem>>) {add = true}
      } else {
      }
      %mul3A_203 = arith.constant 4 : i32
      %mul3A_204 = arith.muli %mul3A_203, %scan3A_169 : i32
      %add3A_205 = arith.constant 1 : i32
      %add3A_206 = arith.addi %mul3A_204, %add3A_205 : i32
      %lt3A_207 = arith.constant 125 : i32
      %lt3A_208 = arith.cmpi slt, %add3A_206, %lt3A_207 : i32
      %convert_element_type3A_209 = arith.extui %lt3A_208 : i1 to i32
      %cond3A_210 = arith.constant 0 : i32
      %cond3A_211 = arith.cmpi ne, %convert_element_type3A_209, %cond3A_210 : i32
      scf.if %cond3A_211 {
        %dma_wait3A_311 = arith.constant 1 : i32
        %dma_wait3A_312 = arith.constant 1 : i32
        %dma_wait3A_313 = arith.constant 0 : i32
        %dma_wait3A_314 = arith.constant 0 : i32
        %dma_wait3A_315 = tpu.memref_slice %arg9[%dma_wait3A_312, %dma_wait3A_313, %dma_wait3A_314] : memref<4x80x128xf32, #tpu.memory_space<vmem>> -> memref<1x80x128xf32, #tpu.memory_space<vmem>>
        %dma_wait3A_316 = tpu.memref_squeeze %dma_wait3A_315 : memref<1x80x128xf32, #tpu.memory_space<vmem>> -> memref<80x128xf32, #tpu.memory_space<vmem>>
        %dma_wait3A_317 = arith.constant 0 : i32
        %dma_wait3A_318 = tpu.memref_slice %arg7[%dma_wait3A_311, %dma_wait3A_317] : memref<4x80xi32, #tpu.memory_space<vmem>> -> memref<1x80xi32, #tpu.memory_space<vmem>>
        %dma_wait3A_319 = tpu.memref_squeeze %dma_wait3A_318 : memref<1x80xi32, #tpu.memory_space<vmem>> -> memref<80xi32, #tpu.memory_space<vmem>>
        %dma_wait3A_320 = arith.constant 0 : i32
        %dma_wait3A_321 = arith.constant 0 : i32
        %dma_wait3A_322 = tpu.memref_slice %arg2[%dma_wait3A_320, %dma_wait3A_321] : memref<10000x128xf32, #tpu.memory_space<hbm>> -> memref<10000x128xf32, #tpu.memory_space<hbm>>
        tpu.wait_indirect_dma semaphore(%arg20 : memref<!tpu.dma_semaphore, #tpu.memory_space<semaphore_mem>>) src(%dma_wait3A_322 : memref<10000x128xf32, #tpu.memory_space<hbm>>) dst(%dma_wait3A_316 : memref<80x128xf32, #tpu.memory_space<vmem>>)
      } else {
      }
      %ge3A_212 = arith.constant 1 : i32
      %ge3A_213 = arith.cmpi sge, %add3A_206, %ge3A_212 : i32
      %le3A_214 = arith.constant 125 : i32
      %le3A_215 = arith.cmpi sle, %add3A_206, %le3A_214 : i32
      %and3A_216 = arith.andi %ge3A_213, %le3A_215 : i1
      %convert_element_type3A_217 = arith.extui %and3A_216 : i1 to i32
      %cond3A_218 = arith.constant 0 : i32
      %cond3A_219 = arith.cmpi ne, %convert_element_type3A_217, %cond3A_218 : i32
      scf.if %cond3A_219 {
        %dma_wait3A_311 = arith.constant 0 : i32
        %dma_wait3A_312 = arith.constant 0 : i32
        %dma_wait3A_313 = arith.constant 0 : i32
        %dma_wait3A_314 = arith.constant 0 : i32
        %dma_wait3A_315 = tpu.memref_slice %arg9[%dma_wait3A_311, %dma_wait3A_313, %dma_wait3A_314] : memref<4x80x128xf32, #tpu.memory_space<vmem>> -> memref<1x80x128xf32, #tpu.memory_space<vmem>>
        %dma_wait3A_316 = tpu.memref_squeeze %dma_wait3A_315 : memref<1x80x128xf32, #tpu.memory_space<vmem>> -> memref<80x128xf32, #tpu.memory_space<vmem>>
        %dma_wait3A_317 = arith.constant 0 : i32
        %dma_wait3A_318 = tpu.memref_slice %arg8[%dma_wait3A_312, %dma_wait3A_317] : memref<4x80xi32, #tpu.memory_space<vmem>> -> memref<1x80xi32, #tpu.memory_space<vmem>>
        %dma_wait3A_319 = tpu.memref_squeeze %dma_wait3A_318 : memref<1x80xi32, #tpu.memory_space<vmem>> -> memref<80xi32, #tpu.memory_space<vmem>>
        %dma_wait3A_320 = arith.constant 0 : i32
        %dma_wait3A_321 = arith.constant 0 : i32
        %dma_wait3A_322 = tpu.memref_slice %arg10[%dma_wait3A_320, %dma_wait3A_321] : memref<10000x128xf32, #tpu.memory_space<vmem_shared>> -> memref<10000x128xf32, #tpu.memory_space<vmem_shared>>
        tpu.wait_indirect_dma semaphore(%arg23 : memref<!tpu.dma_semaphore, #tpu.memory_space<semaphore_mem>>) src(%dma_wait3A_316 : memref<80x128xf32, #tpu.memory_space<vmem>>) dst(%dma_wait3A_322 : memref<10000x128xf32, #tpu.memory_space<vmem_shared>>)
      } else {
      }
      %add3A_220 = arith.constant 3 : i32
      %add3A_221 = arith.addi %add3A_206, %add3A_220 : i32
      %lt3A_222 = arith.constant 125 : i32
      %lt3A_223 = arith.cmpi slt, %add3A_221, %lt3A_222 : i32
      %convert_element_type3A_224 = arith.extui %lt3A_223 : i1 to i32
      %cond3A_225 = arith.constant 0 : i32
      %cond3A_226 = arith.cmpi ne, %convert_element_type3A_224, %cond3A_225 : i32
      scf.if %cond3A_226 {
        %dma_wait3A_311 = arith.constant 0 : i32
        %dma_wait3A_312 = arith.constant 0 : i32
        %dma_wait3A_313 = tpu.memref_slice %arg7[%dma_wait3A_311, %dma_wait3A_312] : memref<4x80xi32, #tpu.memory_space<vmem>> -> memref<1x80xi32, #tpu.memory_space<vmem>>
        %dma_wait3A_314 = tpu.memref_squeeze %dma_wait3A_313 : memref<1x80xi32, #tpu.memory_space<vmem>> -> memref<80xi32, #tpu.memory_space<vmem>>
        %dma_wait3A_315 = arith.constant 0 : i32
        %dma_wait3A_316 = tpu.memref_slice %arg3[%dma_wait3A_315] : memref<320000xi32, #tpu.memory_space<hbm>> -> memref<80xi32, #tpu.memory_space<hbm>>
        %dma_wait3A_317 = arith.constant 0 : i32
        %dma_wait3A_318 = tpu.memref_slice %arg7[%dma_wait3A_311, %dma_wait3A_317] : memref<4x80xi32, #tpu.memory_space<vmem>> -> memref<1x80xi32, #tpu.memory_space<vmem>>
        %dma_wait3A_319 = tpu.memref_squeeze %dma_wait3A_318 : memref<1x80xi32, #tpu.memory_space<vmem>> -> memref<80xi32, #tpu.memory_space<vmem>>
        %dma_wait3A_320 = arith.constant 0 : i32
        %dma_wait3A_321 = tpu.memref_slice %arg3[%dma_wait3A_320] : memref<320000xi32, #tpu.memory_space<hbm>> -> memref<80xi32, #tpu.memory_space<hbm>>
        tpu.wait_dma2 semaphore(%arg11 : memref<!tpu.dma_semaphore, #tpu.memory_space<semaphore_mem>>) src(%dma_wait3A_321 : memref<80xi32, #tpu.memory_space<hbm>>) dst(%dma_wait3A_319 : memref<80xi32, #tpu.memory_space<vmem>>)
        %dma_start3A_322 = arith.constant 0 : i32
        %dma_start3A_323 = arith.constant 0 : i32
        %dma_start3A_324 = arith.constant 0 : i32
        %dma_start3A_325 = arith.constant 0 : i32
        %dma_start3A_326 = tpu.memref_slice %arg9[%dma_start3A_323, %dma_start3A_324, %dma_start3A_325] : memref<4x80x128xf32, #tpu.memory_space<vmem>> -> memref<1x80x128xf32, #tpu.memory_space<vmem>>
        %dma_start3A_327 = tpu.memref_squeeze %dma_start3A_326 : memref<1x80x128xf32, #tpu.memory_space<vmem>> -> memref<80x128xf32, #tpu.memory_space<vmem>>
        %dma_start3A_328 = arith.constant 0 : i32
        %dma_start3A_329 = tpu.memref_slice %arg7[%dma_start3A_322, %dma_start3A_328] : memref<4x80xi32, #tpu.memory_space<vmem>> -> memref<1x80xi32, #tpu.memory_space<vmem>>
        %dma_start3A_330 = tpu.memref_squeeze %dma_start3A_329 : memref<1x80xi32, #tpu.memory_space<vmem>> -> memref<80xi32, #tpu.memory_space<vmem>>
        %dma_start3A_331 = arith.constant 0 : i32
        %dma_start3A_332 = arith.constant 0 : i32
        %dma_start3A_333 = tpu.memref_slice %arg2[%dma_start3A_331, %dma_start3A_332] : memref<10000x128xf32, #tpu.memory_space<hbm>> -> memref<10000x128xf32, #tpu.memory_space<hbm>>
        tpu.enqueue_indirect_dma source(%dma_start3A_333 : memref<10000x128xf32, #tpu.memory_space<hbm>>) target(%dma_start3A_327 : memref<80x128xf32, #tpu.memory_space<vmem>>) offsets(%dma_start3A_330 : memref<80xi32, #tpu.memory_space<vmem>>) semaphore(%arg19 : memref<!tpu.dma_semaphore, #tpu.memory_space<semaphore_mem>>)
        %add3A_334 = arith.constant 3 : i32
        %add3A_335 = arith.addi %add3A_206, %add3A_334 : i32
        %mul3A_336 = arith.constant 80 : i32
        %mul3A_337 = arith.muli %add3A_335, %mul3A_336 : i32
        %add3A_338 = arith.addi %add3A, %mul3A_337 : i32
        %dma_start3A_339 = arith.constant 0 : i32
        %dma_start3A_340 = arith.constant 0 : i32
        %dma_start3A_341 = tpu.memref_slice %arg8[%dma_start3A_339, %dma_start3A_340] : memref<4x80xi32, #tpu.memory_space<vmem>> -> memref<1x80xi32, #tpu.memory_space<vmem>>
        %dma_start3A_342 = tpu.memref_squeeze %dma_start3A_341 : memref<1x80xi32, #tpu.memory_space<vmem>> -> memref<80xi32, #tpu.memory_space<vmem>>
        %dma_start3A_343 = tpu.memref_slice %arg4[%add3A_338] : memref<320000xi32, #tpu.memory_space<hbm>> -> memref<80xi32, #tpu.memory_space<hbm>>
        %dma_start3A_344 = arith.constant 0 : i32
        %dma_start3A_345 = tpu.memref_slice %arg8[%dma_start3A_339, %dma_start3A_344] : memref<4x80xi32, #tpu.memory_space<vmem>> -> memref<1x80xi32, #tpu.memory_space<vmem>>
        %dma_start3A_346 = tpu.memref_squeeze %dma_start3A_345 : memref<1x80xi32, #tpu.memory_space<vmem>> -> memref<80xi32, #tpu.memory_space<vmem>>
        %dma_start3A_347 = tpu.memref_slice %arg4[%add3A_338] : memref<320000xi32, #tpu.memory_space<hbm>> -> memref<80xi32, #tpu.memory_space<hbm>>
        tpu.enqueue_dma source(%dma_start3A_347 : memref<80xi32, #tpu.memory_space<hbm>>) target(%dma_start3A_346 : memref<80xi32, #tpu.memory_space<vmem>>) target_semaphore(%arg15 : memref<!tpu.dma_semaphore, #tpu.memory_space<semaphore_mem>>)
      } else {
      }
      %add3A_227 = arith.constant 4 : i32
      %add3A_228 = arith.addi %add3A_206, %add3A_227 : i32
      %lt3A_229 = arith.constant 125 : i32
      %lt3A_230 = arith.cmpi slt, %add3A_228, %lt3A_229 : i32
      %convert_element_type3A_231 = arith.extui %lt3A_230 : i1 to i32
      %cond3A_232 = arith.constant 0 : i32
      %cond3A_233 = arith.cmpi ne, %convert_element_type3A_231, %cond3A_232 : i32
      scf.if %cond3A_233 {
        %add3A_311 = arith.constant 4 : i32
        %add3A_312 = arith.addi %add3A_206, %add3A_311 : i32
        %mul3A_313 = arith.constant 80 : i32
        %mul3A_314 = arith.muli %add3A_312, %mul3A_313 : i32
        %add3A_315 = arith.addi %add3A, %mul3A_314 : i32
        %dma_start3A_316 = arith.constant 1 : i32
        %dma_start3A_317 = arith.constant 0 : i32
        %dma_start3A_318 = tpu.memref_slice %arg7[%dma_start3A_316, %dma_start3A_317] : memref<4x80xi32, #tpu.memory_space<vmem>> -> memref<1x80xi32, #tpu.memory_space<vmem>>
        %dma_start3A_319 = tpu.memref_squeeze %dma_start3A_318 : memref<1x80xi32, #tpu.memory_space<vmem>> -> memref<80xi32, #tpu.memory_space<vmem>>
        %dma_start3A_320 = tpu.memref_slice %arg3[%add3A_315] : memref<320000xi32, #tpu.memory_space<hbm>> -> memref<80xi32, #tpu.memory_space<hbm>>
        %dma_start3A_321 = arith.constant 0 : i32
        %dma_start3A_322 = tpu.memref_slice %arg7[%dma_start3A_316, %dma_start3A_321] : memref<4x80xi32, #tpu.memory_space<vmem>> -> memref<1x80xi32, #tpu.memory_space<vmem>>
        %dma_start3A_323 = tpu.memref_squeeze %dma_start3A_322 : memref<1x80xi32, #tpu.memory_space<vmem>> -> memref<80xi32, #tpu.memory_space<vmem>>
        %dma_start3A_324 = tpu.memref_slice %arg3[%add3A_315] : memref<320000xi32, #tpu.memory_space<hbm>> -> memref<80xi32, #tpu.memory_space<hbm>>
        tpu.enqueue_dma source(%dma_start3A_324 : memref<80xi32, #tpu.memory_space<hbm>>) target(%dma_start3A_323 : memref<80xi32, #tpu.memory_space<vmem>>) target_semaphore(%arg12 : memref<!tpu.dma_semaphore, #tpu.memory_space<semaphore_mem>>)
      } else {
      }
      %lt3A_234 = arith.constant 125 : i32
      %lt3A_235 = arith.cmpi slt, %add3A_206, %lt3A_234 : i32
      %convert_element_type3A_236 = arith.extui %lt3A_235 : i1 to i32
      %cond3A_237 = arith.constant 0 : i32
      %cond3A_238 = arith.cmpi ne, %convert_element_type3A_236, %cond3A_237 : i32
      scf.if %cond3A_238 {
        %dma_wait3A_311 = arith.constant 1 : i32
        %dma_wait3A_312 = arith.constant 0 : i32
        %dma_wait3A_313 = tpu.memref_slice %arg8[%dma_wait3A_311, %dma_wait3A_312] : memref<4x80xi32, #tpu.memory_space<vmem>> -> memref<1x80xi32, #tpu.memory_space<vmem>>
        %dma_wait3A_314 = tpu.memref_squeeze %dma_wait3A_313 : memref<1x80xi32, #tpu.memory_space<vmem>> -> memref<80xi32, #tpu.memory_space<vmem>>
        %dma_wait3A_315 = arith.constant 0 : i32
        %dma_wait3A_316 = tpu.memref_slice %arg4[%dma_wait3A_315] : memref<320000xi32, #tpu.memory_space<hbm>> -> memref<80xi32, #tpu.memory_space<hbm>>
        %dma_wait3A_317 = arith.constant 0 : i32
        %dma_wait3A_318 = tpu.memref_slice %arg8[%dma_wait3A_311, %dma_wait3A_317] : memref<4x80xi32, #tpu.memory_space<vmem>> -> memref<1x80xi32, #tpu.memory_space<vmem>>
        %dma_wait3A_319 = tpu.memref_squeeze %dma_wait3A_318 : memref<1x80xi32, #tpu.memory_space<vmem>> -> memref<80xi32, #tpu.memory_space<vmem>>
        %dma_wait3A_320 = arith.constant 0 : i32
        %dma_wait3A_321 = tpu.memref_slice %arg4[%dma_wait3A_320] : memref<320000xi32, #tpu.memory_space<hbm>> -> memref<80xi32, #tpu.memory_space<hbm>>
        tpu.wait_dma2 semaphore(%arg16 : memref<!tpu.dma_semaphore, #tpu.memory_space<semaphore_mem>>) src(%dma_wait3A_321 : memref<80xi32, #tpu.memory_space<hbm>>) dst(%dma_wait3A_319 : memref<80xi32, #tpu.memory_space<vmem>>)
        %dma_start3A_322 = arith.constant 1 : i32
        %dma_start3A_323 = arith.constant 1 : i32
        %dma_start3A_324 = arith.constant 0 : i32
        %dma_start3A_325 = arith.constant 0 : i32
        %dma_start3A_326 = tpu.memref_slice %arg9[%dma_start3A_322, %dma_start3A_324, %dma_start3A_325] : memref<4x80x128xf32, #tpu.memory_space<vmem>> -> memref<1x80x128xf32, #tpu.memory_space<vmem>>
        %dma_start3A_327 = tpu.memref_squeeze %dma_start3A_326 : memref<1x80x128xf32, #tpu.memory_space<vmem>> -> memref<80x128xf32, #tpu.memory_space<vmem>>
        %dma_start3A_328 = arith.constant 0 : i32
        %dma_start3A_329 = tpu.memref_slice %arg8[%dma_start3A_323, %dma_start3A_328] : memref<4x80xi32, #tpu.memory_space<vmem>> -> memref<1x80xi32, #tpu.memory_space<vmem>>
        %dma_start3A_330 = tpu.memref_squeeze %dma_start3A_329 : memref<1x80xi32, #tpu.memory_space<vmem>> -> memref<80xi32, #tpu.memory_space<vmem>>
        %dma_start3A_331 = arith.constant 0 : i32
        %dma_start3A_332 = arith.constant 0 : i32
        %dma_start3A_333 = tpu.memref_slice %arg10[%dma_start3A_331, %dma_start3A_332] : memref<10000x128xf32, #tpu.memory_space<vmem_shared>> -> memref<10000x128xf32, #tpu.memory_space<vmem_shared>>
        tpu.enqueue_indirect_dma source(%dma_start3A_327 : memref<80x128xf32, #tpu.memory_space<vmem>>) target(%dma_start3A_333 : memref<10000x128xf32, #tpu.memory_space<vmem_shared>>) offsets(%dma_start3A_330 : memref<80xi32, #tpu.memory_space<vmem>>) semaphore(%arg24 : memref<!tpu.dma_semaphore, #tpu.memory_space<semaphore_mem>>) {add = true}
      } else {
      }
      %mul3A_239 = arith.constant 4 : i32
      %mul3A_240 = arith.muli %mul3A_239, %scan3A_169 : i32
      %add3A_241 = arith.constant 2 : i32
      %add3A_242 = arith.addi %mul3A_240, %add3A_241 : i32
      %lt3A_243 = arith.constant 125 : i32
      %lt3A_244 = arith.cmpi slt, %add3A_242, %lt3A_243 : i32
      %convert_element_type3A_245 = arith.extui %lt3A_244 : i1 to i32
      %cond3A_246 = arith.constant 0 : i32
      %cond3A_247 = arith.cmpi ne, %convert_element_type3A_245, %cond3A_246 : i32
      scf.if %cond3A_247 {
        %dma_wait3A_311 = arith.constant 2 : i32
        %dma_wait3A_312 = arith.constant 2 : i32
        %dma_wait3A_313 = arith.constant 0 : i32
        %dma_wait3A_314 = arith.constant 0 : i32
        %dma_wait3A_315 = tpu.memref_slice %arg9[%dma_wait3A_312, %dma_wait3A_313, %dma_wait3A_314] : memref<4x80x128xf32, #tpu.memory_space<vmem>> -> memref<1x80x128xf32, #tpu.memory_space<vmem>>
        %dma_wait3A_316 = tpu.memref_squeeze %dma_wait3A_315 : memref<1x80x128xf32, #tpu.memory_space<vmem>> -> memref<80x128xf32, #tpu.memory_space<vmem>>
        %dma_wait3A_317 = arith.constant 0 : i32
        %dma_wait3A_318 = tpu.memref_slice %arg7[%dma_wait3A_311, %dma_wait3A_317] : memref<4x80xi32, #tpu.memory_space<vmem>> -> memref<1x80xi32, #tpu.memory_space<vmem>>
        %dma_wait3A_319 = tpu.memref_squeeze %dma_wait3A_318 : memref<1x80xi32, #tpu.memory_space<vmem>> -> memref<80xi32, #tpu.memory_space<vmem>>
        %dma_wait3A_320 = arith.constant 0 : i32
        %dma_wait3A_321 = arith.constant 0 : i32
        %dma_wait3A_322 = tpu.memref_slice %arg2[%dma_wait3A_320, %dma_wait3A_321] : memref<10000x128xf32, #tpu.memory_space<hbm>> -> memref<10000x128xf32, #tpu.memory_space<hbm>>
        tpu.wait_indirect_dma semaphore(%arg21 : memref<!tpu.dma_semaphore, #tpu.memory_space<semaphore_mem>>) src(%dma_wait3A_322 : memref<10000x128xf32, #tpu.memory_space<hbm>>) dst(%dma_wait3A_316 : memref<80x128xf32, #tpu.memory_space<vmem>>)
      } else {
      }
      %ge3A_248 = arith.constant 1 : i32
      %ge3A_249 = arith.cmpi sge, %add3A_242, %ge3A_248 : i32
      %le3A_250 = arith.constant 125 : i32
      %le3A_251 = arith.cmpi sle, %add3A_242, %le3A_250 : i32
      %and3A_252 = arith.andi %ge3A_249, %le3A_251 : i1
      %convert_element_type3A_253 = arith.extui %and3A_252 : i1 to i32
      %cond3A_254 = arith.constant 0 : i32
      %cond3A_255 = arith.cmpi ne, %convert_element_type3A_253, %cond3A_254 : i32
      scf.if %cond3A_255 {
        %dma_wait3A_311 = arith.constant 1 : i32
        %dma_wait3A_312 = arith.constant 1 : i32
        %dma_wait3A_313 = arith.constant 0 : i32
        %dma_wait3A_314 = arith.constant 0 : i32
        %dma_wait3A_315 = tpu.memref_slice %arg9[%dma_wait3A_311, %dma_wait3A_313, %dma_wait3A_314] : memref<4x80x128xf32, #tpu.memory_space<vmem>> -> memref<1x80x128xf32, #tpu.memory_space<vmem>>
        %dma_wait3A_316 = tpu.memref_squeeze %dma_wait3A_315 : memref<1x80x128xf32, #tpu.memory_space<vmem>> -> memref<80x128xf32, #tpu.memory_space<vmem>>
        %dma_wait3A_317 = arith.constant 0 : i32
        %dma_wait3A_318 = tpu.memref_slice %arg8[%dma_wait3A_312, %dma_wait3A_317] : memref<4x80xi32, #tpu.memory_space<vmem>> -> memref<1x80xi32, #tpu.memory_space<vmem>>
        %dma_wait3A_319 = tpu.memref_squeeze %dma_wait3A_318 : memref<1x80xi32, #tpu.memory_space<vmem>> -> memref<80xi32, #tpu.memory_space<vmem>>
        %dma_wait3A_320 = arith.constant 0 : i32
        %dma_wait3A_321 = arith.constant 0 : i32
        %dma_wait3A_322 = tpu.memref_slice %arg10[%dma_wait3A_320, %dma_wait3A_321] : memref<10000x128xf32, #tpu.memory_space<vmem_shared>> -> memref<10000x128xf32, #tpu.memory_space<vmem_shared>>
        tpu.wait_indirect_dma semaphore(%arg24 : memref<!tpu.dma_semaphore, #tpu.memory_space<semaphore_mem>>) src(%dma_wait3A_316 : memref<80x128xf32, #tpu.memory_space<vmem>>) dst(%dma_wait3A_322 : memref<10000x128xf32, #tpu.memory_space<vmem_shared>>)
      } else {
      }
      %add3A_256 = arith.constant 3 : i32
      %add3A_257 = arith.addi %add3A_242, %add3A_256 : i32
      %lt3A_258 = arith.constant 125 : i32
      %lt3A_259 = arith.cmpi slt, %add3A_257, %lt3A_258 : i32
      %convert_element_type3A_260 = arith.extui %lt3A_259 : i1 to i32
      %cond3A_261 = arith.constant 0 : i32
      %cond3A_262 = arith.cmpi ne, %convert_element_type3A_260, %cond3A_261 : i32
      scf.if %cond3A_262 {
        %dma_wait3A_311 = arith.constant 1 : i32
        %dma_wait3A_312 = arith.constant 0 : i32
        %dma_wait3A_313 = tpu.memref_slice %arg7[%dma_wait3A_311, %dma_wait3A_312] : memref<4x80xi32, #tpu.memory_space<vmem>> -> memref<1x80xi32, #tpu.memory_space<vmem>>
        %dma_wait3A_314 = tpu.memref_squeeze %dma_wait3A_313 : memref<1x80xi32, #tpu.memory_space<vmem>> -> memref<80xi32, #tpu.memory_space<vmem>>
        %dma_wait3A_315 = arith.constant 0 : i32
        %dma_wait3A_316 = tpu.memref_slice %arg3[%dma_wait3A_315] : memref<320000xi32, #tpu.memory_space<hbm>> -> memref<80xi32, #tpu.memory_space<hbm>>
        %dma_wait3A_317 = arith.constant 0 : i32
        %dma_wait3A_318 = tpu.memref_slice %arg7[%dma_wait3A_311, %dma_wait3A_317] : memref<4x80xi32, #tpu.memory_space<vmem>> -> memref<1x80xi32, #tpu.memory_space<vmem>>
        %dma_wait3A_319 = tpu.memref_squeeze %dma_wait3A_318 : memref<1x80xi32, #tpu.memory_space<vmem>> -> memref<80xi32, #tpu.memory_space<vmem>>
        %dma_wait3A_320 = arith.constant 0 : i32
        %dma_wait3A_321 = tpu.memref_slice %arg3[%dma_wait3A_320] : memref<320000xi32, #tpu.memory_space<hbm>> -> memref<80xi32, #tpu.memory_space<hbm>>
        tpu.wait_dma2 semaphore(%arg12 : memref<!tpu.dma_semaphore, #tpu.memory_space<semaphore_mem>>) src(%dma_wait3A_321 : memref<80xi32, #tpu.memory_space<hbm>>) dst(%dma_wait3A_319 : memref<80xi32, #tpu.memory_space<vmem>>)
        %dma_start3A_322 = arith.constant 1 : i32
        %dma_start3A_323 = arith.constant 1 : i32
        %dma_start3A_324 = arith.constant 0 : i32
        %dma_start3A_325 = arith.constant 0 : i32
        %dma_start3A_326 = tpu.memref_slice %arg9[%dma_start3A_323, %dma_start3A_324, %dma_start3A_325] : memref<4x80x128xf32, #tpu.memory_space<vmem>> -> memref<1x80x128xf32, #tpu.memory_space<vmem>>
        %dma_start3A_327 = tpu.memref_squeeze %dma_start3A_326 : memref<1x80x128xf32, #tpu.memory_space<vmem>> -> memref<80x128xf32, #tpu.memory_space<vmem>>
        %dma_start3A_328 = arith.constant 0 : i32
        %dma_start3A_329 = tpu.memref_slice %arg7[%dma_start3A_322, %dma_start3A_328] : memref<4x80xi32, #tpu.memory_space<vmem>> -> memref<1x80xi32, #tpu.memory_space<vmem>>
        %dma_start3A_330 = tpu.memref_squeeze %dma_start3A_329 : memref<1x80xi32, #tpu.memory_space<vmem>> -> memref<80xi32, #tpu.memory_space<vmem>>
        %dma_start3A_331 = arith.constant 0 : i32
        %dma_start3A_332 = arith.constant 0 : i32
        %dma_start3A_333 = tpu.memref_slice %arg2[%dma_start3A_331, %dma_start3A_332] : memref<10000x128xf32, #tpu.memory_space<hbm>> -> memref<10000x128xf32, #tpu.memory_space<hbm>>
        tpu.enqueue_indirect_dma source(%dma_start3A_333 : memref<10000x128xf32, #tpu.memory_space<hbm>>) target(%dma_start3A_327 : memref<80x128xf32, #tpu.memory_space<vmem>>) offsets(%dma_start3A_330 : memref<80xi32, #tpu.memory_space<vmem>>) semaphore(%arg20 : memref<!tpu.dma_semaphore, #tpu.memory_space<semaphore_mem>>)
        %add3A_334 = arith.constant 3 : i32
        %add3A_335 = arith.addi %add3A_242, %add3A_334 : i32
        %mul3A_336 = arith.constant 80 : i32
        %mul3A_337 = arith.muli %add3A_335, %mul3A_336 : i32
        %add3A_338 = arith.addi %add3A, %mul3A_337 : i32
        %dma_start3A_339 = arith.constant 1 : i32
        %dma_start3A_340 = arith.constant 0 : i32
        %dma_start3A_341 = tpu.memref_slice %arg8[%dma_start3A_339, %dma_start3A_340] : memref<4x80xi32, #tpu.memory_space<vmem>> -> memref<1x80xi32, #tpu.memory_space<vmem>>
        %dma_start3A_342 = tpu.memref_squeeze %dma_start3A_341 : memref<1x80xi32, #tpu.memory_space<vmem>> -> memref<80xi32, #tpu.memory_space<vmem>>
        %dma_start3A_343 = tpu.memref_slice %arg4[%add3A_338] : memref<320000xi32, #tpu.memory_space<hbm>> -> memref<80xi32, #tpu.memory_space<hbm>>
        %dma_start3A_344 = arith.constant 0 : i32
        %dma_start3A_345 = tpu.memref_slice %arg8[%dma_start3A_339, %dma_start3A_344] : memref<4x80xi32, #tpu.memory_space<vmem>> -> memref<1x80xi32, #tpu.memory_space<vmem>>
        %dma_start3A_346 = tpu.memref_squeeze %dma_start3A_345 : memref<1x80xi32, #tpu.memory_space<vmem>> -> memref<80xi32, #tpu.memory_space<vmem>>
        %dma_start3A_347 = tpu.memref_slice %arg4[%add3A_338] : memref<320000xi32, #tpu.memory_space<hbm>> -> memref<80xi32, #tpu.memory_space<hbm>>
        tpu.enqueue_dma source(%dma_start3A_347 : memref<80xi32, #tpu.memory_space<hbm>>) target(%dma_start3A_346 : memref<80xi32, #tpu.memory_space<vmem>>) target_semaphore(%arg16 : memref<!tpu.dma_semaphore, #tpu.memory_space<semaphore_mem>>)
      } else {
      }
      %add3A_263 = arith.constant 4 : i32
      %add3A_264 = arith.addi %add3A_242, %add3A_263 : i32
      %lt3A_265 = arith.constant 125 : i32
      %lt3A_266 = arith.cmpi slt, %add3A_264, %lt3A_265 : i32
      %convert_element_type3A_267 = arith.extui %lt3A_266 : i1 to i32
      %cond3A_268 = arith.constant 0 : i32
      %cond3A_269 = arith.cmpi ne, %convert_element_type3A_267, %cond3A_268 : i32
      scf.if %cond3A_269 {
        %add3A_311 = arith.constant 4 : i32
        %add3A_312 = arith.addi %add3A_242, %add3A_311 : i32
        %mul3A_313 = arith.constant 80 : i32
        %mul3A_314 = arith.muli %add3A_312, %mul3A_313 : i32
        %add3A_315 = arith.addi %add3A, %mul3A_314 : i32
        %dma_start3A_316 = arith.constant 2 : i32
        %dma_start3A_317 = arith.constant 0 : i32
        %dma_start3A_318 = tpu.memref_slice %arg7[%dma_start3A_316, %dma_start3A_317] : memref<4x80xi32, #tpu.memory_space<vmem>> -> memref<1x80xi32, #tpu.memory_space<vmem>>
        %dma_start3A_319 = tpu.memref_squeeze %dma_start3A_318 : memref<1x80xi32, #tpu.memory_space<vmem>> -> memref<80xi32, #tpu.memory_space<vmem>>
        %dma_start3A_320 = tpu.memref_slice %arg3[%add3A_315] : memref<320000xi32, #tpu.memory_space<hbm>> -> memref<80xi32, #tpu.memory_space<hbm>>
        %dma_start3A_321 = arith.constant 0 : i32
        %dma_start3A_322 = tpu.memref_slice %arg7[%dma_start3A_316, %dma_start3A_321] : memref<4x80xi32, #tpu.memory_space<vmem>> -> memref<1x80xi32, #tpu.memory_space<vmem>>
        %dma_start3A_323 = tpu.memref_squeeze %dma_start3A_322 : memref<1x80xi32, #tpu.memory_space<vmem>> -> memref<80xi32, #tpu.memory_space<vmem>>
        %dma_start3A_324 = tpu.memref_slice %arg3[%add3A_315] : memref<320000xi32, #tpu.memory_space<hbm>> -> memref<80xi32, #tpu.memory_space<hbm>>
        tpu.enqueue_dma source(%dma_start3A_324 : memref<80xi32, #tpu.memory_space<hbm>>) target(%dma_start3A_323 : memref<80xi32, #tpu.memory_space<vmem>>) target_semaphore(%arg13 : memref<!tpu.dma_semaphore, #tpu.memory_space<semaphore_mem>>)
      } else {
      }
      %lt3A_270 = arith.constant 125 : i32
      %lt3A_271 = arith.cmpi slt, %add3A_242, %lt3A_270 : i32
      %convert_element_type3A_272 = arith.extui %lt3A_271 : i1 to i32
      %cond3A_273 = arith.constant 0 : i32
      %cond3A_274 = arith.cmpi ne, %convert_element_type3A_272, %cond3A_273 : i32
      scf.if %cond3A_274 {
        %dma_wait3A_311 = arith.constant 2 : i32
        %dma_wait3A_312 = arith.constant 0 : i32
        %dma_wait3A_313 = tpu.memref_slice %arg8[%dma_wait3A_311, %dma_wait3A_312] : memref<4x80xi32, #tpu.memory_space<vmem>> -> memref<1x80xi32, #tpu.memory_space<vmem>>
        %dma_wait3A_314 = tpu.memref_squeeze %dma_wait3A_313 : memref<1x80xi32, #tpu.memory_space<vmem>> -> memref<80xi32, #tpu.memory_space<vmem>>
        %dma_wait3A_315 = arith.constant 0 : i32
        %dma_wait3A_316 = tpu.memref_slice %arg4[%dma_wait3A_315] : memref<320000xi32, #tpu.memory_space<hbm>> -> memref<80xi32, #tpu.memory_space<hbm>>
        %dma_wait3A_317 = arith.constant 0 : i32
        %dma_wait3A_318 = tpu.memref_slice %arg8[%dma_wait3A_311, %dma_wait3A_317] : memref<4x80xi32, #tpu.memory_space<vmem>> -> memref<1x80xi32, #tpu.memory_space<vmem>>
        %dma_wait3A_319 = tpu.memref_squeeze %dma_wait3A_318 : memref<1x80xi32, #tpu.memory_space<vmem>> -> memref<80xi32, #tpu.memory_space<vmem>>
        %dma_wait3A_320 = arith.constant 0 : i32
        %dma_wait3A_321 = tpu.memref_slice %arg4[%dma_wait3A_320] : memref<320000xi32, #tpu.memory_space<hbm>> -> memref<80xi32, #tpu.memory_space<hbm>>
        tpu.wait_dma2 semaphore(%arg17 : memref<!tpu.dma_semaphore, #tpu.memory_space<semaphore_mem>>) src(%dma_wait3A_321 : memref<80xi32, #tpu.memory_space<hbm>>) dst(%dma_wait3A_319 : memref<80xi32, #tpu.memory_space<vmem>>)
        %dma_start3A_322 = arith.constant 2 : i32
        %dma_start3A_323 = arith.constant 2 : i32
        %dma_start3A_324 = arith.constant 0 : i32
        %dma_start3A_325 = arith.constant 0 : i32
        %dma_start3A_326 = tpu.memref_slice %arg9[%dma_start3A_322, %dma_start3A_324, %dma_start3A_325] : memref<4x80x128xf32, #tpu.memory_space<vmem>> -> memref<1x80x128xf32, #tpu.memory_space<vmem>>
        %dma_start3A_327 = tpu.memref_squeeze %dma_start3A_326 : memref<1x80x128xf32, #tpu.memory_space<vmem>> -> memref<80x128xf32, #tpu.memory_space<vmem>>
        %dma_start3A_328 = arith.constant 0 : i32
        %dma_start3A_329 = tpu.memref_slice %arg8[%dma_start3A_323, %dma_start3A_328] : memref<4x80xi32, #tpu.memory_space<vmem>> -> memref<1x80xi32, #tpu.memory_space<vmem>>
        %dma_start3A_330 = tpu.memref_squeeze %dma_start3A_329 : memref<1x80xi32, #tpu.memory_space<vmem>> -> memref<80xi32, #tpu.memory_space<vmem>>
        %dma_start3A_331 = arith.constant 0 : i32
        %dma_start3A_332 = arith.constant 0 : i32
        %dma_start3A_333 = tpu.memref_slice %arg10[%dma_start3A_331, %dma_start3A_332] : memref<10000x128xf32, #tpu.memory_space<vmem_shared>> -> memref<10000x128xf32, #tpu.memory_space<vmem_shared>>
        tpu.enqueue_indirect_dma source(%dma_start3A_327 : memref<80x128xf32, #tpu.memory_space<vmem>>) target(%dma_start3A_333 : memref<10000x128xf32, #tpu.memory_space<vmem_shared>>) offsets(%dma_start3A_330 : memref<80xi32, #tpu.memory_space<vmem>>) semaphore(%arg25 : memref<!tpu.dma_semaphore, #tpu.memory_space<semaphore_mem>>) {add = true}
      } else {
      }
      %mul3A_275 = arith.constant 4 : i32
      %mul3A_276 = arith.muli %mul3A_275, %scan3A_169 : i32
      %add3A_277 = arith.constant 3 : i32
      %add3A_278 = arith.addi %mul3A_276, %add3A_277 : i32
      %lt3A_279 = arith.constant 125 : i32
      %lt3A_280 = arith.cmpi slt, %add3A_278, %lt3A_279 : i32
      %convert_element_type3A_281 = arith.extui %lt3A_280 : i1 to i32
      %cond3A_282 = arith.constant 0 : i32
      %cond3A_283 = arith.cmpi ne, %convert_element_type3A_281, %cond3A_282 : i32
      scf.if %cond3A_283 {
        %dma_wait3A_311 = arith.constant 3 : i32
        %dma_wait3A_312 = arith.constant 3 : i32
        %dma_wait3A_313 = arith.constant 0 : i32
        %dma_wait3A_314 = arith.constant 0 : i32
        %dma_wait3A_315 = tpu.memref_slice %arg9[%dma_wait3A_312, %dma_wait3A_313, %dma_wait3A_314] : memref<4x80x128xf32, #tpu.memory_space<vmem>> -> memref<1x80x128xf32, #tpu.memory_space<vmem>>
        %dma_wait3A_316 = tpu.memref_squeeze %dma_wait3A_315 : memref<1x80x128xf32, #tpu.memory_space<vmem>> -> memref<80x128xf32, #tpu.memory_space<vmem>>
        %dma_wait3A_317 = arith.constant 0 : i32
        %dma_wait3A_318 = tpu.memref_slice %arg7[%dma_wait3A_311, %dma_wait3A_317] : memref<4x80xi32, #tpu.memory_space<vmem>> -> memref<1x80xi32, #tpu.memory_space<vmem>>
        %dma_wait3A_319 = tpu.memref_squeeze %dma_wait3A_318 : memref<1x80xi32, #tpu.memory_space<vmem>> -> memref<80xi32, #tpu.memory_space<vmem>>
        %dma_wait3A_320 = arith.constant 0 : i32
        %dma_wait3A_321 = arith.constant 0 : i32
        %dma_wait3A_322 = tpu.memref_slice %arg2[%dma_wait3A_320, %dma_wait3A_321] : memref<10000x128xf32, #tpu.memory_space<hbm>> -> memref<10000x128xf32, #tpu.memory_space<hbm>>
        tpu.wait_indirect_dma semaphore(%arg22 : memref<!tpu.dma_semaphore, #tpu.memory_space<semaphore_mem>>) src(%dma_wait3A_322 : memref<10000x128xf32, #tpu.memory_space<hbm>>) dst(%dma_wait3A_316 : memref<80x128xf32, #tpu.memory_space<vmem>>)
      } else {
      }
      %ge3A_284 = arith.constant 1 : i32
      %ge3A_285 = arith.cmpi sge, %add3A_278, %ge3A_284 : i32
      %le3A_286 = arith.constant 125 : i32
      %le3A_287 = arith.cmpi sle, %add3A_278, %le3A_286 : i32
      %and3A_288 = arith.andi %ge3A_285, %le3A_287 : i1
      %convert_element_type3A_289 = arith.extui %and3A_288 : i1 to i32
      %cond3A_290 = arith.constant 0 : i32
      %cond3A_291 = arith.cmpi ne, %convert_element_type3A_289, %cond3A_290 : i32
      scf.if %cond3A_291 {
        %dma_wait3A_311 = arith.constant 2 : i32
        %dma_wait3A_312 = arith.constant 2 : i32
        %dma_wait3A_313 = arith.constant 0 : i32
        %dma_wait3A_314 = arith.constant 0 : i32
        %dma_wait3A_315 = tpu.memref_slice %arg9[%dma_wait3A_311, %dma_wait3A_313, %dma_wait3A_314] : memref<4x80x128xf32, #tpu.memory_space<vmem>> -> memref<1x80x128xf32, #tpu.memory_space<vmem>>
        %dma_wait3A_316 = tpu.memref_squeeze %dma_wait3A_315 : memref<1x80x128xf32, #tpu.memory_space<vmem>> -> memref<80x128xf32, #tpu.memory_space<vmem>>
        %dma_wait3A_317 = arith.constant 0 : i32
        %dma_wait3A_318 = tpu.memref_slice %arg8[%dma_wait3A_312, %dma_wait3A_317] : memref<4x80xi32, #tpu.memory_space<vmem>> -> memref<1x80xi32, #tpu.memory_space<vmem>>
        %dma_wait3A_319 = tpu.memref_squeeze %dma_wait3A_318 : memref<1x80xi32, #tpu.memory_space<vmem>> -> memref<80xi32, #tpu.memory_space<vmem>>
        %dma_wait3A_320 = arith.constant 0 : i32
        %dma_wait3A_321 = arith.constant 0 : i32
        %dma_wait3A_322 = tpu.memref_slice %arg10[%dma_wait3A_320, %dma_wait3A_321] : memref<10000x128xf32, #tpu.memory_space<vmem_shared>> -> memref<10000x128xf32, #tpu.memory_space<vmem_shared>>
        tpu.wait_indirect_dma semaphore(%arg25 : memref<!tpu.dma_semaphore, #tpu.memory_space<semaphore_mem>>) src(%dma_wait3A_316 : memref<80x128xf32, #tpu.memory_space<vmem>>) dst(%dma_wait3A_322 : memref<10000x128xf32, #tpu.memory_space<vmem_shared>>)
      } else {
      }
      %add3A_292 = arith.constant 3 : i32
      %add3A_293 = arith.addi %add3A_278, %add3A_292 : i32
      %lt3A_294 = arith.constant 125 : i32
      %lt3A_295 = arith.cmpi slt, %add3A_293, %lt3A_294 : i32
      %convert_element_type3A_296 = arith.extui %lt3A_295 : i1 to i32
      %cond3A_297 = arith.constant 0 : i32
      %cond3A_298 = arith.cmpi ne, %convert_element_type3A_296, %cond3A_297 : i32
      scf.if %cond3A_298 {
        %dma_wait3A_311 = arith.constant 2 : i32
        %dma_wait3A_312 = arith.constant 0 : i32
        %dma_wait3A_313 = tpu.memref_slice %arg7[%dma_wait3A_311, %dma_wait3A_312] : memref<4x80xi32, #tpu.memory_space<vmem>> -> memref<1x80xi32, #tpu.memory_space<vmem>>
        %dma_wait3A_314 = tpu.memref_squeeze %dma_wait3A_313 : memref<1x80xi32, #tpu.memory_space<vmem>> -> memref<80xi32, #tpu.memory_space<vmem>>
        %dma_wait3A_315 = arith.constant 0 : i32
        %dma_wait3A_316 = tpu.memref_slice %arg3[%dma_wait3A_315] : memref<320000xi32, #tpu.memory_space<hbm>> -> memref<80xi32, #tpu.memory_space<hbm>>
        %dma_wait3A_317 = arith.constant 0 : i32
        %dma_wait3A_318 = tpu.memref_slice %arg7[%dma_wait3A_311, %dma_wait3A_317] : memref<4x80xi32, #tpu.memory_space<vmem>> -> memref<1x80xi32, #tpu.memory_space<vmem>>
        %dma_wait3A_319 = tpu.memref_squeeze %dma_wait3A_318 : memref<1x80xi32, #tpu.memory_space<vmem>> -> memref<80xi32, #tpu.memory_space<vmem>>
        %dma_wait3A_320 = arith.constant 0 : i32
        %dma_wait3A_321 = tpu.memref_slice %arg3[%dma_wait3A_320] : memref<320000xi32, #tpu.memory_space<hbm>> -> memref<80xi32, #tpu.memory_space<hbm>>
        tpu.wait_dma2 semaphore(%arg13 : memref<!tpu.dma_semaphore, #tpu.memory_space<semaphore_mem>>) src(%dma_wait3A_321 : memref<80xi32, #tpu.memory_space<hbm>>) dst(%dma_wait3A_319 : memref<80xi32, #tpu.memory_space<vmem>>)
        %dma_start3A_322 = arith.constant 2 : i32
        %dma_start3A_323 = arith.constant 2 : i32
        %dma_start3A_324 = arith.constant 0 : i32
        %dma_start3A_325 = arith.constant 0 : i32
        %dma_start3A_326 = tpu.memref_slice %arg9[%dma_start3A_323, %dma_start3A_324, %dma_start3A_325] : memref<4x80x128xf32, #tpu.memory_space<vmem>> -> memref<1x80x128xf32, #tpu.memory_space<vmem>>
        %dma_start3A_327 = tpu.memref_squeeze %dma_start3A_326 : memref<1x80x128xf32, #tpu.memory_space<vmem>> -> memref<80x128xf32, #tpu.memory_space<vmem>>
        %dma_start3A_328 = arith.constant 0 : i32
        %dma_start3A_329 = tpu.memref_slice %arg7[%dma_start3A_322, %dma_start3A_328] : memref<4x80xi32, #tpu.memory_space<vmem>> -> memref<1x80xi32, #tpu.memory_space<vmem>>
        %dma_start3A_330 = tpu.memref_squeeze %dma_start3A_329 : memref<1x80xi32, #tpu.memory_space<vmem>> -> memref<80xi32, #tpu.memory_space<vmem>>
        %dma_start3A_331 = arith.constant 0 : i32
        %dma_start3A_332 = arith.constant 0 : i32
        %dma_start3A_333 = tpu.memref_slice %arg2[%dma_start3A_331, %dma_start3A_332] : memref<10000x128xf32, #tpu.memory_space<hbm>> -> memref<10000x128xf32, #tpu.memory_space<hbm>>
        tpu.enqueue_indirect_dma source(%dma_start3A_333 : memref<10000x128xf32, #tpu.memory_space<hbm>>) target(%dma_start3A_327 : memref<80x128xf32, #tpu.memory_space<vmem>>) offsets(%dma_start3A_330 : memref<80xi32, #tpu.memory_space<vmem>>) semaphore(%arg21 : memref<!tpu.dma_semaphore, #tpu.memory_space<semaphore_mem>>)
        %add3A_334 = arith.constant 3 : i32
        %add3A_335 = arith.addi %add3A_278, %add3A_334 : i32
        %mul3A_336 = arith.constant 80 : i32
        %mul3A_337 = arith.muli %add3A_335, %mul3A_336 : i32
        %add3A_338 = arith.addi %add3A, %mul3A_337 : i32
        %dma_start3A_339 = arith.constant 2 : i32
        %dma_start3A_340 = arith.constant 0 : i32
        %dma_start3A_341 = tpu.memref_slice %arg8[%dma_start3A_339, %dma_start3A_340] : memref<4x80xi32, #tpu.memory_space<vmem>> -> memref<1x80xi32, #tpu.memory_space<vmem>>
        %dma_start3A_342 = tpu.memref_squeeze %dma_start3A_341 : memref<1x80xi32, #tpu.memory_space<vmem>> -> memref<80xi32, #tpu.memory_space<vmem>>
        %dma_start3A_343 = tpu.memref_slice %arg4[%add3A_338] : memref<320000xi32, #tpu.memory_space<hbm>> -> memref<80xi32, #tpu.memory_space<hbm>>
        %dma_start3A_344 = arith.constant 0 : i32
        %dma_start3A_345 = tpu.memref_slice %arg8[%dma_start3A_339, %dma_start3A_344] : memref<4x80xi32, #tpu.memory_space<vmem>> -> memref<1x80xi32, #tpu.memory_space<vmem>>
        %dma_start3A_346 = tpu.memref_squeeze %dma_start3A_345 : memref<1x80xi32, #tpu.memory_space<vmem>> -> memref<80xi32, #tpu.memory_space<vmem>>
        %dma_start3A_347 = tpu.memref_slice %arg4[%add3A_338] : memref<320000xi32, #tpu.memory_space<hbm>> -> memref<80xi32, #tpu.memory_space<hbm>>
        tpu.enqueue_dma source(%dma_start3A_347 : memref<80xi32, #tpu.memory_space<hbm>>) target(%dma_start3A_346 : memref<80xi32, #tpu.memory_space<vmem>>) target_semaphore(%arg17 : memref<!tpu.dma_semaphore, #tpu.memory_space<semaphore_mem>>)
      } else {
      }
      %add3A_299 = arith.constant 4 : i32
      %add3A_300 = arith.addi %add3A_278, %add3A_299 : i32
      %lt3A_301 = arith.constant 125 : i32
      %lt3A_302 = arith.cmpi slt, %add3A_300, %lt3A_301 : i32
      %convert_element_type3A_303 = arith.extui %lt3A_302 : i1 to i32
      %cond3A_304 = arith.constant 0 : i32
      %cond3A_305 = arith.cmpi ne, %convert_element_type3A_303, %cond3A_304 : i32
      scf.if %cond3A_305 {
        %add3A_311 = arith.constant 4 : i32
        %add3A_312 = arith.addi %add3A_278, %add3A_311 : i32
        %mul3A_313 = arith.constant 80 : i32
        %mul3A_314 = arith.muli %add3A_312, %mul3A_313 : i32
        %add3A_315 = arith.addi %add3A, %mul3A_314 : i32
        %dma_start3A_316 = arith.constant 3 : i32
        %dma_start3A_317 = arith.constant 0 : i32
        %dma_start3A_318 = tpu.memref_slice %arg7[%dma_start3A_316, %dma_start3A_317] : memref<4x80xi32, #tpu.memory_space<vmem>> -> memref<1x80xi32, #tpu.memory_space<vmem>>
        %dma_start3A_319 = tpu.memref_squeeze %dma_start3A_318 : memref<1x80xi32, #tpu.memory_space<vmem>> -> memref<80xi32, #tpu.memory_space<vmem>>
        %dma_start3A_320 = tpu.memref_slice %arg3[%add3A_315] : memref<320000xi32, #tpu.memory_space<hbm>> -> memref<80xi32, #tpu.memory_space<hbm>>
        %dma_start3A_321 = arith.constant 0 : i32
        %dma_start3A_322 = tpu.memref_slice %arg7[%dma_start3A_316, %dma_start3A_321] : memref<4x80xi32, #tpu.memory_space<vmem>> -> memref<1x80xi32, #tpu.memory_space<vmem>>
        %dma_start3A_323 = tpu.memref_squeeze %dma_start3A_322 : memref<1x80xi32, #tpu.memory_space<vmem>> -> memref<80xi32, #tpu.memory_space<vmem>>
        %dma_start3A_324 = tpu.memref_slice %arg3[%add3A_315] : memref<320000xi32, #tpu.memory_space<hbm>> -> memref<80xi32, #tpu.memory_space<hbm>>
        tpu.enqueue_dma source(%dma_start3A_324 : memref<80xi32, #tpu.memory_space<hbm>>) target(%dma_start3A_323 : memref<80xi32, #tpu.memory_space<vmem>>) target_semaphore(%arg14 : memref<!tpu.dma_semaphore, #tpu.memory_space<semaphore_mem>>)
      } else {
      }
      %lt3A_306 = arith.constant 125 : i32
      %lt3A_307 = arith.cmpi slt, %add3A_278, %lt3A_306 : i32
      %convert_element_type3A_308 = arith.extui %lt3A_307 : i1 to i32
      %cond3A_309 = arith.constant 0 : i32
      %cond3A_310 = arith.cmpi ne, %convert_element_type3A_308, %cond3A_309 : i32
      scf.if %cond3A_310 {
        %dma_wait3A_311 = arith.constant 3 : i32
        %dma_wait3A_312 = arith.constant 0 : i32
        %dma_wait3A_313 = tpu.memref_slice %arg8[%dma_wait3A_311, %dma_wait3A_312] : memref<4x80xi32, #tpu.memory_space<vmem>> -> memref<1x80xi32, #tpu.memory_space<vmem>>
        %dma_wait3A_314 = tpu.memref_squeeze %dma_wait3A_313 : memref<1x80xi32, #tpu.memory_space<vmem>> -> memref<80xi32, #tpu.memory_space<vmem>>
        %dma_wait3A_315 = arith.constant 0 : i32
        %dma_wait3A_316 = tpu.memref_slice %arg4[%dma_wait3A_315] : memref<320000xi32, #tpu.memory_space<hbm>> -> memref<80xi32, #tpu.memory_space<hbm>>
        %dma_wait3A_317 = arith.constant 0 : i32
        %dma_wait3A_318 = tpu.memref_slice %arg8[%dma_wait3A_311, %dma_wait3A_317] : memref<4x80xi32, #tpu.memory_space<vmem>> -> memref<1x80xi32, #tpu.memory_space<vmem>>
        %dma_wait3A_319 = tpu.memref_squeeze %dma_wait3A_318 : memref<1x80xi32, #tpu.memory_space<vmem>> -> memref<80xi32, #tpu.memory_space<vmem>>
        %dma_wait3A_320 = arith.constant 0 : i32
        %dma_wait3A_321 = tpu.memref_slice %arg4[%dma_wait3A_320] : memref<320000xi32, #tpu.memory_space<hbm>> -> memref<80xi32, #tpu.memory_space<hbm>>
        tpu.wait_dma2 semaphore(%arg18 : memref<!tpu.dma_semaphore, #tpu.memory_space<semaphore_mem>>) src(%dma_wait3A_321 : memref<80xi32, #tpu.memory_space<hbm>>) dst(%dma_wait3A_319 : memref<80xi32, #tpu.memory_space<vmem>>)
        %dma_start3A_322 = arith.constant 3 : i32
        %dma_start3A_323 = arith.constant 3 : i32
        %dma_start3A_324 = arith.constant 0 : i32
        %dma_start3A_325 = arith.constant 0 : i32
        %dma_start3A_326 = tpu.memref_slice %arg9[%dma_start3A_322, %dma_start3A_324, %dma_start3A_325] : memref<4x80x128xf32, #tpu.memory_space<vmem>> -> memref<1x80x128xf32, #tpu.memory_space<vmem>>
        %dma_start3A_327 = tpu.memref_squeeze %dma_start3A_326 : memref<1x80x128xf32, #tpu.memory_space<vmem>> -> memref<80x128xf32, #tpu.memory_space<vmem>>
        %dma_start3A_328 = arith.constant 0 : i32
        %dma_start3A_329 = tpu.memref_slice %arg8[%dma_start3A_323, %dma_start3A_328] : memref<4x80xi32, #tpu.memory_space<vmem>> -> memref<1x80xi32, #tpu.memory_space<vmem>>
        %dma_start3A_330 = tpu.memref_squeeze %dma_start3A_329 : memref<1x80xi32, #tpu.memory_space<vmem>> -> memref<80xi32, #tpu.memory_space<vmem>>
        %dma_start3A_331 = arith.constant 0 : i32
        %dma_start3A_332 = arith.constant 0 : i32
        %dma_start3A_333 = tpu.memref_slice %arg10[%dma_start3A_331, %dma_start3A_332] : memref<10000x128xf32, #tpu.memory_space<vmem_shared>> -> memref<10000x128xf32, #tpu.memory_space<vmem_shared>>
        tpu.enqueue_indirect_dma source(%dma_start3A_327 : memref<80x128xf32, #tpu.memory_space<vmem>>) target(%dma_start3A_333 : memref<10000x128xf32, #tpu.memory_space<vmem_shared>>) offsets(%dma_start3A_330 : memref<80xi32, #tpu.memory_space<vmem>>) semaphore(%arg26 : memref<!tpu.dma_semaphore, #tpu.memory_space<semaphore_mem>>) {add = true}
      } else {
      }
    }
    %scan3A_157 = arith.constant 32 : i32
    %barrier3A_158 = arith.constant 0 : index
    tpu.barrier barrier_id(%barrier3A_158)
    %lt3A_159 = arith.constant 15 : i32
    %lt3A_160 = arith.cmpi slt, %arg1, %lt3A_159 : i32
    %convert_element_type3A_161 = arith.extui %lt3A_160 : i1 to i32
    %cond3A_162 = arith.constant 0 : i32
    %cond3A_163 = arith.cmpi ne, %convert_element_type3A_161, %cond3A_162 : i32
    scf.if %cond3A_163 {
      %mul3A_169 = arith.constant 640 : i32
      %mul3A_170 = arith.muli %arg1, %mul3A_169 : i32
      "tpu.region"() ({
        %run_scoped3A = tpu.sem_alloc : memref<!tpu.dma_semaphore, #tpu.memory_space<semaphore_mem>>
        %dma_start3A_171 = arith.constant 0 : i32
        %dma_start3A_172 = tpu.memref_slice %arg6[%arg0, %mul3A_170, %dma_start3A_171] : memref<2x10000x128xf32, #tpu.memory_space<hbm>> -> memref<1x640x128xf32, #tpu.memory_space<hbm>>
        %dma_start3A_173 = tpu.memref_squeeze %dma_start3A_172 : memref<1x640x128xf32, #tpu.memory_space<hbm>> -> memref<640x128xf32, #tpu.memory_space<hbm>>
        %dma_start3A_174 = arith.constant 0 : i32
        %dma_start3A_175 = tpu.memref_slice %arg10[%mul3A_170, %dma_start3A_174] : memref<10000x128xf32, #tpu.memory_space<vmem_shared>> -> memref<640x128xf32, #tpu.memory_space<vmem_shared>>
        tpu.enqueue_dma source(%dma_start3A_175 : memref<640x128xf32, #tpu.memory_space<vmem_shared>>) target(%dma_start3A_173 : memref<640x128xf32, #tpu.memory_space<hbm>>) target_semaphore(%run_scoped3A : memref<!tpu.dma_semaphore, #tpu.memory_space<semaphore_mem>>)
        %dma_wait3A_176 = arith.constant 0 : i32
        %dma_wait3A_177 = tpu.memref_slice %arg6[%arg0, %mul3A_170, %dma_wait3A_176] : memref<2x10000x128xf32, #tpu.memory_space<hbm>> -> memref<1x640x128xf32, #tpu.memory_space<hbm>>
        %dma_wait3A_178 = tpu.memref_squeeze %dma_wait3A_177 : memref<1x640x128xf32, #tpu.memory_space<hbm>> -> memref<640x128xf32, #tpu.memory_space<hbm>>
        %dma_wait3A_179 = arith.constant 0 : i32
        %dma_wait3A_180 = tpu.memref_slice %arg10[%mul3A_170, %dma_wait3A_179] : memref<10000x128xf32, #tpu.memory_space<vmem_shared>> -> memref<640x128xf32, #tpu.memory_space<vmem_shared>>
        tpu.wait_dma2 semaphore(%run_scoped3A : memref<!tpu.dma_semaphore, #tpu.memory_space<semaphore_mem>>) src(%dma_wait3A_180 : memref<640x128xf32, #tpu.memory_space<vmem_shared>>) dst(%dma_wait3A_178 : memref<640x128xf32, #tpu.memory_space<hbm>>)
        tpu.yield
      }) : () -> ()
    } else {
    }
    %eq3A_164 = arith.constant 15 : i32
    %eq3A_165 = arith.cmpi eq, %arg1, %eq3A_164 : i32
    %convert_element_type3A_166 = arith.extui %eq3A_165 : i1 to i32
    %cond3A_167 = arith.constant 0 : i32
    %cond3A_168 = arith.cmpi ne, %convert_element_type3A_166, %cond3A_167 : i32
    scf.if %cond3A_168 {
      "tpu.region"() ({
        %run_scoped3A = tpu.sem_alloc : memref<!tpu.dma_semaphore, #tpu.memory_space<semaphore_mem>>
        %dma_start3A_169 = arith.constant 9600 : i32
        %dma_start3A_170 = arith.constant 0 : i32
        %dma_start3A_171 = tpu.memref_slice %arg6[%arg0, %dma_start3A_169, %dma_start3A_170] : memref<2x10000x128xf32, #tpu.memory_space<hbm>> -> memref<1x400x128xf32, #tpu.memory_space<hbm>>
        %dma_start3A_172 = tpu.memref_squeeze %dma_start3A_171 : memref<1x400x128xf32, #tpu.memory_space<hbm>> -> memref<400x128xf32, #tpu.memory_space<hbm>>
        %dma_start3A_173 = arith.constant 9600 : i32
        %dma_start3A_174 = arith.constant 0 : i32
        %dma_start3A_175 = tpu.memref_slice %arg10[%dma_start3A_173, %dma_start3A_174] : memref<10000x128xf32, #tpu.memory_space<vmem_shared>> -> memref<400x128xf32, #tpu.memory_space<vmem_shared>>
        tpu.enqueue_dma source(%dma_start3A_175 : memref<400x128xf32, #tpu.memory_space<vmem_shared>>) target(%dma_start3A_172 : memref<400x128xf32, #tpu.memory_space<hbm>>) target_semaphore(%run_scoped3A : memref<!tpu.dma_semaphore, #tpu.memory_space<semaphore_mem>>)
        %dma_wait3A_176 = arith.constant 9600 : i32
        %dma_wait3A_177 = arith.constant 0 : i32
        %dma_wait3A_178 = tpu.memref_slice %arg6[%arg0, %dma_wait3A_176, %dma_wait3A_177] : memref<2x10000x128xf32, #tpu.memory_space<hbm>> -> memref<1x400x128xf32, #tpu.memory_space<hbm>>
        %dma_wait3A_179 = tpu.memref_squeeze %dma_wait3A_178 : memref<1x400x128xf32, #tpu.memory_space<hbm>> -> memref<400x128xf32, #tpu.memory_space<hbm>>
        %dma_wait3A_180 = arith.constant 9600 : i32
        %dma_wait3A_181 = arith.constant 0 : i32
        %dma_wait3A_182 = tpu.memref_slice %arg10[%dma_wait3A_180, %dma_wait3A_181] : memref<10000x128xf32, #tpu.memory_space<vmem_shared>> -> memref<400x128xf32, #tpu.memory_space<vmem_shared>>
        tpu.wait_dma2 semaphore(%run_scoped3A : memref<!tpu.dma_semaphore, #tpu.memory_space<semaphore_mem>>) src(%dma_wait3A_182 : memref<400x128xf32, #tpu.memory_space<vmem_shared>>) dst(%dma_wait3A_179 : memref<400x128xf32, #tpu.memory_space<hbm>>)
        tpu.yield
      }) : () -> ()
    } else {
    }
    return
  }
}

#map = affine_map<(d0, d1) -> (0, 0)>
#map1 = affine_map<(d0, d1) -> (0)>
#map2 = affine_map<(d0, d1) -> (0, 0, 0)>
module attributes {stable_mosaic.version = 14 : i64} {
  func.func @body(%arg0: i32, %arg1: i32, %arg2: memref<10000x128xf32, #tpu.memory_space<hbm>>, %arg3: memref<320000xi32, #tpu.memory_space<hbm>>, %arg4: memref<320000xi32, #tpu.memory_space<hbm>>, %arg5: memref<10000x128xf32, #tpu.memory_space<hbm>>, %arg6: memref<2x10000x128xf32, #tpu.memory_space<hbm>>, %arg7: memref<20000xf32, #tpu.memory_space<hbm>>, %arg8: memref<4x80xi32, #tpu.memory_space<vmem>>, %arg9: memref<4x80xi32, #tpu.memory_space<vmem>>, %arg10: memref<4x80x128xf32, #tpu.memory_space<vmem>>, %arg11: memref<1x80xf32, #tpu.memory_space<vmem>>, %arg12: memref<640xf32, #tpu.memory_space<vmem>>, %arg13: memref<10000x128xf32, #tpu.memory_space<vmem_shared>>, %arg14: memref<10000xf32, #tpu.memory_space<vmem_shared>>, %arg15: memref<!tpu.dma_semaphore, #tpu.memory_space<semaphore_mem>>, %arg16: memref<!tpu.dma_semaphore, #tpu.memory_space<semaphore_mem>>, %arg17: memref<!tpu.dma_semaphore, #tpu.memory_space<semaphore_mem>>, %arg18: memref<!tpu.dma_semaphore, #tpu.memory_space<semaphore_mem>>, %arg19: memref<!tpu.dma_semaphore, #tpu.memory_space<semaphore_mem>>, %arg20: memref<!tpu.dma_semaphore, #tpu.memory_space<semaphore_mem>>, %arg21: memref<!tpu.dma_semaphore, #tpu.memory_space<semaphore_mem>>, %arg22: memref<!tpu.dma_semaphore, #tpu.memory_space<semaphore_mem>>, %arg23: memref<!tpu.dma_semaphore, #tpu.memory_space<semaphore_mem>>, %arg24: memref<!tpu.dma_semaphore, #tpu.memory_space<semaphore_mem>>, %arg25: memref<!tpu.dma_semaphore, #tpu.memory_space<semaphore_mem>>, %arg26: memref<!tpu.dma_semaphore, #tpu.memory_space<semaphore_mem>>, %arg27: memref<!tpu.dma_semaphore, #tpu.memory_space<semaphore_mem>>, %arg28: memref<!tpu.dma_semaphore, #tpu.memory_space<semaphore_mem>>, %arg29: memref<!tpu.dma_semaphore, #tpu.memory_space<semaphore_mem>>, %arg30: memref<!tpu.dma_semaphore, #tpu.memory_space<semaphore_mem>>) attributes {dimension_semantics = [#tpu.dimension_semantics<core_parallel>, #tpu.dimension_semantics<subcore_parallel>], iteration_bounds = array<i64: 2, 16>, scalar_prefetch = 0 : i64, scratch_operands = 23 : i64, tpu.core_type = #tpu.core_type<sc_vector_subcore>, window_params = [{transform_indices = #map}, {transform_indices = #map1}, {transform_indices = #map1}, {transform_indices = #map}, {transform_indices = #map2}, {transform_indices = #map1}]} {
    %broadcast_in_dim3A = arith.constant 0.000000e+00 : f32
    %broadcast_in_dim3A_0 = vector.broadcast %broadcast_in_dim3A : f32 to vector<16xf32>
    %swap3A = arith.constant 0 : index
    %swap3A_1 = tpu.vector_load %arg12[%swap3A] {strides = array<i32>} : memref<640xf32, #tpu.memory_space<vmem>>, vector<16xf32>,
    %swap3A_2 = vector.shape_cast %swap3A_1 : vector<16xf32> to vector<16xf32>
    %swap3A_3 = vector.shape_cast %broadcast_in_dim3A_0 : vector<16xf32> to vector<16xf32>
    tpu.vector_store %arg12[%swap3A], %swap3A_3 {strides = array<i32>} : memref<640xf32, #tpu.memory_space<vmem>>, vector<16xf32>,
    %broadcast_in_dim3A_4 = arith.constant 0.000000e+00 : f32
    %broadcast_in_dim3A_5 = vector.broadcast %broadcast_in_dim3A_4 : f32 to vector<16xf32>
    %swap3A_6 = arith.constant 16 : index
    %swap3A_7 = tpu.vector_load %arg12[%swap3A_6] {strides = array<i32>} : memref<640xf32, #tpu.memory_space<vmem>>, vector<16xf32>,
    %swap3A_8 = vector.shape_cast %swap3A_7 : vector<16xf32> to vector<16xf32>
    %swap3A_9 = vector.shape_cast %broadcast_in_dim3A_5 : vector<16xf32> to vector<16xf32>
    tpu.vector_store %arg12[%swap3A_6], %swap3A_9 {strides = array<i32>} : memref<640xf32, #tpu.memory_space<vmem>>, vector<16xf32>,
    %broadcast_in_dim3A_10 = arith.constant 0.000000e+00 : f32
    %broadcast_in_dim3A_11 = vector.broadcast %broadcast_in_dim3A_10 : f32 to vector<16xf32>
    %swap3A_12 = arith.constant 32 : index
    %swap3A_13 = tpu.vector_load %arg12[%swap3A_12] {strides = array<i32>} : memref<640xf32, #tpu.memory_space<vmem>>, vector<16xf32>,
    %swap3A_14 = vector.shape_cast %swap3A_13 : vector<16xf32> to vector<16xf32>
    %swap3A_15 = vector.shape_cast %broadcast_in_dim3A_11 : vector<16xf32> to vector<16xf32>
    tpu.vector_store %arg12[%swap3A_12], %swap3A_15 {strides = array<i32>} : memref<640xf32, #tpu.memory_space<vmem>>, vector<16xf32>,
    %broadcast_in_dim3A_16 = arith.constant 0.000000e+00 : f32
    %broadcast_in_dim3A_17 = vector.broadcast %broadcast_in_dim3A_16 : f32 to vector<16xf32>
    %swap3A_18 = arith.constant 48 : index
    %swap3A_19 = tpu.vector_load %arg12[%swap3A_18] {strides = array<i32>} : memref<640xf32, #tpu.memory_space<vmem>>, vector<16xf32>,
    %swap3A_20 = vector.shape_cast %swap3A_19 : vector<16xf32> to vector<16xf32>
    %swap3A_21 = vector.shape_cast %broadcast_in_dim3A_17 : vector<16xf32> to vector<16xf32>
    tpu.vector_store %arg12[%swap3A_18], %swap3A_21 {strides = array<i32>} : memref<640xf32, #tpu.memory_space<vmem>>, vector<16xf32>,
    %broadcast_in_dim3A_22 = arith.constant 0.000000e+00 : f32
    %broadcast_in_dim3A_23 = vector.broadcast %broadcast_in_dim3A_22 : f32 to vector<16xf32>
    %swap3A_24 = arith.constant 64 : index
    %swap3A_25 = tpu.vector_load %arg12[%swap3A_24] {strides = array<i32>} : memref<640xf32, #tpu.memory_space<vmem>>, vector<16xf32>,
    %swap3A_26 = vector.shape_cast %swap3A_25 : vector<16xf32> to vector<16xf32>
    %swap3A_27 = vector.shape_cast %broadcast_in_dim3A_23 : vector<16xf32> to vector<16xf32>
    tpu.vector_store %arg12[%swap3A_24], %swap3A_27 {strides = array<i32>} : memref<640xf32, #tpu.memory_space<vmem>>, vector<16xf32>,
    %broadcast_in_dim3A_28 = arith.constant 0.000000e+00 : f32
    %broadcast_in_dim3A_29 = vector.broadcast %broadcast_in_dim3A_28 : f32 to vector<16xf32>
    %swap3A_30 = arith.constant 80 : index
    %swap3A_31 = tpu.vector_load %arg12[%swap3A_30] {strides = array<i32>} : memref<640xf32, #tpu.memory_space<vmem>>, vector<16xf32>,
    %swap3A_32 = vector.shape_cast %swap3A_31 : vector<16xf32> to vector<16xf32>
    %swap3A_33 = vector.shape_cast %broadcast_in_dim3A_29 : vector<16xf32> to vector<16xf32>
    tpu.vector_store %arg12[%swap3A_30], %swap3A_33 {strides = array<i32>} : memref<640xf32, #tpu.memory_space<vmem>>, vector<16xf32>,
    %broadcast_in_dim3A_34 = arith.constant 0.000000e+00 : f32
    %broadcast_in_dim3A_35 = vector.broadcast %broadcast_in_dim3A_34 : f32 to vector<16xf32>
    %swap3A_36 = arith.constant 96 : index
    %swap3A_37 = tpu.vector_load %arg12[%swap3A_36] {strides = array<i32>} : memref<640xf32, #tpu.memory_space<vmem>>, vector<16xf32>,
    %swap3A_38 = vector.shape_cast %swap3A_37 : vector<16xf32> to vector<16xf32>
    %swap3A_39 = vector.shape_cast %broadcast_in_dim3A_35 : vector<16xf32> to vector<16xf32>
    tpu.vector_store %arg12[%swap3A_36], %swap3A_39 {strides = array<i32>} : memref<640xf32, #tpu.memory_space<vmem>>, vector<16xf32>,
    %broadcast_in_dim3A_40 = arith.constant 0.000000e+00 : f32
    %broadcast_in_dim3A_41 = vector.broadcast %broadcast_in_dim3A_40 : f32 to vector<16xf32>
    %swap3A_42 = arith.constant 112 : index
    %swap3A_43 = tpu.vector_load %arg12[%swap3A_42] {strides = array<i32>} : memref<640xf32, #tpu.memory_space<vmem>>, vector<16xf32>,
    %swap3A_44 = vector.shape_cast %swap3A_43 : vector<16xf32> to vector<16xf32>
    %swap3A_45 = vector.shape_cast %broadcast_in_dim3A_41 : vector<16xf32> to vector<16xf32>
    tpu.vector_store %arg12[%swap3A_42], %swap3A_45 {strides = array<i32>} : memref<640xf32, #tpu.memory_space<vmem>>, vector<16xf32>,
    %broadcast_in_dim3A_46 = arith.constant 0.000000e+00 : f32
    %broadcast_in_dim3A_47 = vector.broadcast %broadcast_in_dim3A_46 : f32 to vector<16xf32>
    %swap3A_48 = arith.constant 128 : index
    %swap3A_49 = tpu.vector_load %arg12[%swap3A_48] {strides = array<i32>} : memref<640xf32, #tpu.memory_space<vmem>>, vector<16xf32>,
    %swap3A_50 = vector.shape_cast %swap3A_49 : vector<16xf32> to vector<16xf32>
    %swap3A_51 = vector.shape_cast %broadcast_in_dim3A_47 : vector<16xf32> to vector<16xf32>
    tpu.vector_store %arg12[%swap3A_48], %swap3A_51 {strides = array<i32>} : memref<640xf32, #tpu.memory_space<vmem>>, vector<16xf32>,
    %broadcast_in_dim3A_52 = arith.constant 0.000000e+00 : f32
    %broadcast_in_dim3A_53 = vector.broadcast %broadcast_in_dim3A_52 : f32 to vector<16xf32>
    %swap3A_54 = arith.constant 144 : index
    %swap3A_55 = tpu.vector_load %arg12[%swap3A_54] {strides = array<i32>} : memref<640xf32, #tpu.memory_space<vmem>>, vector<16xf32>,
    %swap3A_56 = vector.shape_cast %swap3A_55 : vector<16xf32> to vector<16xf32>
    %swap3A_57 = vector.shape_cast %broadcast_in_dim3A_53 : vector<16xf32> to vector<16xf32>
    tpu.vector_store %arg12[%swap3A_54], %swap3A_57 {strides = array<i32>} : memref<640xf32, #tpu.memory_space<vmem>>, vector<16xf32>,
    %broadcast_in_dim3A_58 = arith.constant 0.000000e+00 : f32
    %broadcast_in_dim3A_59 = vector.broadcast %broadcast_in_dim3A_58 : f32 to vector<16xf32>
    %swap3A_60 = arith.constant 160 : index
    %swap3A_61 = tpu.vector_load %arg12[%swap3A_60] {strides = array<i32>} : memref<640xf32, #tpu.memory_space<vmem>>, vector<16xf32>,
    %swap3A_62 = vector.shape_cast %swap3A_61 : vector<16xf32> to vector<16xf32>
    %swap3A_63 = vector.shape_cast %broadcast_in_dim3A_59 : vector<16xf32> to vector<16xf32>
    tpu.vector_store %arg12[%swap3A_60], %swap3A_63 {strides = array<i32>} : memref<640xf32, #tpu.memory_space<vmem>>, vector<16xf32>,
    %broadcast_in_dim3A_64 = arith.constant 0.000000e+00 : f32
    %broadcast_in_dim3A_65 = vector.broadcast %broadcast_in_dim3A_64 : f32 to vector<16xf32>
    %swap3A_66 = arith.constant 176 : index
    %swap3A_67 = tpu.vector_load %arg12[%swap3A_66] {strides = array<i32>} : memref<640xf32, #tpu.memory_space<vmem>>, vector<16xf32>,
    %swap3A_68 = vector.shape_cast %swap3A_67 : vector<16xf32> to vector<16xf32>
    %swap3A_69 = vector.shape_cast %broadcast_in_dim3A_65 : vector<16xf32> to vector<16xf32>
    tpu.vector_store %arg12[%swap3A_66], %swap3A_69 {strides = array<i32>} : memref<640xf32, #tpu.memory_space<vmem>>, vector<16xf32>,
    %broadcast_in_dim3A_70 = arith.constant 0.000000e+00 : f32
    %broadcast_in_dim3A_71 = vector.broadcast %broadcast_in_dim3A_70 : f32 to vector<16xf32>
    %swap3A_72 = arith.constant 192 : index
    %swap3A_73 = tpu.vector_load %arg12[%swap3A_72] {strides = array<i32>} : memref<640xf32, #tpu.memory_space<vmem>>, vector<16xf32>,
    %swap3A_74 = vector.shape_cast %swap3A_73 : vector<16xf32> to vector<16xf32>
    %swap3A_75 = vector.shape_cast %broadcast_in_dim3A_71 : vector<16xf32> to vector<16xf32>
    tpu.vector_store %arg12[%swap3A_72], %swap3A_75 {strides = array<i32>} : memref<640xf32, #tpu.memory_space<vmem>>, vector<16xf32>,
    %broadcast_in_dim3A_76 = arith.constant 0.000000e+00 : f32
    %broadcast_in_dim3A_77 = vector.broadcast %broadcast_in_dim3A_76 : f32 to vector<16xf32>
    %swap3A_78 = arith.constant 208 : index
    %swap3A_79 = tpu.vector_load %arg12[%swap3A_78] {strides = array<i32>} : memref<640xf32, #tpu.memory_space<vmem>>, vector<16xf32>,
    %swap3A_80 = vector.shape_cast %swap3A_79 : vector<16xf32> to vector<16xf32>
    %swap3A_81 = vector.shape_cast %broadcast_in_dim3A_77 : vector<16xf32> to vector<16xf32>
    tpu.vector_store %arg12[%swap3A_78], %swap3A_81 {strides = array<i32>} : memref<640xf32, #tpu.memory_space<vmem>>, vector<16xf32>,
    %broadcast_in_dim3A_82 = arith.constant 0.000000e+00 : f32
    %broadcast_in_dim3A_83 = vector.broadcast %broadcast_in_dim3A_82 : f32 to vector<16xf32>
    %swap3A_84 = arith.constant 224 : index
    %swap3A_85 = tpu.vector_load %arg12[%swap3A_84] {strides = array<i32>} : memref<640xf32, #tpu.memory_space<vmem>>, vector<16xf32>,
    %swap3A_86 = vector.shape_cast %swap3A_85 : vector<16xf32> to vector<16xf32>
    %swap3A_87 = vector.shape_cast %broadcast_in_dim3A_83 : vector<16xf32> to vector<16xf32>
    tpu.vector_store %arg12[%swap3A_84], %swap3A_87 {strides = array<i32>} : memref<640xf32, #tpu.memory_space<vmem>>, vector<16xf32>,
    %broadcast_in_dim3A_88 = arith.constant 0.000000e+00 : f32
    %broadcast_in_dim3A_89 = vector.broadcast %broadcast_in_dim3A_88 : f32 to vector<16xf32>
    %swap3A_90 = arith.constant 240 : index
    %swap3A_91 = tpu.vector_load %arg12[%swap3A_90] {strides = array<i32>} : memref<640xf32, #tpu.memory_space<vmem>>, vector<16xf32>,
    %swap3A_92 = vector.shape_cast %swap3A_91 : vector<16xf32> to vector<16xf32>
    %swap3A_93 = vector.shape_cast %broadcast_in_dim3A_89 : vector<16xf32> to vector<16xf32>
    tpu.vector_store %arg12[%swap3A_90], %swap3A_93 {strides = array<i32>} : memref<640xf32, #tpu.memory_space<vmem>>, vector<16xf32>,
    %broadcast_in_dim3A_94 = arith.constant 0.000000e+00 : f32
    %broadcast_in_dim3A_95 = vector.broadcast %broadcast_in_dim3A_94 : f32 to vector<16xf32>
    %swap3A_96 = arith.constant 256 : index
    %swap3A_97 = tpu.vector_load %arg12[%swap3A_96] {strides = array<i32>} : memref<640xf32, #tpu.memory_space<vmem>>, vector<16xf32>,
    %swap3A_98 = vector.shape_cast %swap3A_97 : vector<16xf32> to vector<16xf32>
    %swap3A_99 = vector.shape_cast %broadcast_in_dim3A_95 : vector<16xf32> to vector<16xf32>
    tpu.vector_store %arg12[%swap3A_96], %swap3A_99 {strides = array<i32>} : memref<640xf32, #tpu.memory_space<vmem>>, vector<16xf32>,
    %broadcast_in_dim3A_100 = arith.constant 0.000000e+00 : f32
    %broadcast_in_dim3A_101 = vector.broadcast %broadcast_in_dim3A_100 : f32 to vector<16xf32>
    %swap3A_102 = arith.constant 272 : index
    %swap3A_103 = tpu.vector_load %arg12[%swap3A_102] {strides = array<i32>} : memref<640xf32, #tpu.memory_space<vmem>>, vector<16xf32>,
    %swap3A_104 = vector.shape_cast %swap3A_103 : vector<16xf32> to vector<16xf32>
    %swap3A_105 = vector.shape_cast %broadcast_in_dim3A_101 : vector<16xf32> to vector<16xf32>
    tpu.vector_store %arg12[%swap3A_102], %swap3A_105 {strides = array<i32>} : memref<640xf32, #tpu.memory_space<vmem>>, vector<16xf32>,
    %broadcast_in_dim3A_106 = arith.constant 0.000000e+00 : f32
    %broadcast_in_dim3A_107 = vector.broadcast %broadcast_in_dim3A_106 : f32 to vector<16xf32>
    %swap3A_108 = arith.constant 288 : index
    %swap3A_109 = tpu.vector_load %arg12[%swap3A_108] {strides = array<i32>} : memref<640xf32, #tpu.memory_space<vmem>>, vector<16xf32>,
    %swap3A_110 = vector.shape_cast %swap3A_109 : vector<16xf32> to vector<16xf32>
    %swap3A_111 = vector.shape_cast %broadcast_in_dim3A_107 : vector<16xf32> to vector<16xf32>
    tpu.vector_store %arg12[%swap3A_108], %swap3A_111 {strides = array<i32>} : memref<640xf32, #tpu.memory_space<vmem>>, vector<16xf32>,
    %broadcast_in_dim3A_112 = arith.constant 0.000000e+00 : f32
    %broadcast_in_dim3A_113 = vector.broadcast %broadcast_in_dim3A_112 : f32 to vector<16xf32>
    %swap3A_114 = arith.constant 304 : index
    %swap3A_115 = tpu.vector_load %arg12[%swap3A_114] {strides = array<i32>} : memref<640xf32, #tpu.memory_space<vmem>>, vector<16xf32>,
    %swap3A_116 = vector.shape_cast %swap3A_115 : vector<16xf32> to vector<16xf32>
    %swap3A_117 = vector.shape_cast %broadcast_in_dim3A_113 : vector<16xf32> to vector<16xf32>
    tpu.vector_store %arg12[%swap3A_114], %swap3A_117 {strides = array<i32>} : memref<640xf32, #tpu.memory_space<vmem>>, vector<16xf32>,
    %broadcast_in_dim3A_118 = arith.constant 0.000000e+00 : f32
    %broadcast_in_dim3A_119 = vector.broadcast %broadcast_in_dim3A_118 : f32 to vector<16xf32>
    %swap3A_120 = arith.constant 320 : index
    %swap3A_121 = tpu.vector_load %arg12[%swap3A_120] {strides = array<i32>} : memref<640xf32, #tpu.memory_space<vmem>>, vector<16xf32>,
    %swap3A_122 = vector.shape_cast %swap3A_121 : vector<16xf32> to vector<16xf32>
    %swap3A_123 = vector.shape_cast %broadcast_in_dim3A_119 : vector<16xf32> to vector<16xf32>
    tpu.vector_store %arg12[%swap3A_120], %swap3A_123 {strides = array<i32>} : memref<640xf32, #tpu.memory_space<vmem>>, vector<16xf32>,
    %broadcast_in_dim3A_124 = arith.constant 0.000000e+00 : f32
    %broadcast_in_dim3A_125 = vector.broadcast %broadcast_in_dim3A_124 : f32 to vector<16xf32>
    %swap3A_126 = arith.constant 336 : index
    %swap3A_127 = tpu.vector_load %arg12[%swap3A_126] {strides = array<i32>} : memref<640xf32, #tpu.memory_space<vmem>>, vector<16xf32>,
    %swap3A_128 = vector.shape_cast %swap3A_127 : vector<16xf32> to vector<16xf32>
    %swap3A_129 = vector.shape_cast %broadcast_in_dim3A_125 : vector<16xf32> to vector<16xf32>
    tpu.vector_store %arg12[%swap3A_126], %swap3A_129 {strides = array<i32>} : memref<640xf32, #tpu.memory_space<vmem>>, vector<16xf32>,
    %broadcast_in_dim3A_130 = arith.constant 0.000000e+00 : f32
    %broadcast_in_dim3A_131 = vector.broadcast %broadcast_in_dim3A_130 : f32 to vector<16xf32>
    %swap3A_132 = arith.constant 352 : index
    %swap3A_133 = tpu.vector_load %arg12[%swap3A_132] {strides = array<i32>} : memref<640xf32, #tpu.memory_space<vmem>>, vector<16xf32>,
    %swap3A_134 = vector.shape_cast %swap3A_133 : vector<16xf32> to vector<16xf32>
    %swap3A_135 = vector.shape_cast %broadcast_in_dim3A_131 : vector<16xf32> to vector<16xf32>
    tpu.vector_store %arg12[%swap3A_132], %swap3A_135 {strides = array<i32>} : memref<640xf32, #tpu.memory_space<vmem>>, vector<16xf32>,
    %broadcast_in_dim3A_136 = arith.constant 0.000000e+00 : f32
    %broadcast_in_dim3A_137 = vector.broadcast %broadcast_in_dim3A_136 : f32 to vector<16xf32>
    %swap3A_138 = arith.constant 368 : index
    %swap3A_139 = tpu.vector_load %arg12[%swap3A_138] {strides = array<i32>} : memref<640xf32, #tpu.memory_space<vmem>>, vector<16xf32>,
    %swap3A_140 = vector.shape_cast %swap3A_139 : vector<16xf32> to vector<16xf32>
    %swap3A_141 = vector.shape_cast %broadcast_in_dim3A_137 : vector<16xf32> to vector<16xf32>
    tpu.vector_store %arg12[%swap3A_138], %swap3A_141 {strides = array<i32>} : memref<640xf32, #tpu.memory_space<vmem>>, vector<16xf32>,
    %broadcast_in_dim3A_142 = arith.constant 0.000000e+00 : f32
    %broadcast_in_dim3A_143 = vector.broadcast %broadcast_in_dim3A_142 : f32 to vector<16xf32>
    %swap3A_144 = arith.constant 384 : index
    %swap3A_145 = tpu.vector_load %arg12[%swap3A_144] {strides = array<i32>} : memref<640xf32, #tpu.memory_space<vmem>>, vector<16xf32>,
    %swap3A_146 = vector.shape_cast %swap3A_145 : vector<16xf32> to vector<16xf32>
    %swap3A_147 = vector.shape_cast %broadcast_in_dim3A_143 : vector<16xf32> to vector<16xf32>
    tpu.vector_store %arg12[%swap3A_144], %swap3A_147 {strides = array<i32>} : memref<640xf32, #tpu.memory_space<vmem>>, vector<16xf32>,
    %broadcast_in_dim3A_148 = arith.constant 0.000000e+00 : f32
    %broadcast_in_dim3A_149 = vector.broadcast %broadcast_in_dim3A_148 : f32 to vector<16xf32>
    %swap3A_150 = arith.constant 400 : index
    %swap3A_151 = tpu.vector_load %arg12[%swap3A_150] {strides = array<i32>} : memref<640xf32, #tpu.memory_space<vmem>>, vector<16xf32>,
    %swap3A_152 = vector.shape_cast %swap3A_151 : vector<16xf32> to vector<16xf32>
    %swap3A_153 = vector.shape_cast %broadcast_in_dim3A_149 : vector<16xf32> to vector<16xf32>
    tpu.vector_store %arg12[%swap3A_150], %swap3A_153 {strides = array<i32>} : memref<640xf32, #tpu.memory_space<vmem>>, vector<16xf32>,
    %broadcast_in_dim3A_154 = arith.constant 0.000000e+00 : f32
    %broadcast_in_dim3A_155 = vector.broadcast %broadcast_in_dim3A_154 : f32 to vector<16xf32>
    %swap3A_156 = arith.constant 416 : index
    %swap3A_157 = tpu.vector_load %arg12[%swap3A_156] {strides = array<i32>} : memref<640xf32, #tpu.memory_space<vmem>>, vector<16xf32>,
    %swap3A_158 = vector.shape_cast %swap3A_157 : vector<16xf32> to vector<16xf32>
    %swap3A_159 = vector.shape_cast %broadcast_in_dim3A_155 : vector<16xf32> to vector<16xf32>
    tpu.vector_store %arg12[%swap3A_156], %swap3A_159 {strides = array<i32>} : memref<640xf32, #tpu.memory_space<vmem>>, vector<16xf32>,
    %broadcast_in_dim3A_160 = arith.constant 0.000000e+00 : f32
    %broadcast_in_dim3A_161 = vector.broadcast %broadcast_in_dim3A_160 : f32 to vector<16xf32>
    %swap3A_162 = arith.constant 432 : index
    %swap3A_163 = tpu.vector_load %arg12[%swap3A_162] {strides = array<i32>} : memref<640xf32, #tpu.memory_space<vmem>>, vector<16xf32>,
    %swap3A_164 = vector.shape_cast %swap3A_163 : vector<16xf32> to vector<16xf32>
    %swap3A_165 = vector.shape_cast %broadcast_in_dim3A_161 : vector<16xf32> to vector<16xf32>
    tpu.vector_store %arg12[%swap3A_162], %swap3A_165 {strides = array<i32>} : memref<640xf32, #tpu.memory_space<vmem>>, vector<16xf32>,
    %broadcast_in_dim3A_166 = arith.constant 0.000000e+00 : f32
    %broadcast_in_dim3A_167 = vector.broadcast %broadcast_in_dim3A_166 : f32 to vector<16xf32>
    %swap3A_168 = arith.constant 448 : index
    %swap3A_169 = tpu.vector_load %arg12[%swap3A_168] {strides = array<i32>} : memref<640xf32, #tpu.memory_space<vmem>>, vector<16xf32>,
    %swap3A_170 = vector.shape_cast %swap3A_169 : vector<16xf32> to vector<16xf32>
    %swap3A_171 = vector.shape_cast %broadcast_in_dim3A_167 : vector<16xf32> to vector<16xf32>
    tpu.vector_store %arg12[%swap3A_168], %swap3A_171 {strides = array<i32>} : memref<640xf32, #tpu.memory_space<vmem>>, vector<16xf32>,
    %broadcast_in_dim3A_172 = arith.constant 0.000000e+00 : f32
    %broadcast_in_dim3A_173 = vector.broadcast %broadcast_in_dim3A_172 : f32 to vector<16xf32>
    %swap3A_174 = arith.constant 464 : index
    %swap3A_175 = tpu.vector_load %arg12[%swap3A_174] {strides = array<i32>} : memref<640xf32, #tpu.memory_space<vmem>>, vector<16xf32>,
    %swap3A_176 = vector.shape_cast %swap3A_175 : vector<16xf32> to vector<16xf32>
    %swap3A_177 = vector.shape_cast %broadcast_in_dim3A_173 : vector<16xf32> to vector<16xf32>
    tpu.vector_store %arg12[%swap3A_174], %swap3A_177 {strides = array<i32>} : memref<640xf32, #tpu.memory_space<vmem>>, vector<16xf32>,
    %broadcast_in_dim3A_178 = arith.constant 0.000000e+00 : f32
    %broadcast_in_dim3A_179 = vector.broadcast %broadcast_in_dim3A_178 : f32 to vector<16xf32>
    %swap3A_180 = arith.constant 480 : index
    %swap3A_181 = tpu.vector_load %arg12[%swap3A_180] {strides = array<i32>} : memref<640xf32, #tpu.memory_space<vmem>>, vector<16xf32>,
    %swap3A_182 = vector.shape_cast %swap3A_181 : vector<16xf32> to vector<16xf32>
    %swap3A_183 = vector.shape_cast %broadcast_in_dim3A_179 : vector<16xf32> to vector<16xf32>
    tpu.vector_store %arg12[%swap3A_180], %swap3A_183 {strides = array<i32>} : memref<640xf32, #tpu.memory_space<vmem>>, vector<16xf32>,
    %broadcast_in_dim3A_184 = arith.constant 0.000000e+00 : f32
    %broadcast_in_dim3A_185 = vector.broadcast %broadcast_in_dim3A_184 : f32 to vector<16xf32>
    %swap3A_186 = arith.constant 496 : index
    %swap3A_187 = tpu.vector_load %arg12[%swap3A_186] {strides = array<i32>} : memref<640xf32, #tpu.memory_space<vmem>>, vector<16xf32>,
    %swap3A_188 = vector.shape_cast %swap3A_187 : vector<16xf32> to vector<16xf32>
    %swap3A_189 = vector.shape_cast %broadcast_in_dim3A_185 : vector<16xf32> to vector<16xf32>
    tpu.vector_store %arg12[%swap3A_186], %swap3A_189 {strides = array<i32>} : memref<640xf32, #tpu.memory_space<vmem>>, vector<16xf32>,
    %broadcast_in_dim3A_190 = arith.constant 0.000000e+00 : f32
    %broadcast_in_dim3A_191 = vector.broadcast %broadcast_in_dim3A_190 : f32 to vector<16xf32>
    %swap3A_192 = arith.constant 512 : index
    %swap3A_193 = tpu.vector_load %arg12[%swap3A_192] {strides = array<i32>} : memref<640xf32, #tpu.memory_space<vmem>>, vector<16xf32>,
    %swap3A_194 = vector.shape_cast %swap3A_193 : vector<16xf32> to vector<16xf32>
    %swap3A_195 = vector.shape_cast %broadcast_in_dim3A_191 : vector<16xf32> to vector<16xf32>
    tpu.vector_store %arg12[%swap3A_192], %swap3A_195 {strides = array<i32>} : memref<640xf32, #tpu.memory_space<vmem>>, vector<16xf32>,
    %broadcast_in_dim3A_196 = arith.constant 0.000000e+00 : f32
    %broadcast_in_dim3A_197 = vector.broadcast %broadcast_in_dim3A_196 : f32 to vector<16xf32>
    %swap3A_198 = arith.constant 528 : index
    %swap3A_199 = tpu.vector_load %arg12[%swap3A_198] {strides = array<i32>} : memref<640xf32, #tpu.memory_space<vmem>>, vector<16xf32>,
    %swap3A_200 = vector.shape_cast %swap3A_199 : vector<16xf32> to vector<16xf32>
    %swap3A_201 = vector.shape_cast %broadcast_in_dim3A_197 : vector<16xf32> to vector<16xf32>
    tpu.vector_store %arg12[%swap3A_198], %swap3A_201 {strides = array<i32>} : memref<640xf32, #tpu.memory_space<vmem>>, vector<16xf32>,
    %broadcast_in_dim3A_202 = arith.constant 0.000000e+00 : f32
    %broadcast_in_dim3A_203 = vector.broadcast %broadcast_in_dim3A_202 : f32 to vector<16xf32>
    %swap3A_204 = arith.constant 544 : index
    %swap3A_205 = tpu.vector_load %arg12[%swap3A_204] {strides = array<i32>} : memref<640xf32, #tpu.memory_space<vmem>>, vector<16xf32>,
    %swap3A_206 = vector.shape_cast %swap3A_205 : vector<16xf32> to vector<16xf32>
    %swap3A_207 = vector.shape_cast %broadcast_in_dim3A_203 : vector<16xf32> to vector<16xf32>
    tpu.vector_store %arg12[%swap3A_204], %swap3A_207 {strides = array<i32>} : memref<640xf32, #tpu.memory_space<vmem>>, vector<16xf32>,
    %broadcast_in_dim3A_208 = arith.constant 0.000000e+00 : f32
    %broadcast_in_dim3A_209 = vector.broadcast %broadcast_in_dim3A_208 : f32 to vector<16xf32>
    %swap3A_210 = arith.constant 560 : index
    %swap3A_211 = tpu.vector_load %arg12[%swap3A_210] {strides = array<i32>} : memref<640xf32, #tpu.memory_space<vmem>>, vector<16xf32>,
    %swap3A_212 = vector.shape_cast %swap3A_211 : vector<16xf32> to vector<16xf32>
    %swap3A_213 = vector.shape_cast %broadcast_in_dim3A_209 : vector<16xf32> to vector<16xf32>
    tpu.vector_store %arg12[%swap3A_210], %swap3A_213 {strides = array<i32>} : memref<640xf32, #tpu.memory_space<vmem>>, vector<16xf32>,
    %broadcast_in_dim3A_214 = arith.constant 0.000000e+00 : f32
    %broadcast_in_dim3A_215 = vector.broadcast %broadcast_in_dim3A_214 : f32 to vector<16xf32>
    %swap3A_216 = arith.constant 576 : index
    %swap3A_217 = tpu.vector_load %arg12[%swap3A_216] {strides = array<i32>} : memref<640xf32, #tpu.memory_space<vmem>>, vector<16xf32>,
    %swap3A_218 = vector.shape_cast %swap3A_217 : vector<16xf32> to vector<16xf32>
    %swap3A_219 = vector.shape_cast %broadcast_in_dim3A_215 : vector<16xf32> to vector<16xf32>
    tpu.vector_store %arg12[%swap3A_216], %swap3A_219 {strides = array<i32>} : memref<640xf32, #tpu.memory_space<vmem>>, vector<16xf32>,
    %broadcast_in_dim3A_220 = arith.constant 0.000000e+00 : f32
    %broadcast_in_dim3A_221 = vector.broadcast %broadcast_in_dim3A_220 : f32 to vector<16xf32>
    %swap3A_222 = arith.constant 592 : index
    %swap3A_223 = tpu.vector_load %arg12[%swap3A_222] {strides = array<i32>} : memref<640xf32, #tpu.memory_space<vmem>>, vector<16xf32>,
    %swap3A_224 = vector.shape_cast %swap3A_223 : vector<16xf32> to vector<16xf32>
    %swap3A_225 = vector.shape_cast %broadcast_in_dim3A_221 : vector<16xf32> to vector<16xf32>
    tpu.vector_store %arg12[%swap3A_222], %swap3A_225 {strides = array<i32>} : memref<640xf32, #tpu.memory_space<vmem>>, vector<16xf32>,
    %broadcast_in_dim3A_226 = arith.constant 0.000000e+00 : f32
    %broadcast_in_dim3A_227 = vector.broadcast %broadcast_in_dim3A_226 : f32 to vector<16xf32>
    %swap3A_228 = arith.constant 608 : index
    %swap3A_229 = tpu.vector_load %arg12[%swap3A_228] {strides = array<i32>} : memref<640xf32, #tpu.memory_space<vmem>>, vector<16xf32>,
    %swap3A_230 = vector.shape_cast %swap3A_229 : vector<16xf32> to vector<16xf32>
    %swap3A_231 = vector.shape_cast %broadcast_in_dim3A_227 : vector<16xf32> to vector<16xf32>
    tpu.vector_store %arg12[%swap3A_228], %swap3A_231 {strides = array<i32>} : memref<640xf32, #tpu.memory_space<vmem>>, vector<16xf32>,
    %broadcast_in_dim3A_232 = arith.constant 0.000000e+00 : f32
    %broadcast_in_dim3A_233 = vector.broadcast %broadcast_in_dim3A_232 : f32 to vector<16xf32>
    %swap3A_234 = arith.constant 624 : index
    %swap3A_235 = tpu.vector_load %arg12[%swap3A_234] {strides = array<i32>} : memref<640xf32, #tpu.memory_space<vmem>>, vector<16xf32>,
    %swap3A_236 = vector.shape_cast %swap3A_235 : vector<16xf32> to vector<16xf32>
    %swap3A_237 = vector.shape_cast %broadcast_in_dim3A_233 : vector<16xf32> to vector<16xf32>
    tpu.vector_store %arg12[%swap3A_234], %swap3A_237 {strides = array<i32>} : memref<640xf32, #tpu.memory_space<vmem>>, vector<16xf32>,
    %broadcast_in_dim3A_238 = arith.constant 1.000000e+00 : f32
    %broadcast_in_dim3A_239 = vector.broadcast %broadcast_in_dim3A_238 : f32 to vector<16xf32>
    %swap3A_240 = arith.constant 0 : i32
    %swap3A_241 = arith.index_cast %swap3A_240 : i32 to index
    %swap3A_242 = arith.constant 0 : index
    %swap3A_243 = tpu.vector_load %arg11[%swap3A_241, %swap3A_242] {strides = array<i32>} : memref<1x80xf32, #tpu.memory_space<vmem>>, vector<1x16xf32>,
    %swap3A_244 = vector.shape_cast %swap3A_243 : vector<1x16xf32> to vector<16xf32>
    %swap3A_245 = vector.shape_cast %broadcast_in_dim3A_239 : vector<16xf32> to vector<1x16xf32>
    tpu.vector_store %arg11[%swap3A_241, %swap3A_242], %swap3A_245 {strides = array<i32>} : memref<1x80xf32, #tpu.memory_space<vmem>>, vector<1x16xf32>,
    %broadcast_in_dim3A_246 = arith.constant 1.000000e+00 : f32
    %broadcast_in_dim3A_247 = vector.broadcast %broadcast_in_dim3A_246 : f32 to vector<16xf32>
    %swap3A_248 = arith.constant 0 : i32
    %swap3A_249 = arith.index_cast %swap3A_248 : i32 to index
    %swap3A_250 = arith.constant 16 : index
    %swap3A_251 = tpu.vector_load %arg11[%swap3A_249, %swap3A_250] {strides = array<i32>} : memref<1x80xf32, #tpu.memory_space<vmem>>, vector<1x16xf32>,
    %swap3A_252 = vector.shape_cast %swap3A_251 : vector<1x16xf32> to vector<16xf32>
    %swap3A_253 = vector.shape_cast %broadcast_in_dim3A_247 : vector<16xf32> to vector<1x16xf32>
    tpu.vector_store %arg11[%swap3A_249, %swap3A_250], %swap3A_253 {strides = array<i32>} : memref<1x80xf32, #tpu.memory_space<vmem>>, vector<1x16xf32>,
    %broadcast_in_dim3A_254 = arith.constant 1.000000e+00 : f32
    %broadcast_in_dim3A_255 = vector.broadcast %broadcast_in_dim3A_254 : f32 to vector<16xf32>
    %swap3A_256 = arith.constant 0 : i32
    %swap3A_257 = arith.index_cast %swap3A_256 : i32 to index
    %swap3A_258 = arith.constant 32 : index
    %swap3A_259 = tpu.vector_load %arg11[%swap3A_257, %swap3A_258] {strides = array<i32>} : memref<1x80xf32, #tpu.memory_space<vmem>>, vector<1x16xf32>,
    %swap3A_260 = vector.shape_cast %swap3A_259 : vector<1x16xf32> to vector<16xf32>
    %swap3A_261 = vector.shape_cast %broadcast_in_dim3A_255 : vector<16xf32> to vector<1x16xf32>
    tpu.vector_store %arg11[%swap3A_257, %swap3A_258], %swap3A_261 {strides = array<i32>} : memref<1x80xf32, #tpu.memory_space<vmem>>, vector<1x16xf32>,
    %broadcast_in_dim3A_262 = arith.constant 1.000000e+00 : f32
    %broadcast_in_dim3A_263 = vector.broadcast %broadcast_in_dim3A_262 : f32 to vector<16xf32>
    %swap3A_264 = arith.constant 0 : i32
    %swap3A_265 = arith.index_cast %swap3A_264 : i32 to index
    %swap3A_266 = arith.constant 48 : index
    %swap3A_267 = tpu.vector_load %arg11[%swap3A_265, %swap3A_266] {strides = array<i32>} : memref<1x80xf32, #tpu.memory_space<vmem>>, vector<1x16xf32>,
    %swap3A_268 = vector.shape_cast %swap3A_267 : vector<1x16xf32> to vector<16xf32>
    %swap3A_269 = vector.shape_cast %broadcast_in_dim3A_263 : vector<16xf32> to vector<1x16xf32>
    tpu.vector_store %arg11[%swap3A_265, %swap3A_266], %swap3A_269 {strides = array<i32>} : memref<1x80xf32, #tpu.memory_space<vmem>>, vector<1x16xf32>,
    %broadcast_in_dim3A_270 = arith.constant 1.000000e+00 : f32
    %broadcast_in_dim3A_271 = vector.broadcast %broadcast_in_dim3A_270 : f32 to vector<16xf32>
    %swap3A_272 = arith.constant 0 : i32
    %swap3A_273 = arith.index_cast %swap3A_272 : i32 to index
    %swap3A_274 = arith.constant 64 : index
    %swap3A_275 = tpu.vector_load %arg11[%swap3A_273, %swap3A_274] {strides = array<i32>} : memref<1x80xf32, #tpu.memory_space<vmem>>, vector<1x16xf32>,
    %swap3A_276 = vector.shape_cast %swap3A_275 : vector<1x16xf32> to vector<16xf32>
    %swap3A_277 = vector.shape_cast %broadcast_in_dim3A_271 : vector<16xf32> to vector<1x16xf32>
    tpu.vector_store %arg11[%swap3A_273, %swap3A_274], %swap3A_277 {strides = array<i32>} : memref<1x80xf32, #tpu.memory_space<vmem>>, vector<1x16xf32>,
    %lt3A = arith.constant 15 : i32
    %lt3A_278 = arith.cmpi slt, %arg1, %lt3A : i32
    %convert_element_type3A = arith.extui %lt3A_278 : i1 to i32
    %cond3A = arith.constant 0 : i32
    %cond3A_279 = arith.cmpi ne, %convert_element_type3A, %cond3A : i32
    scf.if %cond3A_279 {
      %mul3A_447 = arith.constant 640 : i32
      %mul3A_448 = arith.muli %arg1, %mul3A_447 : i32
      "tpu.region"() ({
        %run_scoped3A = tpu.sem_alloc : memref<!tpu.dma_semaphore, #tpu.memory_space<semaphore_mem>>
        %dma_start3A_449 = arith.constant 0 : i32
        %dma_start3A_450 = tpu.memref_slice %arg13[%mul3A_448, %dma_start3A_449] : memref<10000x128xf32, #tpu.memory_space<vmem_shared>> -> memref<640x128xf32, #tpu.memory_space<vmem_shared>>
        %dma_start3A_451 = arith.constant 0 : i32
        %dma_start3A_452 = tpu.memref_slice %arg5[%mul3A_448, %dma_start3A_451] : memref<10000x128xf32, #tpu.memory_space<hbm>> -> memref<640x128xf32, #tpu.memory_space<hbm>>
        tpu.enqueue_dma source(%dma_start3A_452 : memref<640x128xf32, #tpu.memory_space<hbm>>) target(%dma_start3A_450 : memref<640x128xf32, #tpu.memory_space<vmem_shared>>) target_semaphore(%run_scoped3A : memref<!tpu.dma_semaphore, #tpu.memory_space<semaphore_mem>>)
        %dma_wait3A_453 = arith.constant 0 : i32
        %dma_wait3A_454 = tpu.memref_slice %arg13[%mul3A_448, %dma_wait3A_453] : memref<10000x128xf32, #tpu.memory_space<vmem_shared>> -> memref<640x128xf32, #tpu.memory_space<vmem_shared>>
        %dma_wait3A_455 = arith.constant 0 : i32
        %dma_wait3A_456 = tpu.memref_slice %arg5[%mul3A_448, %dma_wait3A_455] : memref<10000x128xf32, #tpu.memory_space<hbm>> -> memref<640x128xf32, #tpu.memory_space<hbm>>
        tpu.wait_dma2 semaphore(%run_scoped3A : memref<!tpu.dma_semaphore, #tpu.memory_space<semaphore_mem>>) src(%dma_wait3A_456 : memref<640x128xf32, #tpu.memory_space<hbm>>) dst(%dma_wait3A_454 : memref<640x128xf32, #tpu.memory_space<vmem_shared>>)
        tpu.yield
      }) : () -> ()
      "tpu.region"() ({
        %run_scoped3A = tpu.sem_alloc : memref<!tpu.dma_semaphore, #tpu.memory_space<semaphore_mem>>
        %dma_start3A_449 = tpu.memref_slice %arg14[%mul3A_448] : memref<10000xf32, #tpu.memory_space<vmem_shared>> -> memref<640xf32, #tpu.memory_space<vmem_shared>>
        %dma_start3A_450 = tpu.memref_slice %arg14[%mul3A_448] : memref<10000xf32, #tpu.memory_space<vmem_shared>> -> memref<640xf32, #tpu.memory_space<vmem_shared>>
        tpu.enqueue_dma source(%arg12 : memref<640xf32, #tpu.memory_space<vmem>>) target(%dma_start3A_450 : memref<640xf32, #tpu.memory_space<vmem_shared>>) target_semaphore(%run_scoped3A : memref<!tpu.dma_semaphore, #tpu.memory_space<semaphore_mem>>)
        %dma_wait3A_451 = tpu.memref_slice %arg14[%mul3A_448] : memref<10000xf32, #tpu.memory_space<vmem_shared>> -> memref<640xf32, #tpu.memory_space<vmem_shared>>
        %dma_wait3A_452 = tpu.memref_slice %arg14[%mul3A_448] : memref<10000xf32, #tpu.memory_space<vmem_shared>> -> memref<640xf32, #tpu.memory_space<vmem_shared>>
        tpu.wait_dma2 semaphore(%run_scoped3A : memref<!tpu.dma_semaphore, #tpu.memory_space<semaphore_mem>>) src(%arg12 : memref<640xf32, #tpu.memory_space<vmem>>) dst(%dma_wait3A_452 : memref<640xf32, #tpu.memory_space<vmem_shared>>)
        tpu.yield
      }) : () -> ()
    } else {
    }
    %eq3A = arith.constant 15 : i32
    %eq3A_280 = arith.cmpi eq, %arg1, %eq3A : i32
    %convert_element_type3A_281 = arith.extui %eq3A_280 : i1 to i32
    %cond3A_282 = arith.constant 0 : i32
    %cond3A_283 = arith.cmpi ne, %convert_element_type3A_281, %cond3A_282 : i32
    scf.if %cond3A_283 {
      "tpu.region"() ({
        %run_scoped3A = tpu.sem_alloc : memref<!tpu.dma_semaphore, #tpu.memory_space<semaphore_mem>>
        %dma_start3A_447 = arith.constant 9600 : i32
        %dma_start3A_448 = arith.constant 0 : i32
        %dma_start3A_449 = tpu.memref_slice %arg13[%dma_start3A_447, %dma_start3A_448] : memref<10000x128xf32, #tpu.memory_space<vmem_shared>> -> memref<400x128xf32, #tpu.memory_space<vmem_shared>>
        %dma_start3A_450 = arith.constant 9600 : i32
        %dma_start3A_451 = arith.constant 0 : i32
        %dma_start3A_452 = tpu.memref_slice %arg5[%dma_start3A_450, %dma_start3A_451] : memref<10000x128xf32, #tpu.memory_space<hbm>> -> memref<400x128xf32, #tpu.memory_space<hbm>>
        tpu.enqueue_dma source(%dma_start3A_452 : memref<400x128xf32, #tpu.memory_space<hbm>>) target(%dma_start3A_449 : memref<400x128xf32, #tpu.memory_space<vmem_shared>>) target_semaphore(%run_scoped3A : memref<!tpu.dma_semaphore, #tpu.memory_space<semaphore_mem>>)
        %dma_wait3A_453 = arith.constant 9600 : i32
        %dma_wait3A_454 = arith.constant 0 : i32
        %dma_wait3A_455 = tpu.memref_slice %arg13[%dma_wait3A_453, %dma_wait3A_454] : memref<10000x128xf32, #tpu.memory_space<vmem_shared>> -> memref<400x128xf32, #tpu.memory_space<vmem_shared>>
        %dma_wait3A_456 = arith.constant 9600 : i32
        %dma_wait3A_457 = arith.constant 0 : i32
        %dma_wait3A_458 = tpu.memref_slice %arg5[%dma_wait3A_456, %dma_wait3A_457] : memref<10000x128xf32, #tpu.memory_space<hbm>> -> memref<400x128xf32, #tpu.memory_space<hbm>>
        tpu.wait_dma2 semaphore(%run_scoped3A : memref<!tpu.dma_semaphore, #tpu.memory_space<semaphore_mem>>) src(%dma_wait3A_458 : memref<400x128xf32, #tpu.memory_space<hbm>>) dst(%dma_wait3A_455 : memref<400x128xf32, #tpu.memory_space<vmem_shared>>)
        tpu.yield
      }) : () -> ()
      "tpu.region"() ({
        %run_scoped3A = tpu.sem_alloc : memref<!tpu.dma_semaphore, #tpu.memory_space<semaphore_mem>>
        %dma_start3A_447 = arith.constant 0 : i32
        %dma_start3A_448 = tpu.memref_slice %arg12[%dma_start3A_447] : memref<640xf32, #tpu.memory_space<vmem>> -> memref<400xf32, #tpu.memory_space<vmem>>
        %dma_start3A_449 = arith.constant 9600 : i32
        %dma_start3A_450 = tpu.memref_slice %arg14[%dma_start3A_449] : memref<10000xf32, #tpu.memory_space<vmem_shared>> -> memref<400xf32, #tpu.memory_space<vmem_shared>>
        %dma_start3A_451 = arith.constant 9600 : i32
        %dma_start3A_452 = tpu.memref_slice %arg14[%dma_start3A_451] : memref<10000xf32, #tpu.memory_space<vmem_shared>> -> memref<400xf32, #tpu.memory_space<vmem_shared>>
        %dma_start3A_453 = arith.constant 0 : i32
        %dma_start3A_454 = tpu.memref_slice %arg12[%dma_start3A_453] : memref<640xf32, #tpu.memory_space<vmem>> -> memref<400xf32, #tpu.memory_space<vmem>>
        tpu.enqueue_dma source(%dma_start3A_454 : memref<400xf32, #tpu.memory_space<vmem>>) target(%dma_start3A_452 : memref<400xf32, #tpu.memory_space<vmem_shared>>) target_semaphore(%run_scoped3A : memref<!tpu.dma_semaphore, #tpu.memory_space<semaphore_mem>>)
        %dma_wait3A_455 = arith.constant 0 : i32
        %dma_wait3A_456 = tpu.memref_slice %arg12[%dma_wait3A_455] : memref<640xf32, #tpu.memory_space<vmem>> -> memref<400xf32, #tpu.memory_space<vmem>>
        %dma_wait3A_457 = arith.constant 9600 : i32
        %dma_wait3A_458 = tpu.memref_slice %arg14[%dma_wait3A_457] : memref<10000xf32, #tpu.memory_space<vmem_shared>> -> memref<400xf32, #tpu.memory_space<vmem_shared>>
        %dma_wait3A_459 = arith.constant 9600 : i32
        %dma_wait3A_460 = tpu.memref_slice %arg14[%dma_wait3A_459] : memref<10000xf32, #tpu.memory_space<vmem_shared>> -> memref<400xf32, #tpu.memory_space<vmem_shared>>
        %dma_wait3A_461 = arith.constant 0 : i32
        %dma_wait3A_462 = tpu.memref_slice %arg12[%dma_wait3A_461] : memref<640xf32, #tpu.memory_space<vmem>> -> memref<400xf32, #tpu.memory_space<vmem>>
        tpu.wait_dma2 semaphore(%run_scoped3A : memref<!tpu.dma_semaphore, #tpu.memory_space<semaphore_mem>>) src(%dma_wait3A_462 : memref<400xf32, #tpu.memory_space<vmem>>) dst(%dma_wait3A_460 : memref<400xf32, #tpu.memory_space<vmem_shared>>)
        tpu.yield
      }) : () -> ()
    } else {
    }
    %barrier3A = arith.constant 0 : index
    tpu.barrier barrier_id(%barrier3A)
    %mul3A = arith.constant 160000 : i32
    %mul3A_284 = arith.muli %arg0, %mul3A : i32
    %mul3A_285 = arith.constant 10000 : i32
    %mul3A_286 = arith.muli %arg1, %mul3A_285 : i32
    %add3A = arith.addi %mul3A_284, %mul3A_286 : i32
    %add3A_287 = arith.constant 0 : i32
    %add3A_288 = arith.addi %add3A, %add3A_287 : i32
    %dma_start3A = arith.constant 0 : i32
    %dma_start3A_289 = arith.constant 0 : i32
    %dma_start3A_290 = tpu.memref_slice %arg8[%dma_start3A, %dma_start3A_289] : memref<4x80xi32, #tpu.memory_space<vmem>> -> memref<1x80xi32, #tpu.memory_space<vmem>>
    %dma_start3A_291 = tpu.memref_squeeze %dma_start3A_290 : memref<1x80xi32, #tpu.memory_space<vmem>> -> memref<80xi32, #tpu.memory_space<vmem>>
    %dma_start3A_292 = tpu.memref_slice %arg3[%add3A_288] : memref<320000xi32, #tpu.memory_space<hbm>> -> memref<80xi32, #tpu.memory_space<hbm>>
    %dma_start3A_293 = arith.constant 0 : i32
    %dma_start3A_294 = tpu.memref_slice %arg8[%dma_start3A, %dma_start3A_293] : memref<4x80xi32, #tpu.memory_space<vmem>> -> memref<1x80xi32, #tpu.memory_space<vmem>>
    %dma_start3A_295 = tpu.memref_squeeze %dma_start3A_294 : memref<1x80xi32, #tpu.memory_space<vmem>> -> memref<80xi32, #tpu.memory_space<vmem>>
    %dma_start3A_296 = tpu.memref_slice %arg3[%add3A_288] : memref<320000xi32, #tpu.memory_space<hbm>> -> memref<80xi32, #tpu.memory_space<hbm>>
    tpu.enqueue_dma source(%dma_start3A_296 : memref<80xi32, #tpu.memory_space<hbm>>) target(%dma_start3A_295 : memref<80xi32, #tpu.memory_space<vmem>>) target_semaphore(%arg15 : memref<!tpu.dma_semaphore, #tpu.memory_space<semaphore_mem>>)
    %add3A_297 = arith.constant 80 : i32
    %add3A_298 = arith.addi %add3A, %add3A_297 : i32
    %dma_start3A_299 = arith.constant 1 : i32
    %dma_start3A_300 = arith.constant 0 : i32
    %dma_start3A_301 = tpu.memref_slice %arg8[%dma_start3A_299, %dma_start3A_300] : memref<4x80xi32, #tpu.memory_space<vmem>> -> memref<1x80xi32, #tpu.memory_space<vmem>>
    %dma_start3A_302 = tpu.memref_squeeze %dma_start3A_301 : memref<1x80xi32, #tpu.memory_space<vmem>> -> memref<80xi32, #tpu.memory_space<vmem>>
    %dma_start3A_303 = tpu.memref_slice %arg3[%add3A_298] : memref<320000xi32, #tpu.memory_space<hbm>> -> memref<80xi32, #tpu.memory_space<hbm>>
    %dma_start3A_304 = arith.constant 0 : i32
    %dma_start3A_305 = tpu.memref_slice %arg8[%dma_start3A_299, %dma_start3A_304] : memref<4x80xi32, #tpu.memory_space<vmem>> -> memref<1x80xi32, #tpu.memory_space<vmem>>
    %dma_start3A_306 = tpu.memref_squeeze %dma_start3A_305 : memref<1x80xi32, #tpu.memory_space<vmem>> -> memref<80xi32, #tpu.memory_space<vmem>>
    %dma_start3A_307 = tpu.memref_slice %arg3[%add3A_298] : memref<320000xi32, #tpu.memory_space<hbm>> -> memref<80xi32, #tpu.memory_space<hbm>>
    tpu.enqueue_dma source(%dma_start3A_307 : memref<80xi32, #tpu.memory_space<hbm>>) target(%dma_start3A_306 : memref<80xi32, #tpu.memory_space<vmem>>) target_semaphore(%arg16 : memref<!tpu.dma_semaphore, #tpu.memory_space<semaphore_mem>>)
    %add3A_308 = arith.constant 160 : i32
    %add3A_309 = arith.addi %add3A, %add3A_308 : i32
    %dma_start3A_310 = arith.constant 2 : i32
    %dma_start3A_311 = arith.constant 0 : i32
    %dma_start3A_312 = tpu.memref_slice %arg8[%dma_start3A_310, %dma_start3A_311] : memref<4x80xi32, #tpu.memory_space<vmem>> -> memref<1x80xi32, #tpu.memory_space<vmem>>
    %dma_start3A_313 = tpu.memref_squeeze %dma_start3A_312 : memref<1x80xi32, #tpu.memory_space<vmem>> -> memref<80xi32, #tpu.memory_space<vmem>>
    %dma_start3A_314 = tpu.memref_slice %arg3[%add3A_309] : memref<320000xi32, #tpu.memory_space<hbm>> -> memref<80xi32, #tpu.memory_space<hbm>>
    %dma_start3A_315 = arith.constant 0 : i32
    %dma_start3A_316 = tpu.memref_slice %arg8[%dma_start3A_310, %dma_start3A_315] : memref<4x80xi32, #tpu.memory_space<vmem>> -> memref<1x80xi32, #tpu.memory_space<vmem>>
    %dma_start3A_317 = tpu.memref_squeeze %dma_start3A_316 : memref<1x80xi32, #tpu.memory_space<vmem>> -> memref<80xi32, #tpu.memory_space<vmem>>
    %dma_start3A_318 = tpu.memref_slice %arg3[%add3A_309] : memref<320000xi32, #tpu.memory_space<hbm>> -> memref<80xi32, #tpu.memory_space<hbm>>
    tpu.enqueue_dma source(%dma_start3A_318 : memref<80xi32, #tpu.memory_space<hbm>>) target(%dma_start3A_317 : memref<80xi32, #tpu.memory_space<vmem>>) target_semaphore(%arg17 : memref<!tpu.dma_semaphore, #tpu.memory_space<semaphore_mem>>)
    %add3A_319 = arith.constant 240 : i32
    %add3A_320 = arith.addi %add3A, %add3A_319 : i32
    %dma_start3A_321 = arith.constant 3 : i32
    %dma_start3A_322 = arith.constant 0 : i32
    %dma_start3A_323 = tpu.memref_slice %arg8[%dma_start3A_321, %dma_start3A_322] : memref<4x80xi32, #tpu.memory_space<vmem>> -> memref<1x80xi32, #tpu.memory_space<vmem>>
    %dma_start3A_324 = tpu.memref_squeeze %dma_start3A_323 : memref<1x80xi32, #tpu.memory_space<vmem>> -> memref<80xi32, #tpu.memory_space<vmem>>
    %dma_start3A_325 = tpu.memref_slice %arg3[%add3A_320] : memref<320000xi32, #tpu.memory_space<hbm>> -> memref<80xi32, #tpu.memory_space<hbm>>
    %dma_start3A_326 = arith.constant 0 : i32
    %dma_start3A_327 = tpu.memref_slice %arg8[%dma_start3A_321, %dma_start3A_326] : memref<4x80xi32, #tpu.memory_space<vmem>> -> memref<1x80xi32, #tpu.memory_space<vmem>>
    %dma_start3A_328 = tpu.memref_squeeze %dma_start3A_327 : memref<1x80xi32, #tpu.memory_space<vmem>> -> memref<80xi32, #tpu.memory_space<vmem>>
    %dma_start3A_329 = tpu.memref_slice %arg3[%add3A_320] : memref<320000xi32, #tpu.memory_space<hbm>> -> memref<80xi32, #tpu.memory_space<hbm>>
    tpu.enqueue_dma source(%dma_start3A_329 : memref<80xi32, #tpu.memory_space<hbm>>) target(%dma_start3A_328 : memref<80xi32, #tpu.memory_space<vmem>>) target_semaphore(%arg18 : memref<!tpu.dma_semaphore, #tpu.memory_space<semaphore_mem>>)
    %add3A_330 = arith.constant 0 : i32
    %add3A_331 = arith.addi %add3A, %add3A_330 : i32
    %dma_start3A_332 = arith.constant 0 : i32
    %dma_start3A_333 = arith.constant 0 : i32
    %dma_start3A_334 = tpu.memref_slice %arg9[%dma_start3A_332, %dma_start3A_333] : memref<4x80xi32, #tpu.memory_space<vmem>> -> memref<1x80xi32, #tpu.memory_space<vmem>>
    %dma_start3A_335 = tpu.memref_squeeze %dma_start3A_334 : memref<1x80xi32, #tpu.memory_space<vmem>> -> memref<80xi32, #tpu.memory_space<vmem>>
    %dma_start3A_336 = tpu.memref_slice %arg4[%add3A_331] : memref<320000xi32, #tpu.memory_space<hbm>> -> memref<80xi32, #tpu.memory_space<hbm>>
    %dma_start3A_337 = arith.constant 0 : i32
    %dma_start3A_338 = tpu.memref_slice %arg9[%dma_start3A_332, %dma_start3A_337] : memref<4x80xi32, #tpu.memory_space<vmem>> -> memref<1x80xi32, #tpu.memory_space<vmem>>
    %dma_start3A_339 = tpu.memref_squeeze %dma_start3A_338 : memref<1x80xi32, #tpu.memory_space<vmem>> -> memref<80xi32, #tpu.memory_space<vmem>>
    %dma_start3A_340 = tpu.memref_slice %arg4[%add3A_331] : memref<320000xi32, #tpu.memory_space<hbm>> -> memref<80xi32, #tpu.memory_space<hbm>>
    tpu.enqueue_dma source(%dma_start3A_340 : memref<80xi32, #tpu.memory_space<hbm>>) target(%dma_start3A_339 : memref<80xi32, #tpu.memory_space<vmem>>) target_semaphore(%arg19 : memref<!tpu.dma_semaphore, #tpu.memory_space<semaphore_mem>>)
    %add3A_341 = arith.constant 80 : i32
    %add3A_342 = arith.addi %add3A, %add3A_341 : i32
    %dma_start3A_343 = arith.constant 1 : i32
    %dma_start3A_344 = arith.constant 0 : i32
    %dma_start3A_345 = tpu.memref_slice %arg9[%dma_start3A_343, %dma_start3A_344] : memref<4x80xi32, #tpu.memory_space<vmem>> -> memref<1x80xi32, #tpu.memory_space<vmem>>
    %dma_start3A_346 = tpu.memref_squeeze %dma_start3A_345 : memref<1x80xi32, #tpu.memory_space<vmem>> -> memref<80xi32, #tpu.memory_space<vmem>>
    %dma_start3A_347 = tpu.memref_slice %arg4[%add3A_342] : memref<320000xi32, #tpu.memory_space<hbm>> -> memref<80xi32, #tpu.memory_space<hbm>>
    %dma_start3A_348 = arith.constant 0 : i32
    %dma_start3A_349 = tpu.memref_slice %arg9[%dma_start3A_343, %dma_start3A_348] : memref<4x80xi32, #tpu.memory_space<vmem>> -> memref<1x80xi32, #tpu.memory_space<vmem>>
    %dma_start3A_350 = tpu.memref_squeeze %dma_start3A_349 : memref<1x80xi32, #tpu.memory_space<vmem>> -> memref<80xi32, #tpu.memory_space<vmem>>
    %dma_start3A_351 = tpu.memref_slice %arg4[%add3A_342] : memref<320000xi32, #tpu.memory_space<hbm>> -> memref<80xi32, #tpu.memory_space<hbm>>
    tpu.enqueue_dma source(%dma_start3A_351 : memref<80xi32, #tpu.memory_space<hbm>>) target(%dma_start3A_350 : memref<80xi32, #tpu.memory_space<vmem>>) target_semaphore(%arg20 : memref<!tpu.dma_semaphore, #tpu.memory_space<semaphore_mem>>)
    %add3A_352 = arith.constant 160 : i32
    %add3A_353 = arith.addi %add3A, %add3A_352 : i32
    %dma_start3A_354 = arith.constant 2 : i32
    %dma_start3A_355 = arith.constant 0 : i32
    %dma_start3A_356 = tpu.memref_slice %arg9[%dma_start3A_354, %dma_start3A_355] : memref<4x80xi32, #tpu.memory_space<vmem>> -> memref<1x80xi32, #tpu.memory_space<vmem>>
    %dma_start3A_357 = tpu.memref_squeeze %dma_start3A_356 : memref<1x80xi32, #tpu.memory_space<vmem>> -> memref<80xi32, #tpu.memory_space<vmem>>
    %dma_start3A_358 = tpu.memref_slice %arg4[%add3A_353] : memref<320000xi32, #tpu.memory_space<hbm>> -> memref<80xi32, #tpu.memory_space<hbm>>
    %dma_start3A_359 = arith.constant 0 : i32
    %dma_start3A_360 = tpu.memref_slice %arg9[%dma_start3A_354, %dma_start3A_359] : memref<4x80xi32, #tpu.memory_space<vmem>> -> memref<1x80xi32, #tpu.memory_space<vmem>>
    %dma_start3A_361 = tpu.memref_squeeze %dma_start3A_360 : memref<1x80xi32, #tpu.memory_space<vmem>> -> memref<80xi32, #tpu.memory_space<vmem>>
    %dma_start3A_362 = tpu.memref_slice %arg4[%add3A_353] : memref<320000xi32, #tpu.memory_space<hbm>> -> memref<80xi32, #tpu.memory_space<hbm>>
    tpu.enqueue_dma source(%dma_start3A_362 : memref<80xi32, #tpu.memory_space<hbm>>) target(%dma_start3A_361 : memref<80xi32, #tpu.memory_space<vmem>>) target_semaphore(%arg21 : memref<!tpu.dma_semaphore, #tpu.memory_space<semaphore_mem>>)
    %dma_wait3A = arith.constant 0 : i32
    %dma_wait3A_363 = arith.constant 0 : i32
    %dma_wait3A_364 = tpu.memref_slice %arg8[%dma_wait3A, %dma_wait3A_363] : memref<4x80xi32, #tpu.memory_space<vmem>> -> memref<1x80xi32, #tpu.memory_space<vmem>>
    %dma_wait3A_365 = tpu.memref_squeeze %dma_wait3A_364 : memref<1x80xi32, #tpu.memory_space<vmem>> -> memref<80xi32, #tpu.memory_space<vmem>>
    %dma_wait3A_366 = arith.constant 0 : i32
    %dma_wait3A_367 = tpu.memref_slice %arg3[%dma_wait3A_366] : memref<320000xi32, #tpu.memory_space<hbm>> -> memref<80xi32, #tpu.memory_space<hbm>>
    %dma_wait3A_368 = arith.constant 0 : i32
    %dma_wait3A_369 = tpu.memref_slice %arg8[%dma_wait3A, %dma_wait3A_368] : memref<4x80xi32, #tpu.memory_space<vmem>> -> memref<1x80xi32, #tpu.memory_space<vmem>>
    %dma_wait3A_370 = tpu.memref_squeeze %dma_wait3A_369 : memref<1x80xi32, #tpu.memory_space<vmem>> -> memref<80xi32, #tpu.memory_space<vmem>>
    %dma_wait3A_371 = arith.constant 0 : i32
    %dma_wait3A_372 = tpu.memref_slice %arg3[%dma_wait3A_371] : memref<320000xi32, #tpu.memory_space<hbm>> -> memref<80xi32, #tpu.memory_space<hbm>>
    tpu.wait_dma2 semaphore(%arg15 : memref<!tpu.dma_semaphore, #tpu.memory_space<semaphore_mem>>) src(%dma_wait3A_372 : memref<80xi32, #tpu.memory_space<hbm>>) dst(%dma_wait3A_370 : memref<80xi32, #tpu.memory_space<vmem>>)
    %dma_start3A_373 = arith.constant 0 : i32
    %dma_start3A_374 = arith.constant 0 : i32
    %dma_start3A_375 = arith.constant 0 : i32
    %dma_start3A_376 = arith.constant 0 : i32
    %dma_start3A_377 = tpu.memref_slice %arg10[%dma_start3A_374, %dma_start3A_375, %dma_start3A_376] : memref<4x80x128xf32, #tpu.memory_space<vmem>> -> memref<1x80x128xf32, #tpu.memory_space<vmem>>
    %dma_start3A_378 = tpu.memref_squeeze %dma_start3A_377 : memref<1x80x128xf32, #tpu.memory_space<vmem>> -> memref<80x128xf32, #tpu.memory_space<vmem>>
    %dma_start3A_379 = arith.constant 0 : i32
    %dma_start3A_380 = tpu.memref_slice %arg8[%dma_start3A_373, %dma_start3A_379] : memref<4x80xi32, #tpu.memory_space<vmem>> -> memref<1x80xi32, #tpu.memory_space<vmem>>
    %dma_start3A_381 = tpu.memref_squeeze %dma_start3A_380 : memref<1x80xi32, #tpu.memory_space<vmem>> -> memref<80xi32, #tpu.memory_space<vmem>>
    %dma_start3A_382 = arith.constant 0 : i32
    %dma_start3A_383 = arith.constant 0 : i32
    %dma_start3A_384 = tpu.memref_slice %arg2[%dma_start3A_382, %dma_start3A_383] : memref<10000x128xf32, #tpu.memory_space<hbm>> -> memref<10000x128xf32, #tpu.memory_space<hbm>>
    tpu.enqueue_indirect_dma source(%dma_start3A_384 : memref<10000x128xf32, #tpu.memory_space<hbm>>) target(%dma_start3A_378 : memref<80x128xf32, #tpu.memory_space<vmem>>) offsets(%dma_start3A_381 : memref<80xi32, #tpu.memory_space<vmem>>) semaphore(%arg23 : memref<!tpu.dma_semaphore, #tpu.memory_space<semaphore_mem>>)
    %dma_wait3A_385 = arith.constant 1 : i32
    %dma_wait3A_386 = arith.constant 0 : i32
    %dma_wait3A_387 = tpu.memref_slice %arg8[%dma_wait3A_385, %dma_wait3A_386] : memref<4x80xi32, #tpu.memory_space<vmem>> -> memref<1x80xi32, #tpu.memory_space<vmem>>
    %dma_wait3A_388 = tpu.memref_squeeze %dma_wait3A_387 : memref<1x80xi32, #tpu.memory_space<vmem>> -> memref<80xi32, #tpu.memory_space<vmem>>
    %dma_wait3A_389 = arith.constant 0 : i32
    %dma_wait3A_390 = tpu.memref_slice %arg3[%dma_wait3A_389] : memref<320000xi32, #tpu.memory_space<hbm>> -> memref<80xi32, #tpu.memory_space<hbm>>
    %dma_wait3A_391 = arith.constant 0 : i32
    %dma_wait3A_392 = tpu.memref_slice %arg8[%dma_wait3A_385, %dma_wait3A_391] : memref<4x80xi32, #tpu.memory_space<vmem>> -> memref<1x80xi32, #tpu.memory_space<vmem>>
    %dma_wait3A_393 = tpu.memref_squeeze %dma_wait3A_392 : memref<1x80xi32, #tpu.memory_space<vmem>> -> memref<80xi32, #tpu.memory_space<vmem>>
    %dma_wait3A_394 = arith.constant 0 : i32
    %dma_wait3A_395 = tpu.memref_slice %arg3[%dma_wait3A_394] : memref<320000xi32, #tpu.memory_space<hbm>> -> memref<80xi32, #tpu.memory_space<hbm>>
    tpu.wait_dma2 semaphore(%arg16 : memref<!tpu.dma_semaphore, #tpu.memory_space<semaphore_mem>>) src(%dma_wait3A_395 : memref<80xi32, #tpu.memory_space<hbm>>) dst(%dma_wait3A_393 : memref<80xi32, #tpu.memory_space<vmem>>)
    %dma_start3A_396 = arith.constant 1 : i32
    %dma_start3A_397 = arith.constant 1 : i32
    %dma_start3A_398 = arith.constant 0 : i32
    %dma_start3A_399 = arith.constant 0 : i32
    %dma_start3A_400 = tpu.memref_slice %arg10[%dma_start3A_397, %dma_start3A_398, %dma_start3A_399] : memref<4x80x128xf32, #tpu.memory_space<vmem>> -> memref<1x80x128xf32, #tpu.memory_space<vmem>>
    %dma_start3A_401 = tpu.memref_squeeze %dma_start3A_400 : memref<1x80x128xf32, #tpu.memory_space<vmem>> -> memref<80x128xf32, #tpu.memory_space<vmem>>
    %dma_start3A_402 = arith.constant 0 : i32
    %dma_start3A_403 = tpu.memref_slice %arg8[%dma_start3A_396, %dma_start3A_402] : memref<4x80xi32, #tpu.memory_space<vmem>> -> memref<1x80xi32, #tpu.memory_space<vmem>>
    %dma_start3A_404 = tpu.memref_squeeze %dma_start3A_403 : memref<1x80xi32, #tpu.memory_space<vmem>> -> memref<80xi32, #tpu.memory_space<vmem>>
    %dma_start3A_405 = arith.constant 0 : i32
    %dma_start3A_406 = arith.constant 0 : i32
    %dma_start3A_407 = tpu.memref_slice %arg2[%dma_start3A_405, %dma_start3A_406] : memref<10000x128xf32, #tpu.memory_space<hbm>> -> memref<10000x128xf32, #tpu.memory_space<hbm>>
    tpu.enqueue_indirect_dma source(%dma_start3A_407 : memref<10000x128xf32, #tpu.memory_space<hbm>>) target(%dma_start3A_401 : memref<80x128xf32, #tpu.memory_space<vmem>>) offsets(%dma_start3A_404 : memref<80xi32, #tpu.memory_space<vmem>>) semaphore(%arg24 : memref<!tpu.dma_semaphore, #tpu.memory_space<semaphore_mem>>)
    %dma_wait3A_408 = arith.constant 2 : i32
    %dma_wait3A_409 = arith.constant 0 : i32
    %dma_wait3A_410 = tpu.memref_slice %arg8[%dma_wait3A_408, %dma_wait3A_409] : memref<4x80xi32, #tpu.memory_space<vmem>> -> memref<1x80xi32, #tpu.memory_space<vmem>>
    %dma_wait3A_411 = tpu.memref_squeeze %dma_wait3A_410 : memref<1x80xi32, #tpu.memory_space<vmem>> -> memref<80xi32, #tpu.memory_space<vmem>>
    %dma_wait3A_412 = arith.constant 0 : i32
    %dma_wait3A_413 = tpu.memref_slice %arg3[%dma_wait3A_412] : memref<320000xi32, #tpu.memory_space<hbm>> -> memref<80xi32, #tpu.memory_space<hbm>>
    %dma_wait3A_414 = arith.constant 0 : i32
    %dma_wait3A_415 = tpu.memref_slice %arg8[%dma_wait3A_408, %dma_wait3A_414] : memref<4x80xi32, #tpu.memory_space<vmem>> -> memref<1x80xi32, #tpu.memory_space<vmem>>
    %dma_wait3A_416 = tpu.memref_squeeze %dma_wait3A_415 : memref<1x80xi32, #tpu.memory_space<vmem>> -> memref<80xi32, #tpu.memory_space<vmem>>
    %dma_wait3A_417 = arith.constant 0 : i32
    %dma_wait3A_418 = tpu.memref_slice %arg3[%dma_wait3A_417] : memref<320000xi32, #tpu.memory_space<hbm>> -> memref<80xi32, #tpu.memory_space<hbm>>
    tpu.wait_dma2 semaphore(%arg17 : memref<!tpu.dma_semaphore, #tpu.memory_space<semaphore_mem>>) src(%dma_wait3A_418 : memref<80xi32, #tpu.memory_space<hbm>>) dst(%dma_wait3A_416 : memref<80xi32, #tpu.memory_space<vmem>>)
    %dma_start3A_419 = arith.constant 2 : i32
    %dma_start3A_420 = arith.constant 2 : i32
    %dma_start3A_421 = arith.constant 0 : i32
    %dma_start3A_422 = arith.constant 0 : i32
    %dma_start3A_423 = tpu.memref_slice %arg10[%dma_start3A_420, %dma_start3A_421, %dma_start3A_422] : memref<4x80x128xf32, #tpu.memory_space<vmem>> -> memref<1x80x128xf32, #tpu.memory_space<vmem>>
    %dma_start3A_424 = tpu.memref_squeeze %dma_start3A_423 : memref<1x80x128xf32, #tpu.memory_space<vmem>> -> memref<80x128xf32, #tpu.memory_space<vmem>>
    %dma_start3A_425 = arith.constant 0 : i32
    %dma_start3A_426 = tpu.memref_slice %arg8[%dma_start3A_419, %dma_start3A_425] : memref<4x80xi32, #tpu.memory_space<vmem>> -> memref<1x80xi32, #tpu.memory_space<vmem>>
    %dma_start3A_427 = tpu.memref_squeeze %dma_start3A_426 : memref<1x80xi32, #tpu.memory_space<vmem>> -> memref<80xi32, #tpu.memory_space<vmem>>
    %dma_start3A_428 = arith.constant 0 : i32
    %dma_start3A_429 = arith.constant 0 : i32
    %dma_start3A_430 = tpu.memref_slice %arg2[%dma_start3A_428, %dma_start3A_429] : memref<10000x128xf32, #tpu.memory_space<hbm>> -> memref<10000x128xf32, #tpu.memory_space<hbm>>
    tpu.enqueue_indirect_dma source(%dma_start3A_430 : memref<10000x128xf32, #tpu.memory_space<hbm>>) target(%dma_start3A_424 : memref<80x128xf32, #tpu.memory_space<vmem>>) offsets(%dma_start3A_427 : memref<80xi32, #tpu.memory_space<vmem>>) semaphore(%arg25 : memref<!tpu.dma_semaphore, #tpu.memory_space<semaphore_mem>>)
    %scan3A = arith.constant 0 : i32
    %scan3A_431 = arith.constant 0 : i32
    %scan3A_432 = arith.constant 32 : i32
    %scan3A_433 = arith.addi %scan3A_431, %scan3A_432 : i32
    %scan3A_434 = arith.constant 1 : i32
    scf.for %scan3A_447 = %scan3A_431 to %scan3A_433 step %scan3A_434  : i32 {
      %mul3A_448 = arith.constant 4 : i32
      %mul3A_449 = arith.muli %mul3A_448, %scan3A_447 : i32
      %add3A_450 = arith.constant 0 : i32
      %add3A_451 = arith.addi %mul3A_449, %add3A_450 : i32
      %lt3A_452 = arith.constant 125 : i32
      %lt3A_453 = arith.cmpi slt, %add3A_451, %lt3A_452 : i32
      %convert_element_type3A_454 = arith.extui %lt3A_453 : i1 to i32
      %cond3A_455 = arith.constant 0 : i32
      %cond3A_456 = arith.cmpi ne, %convert_element_type3A_454, %cond3A_455 : i32
      scf.if %cond3A_456 {
        %dma_wait3A_589 = arith.constant 0 : i32
        %dma_wait3A_590 = arith.constant 0 : i32
        %dma_wait3A_591 = arith.constant 0 : i32
        %dma_wait3A_592 = arith.constant 0 : i32
        %dma_wait3A_593 = tpu.memref_slice %arg10[%dma_wait3A_590, %dma_wait3A_591, %dma_wait3A_592] : memref<4x80x128xf32, #tpu.memory_space<vmem>> -> memref<1x80x128xf32, #tpu.memory_space<vmem>>
        %dma_wait3A_594 = tpu.memref_squeeze %dma_wait3A_593 : memref<1x80x128xf32, #tpu.memory_space<vmem>> -> memref<80x128xf32, #tpu.memory_space<vmem>>
        %dma_wait3A_595 = arith.constant 0 : i32
        %dma_wait3A_596 = tpu.memref_slice %arg8[%dma_wait3A_589, %dma_wait3A_595] : memref<4x80xi32, #tpu.memory_space<vmem>> -> memref<1x80xi32, #tpu.memory_space<vmem>>
        %dma_wait3A_597 = tpu.memref_squeeze %dma_wait3A_596 : memref<1x80xi32, #tpu.memory_space<vmem>> -> memref<80xi32, #tpu.memory_space<vmem>>
        %dma_wait3A_598 = arith.constant 0 : i32
        %dma_wait3A_599 = arith.constant 0 : i32
        %dma_wait3A_600 = tpu.memref_slice %arg2[%dma_wait3A_598, %dma_wait3A_599] : memref<10000x128xf32, #tpu.memory_space<hbm>> -> memref<10000x128xf32, #tpu.memory_space<hbm>>
        tpu.wait_indirect_dma semaphore(%arg23 : memref<!tpu.dma_semaphore, #tpu.memory_space<semaphore_mem>>) src(%dma_wait3A_600 : memref<10000x128xf32, #tpu.memory_space<hbm>>) dst(%dma_wait3A_594 : memref<80x128xf32, #tpu.memory_space<vmem>>)
      } else {
      }
      %ge3A = arith.constant 1 : i32
      %ge3A_457 = arith.cmpi sge, %add3A_451, %ge3A : i32
      %le3A = arith.constant 125 : i32
      %le3A_458 = arith.cmpi sle, %add3A_451, %le3A : i32
      %and3A = arith.andi %ge3A_457, %le3A_458 : i1
      %convert_element_type3A_459 = arith.extui %and3A : i1 to i32
      %cond3A_460 = arith.constant 0 : i32
      %cond3A_461 = arith.cmpi ne, %convert_element_type3A_459, %cond3A_460 : i32
      scf.if %cond3A_461 {
        %dma_wait3A_589 = arith.constant 3 : i32
        %dma_wait3A_590 = arith.constant 3 : i32
        %dma_wait3A_591 = arith.constant 0 : i32
        %dma_wait3A_592 = arith.constant 0 : i32
        %dma_wait3A_593 = tpu.memref_slice %arg10[%dma_wait3A_589, %dma_wait3A_591, %dma_wait3A_592] : memref<4x80x128xf32, #tpu.memory_space<vmem>> -> memref<1x80x128xf32, #tpu.memory_space<vmem>>
        %dma_wait3A_594 = tpu.memref_squeeze %dma_wait3A_593 : memref<1x80x128xf32, #tpu.memory_space<vmem>> -> memref<80x128xf32, #tpu.memory_space<vmem>>
        %dma_wait3A_595 = arith.constant 0 : i32
        %dma_wait3A_596 = tpu.memref_slice %arg9[%dma_wait3A_590, %dma_wait3A_595] : memref<4x80xi32, #tpu.memory_space<vmem>> -> memref<1x80xi32, #tpu.memory_space<vmem>>
        %dma_wait3A_597 = tpu.memref_squeeze %dma_wait3A_596 : memref<1x80xi32, #tpu.memory_space<vmem>> -> memref<80xi32, #tpu.memory_space<vmem>>
        %dma_wait3A_598 = arith.constant 0 : i32
        %dma_wait3A_599 = arith.constant 0 : i32
        %dma_wait3A_600 = tpu.memref_slice %arg13[%dma_wait3A_598, %dma_wait3A_599] : memref<10000x128xf32, #tpu.memory_space<vmem_shared>> -> memref<10000x128xf32, #tpu.memory_space<vmem_shared>>
        tpu.wait_indirect_dma semaphore(%arg30 : memref<!tpu.dma_semaphore, #tpu.memory_space<semaphore_mem>>) src(%dma_wait3A_594 : memref<80x128xf32, #tpu.memory_space<vmem>>) dst(%dma_wait3A_600 : memref<10000x128xf32, #tpu.memory_space<vmem_shared>>)
        %dma_wait3A_601 = arith.constant 0 : i32
        %dma_wait3A_602 = arith.constant 3 : i32
        %dma_wait3A_603 = arith.constant 0 : i32
        %dma_wait3A_604 = tpu.memref_slice %arg11[%dma_wait3A_601, %dma_wait3A_603] : memref<1x80xf32, #tpu.memory_space<vmem>> -> memref<1x80xf32, #tpu.memory_space<vmem>>
        %dma_wait3A_605 = tpu.memref_squeeze %dma_wait3A_604 : memref<1x80xf32, #tpu.memory_space<vmem>> -> memref<80xf32, #tpu.memory_space<vmem>>
        %dma_wait3A_606 = arith.constant 0 : i32
        %dma_wait3A_607 = tpu.memref_slice %arg9[%dma_wait3A_602, %dma_wait3A_606] : memref<4x80xi32, #tpu.memory_space<vmem>> -> memref<1x80xi32, #tpu.memory_space<vmem>>
        %dma_wait3A_608 = tpu.memref_squeeze %dma_wait3A_607 : memref<1x80xi32, #tpu.memory_space<vmem>> -> memref<80xi32, #tpu.memory_space<vmem>>
        %dma_wait3A_609 = arith.constant 0 : i32
        %dma_wait3A_610 = tpu.memref_slice %arg14[%dma_wait3A_609] : memref<10000xf32, #tpu.memory_space<vmem_shared>> -> memref<10000xf32, #tpu.memory_space<vmem_shared>>
        tpu.wait_indirect_dma semaphore(%arg30 : memref<!tpu.dma_semaphore, #tpu.memory_space<semaphore_mem>>) src(%dma_wait3A_605 : memref<80xf32, #tpu.memory_space<vmem>>) dst(%dma_wait3A_610 : memref<10000xf32, #tpu.memory_space<vmem_shared>>)
      } else {
      }
      %add3A_462 = arith.constant 3 : i32
      %add3A_463 = arith.addi %add3A_451, %add3A_462 : i32
      %lt3A_464 = arith.constant 125 : i32
      %lt3A_465 = arith.cmpi slt, %add3A_463, %lt3A_464 : i32
      %convert_element_type3A_466 = arith.extui %lt3A_465 : i1 to i32
      %cond3A_467 = arith.constant 0 : i32
      %cond3A_468 = arith.cmpi ne, %convert_element_type3A_466, %cond3A_467 : i32
      scf.if %cond3A_468 {
        %dma_wait3A_589 = arith.constant 3 : i32
        %dma_wait3A_590 = arith.constant 0 : i32
        %dma_wait3A_591 = tpu.memref_slice %arg8[%dma_wait3A_589, %dma_wait3A_590] : memref<4x80xi32, #tpu.memory_space<vmem>> -> memref<1x80xi32, #tpu.memory_space<vmem>>
        %dma_wait3A_592 = tpu.memref_squeeze %dma_wait3A_591 : memref<1x80xi32, #tpu.memory_space<vmem>> -> memref<80xi32, #tpu.memory_space<vmem>>
        %dma_wait3A_593 = arith.constant 0 : i32
        %dma_wait3A_594 = tpu.memref_slice %arg3[%dma_wait3A_593] : memref<320000xi32, #tpu.memory_space<hbm>> -> memref<80xi32, #tpu.memory_space<hbm>>
        %dma_wait3A_595 = arith.constant 0 : i32
        %dma_wait3A_596 = tpu.memref_slice %arg8[%dma_wait3A_589, %dma_wait3A_595] : memref<4x80xi32, #tpu.memory_space<vmem>> -> memref<1x80xi32, #tpu.memory_space<vmem>>
        %dma_wait3A_597 = tpu.memref_squeeze %dma_wait3A_596 : memref<1x80xi32, #tpu.memory_space<vmem>> -> memref<80xi32, #tpu.memory_space<vmem>>
        %dma_wait3A_598 = arith.constant 0 : i32
        %dma_wait3A_599 = tpu.memref_slice %arg3[%dma_wait3A_598] : memref<320000xi32, #tpu.memory_space<hbm>> -> memref<80xi32, #tpu.memory_space<hbm>>
        tpu.wait_dma2 semaphore(%arg18 : memref<!tpu.dma_semaphore, #tpu.memory_space<semaphore_mem>>) src(%dma_wait3A_599 : memref<80xi32, #tpu.memory_space<hbm>>) dst(%dma_wait3A_597 : memref<80xi32, #tpu.memory_space<vmem>>)
        %dma_start3A_600 = arith.constant 3 : i32
        %dma_start3A_601 = arith.constant 3 : i32
        %dma_start3A_602 = arith.constant 0 : i32
        %dma_start3A_603 = arith.constant 0 : i32
        %dma_start3A_604 = tpu.memref_slice %arg10[%dma_start3A_601, %dma_start3A_602, %dma_start3A_603] : memref<4x80x128xf32, #tpu.memory_space<vmem>> -> memref<1x80x128xf32, #tpu.memory_space<vmem>>
        %dma_start3A_605 = tpu.memref_squeeze %dma_start3A_604 : memref<1x80x128xf32, #tpu.memory_space<vmem>> -> memref<80x128xf32, #tpu.memory_space<vmem>>
        %dma_start3A_606 = arith.constant 0 : i32
        %dma_start3A_607 = tpu.memref_slice %arg8[%dma_start3A_600, %dma_start3A_606] : memref<4x80xi32, #tpu.memory_space<vmem>> -> memref<1x80xi32, #tpu.memory_space<vmem>>
        %dma_start3A_608 = tpu.memref_squeeze %dma_start3A_607 : memref<1x80xi32, #tpu.memory_space<vmem>> -> memref<80xi32, #tpu.memory_space<vmem>>
        %dma_start3A_609 = arith.constant 0 : i32
        %dma_start3A_610 = arith.constant 0 : i32
        %dma_start3A_611 = tpu.memref_slice %arg2[%dma_start3A_609, %dma_start3A_610] : memref<10000x128xf32, #tpu.memory_space<hbm>> -> memref<10000x128xf32, #tpu.memory_space<hbm>>
        tpu.enqueue_indirect_dma source(%dma_start3A_611 : memref<10000x128xf32, #tpu.memory_space<hbm>>) target(%dma_start3A_605 : memref<80x128xf32, #tpu.memory_space<vmem>>) offsets(%dma_start3A_608 : memref<80xi32, #tpu.memory_space<vmem>>) semaphore(%arg26 : memref<!tpu.dma_semaphore, #tpu.memory_space<semaphore_mem>>)
        %add3A_612 = arith.constant 3 : i32
        %add3A_613 = arith.addi %add3A_451, %add3A_612 : i32
        %mul3A_614 = arith.constant 80 : i32
        %mul3A_615 = arith.muli %add3A_613, %mul3A_614 : i32
        %add3A_616 = arith.addi %add3A, %mul3A_615 : i32
        %dma_start3A_617 = arith.constant 3 : i32
        %dma_start3A_618 = arith.constant 0 : i32
        %dma_start3A_619 = tpu.memref_slice %arg9[%dma_start3A_617, %dma_start3A_618] : memref<4x80xi32, #tpu.memory_space<vmem>> -> memref<1x80xi32, #tpu.memory_space<vmem>>
        %dma_start3A_620 = tpu.memref_squeeze %dma_start3A_619 : memref<1x80xi32, #tpu.memory_space<vmem>> -> memref<80xi32, #tpu.memory_space<vmem>>
        %dma_start3A_621 = tpu.memref_slice %arg4[%add3A_616] : memref<320000xi32, #tpu.memory_space<hbm>> -> memref<80xi32, #tpu.memory_space<hbm>>
        %dma_start3A_622 = arith.constant 0 : i32
        %dma_start3A_623 = tpu.memref_slice %arg9[%dma_start3A_617, %dma_start3A_622] : memref<4x80xi32, #tpu.memory_space<vmem>> -> memref<1x80xi32, #tpu.memory_space<vmem>>
        %dma_start3A_624 = tpu.memref_squeeze %dma_start3A_623 : memref<1x80xi32, #tpu.memory_space<vmem>> -> memref<80xi32, #tpu.memory_space<vmem>>
        %dma_start3A_625 = tpu.memref_slice %arg4[%add3A_616] : memref<320000xi32, #tpu.memory_space<hbm>> -> memref<80xi32, #tpu.memory_space<hbm>>
        tpu.enqueue_dma source(%dma_start3A_625 : memref<80xi32, #tpu.memory_space<hbm>>) target(%dma_start3A_624 : memref<80xi32, #tpu.memory_space<vmem>>) target_semaphore(%arg22 : memref<!tpu.dma_semaphore, #tpu.memory_space<semaphore_mem>>)
      } else {
      }
      %add3A_469 = arith.constant 4 : i32
      %add3A_470 = arith.addi %add3A_451, %add3A_469 : i32
      %lt3A_471 = arith.constant 125 : i32
      %lt3A_472 = arith.cmpi slt, %add3A_470, %lt3A_471 : i32
      %convert_element_type3A_473 = arith.extui %lt3A_472 : i1 to i32
      %cond3A_474 = arith.constant 0 : i32
      %cond3A_475 = arith.cmpi ne, %convert_element_type3A_473, %cond3A_474 : i32
      scf.if %cond3A_475 {
        %add3A_589 = arith.constant 4 : i32
        %add3A_590 = arith.addi %add3A_451, %add3A_589 : i32
        %mul3A_591 = arith.constant 80 : i32
        %mul3A_592 = arith.muli %add3A_590, %mul3A_591 : i32
        %add3A_593 = arith.addi %add3A, %mul3A_592 : i32
        %dma_start3A_594 = arith.constant 0 : i32
        %dma_start3A_595 = arith.constant 0 : i32
        %dma_start3A_596 = tpu.memref_slice %arg8[%dma_start3A_594, %dma_start3A_595] : memref<4x80xi32, #tpu.memory_space<vmem>> -> memref<1x80xi32, #tpu.memory_space<vmem>>
        %dma_start3A_597 = tpu.memref_squeeze %dma_start3A_596 : memref<1x80xi32, #tpu.memory_space<vmem>> -> memref<80xi32, #tpu.memory_space<vmem>>
        %dma_start3A_598 = tpu.memref_slice %arg3[%add3A_593] : memref<320000xi32, #tpu.memory_space<hbm>> -> memref<80xi32, #tpu.memory_space<hbm>>
        %dma_start3A_599 = arith.constant 0 : i32
        %dma_start3A_600 = tpu.memref_slice %arg8[%dma_start3A_594, %dma_start3A_599] : memref<4x80xi32, #tpu.memory_space<vmem>> -> memref<1x80xi32, #tpu.memory_space<vmem>>
        %dma_start3A_601 = tpu.memref_squeeze %dma_start3A_600 : memref<1x80xi32, #tpu.memory_space<vmem>> -> memref<80xi32, #tpu.memory_space<vmem>>
        %dma_start3A_602 = tpu.memref_slice %arg3[%add3A_593] : memref<320000xi32, #tpu.memory_space<hbm>> -> memref<80xi32, #tpu.memory_space<hbm>>
        tpu.enqueue_dma source(%dma_start3A_602 : memref<80xi32, #tpu.memory_space<hbm>>) target(%dma_start3A_601 : memref<80xi32, #tpu.memory_space<vmem>>) target_semaphore(%arg15 : memref<!tpu.dma_semaphore, #tpu.memory_space<semaphore_mem>>)
      } else {
      }
      %lt3A_476 = arith.constant 125 : i32
      %lt3A_477 = arith.cmpi slt, %add3A_451, %lt3A_476 : i32
      %convert_element_type3A_478 = arith.extui %lt3A_477 : i1 to i32
      %cond3A_479 = arith.constant 0 : i32
      %cond3A_480 = arith.cmpi ne, %convert_element_type3A_478, %cond3A_479 : i32
      scf.if %cond3A_480 {
        %dma_wait3A_589 = arith.constant 0 : i32
        %dma_wait3A_590 = arith.constant 0 : i32
        %dma_wait3A_591 = tpu.memref_slice %arg9[%dma_wait3A_589, %dma_wait3A_590] : memref<4x80xi32, #tpu.memory_space<vmem>> -> memref<1x80xi32, #tpu.memory_space<vmem>>
        %dma_wait3A_592 = tpu.memref_squeeze %dma_wait3A_591 : memref<1x80xi32, #tpu.memory_space<vmem>> -> memref<80xi32, #tpu.memory_space<vmem>>
        %dma_wait3A_593 = arith.constant 0 : i32
        %dma_wait3A_594 = tpu.memref_slice %arg4[%dma_wait3A_593] : memref<320000xi32, #tpu.memory_space<hbm>> -> memref<80xi32, #tpu.memory_space<hbm>>
        %dma_wait3A_595 = arith.constant 0 : i32
        %dma_wait3A_596 = tpu.memref_slice %arg9[%dma_wait3A_589, %dma_wait3A_595] : memref<4x80xi32, #tpu.memory_space<vmem>> -> memref<1x80xi32, #tpu.memory_space<vmem>>
        %dma_wait3A_597 = tpu.memref_squeeze %dma_wait3A_596 : memref<1x80xi32, #tpu.memory_space<vmem>> -> memref<80xi32, #tpu.memory_space<vmem>>
        %dma_wait3A_598 = arith.constant 0 : i32
        %dma_wait3A_599 = tpu.memref_slice %arg4[%dma_wait3A_598] : memref<320000xi32, #tpu.memory_space<hbm>> -> memref<80xi32, #tpu.memory_space<hbm>>
        tpu.wait_dma2 semaphore(%arg19 : memref<!tpu.dma_semaphore, #tpu.memory_space<semaphore_mem>>) src(%dma_wait3A_599 : memref<80xi32, #tpu.memory_space<hbm>>) dst(%dma_wait3A_597 : memref<80xi32, #tpu.memory_space<vmem>>)
        %dma_start3A_600 = arith.constant 0 : i32
        %dma_start3A_601 = arith.constant 0 : i32
        %dma_start3A_602 = arith.constant 0 : i32
        %dma_start3A_603 = arith.constant 0 : i32
        %dma_start3A_604 = tpu.memref_slice %arg10[%dma_start3A_600, %dma_start3A_602, %dma_start3A_603] : memref<4x80x128xf32, #tpu.memory_space<vmem>> -> memref<1x80x128xf32, #tpu.memory_space<vmem>>
        %dma_start3A_605 = tpu.memref_squeeze %dma_start3A_604 : memref<1x80x128xf32, #tpu.memory_space<vmem>> -> memref<80x128xf32, #tpu.memory_space<vmem>>
        %dma_start3A_606 = arith.constant 0 : i32
        %dma_start3A_607 = tpu.memref_slice %arg9[%dma_start3A_601, %dma_start3A_606] : memref<4x80xi32, #tpu.memory_space<vmem>> -> memref<1x80xi32, #tpu.memory_space<vmem>>
        %dma_start3A_608 = tpu.memref_squeeze %dma_start3A_607 : memref<1x80xi32, #tpu.memory_space<vmem>> -> memref<80xi32, #tpu.memory_space<vmem>>
        %dma_start3A_609 = arith.constant 0 : i32
        %dma_start3A_610 = arith.constant 0 : i32
        %dma_start3A_611 = tpu.memref_slice %arg13[%dma_start3A_609, %dma_start3A_610] : memref<10000x128xf32, #tpu.memory_space<vmem_shared>> -> memref<10000x128xf32, #tpu.memory_space<vmem_shared>>
        tpu.enqueue_indirect_dma source(%dma_start3A_605 : memref<80x128xf32, #tpu.memory_space<vmem>>) target(%dma_start3A_611 : memref<10000x128xf32, #tpu.memory_space<vmem_shared>>) offsets(%dma_start3A_608 : memref<80xi32, #tpu.memory_space<vmem>>) semaphore(%arg27 : memref<!tpu.dma_semaphore, #tpu.memory_space<semaphore_mem>>) {add = true}
        %dma_start3A_612 = arith.constant 0 : i32
        %dma_start3A_613 = arith.constant 0 : i32
        %dma_start3A_614 = arith.constant 0 : i32
        %dma_start3A_615 = tpu.memref_slice %arg11[%dma_start3A_612, %dma_start3A_614] : memref<1x80xf32, #tpu.memory_space<vmem>> -> memref<1x80xf32, #tpu.memory_space<vmem>>
        %dma_start3A_616 = tpu.memref_squeeze %dma_start3A_615 : memref<1x80xf32, #tpu.memory_space<vmem>> -> memref<80xf32, #tpu.memory_space<vmem>>
        %dma_start3A_617 = arith.constant 0 : i32
        %dma_start3A_618 = tpu.memref_slice %arg9[%dma_start3A_613, %dma_start3A_617] : memref<4x80xi32, #tpu.memory_space<vmem>> -> memref<1x80xi32, #tpu.memory_space<vmem>>
        %dma_start3A_619 = tpu.memref_squeeze %dma_start3A_618 : memref<1x80xi32, #tpu.memory_space<vmem>> -> memref<80xi32, #tpu.memory_space<vmem>>
        %dma_start3A_620 = arith.constant 0 : i32
        %dma_start3A_621 = tpu.memref_slice %arg14[%dma_start3A_620] : memref<10000xf32, #tpu.memory_space<vmem_shared>> -> memref<10000xf32, #tpu.memory_space<vmem_shared>>
        tpu.enqueue_indirect_dma source(%dma_start3A_616 : memref<80xf32, #tpu.memory_space<vmem>>) target(%dma_start3A_621 : memref<10000xf32, #tpu.memory_space<vmem_shared>>) offsets(%dma_start3A_619 : memref<80xi32, #tpu.memory_space<vmem>>) semaphore(%arg27 : memref<!tpu.dma_semaphore, #tpu.memory_space<semaphore_mem>>) {add = true}
      } else {
      }
      %mul3A_481 = arith.constant 4 : i32
      %mul3A_482 = arith.muli %mul3A_481, %scan3A_447 : i32
      %add3A_483 = arith.constant 1 : i32
      %add3A_484 = arith.addi %mul3A_482, %add3A_483 : i32
      %lt3A_485 = arith.constant 125 : i32
      %lt3A_486 = arith.cmpi slt, %add3A_484, %lt3A_485 : i32
      %convert_element_type3A_487 = arith.extui %lt3A_486 : i1 to i32
      %cond3A_488 = arith.constant 0 : i32
      %cond3A_489 = arith.cmpi ne, %convert_element_type3A_487, %cond3A_488 : i32
      scf.if %cond3A_489 {
        %dma_wait3A_589 = arith.constant 1 : i32
        %dma_wait3A_590 = arith.constant 1 : i32
        %dma_wait3A_591 = arith.constant 0 : i32
        %dma_wait3A_592 = arith.constant 0 : i32
        %dma_wait3A_593 = tpu.memref_slice %arg10[%dma_wait3A_590, %dma_wait3A_591, %dma_wait3A_592] : memref<4x80x128xf32, #tpu.memory_space<vmem>> -> memref<1x80x128xf32, #tpu.memory_space<vmem>>
        %dma_wait3A_594 = tpu.memref_squeeze %dma_wait3A_593 : memref<1x80x128xf32, #tpu.memory_space<vmem>> -> memref<80x128xf32, #tpu.memory_space<vmem>>
        %dma_wait3A_595 = arith.constant 0 : i32
        %dma_wait3A_596 = tpu.memref_slice %arg8[%dma_wait3A_589, %dma_wait3A_595] : memref<4x80xi32, #tpu.memory_space<vmem>> -> memref<1x80xi32, #tpu.memory_space<vmem>>
        %dma_wait3A_597 = tpu.memref_squeeze %dma_wait3A_596 : memref<1x80xi32, #tpu.memory_space<vmem>> -> memref<80xi32, #tpu.memory_space<vmem>>
        %dma_wait3A_598 = arith.constant 0 : i32
        %dma_wait3A_599 = arith.constant 0 : i32
        %dma_wait3A_600 = tpu.memref_slice %arg2[%dma_wait3A_598, %dma_wait3A_599] : memref<10000x128xf32, #tpu.memory_space<hbm>> -> memref<10000x128xf32, #tpu.memory_space<hbm>>
        tpu.wait_indirect_dma semaphore(%arg24 : memref<!tpu.dma_semaphore, #tpu.memory_space<semaphore_mem>>) src(%dma_wait3A_600 : memref<10000x128xf32, #tpu.memory_space<hbm>>) dst(%dma_wait3A_594 : memref<80x128xf32, #tpu.memory_space<vmem>>)
      } else {
      }
      %ge3A_490 = arith.constant 1 : i32
      %ge3A_491 = arith.cmpi sge, %add3A_484, %ge3A_490 : i32
      %le3A_492 = arith.constant 125 : i32
      %le3A_493 = arith.cmpi sle, %add3A_484, %le3A_492 : i32
      %and3A_494 = arith.andi %ge3A_491, %le3A_493 : i1
      %convert_element_type3A_495 = arith.extui %and3A_494 : i1 to i32
      %cond3A_496 = arith.constant 0 : i32
      %cond3A_497 = arith.cmpi ne, %convert_element_type3A_495, %cond3A_496 : i32
      scf.if %cond3A_497 {
        %dma_wait3A_589 = arith.constant 0 : i32
        %dma_wait3A_590 = arith.constant 0 : i32
        %dma_wait3A_591 = arith.constant 0 : i32
        %dma_wait3A_592 = arith.constant 0 : i32
        %dma_wait3A_593 = tpu.memref_slice %arg10[%dma_wait3A_589, %dma_wait3A_591, %dma_wait3A_592] : memref<4x80x128xf32, #tpu.memory_space<vmem>> -> memref<1x80x128xf32, #tpu.memory_space<vmem>>
        %dma_wait3A_594 = tpu.memref_squeeze %dma_wait3A_593 : memref<1x80x128xf32, #tpu.memory_space<vmem>> -> memref<80x128xf32, #tpu.memory_space<vmem>>
        %dma_wait3A_595 = arith.constant 0 : i32
        %dma_wait3A_596 = tpu.memref_slice %arg9[%dma_wait3A_590, %dma_wait3A_595] : memref<4x80xi32, #tpu.memory_space<vmem>> -> memref<1x80xi32, #tpu.memory_space<vmem>>
        %dma_wait3A_597 = tpu.memref_squeeze %dma_wait3A_596 : memref<1x80xi32, #tpu.memory_space<vmem>> -> memref<80xi32, #tpu.memory_space<vmem>>
        %dma_wait3A_598 = arith.constant 0 : i32
        %dma_wait3A_599 = arith.constant 0 : i32
        %dma_wait3A_600 = tpu.memref_slice %arg13[%dma_wait3A_598, %dma_wait3A_599] : memref<10000x128xf32, #tpu.memory_space<vmem_shared>> -> memref<10000x128xf32, #tpu.memory_space<vmem_shared>>
        tpu.wait_indirect_dma semaphore(%arg27 : memref<!tpu.dma_semaphore, #tpu.memory_space<semaphore_mem>>) src(%dma_wait3A_594 : memref<80x128xf32, #tpu.memory_space<vmem>>) dst(%dma_wait3A_600 : memref<10000x128xf32, #tpu.memory_space<vmem_shared>>)
        %dma_wait3A_601 = arith.constant 0 : i32
        %dma_wait3A_602 = arith.constant 0 : i32
        %dma_wait3A_603 = arith.constant 0 : i32
        %dma_wait3A_604 = tpu.memref_slice %arg11[%dma_wait3A_601, %dma_wait3A_603] : memref<1x80xf32, #tpu.memory_space<vmem>> -> memref<1x80xf32, #tpu.memory_space<vmem>>
        %dma_wait3A_605 = tpu.memref_squeeze %dma_wait3A_604 : memref<1x80xf32, #tpu.memory_space<vmem>> -> memref<80xf32, #tpu.memory_space<vmem>>
        %dma_wait3A_606 = arith.constant 0 : i32
        %dma_wait3A_607 = tpu.memref_slice %arg9[%dma_wait3A_602, %dma_wait3A_606] : memref<4x80xi32, #tpu.memory_space<vmem>> -> memref<1x80xi32, #tpu.memory_space<vmem>>
        %dma_wait3A_608 = tpu.memref_squeeze %dma_wait3A_607 : memref<1x80xi32, #tpu.memory_space<vmem>> -> memref<80xi32, #tpu.memory_space<vmem>>
        %dma_wait3A_609 = arith.constant 0 : i32
        %dma_wait3A_610 = tpu.memref_slice %arg14[%dma_wait3A_609] : memref<10000xf32, #tpu.memory_space<vmem_shared>> -> memref<10000xf32, #tpu.memory_space<vmem_shared>>
        tpu.wait_indirect_dma semaphore(%arg27 : memref<!tpu.dma_semaphore, #tpu.memory_space<semaphore_mem>>) src(%dma_wait3A_605 : memref<80xf32, #tpu.memory_space<vmem>>) dst(%dma_wait3A_610 : memref<10000xf32, #tpu.memory_space<vmem_shared>>)
      } else {
      }
      %add3A_498 = arith.constant 3 : i32
      %add3A_499 = arith.addi %add3A_484, %add3A_498 : i32
      %lt3A_500 = arith.constant 125 : i32
      %lt3A_501 = arith.cmpi slt, %add3A_499, %lt3A_500 : i32
      %convert_element_type3A_502 = arith.extui %lt3A_501 : i1 to i32
      %cond3A_503 = arith.constant 0 : i32
      %cond3A_504 = arith.cmpi ne, %convert_element_type3A_502, %cond3A_503 : i32
      scf.if %cond3A_504 {
        %dma_wait3A_589 = arith.constant 0 : i32
        %dma_wait3A_590 = arith.constant 0 : i32
        %dma_wait3A_591 = tpu.memref_slice %arg8[%dma_wait3A_589, %dma_wait3A_590] : memref<4x80xi32, #tpu.memory_space<vmem>> -> memref<1x80xi32, #tpu.memory_space<vmem>>
        %dma_wait3A_592 = tpu.memref_squeeze %dma_wait3A_591 : memref<1x80xi32, #tpu.memory_space<vmem>> -> memref<80xi32, #tpu.memory_space<vmem>>
        %dma_wait3A_593 = arith.constant 0 : i32
        %dma_wait3A_594 = tpu.memref_slice %arg3[%dma_wait3A_593] : memref<320000xi32, #tpu.memory_space<hbm>> -> memref<80xi32, #tpu.memory_space<hbm>>
        %dma_wait3A_595 = arith.constant 0 : i32
        %dma_wait3A_596 = tpu.memref_slice %arg8[%dma_wait3A_589, %dma_wait3A_595] : memref<4x80xi32, #tpu.memory_space<vmem>> -> memref<1x80xi32, #tpu.memory_space<vmem>>
        %dma_wait3A_597 = tpu.memref_squeeze %dma_wait3A_596 : memref<1x80xi32, #tpu.memory_space<vmem>> -> memref<80xi32, #tpu.memory_space<vmem>>
        %dma_wait3A_598 = arith.constant 0 : i32
        %dma_wait3A_599 = tpu.memref_slice %arg3[%dma_wait3A_598] : memref<320000xi32, #tpu.memory_space<hbm>> -> memref<80xi32, #tpu.memory_space<hbm>>
        tpu.wait_dma2 semaphore(%arg15 : memref<!tpu.dma_semaphore, #tpu.memory_space<semaphore_mem>>) src(%dma_wait3A_599 : memref<80xi32, #tpu.memory_space<hbm>>) dst(%dma_wait3A_597 : memref<80xi32, #tpu.memory_space<vmem>>)
        %dma_start3A_600 = arith.constant 0 : i32
        %dma_start3A_601 = arith.constant 0 : i32
        %dma_start3A_602 = arith.constant 0 : i32
        %dma_start3A_603 = arith.constant 0 : i32
        %dma_start3A_604 = tpu.memref_slice %arg10[%dma_start3A_601, %dma_start3A_602, %dma_start3A_603] : memref<4x80x128xf32, #tpu.memory_space<vmem>> -> memref<1x80x128xf32, #tpu.memory_space<vmem>>
        %dma_start3A_605 = tpu.memref_squeeze %dma_start3A_604 : memref<1x80x128xf32, #tpu.memory_space<vmem>> -> memref<80x128xf32, #tpu.memory_space<vmem>>
        %dma_start3A_606 = arith.constant 0 : i32
        %dma_start3A_607 = tpu.memref_slice %arg8[%dma_start3A_600, %dma_start3A_606] : memref<4x80xi32, #tpu.memory_space<vmem>> -> memref<1x80xi32, #tpu.memory_space<vmem>>
        %dma_start3A_608 = tpu.memref_squeeze %dma_start3A_607 : memref<1x80xi32, #tpu.memory_space<vmem>> -> memref<80xi32, #tpu.memory_space<vmem>>
        %dma_start3A_609 = arith.constant 0 : i32
        %dma_start3A_610 = arith.constant 0 : i32
        %dma_start3A_611 = tpu.memref_slice %arg2[%dma_start3A_609, %dma_start3A_610] : memref<10000x128xf32, #tpu.memory_space<hbm>> -> memref<10000x128xf32, #tpu.memory_space<hbm>>
        tpu.enqueue_indirect_dma source(%dma_start3A_611 : memref<10000x128xf32, #tpu.memory_space<hbm>>) target(%dma_start3A_605 : memref<80x128xf32, #tpu.memory_space<vmem>>) offsets(%dma_start3A_608 : memref<80xi32, #tpu.memory_space<vmem>>) semaphore(%arg23 : memref<!tpu.dma_semaphore, #tpu.memory_space<semaphore_mem>>)
        %add3A_612 = arith.constant 3 : i32
        %add3A_613 = arith.addi %add3A_484, %add3A_612 : i32
        %mul3A_614 = arith.constant 80 : i32
        %mul3A_615 = arith.muli %add3A_613, %mul3A_614 : i32
        %add3A_616 = arith.addi %add3A, %mul3A_615 : i32
        %dma_start3A_617 = arith.constant 0 : i32
        %dma_start3A_618 = arith.constant 0 : i32
        %dma_start3A_619 = tpu.memref_slice %arg9[%dma_start3A_617, %dma_start3A_618] : memref<4x80xi32, #tpu.memory_space<vmem>> -> memref<1x80xi32, #tpu.memory_space<vmem>>
        %dma_start3A_620 = tpu.memref_squeeze %dma_start3A_619 : memref<1x80xi32, #tpu.memory_space<vmem>> -> memref<80xi32, #tpu.memory_space<vmem>>
        %dma_start3A_621 = tpu.memref_slice %arg4[%add3A_616] : memref<320000xi32, #tpu.memory_space<hbm>> -> memref<80xi32, #tpu.memory_space<hbm>>
        %dma_start3A_622 = arith.constant 0 : i32
        %dma_start3A_623 = tpu.memref_slice %arg9[%dma_start3A_617, %dma_start3A_622] : memref<4x80xi32, #tpu.memory_space<vmem>> -> memref<1x80xi32, #tpu.memory_space<vmem>>
        %dma_start3A_624 = tpu.memref_squeeze %dma_start3A_623 : memref<1x80xi32, #tpu.memory_space<vmem>> -> memref<80xi32, #tpu.memory_space<vmem>>
        %dma_start3A_625 = tpu.memref_slice %arg4[%add3A_616] : memref<320000xi32, #tpu.memory_space<hbm>> -> memref<80xi32, #tpu.memory_space<hbm>>
        tpu.enqueue_dma source(%dma_start3A_625 : memref<80xi32, #tpu.memory_space<hbm>>) target(%dma_start3A_624 : memref<80xi32, #tpu.memory_space<vmem>>) target_semaphore(%arg19 : memref<!tpu.dma_semaphore, #tpu.memory_space<semaphore_mem>>)
      } else {
      }
      %add3A_505 = arith.constant 4 : i32
      %add3A_506 = arith.addi %add3A_484, %add3A_505 : i32
      %lt3A_507 = arith.constant 125 : i32
      %lt3A_508 = arith.cmpi slt, %add3A_506, %lt3A_507 : i32
      %convert_element_type3A_509 = arith.extui %lt3A_508 : i1 to i32
      %cond3A_510 = arith.constant 0 : i32
      %cond3A_511 = arith.cmpi ne, %convert_element_type3A_509, %cond3A_510 : i32
      scf.if %cond3A_511 {
        %add3A_589 = arith.constant 4 : i32
        %add3A_590 = arith.addi %add3A_484, %add3A_589 : i32
        %mul3A_591 = arith.constant 80 : i32
        %mul3A_592 = arith.muli %add3A_590, %mul3A_591 : i32
        %add3A_593 = arith.addi %add3A, %mul3A_592 : i32
        %dma_start3A_594 = arith.constant 1 : i32
        %dma_start3A_595 = arith.constant 0 : i32
        %dma_start3A_596 = tpu.memref_slice %arg8[%dma_start3A_594, %dma_start3A_595] : memref<4x80xi32, #tpu.memory_space<vmem>> -> memref<1x80xi32, #tpu.memory_space<vmem>>
        %dma_start3A_597 = tpu.memref_squeeze %dma_start3A_596 : memref<1x80xi32, #tpu.memory_space<vmem>> -> memref<80xi32, #tpu.memory_space<vmem>>
        %dma_start3A_598 = tpu.memref_slice %arg3[%add3A_593] : memref<320000xi32, #tpu.memory_space<hbm>> -> memref<80xi32, #tpu.memory_space<hbm>>
        %dma_start3A_599 = arith.constant 0 : i32
        %dma_start3A_600 = tpu.memref_slice %arg8[%dma_start3A_594, %dma_start3A_599] : memref<4x80xi32, #tpu.memory_space<vmem>> -> memref<1x80xi32, #tpu.memory_space<vmem>>
        %dma_start3A_601 = tpu.memref_squeeze %dma_start3A_600 : memref<1x80xi32, #tpu.memory_space<vmem>> -> memref<80xi32, #tpu.memory_space<vmem>>
        %dma_start3A_602 = tpu.memref_slice %arg3[%add3A_593] : memref<320000xi32, #tpu.memory_space<hbm>> -> memref<80xi32, #tpu.memory_space<hbm>>
        tpu.enqueue_dma source(%dma_start3A_602 : memref<80xi32, #tpu.memory_space<hbm>>) target(%dma_start3A_601 : memref<80xi32, #tpu.memory_space<vmem>>) target_semaphore(%arg16 : memref<!tpu.dma_semaphore, #tpu.memory_space<semaphore_mem>>)
      } else {
      }
      %lt3A_512 = arith.constant 125 : i32
      %lt3A_513 = arith.cmpi slt, %add3A_484, %lt3A_512 : i32
      %convert_element_type3A_514 = arith.extui %lt3A_513 : i1 to i32
      %cond3A_515 = arith.constant 0 : i32
      %cond3A_516 = arith.cmpi ne, %convert_element_type3A_514, %cond3A_515 : i32
      scf.if %cond3A_516 {
        %dma_wait3A_589 = arith.constant 1 : i32
        %dma_wait3A_590 = arith.constant 0 : i32
        %dma_wait3A_591 = tpu.memref_slice %arg9[%dma_wait3A_589, %dma_wait3A_590] : memref<4x80xi32, #tpu.memory_space<vmem>> -> memref<1x80xi32, #tpu.memory_space<vmem>>
        %dma_wait3A_592 = tpu.memref_squeeze %dma_wait3A_591 : memref<1x80xi32, #tpu.memory_space<vmem>> -> memref<80xi32, #tpu.memory_space<vmem>>
        %dma_wait3A_593 = arith.constant 0 : i32
        %dma_wait3A_594 = tpu.memref_slice %arg4[%dma_wait3A_593] : memref<320000xi32, #tpu.memory_space<hbm>> -> memref<80xi32, #tpu.memory_space<hbm>>
        %dma_wait3A_595 = arith.constant 0 : i32
        %dma_wait3A_596 = tpu.memref_slice %arg9[%dma_wait3A_589, %dma_wait3A_595] : memref<4x80xi32, #tpu.memory_space<vmem>> -> memref<1x80xi32, #tpu.memory_space<vmem>>
        %dma_wait3A_597 = tpu.memref_squeeze %dma_wait3A_596 : memref<1x80xi32, #tpu.memory_space<vmem>> -> memref<80xi32, #tpu.memory_space<vmem>>
        %dma_wait3A_598 = arith.constant 0 : i32
        %dma_wait3A_599 = tpu.memref_slice %arg4[%dma_wait3A_598] : memref<320000xi32, #tpu.memory_space<hbm>> -> memref<80xi32, #tpu.memory_space<hbm>>
        tpu.wait_dma2 semaphore(%arg20 : memref<!tpu.dma_semaphore, #tpu.memory_space<semaphore_mem>>) src(%dma_wait3A_599 : memref<80xi32, #tpu.memory_space<hbm>>) dst(%dma_wait3A_597 : memref<80xi32, #tpu.memory_space<vmem>>)
        %dma_start3A_600 = arith.constant 1 : i32
        %dma_start3A_601 = arith.constant 1 : i32
        %dma_start3A_602 = arith.constant 0 : i32
        %dma_start3A_603 = arith.constant 0 : i32
        %dma_start3A_604 = tpu.memref_slice %arg10[%dma_start3A_600, %dma_start3A_602, %dma_start3A_603] : memref<4x80x128xf32, #tpu.memory_space<vmem>> -> memref<1x80x128xf32, #tpu.memory_space<vmem>>
        %dma_start3A_605 = tpu.memref_squeeze %dma_start3A_604 : memref<1x80x128xf32, #tpu.memory_space<vmem>> -> memref<80x128xf32, #tpu.memory_space<vmem>>
        %dma_start3A_606 = arith.constant 0 : i32
        %dma_start3A_607 = tpu.memref_slice %arg9[%dma_start3A_601, %dma_start3A_606] : memref<4x80xi32, #tpu.memory_space<vmem>> -> memref<1x80xi32, #tpu.memory_space<vmem>>
        %dma_start3A_608 = tpu.memref_squeeze %dma_start3A_607 : memref<1x80xi32, #tpu.memory_space<vmem>> -> memref<80xi32, #tpu.memory_space<vmem>>
        %dma_start3A_609 = arith.constant 0 : i32
        %dma_start3A_610 = arith.constant 0 : i32
        %dma_start3A_611 = tpu.memref_slice %arg13[%dma_start3A_609, %dma_start3A_610] : memref<10000x128xf32, #tpu.memory_space<vmem_shared>> -> memref<10000x128xf32, #tpu.memory_space<vmem_shared>>
        tpu.enqueue_indirect_dma source(%dma_start3A_605 : memref<80x128xf32, #tpu.memory_space<vmem>>) target(%dma_start3A_611 : memref<10000x128xf32, #tpu.memory_space<vmem_shared>>) offsets(%dma_start3A_608 : memref<80xi32, #tpu.memory_space<vmem>>) semaphore(%arg28 : memref<!tpu.dma_semaphore, #tpu.memory_space<semaphore_mem>>) {add = true}
        %dma_start3A_612 = arith.constant 0 : i32
        %dma_start3A_613 = arith.constant 1 : i32
        %dma_start3A_614 = arith.constant 0 : i32
        %dma_start3A_615 = tpu.memref_slice %arg11[%dma_start3A_612, %dma_start3A_614] : memref<1x80xf32, #tpu.memory_space<vmem>> -> memref<1x80xf32, #tpu.memory_space<vmem>>
        %dma_start3A_616 = tpu.memref_squeeze %dma_start3A_615 : memref<1x80xf32, #tpu.memory_space<vmem>> -> memref<80xf32, #tpu.memory_space<vmem>>
        %dma_start3A_617 = arith.constant 0 : i32
        %dma_start3A_618 = tpu.memref_slice %arg9[%dma_start3A_613, %dma_start3A_617] : memref<4x80xi32, #tpu.memory_space<vmem>> -> memref<1x80xi32, #tpu.memory_space<vmem>>
        %dma_start3A_619 = tpu.memref_squeeze %dma_start3A_618 : memref<1x80xi32, #tpu.memory_space<vmem>> -> memref<80xi32, #tpu.memory_space<vmem>>
        %dma_start3A_620 = arith.constant 0 : i32
        %dma_start3A_621 = tpu.memref_slice %arg14[%dma_start3A_620] : memref<10000xf32, #tpu.memory_space<vmem_shared>> -> memref<10000xf32, #tpu.memory_space<vmem_shared>>
        tpu.enqueue_indirect_dma source(%dma_start3A_616 : memref<80xf32, #tpu.memory_space<vmem>>) target(%dma_start3A_621 : memref<10000xf32, #tpu.memory_space<vmem_shared>>) offsets(%dma_start3A_619 : memref<80xi32, #tpu.memory_space<vmem>>) semaphore(%arg28 : memref<!tpu.dma_semaphore, #tpu.memory_space<semaphore_mem>>) {add = true}
      } else {
      }
      %mul3A_517 = arith.constant 4 : i32
      %mul3A_518 = arith.muli %mul3A_517, %scan3A_447 : i32
      %add3A_519 = arith.constant 2 : i32
      %add3A_520 = arith.addi %mul3A_518, %add3A_519 : i32
      %lt3A_521 = arith.constant 125 : i32
      %lt3A_522 = arith.cmpi slt, %add3A_520, %lt3A_521 : i32
      %convert_element_type3A_523 = arith.extui %lt3A_522 : i1 to i32
      %cond3A_524 = arith.constant 0 : i32
      %cond3A_525 = arith.cmpi ne, %convert_element_type3A_523, %cond3A_524 : i32
      scf.if %cond3A_525 {
        %dma_wait3A_589 = arith.constant 2 : i32
        %dma_wait3A_590 = arith.constant 2 : i32
        %dma_wait3A_591 = arith.constant 0 : i32
        %dma_wait3A_592 = arith.constant 0 : i32
        %dma_wait3A_593 = tpu.memref_slice %arg10[%dma_wait3A_590, %dma_wait3A_591, %dma_wait3A_592] : memref<4x80x128xf32, #tpu.memory_space<vmem>> -> memref<1x80x128xf32, #tpu.memory_space<vmem>>
        %dma_wait3A_594 = tpu.memref_squeeze %dma_wait3A_593 : memref<1x80x128xf32, #tpu.memory_space<vmem>> -> memref<80x128xf32, #tpu.memory_space<vmem>>
        %dma_wait3A_595 = arith.constant 0 : i32
        %dma_wait3A_596 = tpu.memref_slice %arg8[%dma_wait3A_589, %dma_wait3A_595] : memref<4x80xi32, #tpu.memory_space<vmem>> -> memref<1x80xi32, #tpu.memory_space<vmem>>
        %dma_wait3A_597 = tpu.memref_squeeze %dma_wait3A_596 : memref<1x80xi32, #tpu.memory_space<vmem>> -> memref<80xi32, #tpu.memory_space<vmem>>
        %dma_wait3A_598 = arith.constant 0 : i32
        %dma_wait3A_599 = arith.constant 0 : i32
        %dma_wait3A_600 = tpu.memref_slice %arg2[%dma_wait3A_598, %dma_wait3A_599] : memref<10000x128xf32, #tpu.memory_space<hbm>> -> memref<10000x128xf32, #tpu.memory_space<hbm>>
        tpu.wait_indirect_dma semaphore(%arg25 : memref<!tpu.dma_semaphore, #tpu.memory_space<semaphore_mem>>) src(%dma_wait3A_600 : memref<10000x128xf32, #tpu.memory_space<hbm>>) dst(%dma_wait3A_594 : memref<80x128xf32, #tpu.memory_space<vmem>>)
      } else {
      }
      %ge3A_526 = arith.constant 1 : i32
      %ge3A_527 = arith.cmpi sge, %add3A_520, %ge3A_526 : i32
      %le3A_528 = arith.constant 125 : i32
      %le3A_529 = arith.cmpi sle, %add3A_520, %le3A_528 : i32
      %and3A_530 = arith.andi %ge3A_527, %le3A_529 : i1
      %convert_element_type3A_531 = arith.extui %and3A_530 : i1 to i32
      %cond3A_532 = arith.constant 0 : i32
      %cond3A_533 = arith.cmpi ne, %convert_element_type3A_531, %cond3A_532 : i32
      scf.if %cond3A_533 {
        %dma_wait3A_589 = arith.constant 1 : i32
        %dma_wait3A_590 = arith.constant 1 : i32
        %dma_wait3A_591 = arith.constant 0 : i32
        %dma_wait3A_592 = arith.constant 0 : i32
        %dma_wait3A_593 = tpu.memref_slice %arg10[%dma_wait3A_589, %dma_wait3A_591, %dma_wait3A_592] : memref<4x80x128xf32, #tpu.memory_space<vmem>> -> memref<1x80x128xf32, #tpu.memory_space<vmem>>
        %dma_wait3A_594 = tpu.memref_squeeze %dma_wait3A_593 : memref<1x80x128xf32, #tpu.memory_space<vmem>> -> memref<80x128xf32, #tpu.memory_space<vmem>>
        %dma_wait3A_595 = arith.constant 0 : i32
        %dma_wait3A_596 = tpu.memref_slice %arg9[%dma_wait3A_590, %dma_wait3A_595] : memref<4x80xi32, #tpu.memory_space<vmem>> -> memref<1x80xi32, #tpu.memory_space<vmem>>
        %dma_wait3A_597 = tpu.memref_squeeze %dma_wait3A_596 : memref<1x80xi32, #tpu.memory_space<vmem>> -> memref<80xi32, #tpu.memory_space<vmem>>
        %dma_wait3A_598 = arith.constant 0 : i32
        %dma_wait3A_599 = arith.constant 0 : i32
        %dma_wait3A_600 = tpu.memref_slice %arg13[%dma_wait3A_598, %dma_wait3A_599] : memref<10000x128xf32, #tpu.memory_space<vmem_shared>> -> memref<10000x128xf32, #tpu.memory_space<vmem_shared>>
        tpu.wait_indirect_dma semaphore(%arg28 : memref<!tpu.dma_semaphore, #tpu.memory_space<semaphore_mem>>) src(%dma_wait3A_594 : memref<80x128xf32, #tpu.memory_space<vmem>>) dst(%dma_wait3A_600 : memref<10000x128xf32, #tpu.memory_space<vmem_shared>>)
        %dma_wait3A_601 = arith.constant 0 : i32
        %dma_wait3A_602 = arith.constant 1 : i32
        %dma_wait3A_603 = arith.constant 0 : i32
        %dma_wait3A_604 = tpu.memref_slice %arg11[%dma_wait3A_601, %dma_wait3A_603] : memref<1x80xf32, #tpu.memory_space<vmem>> -> memref<1x80xf32, #tpu.memory_space<vmem>>
        %dma_wait3A_605 = tpu.memref_squeeze %dma_wait3A_604 : memref<1x80xf32, #tpu.memory_space<vmem>> -> memref<80xf32, #tpu.memory_space<vmem>>
        %dma_wait3A_606 = arith.constant 0 : i32
        %dma_wait3A_607 = tpu.memref_slice %arg9[%dma_wait3A_602, %dma_wait3A_606] : memref<4x80xi32, #tpu.memory_space<vmem>> -> memref<1x80xi32, #tpu.memory_space<vmem>>
        %dma_wait3A_608 = tpu.memref_squeeze %dma_wait3A_607 : memref<1x80xi32, #tpu.memory_space<vmem>> -> memref<80xi32, #tpu.memory_space<vmem>>
        %dma_wait3A_609 = arith.constant 0 : i32
        %dma_wait3A_610 = tpu.memref_slice %arg14[%dma_wait3A_609] : memref<10000xf32, #tpu.memory_space<vmem_shared>> -> memref<10000xf32, #tpu.memory_space<vmem_shared>>
        tpu.wait_indirect_dma semaphore(%arg28 : memref<!tpu.dma_semaphore, #tpu.memory_space<semaphore_mem>>) src(%dma_wait3A_605 : memref<80xf32, #tpu.memory_space<vmem>>) dst(%dma_wait3A_610 : memref<10000xf32, #tpu.memory_space<vmem_shared>>)
      } else {
      }
      %add3A_534 = arith.constant 3 : i32
      %add3A_535 = arith.addi %add3A_520, %add3A_534 : i32
      %lt3A_536 = arith.constant 125 : i32
      %lt3A_537 = arith.cmpi slt, %add3A_535, %lt3A_536 : i32
      %convert_element_type3A_538 = arith.extui %lt3A_537 : i1 to i32
      %cond3A_539 = arith.constant 0 : i32
      %cond3A_540 = arith.cmpi ne, %convert_element_type3A_538, %cond3A_539 : i32
      scf.if %cond3A_540 {
        %dma_wait3A_589 = arith.constant 1 : i32
        %dma_wait3A_590 = arith.constant 0 : i32
        %dma_wait3A_591 = tpu.memref_slice %arg8[%dma_wait3A_589, %dma_wait3A_590] : memref<4x80xi32, #tpu.memory_space<vmem>> -> memref<1x80xi32, #tpu.memory_space<vmem>>
        %dma_wait3A_592 = tpu.memref_squeeze %dma_wait3A_591 : memref<1x80xi32, #tpu.memory_space<vmem>> -> memref<80xi32, #tpu.memory_space<vmem>>
        %dma_wait3A_593 = arith.constant 0 : i32
        %dma_wait3A_594 = tpu.memref_slice %arg3[%dma_wait3A_593] : memref<320000xi32, #tpu.memory_space<hbm>> -> memref<80xi32, #tpu.memory_space<hbm>>
        %dma_wait3A_595 = arith.constant 0 : i32
        %dma_wait3A_596 = tpu.memref_slice %arg8[%dma_wait3A_589, %dma_wait3A_595] : memref<4x80xi32, #tpu.memory_space<vmem>> -> memref<1x80xi32, #tpu.memory_space<vmem>>
        %dma_wait3A_597 = tpu.memref_squeeze %dma_wait3A_596 : memref<1x80xi32, #tpu.memory_space<vmem>> -> memref<80xi32, #tpu.memory_space<vmem>>
        %dma_wait3A_598 = arith.constant 0 : i32
        %dma_wait3A_599 = tpu.memref_slice %arg3[%dma_wait3A_598] : memref<320000xi32, #tpu.memory_space<hbm>> -> memref<80xi32, #tpu.memory_space<hbm>>
        tpu.wait_dma2 semaphore(%arg16 : memref<!tpu.dma_semaphore, #tpu.memory_space<semaphore_mem>>) src(%dma_wait3A_599 : memref<80xi32, #tpu.memory_space<hbm>>) dst(%dma_wait3A_597 : memref<80xi32, #tpu.memory_space<vmem>>)
        %dma_start3A_600 = arith.constant 1 : i32
        %dma_start3A_601 = arith.constant 1 : i32
        %dma_start3A_602 = arith.constant 0 : i32
        %dma_start3A_603 = arith.constant 0 : i32
        %dma_start3A_604 = tpu.memref_slice %arg10[%dma_start3A_601, %dma_start3A_602, %dma_start3A_603] : memref<4x80x128xf32, #tpu.memory_space<vmem>> -> memref<1x80x128xf32, #tpu.memory_space<vmem>>
        %dma_start3A_605 = tpu.memref_squeeze %dma_start3A_604 : memref<1x80x128xf32, #tpu.memory_space<vmem>> -> memref<80x128xf32, #tpu.memory_space<vmem>>
        %dma_start3A_606 = arith.constant 0 : i32
        %dma_start3A_607 = tpu.memref_slice %arg8[%dma_start3A_600, %dma_start3A_606] : memref<4x80xi32, #tpu.memory_space<vmem>> -> memref<1x80xi32, #tpu.memory_space<vmem>>
        %dma_start3A_608 = tpu.memref_squeeze %dma_start3A_607 : memref<1x80xi32, #tpu.memory_space<vmem>> -> memref<80xi32, #tpu.memory_space<vmem>>
        %dma_start3A_609 = arith.constant 0 : i32
        %dma_start3A_610 = arith.constant 0 : i32
        %dma_start3A_611 = tpu.memref_slice %arg2[%dma_start3A_609, %dma_start3A_610] : memref<10000x128xf32, #tpu.memory_space<hbm>> -> memref<10000x128xf32, #tpu.memory_space<hbm>>
        tpu.enqueue_indirect_dma source(%dma_start3A_611 : memref<10000x128xf32, #tpu.memory_space<hbm>>) target(%dma_start3A_605 : memref<80x128xf32, #tpu.memory_space<vmem>>) offsets(%dma_start3A_608 : memref<80xi32, #tpu.memory_space<vmem>>) semaphore(%arg24 : memref<!tpu.dma_semaphore, #tpu.memory_space<semaphore_mem>>)
        %add3A_612 = arith.constant 3 : i32
        %add3A_613 = arith.addi %add3A_520, %add3A_612 : i32
        %mul3A_614 = arith.constant 80 : i32
        %mul3A_615 = arith.muli %add3A_613, %mul3A_614 : i32
        %add3A_616 = arith.addi %add3A, %mul3A_615 : i32
        %dma_start3A_617 = arith.constant 1 : i32
        %dma_start3A_618 = arith.constant 0 : i32
        %dma_start3A_619 = tpu.memref_slice %arg9[%dma_start3A_617, %dma_start3A_618] : memref<4x80xi32, #tpu.memory_space<vmem>> -> memref<1x80xi32, #tpu.memory_space<vmem>>
        %dma_start3A_620 = tpu.memref_squeeze %dma_start3A_619 : memref<1x80xi32, #tpu.memory_space<vmem>> -> memref<80xi32, #tpu.memory_space<vmem>>
        %dma_start3A_621 = tpu.memref_slice %arg4[%add3A_616] : memref<320000xi32, #tpu.memory_space<hbm>> -> memref<80xi32, #tpu.memory_space<hbm>>
        %dma_start3A_622 = arith.constant 0 : i32
        %dma_start3A_623 = tpu.memref_slice %arg9[%dma_start3A_617, %dma_start3A_622] : memref<4x80xi32, #tpu.memory_space<vmem>> -> memref<1x80xi32, #tpu.memory_space<vmem>>
        %dma_start3A_624 = tpu.memref_squeeze %dma_start3A_623 : memref<1x80xi32, #tpu.memory_space<vmem>> -> memref<80xi32, #tpu.memory_space<vmem>>
        %dma_start3A_625 = tpu.memref_slice %arg4[%add3A_616] : memref<320000xi32, #tpu.memory_space<hbm>> -> memref<80xi32, #tpu.memory_space<hbm>>
        tpu.enqueue_dma source(%dma_start3A_625 : memref<80xi32, #tpu.memory_space<hbm>>) target(%dma_start3A_624 : memref<80xi32, #tpu.memory_space<vmem>>) target_semaphore(%arg20 : memref<!tpu.dma_semaphore, #tpu.memory_space<semaphore_mem>>)
      } else {
      }
      %add3A_541 = arith.constant 4 : i32
      %add3A_542 = arith.addi %add3A_520, %add3A_541 : i32
      %lt3A_543 = arith.constant 125 : i32
      %lt3A_544 = arith.cmpi slt, %add3A_542, %lt3A_543 : i32
      %convert_element_type3A_545 = arith.extui %lt3A_544 : i1 to i32
      %cond3A_546 = arith.constant 0 : i32
      %cond3A_547 = arith.cmpi ne, %convert_element_type3A_545, %cond3A_546 : i32
      scf.if %cond3A_547 {
        %add3A_589 = arith.constant 4 : i32
        %add3A_590 = arith.addi %add3A_520, %add3A_589 : i32
        %mul3A_591 = arith.constant 80 : i32
        %mul3A_592 = arith.muli %add3A_590, %mul3A_591 : i32
        %add3A_593 = arith.addi %add3A, %mul3A_592 : i32
        %dma_start3A_594 = arith.constant 2 : i32
        %dma_start3A_595 = arith.constant 0 : i32
        %dma_start3A_596 = tpu.memref_slice %arg8[%dma_start3A_594, %dma_start3A_595] : memref<4x80xi32, #tpu.memory_space<vmem>> -> memref<1x80xi32, #tpu.memory_space<vmem>>
        %dma_start3A_597 = tpu.memref_squeeze %dma_start3A_596 : memref<1x80xi32, #tpu.memory_space<vmem>> -> memref<80xi32, #tpu.memory_space<vmem>>
        %dma_start3A_598 = tpu.memref_slice %arg3[%add3A_593] : memref<320000xi32, #tpu.memory_space<hbm>> -> memref<80xi32, #tpu.memory_space<hbm>>
        %dma_start3A_599 = arith.constant 0 : i32
        %dma_start3A_600 = tpu.memref_slice %arg8[%dma_start3A_594, %dma_start3A_599] : memref<4x80xi32, #tpu.memory_space<vmem>> -> memref<1x80xi32, #tpu.memory_space<vmem>>
        %dma_start3A_601 = tpu.memref_squeeze %dma_start3A_600 : memref<1x80xi32, #tpu.memory_space<vmem>> -> memref<80xi32, #tpu.memory_space<vmem>>
        %dma_start3A_602 = tpu.memref_slice %arg3[%add3A_593] : memref<320000xi32, #tpu.memory_space<hbm>> -> memref<80xi32, #tpu.memory_space<hbm>>
        tpu.enqueue_dma source(%dma_start3A_602 : memref<80xi32, #tpu.memory_space<hbm>>) target(%dma_start3A_601 : memref<80xi32, #tpu.memory_space<vmem>>) target_semaphore(%arg17 : memref<!tpu.dma_semaphore, #tpu.memory_space<semaphore_mem>>)
      } else {
      }
      %lt3A_548 = arith.constant 125 : i32
      %lt3A_549 = arith.cmpi slt, %add3A_520, %lt3A_548 : i32
      %convert_element_type3A_550 = arith.extui %lt3A_549 : i1 to i32
      %cond3A_551 = arith.constant 0 : i32
      %cond3A_552 = arith.cmpi ne, %convert_element_type3A_550, %cond3A_551 : i32
      scf.if %cond3A_552 {
        %dma_wait3A_589 = arith.constant 2 : i32
        %dma_wait3A_590 = arith.constant 0 : i32
        %dma_wait3A_591 = tpu.memref_slice %arg9[%dma_wait3A_589, %dma_wait3A_590] : memref<4x80xi32, #tpu.memory_space<vmem>> -> memref<1x80xi32, #tpu.memory_space<vmem>>
        %dma_wait3A_592 = tpu.memref_squeeze %dma_wait3A_591 : memref<1x80xi32, #tpu.memory_space<vmem>> -> memref<80xi32, #tpu.memory_space<vmem>>
        %dma_wait3A_593 = arith.constant 0 : i32
        %dma_wait3A_594 = tpu.memref_slice %arg4[%dma_wait3A_593] : memref<320000xi32, #tpu.memory_space<hbm>> -> memref<80xi32, #tpu.memory_space<hbm>>
        %dma_wait3A_595 = arith.constant 0 : i32
        %dma_wait3A_596 = tpu.memref_slice %arg9[%dma_wait3A_589, %dma_wait3A_595] : memref<4x80xi32, #tpu.memory_space<vmem>> -> memref<1x80xi32, #tpu.memory_space<vmem>>
        %dma_wait3A_597 = tpu.memref_squeeze %dma_wait3A_596 : memref<1x80xi32, #tpu.memory_space<vmem>> -> memref<80xi32, #tpu.memory_space<vmem>>
        %dma_wait3A_598 = arith.constant 0 : i32
        %dma_wait3A_599 = tpu.memref_slice %arg4[%dma_wait3A_598] : memref<320000xi32, #tpu.memory_space<hbm>> -> memref<80xi32, #tpu.memory_space<hbm>>
        tpu.wait_dma2 semaphore(%arg21 : memref<!tpu.dma_semaphore, #tpu.memory_space<semaphore_mem>>) src(%dma_wait3A_599 : memref<80xi32, #tpu.memory_space<hbm>>) dst(%dma_wait3A_597 : memref<80xi32, #tpu.memory_space<vmem>>)
        %dma_start3A_600 = arith.constant 2 : i32
        %dma_start3A_601 = arith.constant 2 : i32
        %dma_start3A_602 = arith.constant 0 : i32
        %dma_start3A_603 = arith.constant 0 : i32
        %dma_start3A_604 = tpu.memref_slice %arg10[%dma_start3A_600, %dma_start3A_602, %dma_start3A_603] : memref<4x80x128xf32, #tpu.memory_space<vmem>> -> memref<1x80x128xf32, #tpu.memory_space<vmem>>
        %dma_start3A_605 = tpu.memref_squeeze %dma_start3A_604 : memref<1x80x128xf32, #tpu.memory_space<vmem>> -> memref<80x128xf32, #tpu.memory_space<vmem>>
        %dma_start3A_606 = arith.constant 0 : i32
        %dma_start3A_607 = tpu.memref_slice %arg9[%dma_start3A_601, %dma_start3A_606] : memref<4x80xi32, #tpu.memory_space<vmem>> -> memref<1x80xi32, #tpu.memory_space<vmem>>
        %dma_start3A_608 = tpu.memref_squeeze %dma_start3A_607 : memref<1x80xi32, #tpu.memory_space<vmem>> -> memref<80xi32, #tpu.memory_space<vmem>>
        %dma_start3A_609 = arith.constant 0 : i32
        %dma_start3A_610 = arith.constant 0 : i32
        %dma_start3A_611 = tpu.memref_slice %arg13[%dma_start3A_609, %dma_start3A_610] : memref<10000x128xf32, #tpu.memory_space<vmem_shared>> -> memref<10000x128xf32, #tpu.memory_space<vmem_shared>>
        tpu.enqueue_indirect_dma source(%dma_start3A_605 : memref<80x128xf32, #tpu.memory_space<vmem>>) target(%dma_start3A_611 : memref<10000x128xf32, #tpu.memory_space<vmem_shared>>) offsets(%dma_start3A_608 : memref<80xi32, #tpu.memory_space<vmem>>) semaphore(%arg29 : memref<!tpu.dma_semaphore, #tpu.memory_space<semaphore_mem>>) {add = true}
        %dma_start3A_612 = arith.constant 0 : i32
        %dma_start3A_613 = arith.constant 2 : i32
        %dma_start3A_614 = arith.constant 0 : i32
        %dma_start3A_615 = tpu.memref_slice %arg11[%dma_start3A_612, %dma_start3A_614] : memref<1x80xf32, #tpu.memory_space<vmem>> -> memref<1x80xf32, #tpu.memory_space<vmem>>
        %dma_start3A_616 = tpu.memref_squeeze %dma_start3A_615 : memref<1x80xf32, #tpu.memory_space<vmem>> -> memref<80xf32, #tpu.memory_space<vmem>>
        %dma_start3A_617 = arith.constant 0 : i32
        %dma_start3A_618 = tpu.memref_slice %arg9[%dma_start3A_613, %dma_start3A_617] : memref<4x80xi32, #tpu.memory_space<vmem>> -> memref<1x80xi32, #tpu.memory_space<vmem>>
        %dma_start3A_619 = tpu.memref_squeeze %dma_start3A_618 : memref<1x80xi32, #tpu.memory_space<vmem>> -> memref<80xi32, #tpu.memory_space<vmem>>
        %dma_start3A_620 = arith.constant 0 : i32
        %dma_start3A_621 = tpu.memref_slice %arg14[%dma_start3A_620] : memref<10000xf32, #tpu.memory_space<vmem_shared>> -> memref<10000xf32, #tpu.memory_space<vmem_shared>>
        tpu.enqueue_indirect_dma source(%dma_start3A_616 : memref<80xf32, #tpu.memory_space<vmem>>) target(%dma_start3A_621 : memref<10000xf32, #tpu.memory_space<vmem_shared>>) offsets(%dma_start3A_619 : memref<80xi32, #tpu.memory_space<vmem>>) semaphore(%arg29 : memref<!tpu.dma_semaphore, #tpu.memory_space<semaphore_mem>>) {add = true}
      } else {
      }
      %mul3A_553 = arith.constant 4 : i32
      %mul3A_554 = arith.muli %mul3A_553, %scan3A_447 : i32
      %add3A_555 = arith.constant 3 : i32
      %add3A_556 = arith.addi %mul3A_554, %add3A_555 : i32
      %lt3A_557 = arith.constant 125 : i32
      %lt3A_558 = arith.cmpi slt, %add3A_556, %lt3A_557 : i32
      %convert_element_type3A_559 = arith.extui %lt3A_558 : i1 to i32
      %cond3A_560 = arith.constant 0 : i32
      %cond3A_561 = arith.cmpi ne, %convert_element_type3A_559, %cond3A_560 : i32
      scf.if %cond3A_561 {
        %dma_wait3A_589 = arith.constant 3 : i32
        %dma_wait3A_590 = arith.constant 3 : i32
        %dma_wait3A_591 = arith.constant 0 : i32
        %dma_wait3A_592 = arith.constant 0 : i32
        %dma_wait3A_593 = tpu.memref_slice %arg10[%dma_wait3A_590, %dma_wait3A_591, %dma_wait3A_592] : memref<4x80x128xf32, #tpu.memory_space<vmem>> -> memref<1x80x128xf32, #tpu.memory_space<vmem>>
        %dma_wait3A_594 = tpu.memref_squeeze %dma_wait3A_593 : memref<1x80x128xf32, #tpu.memory_space<vmem>> -> memref<80x128xf32, #tpu.memory_space<vmem>>
        %dma_wait3A_595 = arith.constant 0 : i32
        %dma_wait3A_596 = tpu.memref_slice %arg8[%dma_wait3A_589, %dma_wait3A_595] : memref<4x80xi32, #tpu.memory_space<vmem>> -> memref<1x80xi32, #tpu.memory_space<vmem>>
        %dma_wait3A_597 = tpu.memref_squeeze %dma_wait3A_596 : memref<1x80xi32, #tpu.memory_space<vmem>> -> memref<80xi32, #tpu.memory_space<vmem>>
        %dma_wait3A_598 = arith.constant 0 : i32
        %dma_wait3A_599 = arith.constant 0 : i32
        %dma_wait3A_600 = tpu.memref_slice %arg2[%dma_wait3A_598, %dma_wait3A_599] : memref<10000x128xf32, #tpu.memory_space<hbm>> -> memref<10000x128xf32, #tpu.memory_space<hbm>>
        tpu.wait_indirect_dma semaphore(%arg26 : memref<!tpu.dma_semaphore, #tpu.memory_space<semaphore_mem>>) src(%dma_wait3A_600 : memref<10000x128xf32, #tpu.memory_space<hbm>>) dst(%dma_wait3A_594 : memref<80x128xf32, #tpu.memory_space<vmem>>)
      } else {
      }
      %ge3A_562 = arith.constant 1 : i32
      %ge3A_563 = arith.cmpi sge, %add3A_556, %ge3A_562 : i32
      %le3A_564 = arith.constant 125 : i32
      %le3A_565 = arith.cmpi sle, %add3A_556, %le3A_564 : i32
      %and3A_566 = arith.andi %ge3A_563, %le3A_565 : i1
      %convert_element_type3A_567 = arith.extui %and3A_566 : i1 to i32
      %cond3A_568 = arith.constant 0 : i32
      %cond3A_569 = arith.cmpi ne, %convert_element_type3A_567, %cond3A_568 : i32
      scf.if %cond3A_569 {
        %dma_wait3A_589 = arith.constant 2 : i32
        %dma_wait3A_590 = arith.constant 2 : i32
        %dma_wait3A_591 = arith.constant 0 : i32
        %dma_wait3A_592 = arith.constant 0 : i32
        %dma_wait3A_593 = tpu.memref_slice %arg10[%dma_wait3A_589, %dma_wait3A_591, %dma_wait3A_592] : memref<4x80x128xf32, #tpu.memory_space<vmem>> -> memref<1x80x128xf32, #tpu.memory_space<vmem>>
        %dma_wait3A_594 = tpu.memref_squeeze %dma_wait3A_593 : memref<1x80x128xf32, #tpu.memory_space<vmem>> -> memref<80x128xf32, #tpu.memory_space<vmem>>
        %dma_wait3A_595 = arith.constant 0 : i32
        %dma_wait3A_596 = tpu.memref_slice %arg9[%dma_wait3A_590, %dma_wait3A_595] : memref<4x80xi32, #tpu.memory_space<vmem>> -> memref<1x80xi32, #tpu.memory_space<vmem>>
        %dma_wait3A_597 = tpu.memref_squeeze %dma_wait3A_596 : memref<1x80xi32, #tpu.memory_space<vmem>> -> memref<80xi32, #tpu.memory_space<vmem>>
        %dma_wait3A_598 = arith.constant 0 : i32
        %dma_wait3A_599 = arith.constant 0 : i32
        %dma_wait3A_600 = tpu.memref_slice %arg13[%dma_wait3A_598, %dma_wait3A_599] : memref<10000x128xf32, #tpu.memory_space<vmem_shared>> -> memref<10000x128xf32, #tpu.memory_space<vmem_shared>>
        tpu.wait_indirect_dma semaphore(%arg29 : memref<!tpu.dma_semaphore, #tpu.memory_space<semaphore_mem>>) src(%dma_wait3A_594 : memref<80x128xf32, #tpu.memory_space<vmem>>) dst(%dma_wait3A_600 : memref<10000x128xf32, #tpu.memory_space<vmem_shared>>)
        %dma_wait3A_601 = arith.constant 0 : i32
        %dma_wait3A_602 = arith.constant 2 : i32
        %dma_wait3A_603 = arith.constant 0 : i32
        %dma_wait3A_604 = tpu.memref_slice %arg11[%dma_wait3A_601, %dma_wait3A_603] : memref<1x80xf32, #tpu.memory_space<vmem>> -> memref<1x80xf32, #tpu.memory_space<vmem>>
        %dma_wait3A_605 = tpu.memref_squeeze %dma_wait3A_604 : memref<1x80xf32, #tpu.memory_space<vmem>> -> memref<80xf32, #tpu.memory_space<vmem>>
        %dma_wait3A_606 = arith.constant 0 : i32
        %dma_wait3A_607 = tpu.memref_slice %arg9[%dma_wait3A_602, %dma_wait3A_606] : memref<4x80xi32, #tpu.memory_space<vmem>> -> memref<1x80xi32, #tpu.memory_space<vmem>>
        %dma_wait3A_608 = tpu.memref_squeeze %dma_wait3A_607 : memref<1x80xi32, #tpu.memory_space<vmem>> -> memref<80xi32, #tpu.memory_space<vmem>>
        %dma_wait3A_609 = arith.constant 0 : i32
        %dma_wait3A_610 = tpu.memref_slice %arg14[%dma_wait3A_609] : memref<10000xf32, #tpu.memory_space<vmem_shared>> -> memref<10000xf32, #tpu.memory_space<vmem_shared>>
        tpu.wait_indirect_dma semaphore(%arg29 : memref<!tpu.dma_semaphore, #tpu.memory_space<semaphore_mem>>) src(%dma_wait3A_605 : memref<80xf32, #tpu.memory_space<vmem>>) dst(%dma_wait3A_610 : memref<10000xf32, #tpu.memory_space<vmem_shared>>)
      } else {
      }
      %add3A_570 = arith.constant 3 : i32
      %add3A_571 = arith.addi %add3A_556, %add3A_570 : i32
      %lt3A_572 = arith.constant 125 : i32
      %lt3A_573 = arith.cmpi slt, %add3A_571, %lt3A_572 : i32
      %convert_element_type3A_574 = arith.extui %lt3A_573 : i1 to i32
      %cond3A_575 = arith.constant 0 : i32
      %cond3A_576 = arith.cmpi ne, %convert_element_type3A_574, %cond3A_575 : i32
      scf.if %cond3A_576 {
        %dma_wait3A_589 = arith.constant 2 : i32
        %dma_wait3A_590 = arith.constant 0 : i32
        %dma_wait3A_591 = tpu.memref_slice %arg8[%dma_wait3A_589, %dma_wait3A_590] : memref<4x80xi32, #tpu.memory_space<vmem>> -> memref<1x80xi32, #tpu.memory_space<vmem>>
        %dma_wait3A_592 = tpu.memref_squeeze %dma_wait3A_591 : memref<1x80xi32, #tpu.memory_space<vmem>> -> memref<80xi32, #tpu.memory_space<vmem>>
        %dma_wait3A_593 = arith.constant 0 : i32
        %dma_wait3A_594 = tpu.memref_slice %arg3[%dma_wait3A_593] : memref<320000xi32, #tpu.memory_space<hbm>> -> memref<80xi32, #tpu.memory_space<hbm>>
        %dma_wait3A_595 = arith.constant 0 : i32
        %dma_wait3A_596 = tpu.memref_slice %arg8[%dma_wait3A_589, %dma_wait3A_595] : memref<4x80xi32, #tpu.memory_space<vmem>> -> memref<1x80xi32, #tpu.memory_space<vmem>>
        %dma_wait3A_597 = tpu.memref_squeeze %dma_wait3A_596 : memref<1x80xi32, #tpu.memory_space<vmem>> -> memref<80xi32, #tpu.memory_space<vmem>>
        %dma_wait3A_598 = arith.constant 0 : i32
        %dma_wait3A_599 = tpu.memref_slice %arg3[%dma_wait3A_598] : memref<320000xi32, #tpu.memory_space<hbm>> -> memref<80xi32, #tpu.memory_space<hbm>>
        tpu.wait_dma2 semaphore(%arg17 : memref<!tpu.dma_semaphore, #tpu.memory_space<semaphore_mem>>) src(%dma_wait3A_599 : memref<80xi32, #tpu.memory_space<hbm>>) dst(%dma_wait3A_597 : memref<80xi32, #tpu.memory_space<vmem>>)
        %dma_start3A_600 = arith.constant 2 : i32
        %dma_start3A_601 = arith.constant 2 : i32
        %dma_start3A_602 = arith.constant 0 : i32
        %dma_start3A_603 = arith.constant 0 : i32
        %dma_start3A_604 = tpu.memref_slice %arg10[%dma_start3A_601, %dma_start3A_602, %dma_start3A_603] : memref<4x80x128xf32, #tpu.memory_space<vmem>> -> memref<1x80x128xf32, #tpu.memory_space<vmem>>
        %dma_start3A_605 = tpu.memref_squeeze %dma_start3A_604 : memref<1x80x128xf32, #tpu.memory_space<vmem>> -> memref<80x128xf32, #tpu.memory_space<vmem>>
        %dma_start3A_606 = arith.constant 0 : i32
        %dma_start3A_607 = tpu.memref_slice %arg8[%dma_start3A_600, %dma_start3A_606] : memref<4x80xi32, #tpu.memory_space<vmem>> -> memref<1x80xi32, #tpu.memory_space<vmem>>
        %dma_start3A_608 = tpu.memref_squeeze %dma_start3A_607 : memref<1x80xi32, #tpu.memory_space<vmem>> -> memref<80xi32, #tpu.memory_space<vmem>>
        %dma_start3A_609 = arith.constant 0 : i32
        %dma_start3A_610 = arith.constant 0 : i32
        %dma_start3A_611 = tpu.memref_slice %arg2[%dma_start3A_609, %dma_start3A_610] : memref<10000x128xf32, #tpu.memory_space<hbm>> -> memref<10000x128xf32, #tpu.memory_space<hbm>>
        tpu.enqueue_indirect_dma source(%dma_start3A_611 : memref<10000x128xf32, #tpu.memory_space<hbm>>) target(%dma_start3A_605 : memref<80x128xf32, #tpu.memory_space<vmem>>) offsets(%dma_start3A_608 : memref<80xi32, #tpu.memory_space<vmem>>) semaphore(%arg25 : memref<!tpu.dma_semaphore, #tpu.memory_space<semaphore_mem>>)
        %add3A_612 = arith.constant 3 : i32
        %add3A_613 = arith.addi %add3A_556, %add3A_612 : i32
        %mul3A_614 = arith.constant 80 : i32
        %mul3A_615 = arith.muli %add3A_613, %mul3A_614 : i32
        %add3A_616 = arith.addi %add3A, %mul3A_615 : i32
        %dma_start3A_617 = arith.constant 2 : i32
        %dma_start3A_618 = arith.constant 0 : i32
        %dma_start3A_619 = tpu.memref_slice %arg9[%dma_start3A_617, %dma_start3A_618] : memref<4x80xi32, #tpu.memory_space<vmem>> -> memref<1x80xi32, #tpu.memory_space<vmem>>
        %dma_start3A_620 = tpu.memref_squeeze %dma_start3A_619 : memref<1x80xi32, #tpu.memory_space<vmem>> -> memref<80xi32, #tpu.memory_space<vmem>>
        %dma_start3A_621 = tpu.memref_slice %arg4[%add3A_616] : memref<320000xi32, #tpu.memory_space<hbm>> -> memref<80xi32, #tpu.memory_space<hbm>>
        %dma_start3A_622 = arith.constant 0 : i32
        %dma_start3A_623 = tpu.memref_slice %arg9[%dma_start3A_617, %dma_start3A_622] : memref<4x80xi32, #tpu.memory_space<vmem>> -> memref<1x80xi32, #tpu.memory_space<vmem>>
        %dma_start3A_624 = tpu.memref_squeeze %dma_start3A_623 : memref<1x80xi32, #tpu.memory_space<vmem>> -> memref<80xi32, #tpu.memory_space<vmem>>
        %dma_start3A_625 = tpu.memref_slice %arg4[%add3A_616] : memref<320000xi32, #tpu.memory_space<hbm>> -> memref<80xi32, #tpu.memory_space<hbm>>
        tpu.enqueue_dma source(%dma_start3A_625 : memref<80xi32, #tpu.memory_space<hbm>>) target(%dma_start3A_624 : memref<80xi32, #tpu.memory_space<vmem>>) target_semaphore(%arg21 : memref<!tpu.dma_semaphore, #tpu.memory_space<semaphore_mem>>)
      } else {
      }
      %add3A_577 = arith.constant 4 : i32
      %add3A_578 = arith.addi %add3A_556, %add3A_577 : i32
      %lt3A_579 = arith.constant 125 : i32
      %lt3A_580 = arith.cmpi slt, %add3A_578, %lt3A_579 : i32
      %convert_element_type3A_581 = arith.extui %lt3A_580 : i1 to i32
      %cond3A_582 = arith.constant 0 : i32
      %cond3A_583 = arith.cmpi ne, %convert_element_type3A_581, %cond3A_582 : i32
      scf.if %cond3A_583 {
        %add3A_589 = arith.constant 4 : i32
        %add3A_590 = arith.addi %add3A_556, %add3A_589 : i32
        %mul3A_591 = arith.constant 80 : i32
        %mul3A_592 = arith.muli %add3A_590, %mul3A_591 : i32
        %add3A_593 = arith.addi %add3A, %mul3A_592 : i32
        %dma_start3A_594 = arith.constant 3 : i32
        %dma_start3A_595 = arith.constant 0 : i32
        %dma_start3A_596 = tpu.memref_slice %arg8[%dma_start3A_594, %dma_start3A_595] : memref<4x80xi32, #tpu.memory_space<vmem>> -> memref<1x80xi32, #tpu.memory_space<vmem>>
        %dma_start3A_597 = tpu.memref_squeeze %dma_start3A_596 : memref<1x80xi32, #tpu.memory_space<vmem>> -> memref<80xi32, #tpu.memory_space<vmem>>
        %dma_start3A_598 = tpu.memref_slice %arg3[%add3A_593] : memref<320000xi32, #tpu.memory_space<hbm>> -> memref<80xi32, #tpu.memory_space<hbm>>
        %dma_start3A_599 = arith.constant 0 : i32
        %dma_start3A_600 = tpu.memref_slice %arg8[%dma_start3A_594, %dma_start3A_599] : memref<4x80xi32, #tpu.memory_space<vmem>> -> memref<1x80xi32, #tpu.memory_space<vmem>>
        %dma_start3A_601 = tpu.memref_squeeze %dma_start3A_600 : memref<1x80xi32, #tpu.memory_space<vmem>> -> memref<80xi32, #tpu.memory_space<vmem>>
        %dma_start3A_602 = tpu.memref_slice %arg3[%add3A_593] : memref<320000xi32, #tpu.memory_space<hbm>> -> memref<80xi32, #tpu.memory_space<hbm>>
        tpu.enqueue_dma source(%dma_start3A_602 : memref<80xi32, #tpu.memory_space<hbm>>) target(%dma_start3A_601 : memref<80xi32, #tpu.memory_space<vmem>>) target_semaphore(%arg18 : memref<!tpu.dma_semaphore, #tpu.memory_space<semaphore_mem>>)
      } else {
      }
      %lt3A_584 = arith.constant 125 : i32
      %lt3A_585 = arith.cmpi slt, %add3A_556, %lt3A_584 : i32
      %convert_element_type3A_586 = arith.extui %lt3A_585 : i1 to i32
      %cond3A_587 = arith.constant 0 : i32
      %cond3A_588 = arith.cmpi ne, %convert_element_type3A_586, %cond3A_587 : i32
      scf.if %cond3A_588 {
        %dma_wait3A_589 = arith.constant 3 : i32
        %dma_wait3A_590 = arith.constant 0 : i32
        %dma_wait3A_591 = tpu.memref_slice %arg9[%dma_wait3A_589, %dma_wait3A_590] : memref<4x80xi32, #tpu.memory_space<vmem>> -> memref<1x80xi32, #tpu.memory_space<vmem>>
        %dma_wait3A_592 = tpu.memref_squeeze %dma_wait3A_591 : memref<1x80xi32, #tpu.memory_space<vmem>> -> memref<80xi32, #tpu.memory_space<vmem>>
        %dma_wait3A_593 = arith.constant 0 : i32
        %dma_wait3A_594 = tpu.memref_slice %arg4[%dma_wait3A_593] : memref<320000xi32, #tpu.memory_space<hbm>> -> memref<80xi32, #tpu.memory_space<hbm>>
        %dma_wait3A_595 = arith.constant 0 : i32
        %dma_wait3A_596 = tpu.memref_slice %arg9[%dma_wait3A_589, %dma_wait3A_595] : memref<4x80xi32, #tpu.memory_space<vmem>> -> memref<1x80xi32, #tpu.memory_space<vmem>>
        %dma_wait3A_597 = tpu.memref_squeeze %dma_wait3A_596 : memref<1x80xi32, #tpu.memory_space<vmem>> -> memref<80xi32, #tpu.memory_space<vmem>>
        %dma_wait3A_598 = arith.constant 0 : i32
        %dma_wait3A_599 = tpu.memref_slice %arg4[%dma_wait3A_598] : memref<320000xi32, #tpu.memory_space<hbm>> -> memref<80xi32, #tpu.memory_space<hbm>>
        tpu.wait_dma2 semaphore(%arg22 : memref<!tpu.dma_semaphore, #tpu.memory_space<semaphore_mem>>) src(%dma_wait3A_599 : memref<80xi32, #tpu.memory_space<hbm>>) dst(%dma_wait3A_597 : memref<80xi32, #tpu.memory_space<vmem>>)
        %dma_start3A_600 = arith.constant 3 : i32
        %dma_start3A_601 = arith.constant 3 : i32
        %dma_start3A_602 = arith.constant 0 : i32
        %dma_start3A_603 = arith.constant 0 : i32
        %dma_start3A_604 = tpu.memref_slice %arg10[%dma_start3A_600, %dma_start3A_602, %dma_start3A_603] : memref<4x80x128xf32, #tpu.memory_space<vmem>> -> memref<1x80x128xf32, #tpu.memory_space<vmem>>
        %dma_start3A_605 = tpu.memref_squeeze %dma_start3A_604 : memref<1x80x128xf32, #tpu.memory_space<vmem>> -> memref<80x128xf32, #tpu.memory_space<vmem>>
        %dma_start3A_606 = arith.constant 0 : i32
        %dma_start3A_607 = tpu.memref_slice %arg9[%dma_start3A_601, %dma_start3A_606] : memref<4x80xi32, #tpu.memory_space<vmem>> -> memref<1x80xi32, #tpu.memory_space<vmem>>
        %dma_start3A_608 = tpu.memref_squeeze %dma_start3A_607 : memref<1x80xi32, #tpu.memory_space<vmem>> -> memref<80xi32, #tpu.memory_space<vmem>>
        %dma_start3A_609 = arith.constant 0 : i32
        %dma_start3A_610 = arith.constant 0 : i32
        %dma_start3A_611 = tpu.memref_slice %arg13[%dma_start3A_609, %dma_start3A_610] : memref<10000x128xf32, #tpu.memory_space<vmem_shared>> -> memref<10000x128xf32, #tpu.memory_space<vmem_shared>>
        tpu.enqueue_indirect_dma source(%dma_start3A_605 : memref<80x128xf32, #tpu.memory_space<vmem>>) target(%dma_start3A_611 : memref<10000x128xf32, #tpu.memory_space<vmem_shared>>) offsets(%dma_start3A_608 : memref<80xi32, #tpu.memory_space<vmem>>) semaphore(%arg30 : memref<!tpu.dma_semaphore, #tpu.memory_space<semaphore_mem>>) {add = true}
        %dma_start3A_612 = arith.constant 0 : i32
        %dma_start3A_613 = arith.constant 3 : i32
        %dma_start3A_614 = arith.constant 0 : i32
        %dma_start3A_615 = tpu.memref_slice %arg11[%dma_start3A_612, %dma_start3A_614] : memref<1x80xf32, #tpu.memory_space<vmem>> -> memref<1x80xf32, #tpu.memory_space<vmem>>
        %dma_start3A_616 = tpu.memref_squeeze %dma_start3A_615 : memref<1x80xf32, #tpu.memory_space<vmem>> -> memref<80xf32, #tpu.memory_space<vmem>>
        %dma_start3A_617 = arith.constant 0 : i32
        %dma_start3A_618 = tpu.memref_slice %arg9[%dma_start3A_613, %dma_start3A_617] : memref<4x80xi32, #tpu.memory_space<vmem>> -> memref<1x80xi32, #tpu.memory_space<vmem>>
        %dma_start3A_619 = tpu.memref_squeeze %dma_start3A_618 : memref<1x80xi32, #tpu.memory_space<vmem>> -> memref<80xi32, #tpu.memory_space<vmem>>
        %dma_start3A_620 = arith.constant 0 : i32
        %dma_start3A_621 = tpu.memref_slice %arg14[%dma_start3A_620] : memref<10000xf32, #tpu.memory_space<vmem_shared>> -> memref<10000xf32, #tpu.memory_space<vmem_shared>>
        tpu.enqueue_indirect_dma source(%dma_start3A_616 : memref<80xf32, #tpu.memory_space<vmem>>) target(%dma_start3A_621 : memref<10000xf32, #tpu.memory_space<vmem_shared>>) offsets(%dma_start3A_619 : memref<80xi32, #tpu.memory_space<vmem>>) semaphore(%arg30 : memref<!tpu.dma_semaphore, #tpu.memory_space<semaphore_mem>>) {add = true}
      } else {
      }
    }
    %scan3A_435 = arith.constant 32 : i32
    %barrier3A_436 = arith.constant 0 : index
    tpu.barrier barrier_id(%barrier3A_436)
    %lt3A_437 = arith.constant 15 : i32
    %lt3A_438 = arith.cmpi slt, %arg1, %lt3A_437 : i32
    %convert_element_type3A_439 = arith.extui %lt3A_438 : i1 to i32
    %cond3A_440 = arith.constant 0 : i32
    %cond3A_441 = arith.cmpi ne, %convert_element_type3A_439, %cond3A_440 : i32
    scf.if %cond3A_441 {
      %mul3A_447 = arith.constant 640 : i32
      %mul3A_448 = arith.muli %arg1, %mul3A_447 : i32
      "tpu.region"() ({
        %run_scoped3A = tpu.sem_alloc : memref<!tpu.dma_semaphore, #tpu.memory_space<semaphore_mem>>
        %dma_start3A_452 = arith.constant 0 : i32
        %dma_start3A_453 = tpu.memref_slice %arg6[%arg0, %mul3A_448, %dma_start3A_452] : memref<2x10000x128xf32, #tpu.memory_space<hbm>> -> memref<1x640x128xf32, #tpu.memory_space<hbm>>
        %dma_start3A_454 = tpu.memref_squeeze %dma_start3A_453 : memref<1x640x128xf32, #tpu.memory_space<hbm>> -> memref<640x128xf32, #tpu.memory_space<hbm>>
        %dma_start3A_455 = arith.constant 0 : i32
        %dma_start3A_456 = tpu.memref_slice %arg13[%mul3A_448, %dma_start3A_455] : memref<10000x128xf32, #tpu.memory_space<vmem_shared>> -> memref<640x128xf32, #tpu.memory_space<vmem_shared>>
        tpu.enqueue_dma source(%dma_start3A_456 : memref<640x128xf32, #tpu.memory_space<vmem_shared>>) target(%dma_start3A_454 : memref<640x128xf32, #tpu.memory_space<hbm>>) target_semaphore(%run_scoped3A : memref<!tpu.dma_semaphore, #tpu.memory_space<semaphore_mem>>)
        %dma_wait3A_457 = arith.constant 0 : i32
        %dma_wait3A_458 = tpu.memref_slice %arg6[%arg0, %mul3A_448, %dma_wait3A_457] : memref<2x10000x128xf32, #tpu.memory_space<hbm>> -> memref<1x640x128xf32, #tpu.memory_space<hbm>>
        %dma_wait3A_459 = tpu.memref_squeeze %dma_wait3A_458 : memref<1x640x128xf32, #tpu.memory_space<hbm>> -> memref<640x128xf32, #tpu.memory_space<hbm>>
        %dma_wait3A_460 = arith.constant 0 : i32
        %dma_wait3A_461 = tpu.memref_slice %arg13[%mul3A_448, %dma_wait3A_460] : memref<10000x128xf32, #tpu.memory_space<vmem_shared>> -> memref<640x128xf32, #tpu.memory_space<vmem_shared>>
        tpu.wait_dma2 semaphore(%run_scoped3A : memref<!tpu.dma_semaphore, #tpu.memory_space<semaphore_mem>>) src(%dma_wait3A_461 : memref<640x128xf32, #tpu.memory_space<vmem_shared>>) dst(%dma_wait3A_459 : memref<640x128xf32, #tpu.memory_space<hbm>>)
        tpu.yield
      }) : () -> ()
      "tpu.region"() ({
        %run_scoped3A = tpu.sem_alloc : memref<!tpu.dma_semaphore, #tpu.memory_space<semaphore_mem>>
        %dma_start3A_452 = tpu.memref_slice %arg14[%mul3A_448] : memref<10000xf32, #tpu.memory_space<vmem_shared>> -> memref<640xf32, #tpu.memory_space<vmem_shared>>
        %dma_start3A_453 = tpu.memref_slice %arg14[%mul3A_448] : memref<10000xf32, #tpu.memory_space<vmem_shared>> -> memref<640xf32, #tpu.memory_space<vmem_shared>>
        tpu.enqueue_dma source(%dma_start3A_453 : memref<640xf32, #tpu.memory_space<vmem_shared>>) target(%arg12 : memref<640xf32, #tpu.memory_space<vmem>>) target_semaphore(%run_scoped3A : memref<!tpu.dma_semaphore, #tpu.memory_space<semaphore_mem>>)
        %dma_wait3A_454 = tpu.memref_slice %arg14[%mul3A_448] : memref<10000xf32, #tpu.memory_space<vmem_shared>> -> memref<640xf32, #tpu.memory_space<vmem_shared>>
        %dma_wait3A_455 = tpu.memref_slice %arg14[%mul3A_448] : memref<10000xf32, #tpu.memory_space<vmem_shared>> -> memref<640xf32, #tpu.memory_space<vmem_shared>>
        tpu.wait_dma2 semaphore(%run_scoped3A : memref<!tpu.dma_semaphore, #tpu.memory_space<semaphore_mem>>) src(%dma_wait3A_455 : memref<640xf32, #tpu.memory_space<vmem_shared>>) dst(%arg12 : memref<640xf32, #tpu.memory_space<vmem>>)
        tpu.yield
      }) : () -> ()
      %mul3A_449 = arith.constant 10000 : i32
      %mul3A_450 = arith.muli %arg0, %mul3A_449 : i32
      %add3A_451 = arith.addi %mul3A_450, %mul3A_448 : i32
      "tpu.region"() ({
        %run_scoped3A = tpu.sem_alloc : memref<!tpu.dma_semaphore, #tpu.memory_space<semaphore_mem>>
        %dma_start3A_452 = tpu.memref_slice %arg7[%add3A_451] : memref<20000xf32, #tpu.memory_space<hbm>> -> memref<640xf32, #tpu.memory_space<hbm>>
        %dma_start3A_453 = tpu.memref_slice %arg7[%add3A_451] : memref<20000xf32, #tpu.memory_space<hbm>> -> memref<640xf32, #tpu.memory_space<hbm>>
        tpu.enqueue_dma source(%arg12 : memref<640xf32, #tpu.memory_space<vmem>>) target(%dma_start3A_453 : memref<640xf32, #tpu.memory_space<hbm>>) target_semaphore(%run_scoped3A : memref<!tpu.dma_semaphore, #tpu.memory_space<semaphore_mem>>)
        %dma_wait3A_454 = tpu.memref_slice %arg7[%add3A_451] : memref<20000xf32, #tpu.memory_space<hbm>> -> memref<640xf32, #tpu.memory_space<hbm>>
        %dma_wait3A_455 = tpu.memref_slice %arg7[%add3A_451] : memref<20000xf32, #tpu.memory_space<hbm>> -> memref<640xf32, #tpu.memory_space<hbm>>
        tpu.wait_dma2 semaphore(%run_scoped3A : memref<!tpu.dma_semaphore, #tpu.memory_space<semaphore_mem>>) src(%arg12 : memref<640xf32, #tpu.memory_space<vmem>>) dst(%dma_wait3A_455 : memref<640xf32, #tpu.memory_space<hbm>>)
        tpu.yield
      }) : () -> ()
    } else {
    }
    %eq3A_442 = arith.constant 15 : i32
    %eq3A_443 = arith.cmpi eq, %arg1, %eq3A_442 : i32
    %convert_element_type3A_444 = arith.extui %eq3A_443 : i1 to i32
    %cond3A_445 = arith.constant 0 : i32
    %cond3A_446 = arith.cmpi ne, %convert_element_type3A_444, %cond3A_445 : i32
    scf.if %cond3A_446 {
      "tpu.region"() ({
        %run_scoped3A = tpu.sem_alloc : memref<!tpu.dma_semaphore, #tpu.memory_space<semaphore_mem>>
        %dma_start3A_451 = arith.constant 9600 : i32
        %dma_start3A_452 = arith.constant 0 : i32
        %dma_start3A_453 = tpu.memref_slice %arg6[%arg0, %dma_start3A_451, %dma_start3A_452] : memref<2x10000x128xf32, #tpu.memory_space<hbm>> -> memref<1x400x128xf32, #tpu.memory_space<hbm>>
        %dma_start3A_454 = tpu.memref_squeeze %dma_start3A_453 : memref<1x400x128xf32, #tpu.memory_space<hbm>> -> memref<400x128xf32, #tpu.memory_space<hbm>>
        %dma_start3A_455 = arith.constant 9600 : i32
        %dma_start3A_456 = arith.constant 0 : i32
        %dma_start3A_457 = tpu.memref_slice %arg13[%dma_start3A_455, %dma_start3A_456] : memref<10000x128xf32, #tpu.memory_space<vmem_shared>> -> memref<400x128xf32, #tpu.memory_space<vmem_shared>>
        tpu.enqueue_dma source(%dma_start3A_457 : memref<400x128xf32, #tpu.memory_space<vmem_shared>>) target(%dma_start3A_454 : memref<400x128xf32, #tpu.memory_space<hbm>>) target_semaphore(%run_scoped3A : memref<!tpu.dma_semaphore, #tpu.memory_space<semaphore_mem>>)
        %dma_wait3A_458 = arith.constant 9600 : i32
        %dma_wait3A_459 = arith.constant 0 : i32
        %dma_wait3A_460 = tpu.memref_slice %arg6[%arg0, %dma_wait3A_458, %dma_wait3A_459] : memref<2x10000x128xf32, #tpu.memory_space<hbm>> -> memref<1x400x128xf32, #tpu.memory_space<hbm>>
        %dma_wait3A_461 = tpu.memref_squeeze %dma_wait3A_460 : memref<1x400x128xf32, #tpu.memory_space<hbm>> -> memref<400x128xf32, #tpu.memory_space<hbm>>
        %dma_wait3A_462 = arith.constant 9600 : i32
        %dma_wait3A_463 = arith.constant 0 : i32
        %dma_wait3A_464 = tpu.memref_slice %arg13[%dma_wait3A_462, %dma_wait3A_463] : memref<10000x128xf32, #tpu.memory_space<vmem_shared>> -> memref<400x128xf32, #tpu.memory_space<vmem_shared>>
        tpu.wait_dma2 semaphore(%run_scoped3A : memref<!tpu.dma_semaphore, #tpu.memory_space<semaphore_mem>>) src(%dma_wait3A_464 : memref<400x128xf32, #tpu.memory_space<vmem_shared>>) dst(%dma_wait3A_461 : memref<400x128xf32, #tpu.memory_space<hbm>>)
        tpu.yield
      }) : () -> ()
      "tpu.region"() ({
        %run_scoped3A = tpu.sem_alloc : memref<!tpu.dma_semaphore, #tpu.memory_space<semaphore_mem>>
        %dma_start3A_451 = arith.constant 0 : i32
        %dma_start3A_452 = tpu.memref_slice %arg12[%dma_start3A_451] : memref<640xf32, #tpu.memory_space<vmem>> -> memref<400xf32, #tpu.memory_space<vmem>>
        %dma_start3A_453 = arith.constant 9600 : i32
        %dma_start3A_454 = tpu.memref_slice %arg14[%dma_start3A_453] : memref<10000xf32, #tpu.memory_space<vmem_shared>> -> memref<400xf32, #tpu.memory_space<vmem_shared>>
        %dma_start3A_455 = arith.constant 0 : i32
        %dma_start3A_456 = tpu.memref_slice %arg12[%dma_start3A_455] : memref<640xf32, #tpu.memory_space<vmem>> -> memref<400xf32, #tpu.memory_space<vmem>>
        %dma_start3A_457 = arith.constant 9600 : i32
        %dma_start3A_458 = tpu.memref_slice %arg14[%dma_start3A_457] : memref<10000xf32, #tpu.memory_space<vmem_shared>> -> memref<400xf32, #tpu.memory_space<vmem_shared>>
        tpu.enqueue_dma source(%dma_start3A_458 : memref<400xf32, #tpu.memory_space<vmem_shared>>) target(%dma_start3A_456 : memref<400xf32, #tpu.memory_space<vmem>>) target_semaphore(%run_scoped3A : memref<!tpu.dma_semaphore, #tpu.memory_space<semaphore_mem>>)
        %dma_wait3A_459 = arith.constant 0 : i32
        %dma_wait3A_460 = tpu.memref_slice %arg12[%dma_wait3A_459] : memref<640xf32, #tpu.memory_space<vmem>> -> memref<400xf32, #tpu.memory_space<vmem>>
        %dma_wait3A_461 = arith.constant 9600 : i32
        %dma_wait3A_462 = tpu.memref_slice %arg14[%dma_wait3A_461] : memref<10000xf32, #tpu.memory_space<vmem_shared>> -> memref<400xf32, #tpu.memory_space<vmem_shared>>
        %dma_wait3A_463 = arith.constant 0 : i32
        %dma_wait3A_464 = tpu.memref_slice %arg12[%dma_wait3A_463] : memref<640xf32, #tpu.memory_space<vmem>> -> memref<400xf32, #tpu.memory_space<vmem>>
        %dma_wait3A_465 = arith.constant 9600 : i32
        %dma_wait3A_466 = tpu.memref_slice %arg14[%dma_wait3A_465] : memref<10000xf32, #tpu.memory_space<vmem_shared>> -> memref<400xf32, #tpu.memory_space<vmem_shared>>
        tpu.wait_dma2 semaphore(%run_scoped3A : memref<!tpu.dma_semaphore, #tpu.memory_space<semaphore_mem>>) src(%dma_wait3A_466 : memref<400xf32, #tpu.memory_space<vmem_shared>>) dst(%dma_wait3A_464 : memref<400xf32, #tpu.memory_space<vmem>>)
        tpu.yield
      }) : () -> ()
      %mul3A_447 = arith.constant 10000 : i32
      %mul3A_448 = arith.muli %arg0, %mul3A_447 : i32
      %add3A_449 = arith.constant 9600 : i32
      %add3A_450 = arith.addi %mul3A_448, %add3A_449 : i32
      "tpu.region"() ({
        %run_scoped3A = tpu.sem_alloc : memref<!tpu.dma_semaphore, #tpu.memory_space<semaphore_mem>>
        %dma_start3A_451 = arith.constant 0 : i32
        %dma_start3A_452 = tpu.memref_slice %arg12[%dma_start3A_451] : memref<640xf32, #tpu.memory_space<vmem>> -> memref<400xf32, #tpu.memory_space<vmem>>
        %dma_start3A_453 = tpu.memref_slice %arg7[%add3A_450] : memref<20000xf32, #tpu.memory_space<hbm>> -> memref<400xf32, #tpu.memory_space<hbm>>
        %dma_start3A_454 = tpu.memref_slice %arg7[%add3A_450] : memref<20000xf32, #tpu.memory_space<hbm>> -> memref<400xf32, #tpu.memory_space<hbm>>
        %dma_start3A_455 = arith.constant 0 : i32
        %dma_start3A_456 = tpu.memref_slice %arg12[%dma_start3A_455] : memref<640xf32, #tpu.memory_space<vmem>> -> memref<400xf32, #tpu.memory_space<vmem>>
        tpu.enqueue_dma source(%dma_start3A_456 : memref<400xf32, #tpu.memory_space<vmem>>) target(%dma_start3A_454 : memref<400xf32, #tpu.memory_space<hbm>>) target_semaphore(%run_scoped3A : memref<!tpu.dma_semaphore, #tpu.memory_space<semaphore_mem>>)
        %dma_wait3A_457 = arith.constant 0 : i32
        %dma_wait3A_458 = tpu.memref_slice %arg12[%dma_wait3A_457] : memref<640xf32, #tpu.memory_space<vmem>> -> memref<400xf32, #tpu.memory_space<vmem>>
        %dma_wait3A_459 = tpu.memref_slice %arg7[%add3A_450] : memref<20000xf32, #tpu.memory_space<hbm>> -> memref<400xf32, #tpu.memory_space<hbm>>
        %dma_wait3A_460 = tpu.memref_slice %arg7[%add3A_450] : memref<20000xf32, #tpu.memory_space<hbm>> -> memref<400xf32, #tpu.memory_space<hbm>>
        %dma_wait3A_461 = arith.constant 0 : i32
        %dma_wait3A_462 = tpu.memref_slice %arg12[%dma_wait3A_461] : memref<640xf32, #tpu.memory_space<vmem>> -> memref<400xf32, #tpu.memory_space<vmem>>
        tpu.wait_dma2 semaphore(%run_scoped3A : memref<!tpu.dma_semaphore, #tpu.memory_space<semaphore_mem>>) src(%dma_wait3A_462 : memref<400xf32, #tpu.memory_space<vmem>>) dst(%dma_wait3A_460 : memref<400xf32, #tpu.memory_space<hbm>>)
        tpu.yield
      }) : () -> ()
    } else {
    }
    return
  }
}

#map = affine_map<(d0, d1) -> (0, 0)>
#map1 = affine_map<(d0, d1) -> (0)>
#map2 = affine_map<(d0, d1) -> (0, 0, 0)>
module attributes {stable_mosaic.version = 14 : i64} {
  func.func @body(%arg0: i32, %arg1: i32, %arg2: memref<10000x128xf32, #tpu.memory_space<hbm>>, %arg3: memref<320000xi32, #tpu.memory_space<hbm>>, %arg4: memref<320000xi32, #tpu.memory_space<hbm>>, %arg5: memref<10000x128xf32, #tpu.memory_space<hbm>>, %arg6: memref<2x10000x128xf32, #tpu.memory_space<hbm>>, %arg7: memref<4x80xi32, #tpu.memory_space<vmem>>, %arg8: memref<4x80xi32, #tpu.memory_space<vmem>>, %arg9: memref<4x80x128xf32, #tpu.memory_space<vmem>>, %arg10: memref<10000x128xf32, #tpu.memory_space<vmem_shared>>, %arg11: memref<!tpu.dma_semaphore, #tpu.memory_space<semaphore_mem>>, %arg12: memref<!tpu.dma_semaphore, #tpu.memory_space<semaphore_mem>>, %arg13: memref<!tpu.dma_semaphore, #tpu.memory_space<semaphore_mem>>, %arg14: memref<!tpu.dma_semaphore, #tpu.memory_space<semaphore_mem>>, %arg15: memref<!tpu.dma_semaphore, #tpu.memory_space<semaphore_mem>>, %arg16: memref<!tpu.dma_semaphore, #tpu.memory_space<semaphore_mem>>, %arg17: memref<!tpu.dma_semaphore, #tpu.memory_space<semaphore_mem>>, %arg18: memref<!tpu.dma_semaphore, #tpu.memory_space<semaphore_mem>>, %arg19: memref<!tpu.dma_semaphore, #tpu.memory_space<semaphore_mem>>, %arg20: memref<!tpu.dma_semaphore, #tpu.memory_space<semaphore_mem>>, %arg21: memref<!tpu.dma_semaphore, #tpu.memory_space<semaphore_mem>>, %arg22: memref<!tpu.dma_semaphore, #tpu.memory_space<semaphore_mem>>, %arg23: memref<!tpu.dma_semaphore, #tpu.memory_space<semaphore_mem>>, %arg24: memref<!tpu.dma_semaphore, #tpu.memory_space<semaphore_mem>>, %arg25: memref<!tpu.dma_semaphore, #tpu.memory_space<semaphore_mem>>, %arg26: memref<!tpu.dma_semaphore, #tpu.memory_space<semaphore_mem>>) attributes {dimension_semantics = [#tpu.dimension_semantics<core_parallel>, #tpu.dimension_semantics<subcore_parallel>], iteration_bounds = array<i64: 2, 16>, scalar_prefetch = 0 : i64, scratch_operands = 20 : i64, tpu.core_type = #tpu.core_type<sc_vector_subcore>, window_params = [{transform_indices = #map}, {transform_indices = #map1}, {transform_indices = #map1}, {transform_indices = #map}, {transform_indices = #map2}]} {
    %lt3A = arith.constant 15 : i32
    %lt3A_0 = arith.cmpi slt, %arg1, %lt3A : i32
    %convert_element_type3A = arith.extui %lt3A_0 : i1 to i32
    %cond3A = arith.constant 0 : i32
    %cond3A_1 = arith.cmpi ne, %convert_element_type3A, %cond3A : i32
    scf.if %cond3A_1 {
      %mul3A_169 = arith.constant 640 : i32
      %mul3A_170 = arith.muli %arg1, %mul3A_169 : i32
      "tpu.region"() ({
        %run_scoped3A = tpu.sem_alloc : memref<!tpu.dma_semaphore, #tpu.memory_space<semaphore_mem>>
        %dma_start3A_171 = arith.constant 0 : i32
        %dma_start3A_172 = tpu.memref_slice %arg10[%mul3A_170, %dma_start3A_171] : memref<10000x128xf32, #tpu.memory_space<vmem_shared>> -> memref<640x128xf32, #tpu.memory_space<vmem_shared>>
        %dma_start3A_173 = arith.constant 0 : i32
        %dma_start3A_174 = tpu.memref_slice %arg5[%mul3A_170, %dma_start3A_173] : memref<10000x128xf32, #tpu.memory_space<hbm>> -> memref<640x128xf32, #tpu.memory_space<hbm>>
        tpu.enqueue_dma source(%dma_start3A_174 : memref<640x128xf32, #tpu.memory_space<hbm>>) target(%dma_start3A_172 : memref<640x128xf32, #tpu.memory_space<vmem_shared>>) target_semaphore(%run_scoped3A : memref<!tpu.dma_semaphore, #tpu.memory_space<semaphore_mem>>)
        %dma_wait3A_175 = arith.constant 0 : i32
        %dma_wait3A_176 = tpu.memref_slice %arg10[%mul3A_170, %dma_wait3A_175] : memref<10000x128xf32, #tpu.memory_space<vmem_shared>> -> memref<640x128xf32, #tpu.memory_space<vmem_shared>>
        %dma_wait3A_177 = arith.constant 0 : i32
        %dma_wait3A_178 = tpu.memref_slice %arg5[%mul3A_170, %dma_wait3A_177] : memref<10000x128xf32, #tpu.memory_space<hbm>> -> memref<640x128xf32, #tpu.memory_space<hbm>>
        tpu.wait_dma2 semaphore(%run_scoped3A : memref<!tpu.dma_semaphore, #tpu.memory_space<semaphore_mem>>) src(%dma_wait3A_178 : memref<640x128xf32, #tpu.memory_space<hbm>>) dst(%dma_wait3A_176 : memref<640x128xf32, #tpu.memory_space<vmem_shared>>)
        tpu.yield
      }) : () -> ()
    } else {
    }
    %eq3A = arith.constant 15 : i32
    %eq3A_2 = arith.cmpi eq, %arg1, %eq3A : i32
    %convert_element_type3A_3 = arith.extui %eq3A_2 : i1 to i32
    %cond3A_4 = arith.constant 0 : i32
    %cond3A_5 = arith.cmpi ne, %convert_element_type3A_3, %cond3A_4 : i32
    scf.if %cond3A_5 {
      "tpu.region"() ({
        %run_scoped3A = tpu.sem_alloc : memref<!tpu.dma_semaphore, #tpu.memory_space<semaphore_mem>>
        %dma_start3A_169 = arith.constant 9600 : i32
        %dma_start3A_170 = arith.constant 0 : i32
        %dma_start3A_171 = tpu.memref_slice %arg10[%dma_start3A_169, %dma_start3A_170] : memref<10000x128xf32, #tpu.memory_space<vmem_shared>> -> memref<400x128xf32, #tpu.memory_space<vmem_shared>>
        %dma_start3A_172 = arith.constant 9600 : i32
        %dma_start3A_173 = arith.constant 0 : i32
        %dma_start3A_174 = tpu.memref_slice %arg5[%dma_start3A_172, %dma_start3A_173] : memref<10000x128xf32, #tpu.memory_space<hbm>> -> memref<400x128xf32, #tpu.memory_space<hbm>>
        tpu.enqueue_dma source(%dma_start3A_174 : memref<400x128xf32, #tpu.memory_space<hbm>>) target(%dma_start3A_171 : memref<400x128xf32, #tpu.memory_space<vmem_shared>>) target_semaphore(%run_scoped3A : memref<!tpu.dma_semaphore, #tpu.memory_space<semaphore_mem>>)
        %dma_wait3A_175 = arith.constant 9600 : i32
        %dma_wait3A_176 = arith.constant 0 : i32
        %dma_wait3A_177 = tpu.memref_slice %arg10[%dma_wait3A_175, %dma_wait3A_176] : memref<10000x128xf32, #tpu.memory_space<vmem_shared>> -> memref<400x128xf32, #tpu.memory_space<vmem_shared>>
        %dma_wait3A_178 = arith.constant 9600 : i32
        %dma_wait3A_179 = arith.constant 0 : i32
        %dma_wait3A_180 = tpu.memref_slice %arg5[%dma_wait3A_178, %dma_wait3A_179] : memref<10000x128xf32, #tpu.memory_space<hbm>> -> memref<400x128xf32, #tpu.memory_space<hbm>>
        tpu.wait_dma2 semaphore(%run_scoped3A : memref<!tpu.dma_semaphore, #tpu.memory_space<semaphore_mem>>) src(%dma_wait3A_180 : memref<400x128xf32, #tpu.memory_space<hbm>>) dst(%dma_wait3A_177 : memref<400x128xf32, #tpu.memory_space<vmem_shared>>)
        tpu.yield
      }) : () -> ()
    } else {
    }
    %barrier3A = arith.constant 0 : index
    tpu.barrier barrier_id(%barrier3A)
    %mul3A = arith.constant 160000 : i32
    %mul3A_6 = arith.muli %arg0, %mul3A : i32
    %mul3A_7 = arith.constant 10000 : i32
    %mul3A_8 = arith.muli %arg1, %mul3A_7 : i32
    %add3A = arith.addi %mul3A_6, %mul3A_8 : i32
    %add3A_9 = arith.constant 0 : i32
    %add3A_10 = arith.addi %add3A, %add3A_9 : i32
    %dma_start3A = arith.constant 0 : i32
    %dma_start3A_11 = arith.constant 0 : i32
    %dma_start3A_12 = tpu.memref_slice %arg7[%dma_start3A, %dma_start3A_11] : memref<4x80xi32, #tpu.memory_space<vmem>> -> memref<1x80xi32, #tpu.memory_space<vmem>>
    %dma_start3A_13 = tpu.memref_squeeze %dma_start3A_12 : memref<1x80xi32, #tpu.memory_space<vmem>> -> memref<80xi32, #tpu.memory_space<vmem>>
    %dma_start3A_14 = tpu.memref_slice %arg3[%add3A_10] : memref<320000xi32, #tpu.memory_space<hbm>> -> memref<80xi32, #tpu.memory_space<hbm>>
    %dma_start3A_15 = arith.constant 0 : i32
    %dma_start3A_16 = tpu.memref_slice %arg7[%dma_start3A, %dma_start3A_15] : memref<4x80xi32, #tpu.memory_space<vmem>> -> memref<1x80xi32, #tpu.memory_space<vmem>>
    %dma_start3A_17 = tpu.memref_squeeze %dma_start3A_16 : memref<1x80xi32, #tpu.memory_space<vmem>> -> memref<80xi32, #tpu.memory_space<vmem>>
    %dma_start3A_18 = tpu.memref_slice %arg3[%add3A_10] : memref<320000xi32, #tpu.memory_space<hbm>> -> memref<80xi32, #tpu.memory_space<hbm>>
    tpu.enqueue_dma source(%dma_start3A_18 : memref<80xi32, #tpu.memory_space<hbm>>) target(%dma_start3A_17 : memref<80xi32, #tpu.memory_space<vmem>>) target_semaphore(%arg11 : memref<!tpu.dma_semaphore, #tpu.memory_space<semaphore_mem>>)
    %add3A_19 = arith.constant 80 : i32
    %add3A_20 = arith.addi %add3A, %add3A_19 : i32
    %dma_start3A_21 = arith.constant 1 : i32
    %dma_start3A_22 = arith.constant 0 : i32
    %dma_start3A_23 = tpu.memref_slice %arg7[%dma_start3A_21, %dma_start3A_22] : memref<4x80xi32, #tpu.memory_space<vmem>> -> memref<1x80xi32, #tpu.memory_space<vmem>>
    %dma_start3A_24 = tpu.memref_squeeze %dma_start3A_23 : memref<1x80xi32, #tpu.memory_space<vmem>> -> memref<80xi32, #tpu.memory_space<vmem>>
    %dma_start3A_25 = tpu.memref_slice %arg3[%add3A_20] : memref<320000xi32, #tpu.memory_space<hbm>> -> memref<80xi32, #tpu.memory_space<hbm>>
    %dma_start3A_26 = arith.constant 0 : i32
    %dma_start3A_27 = tpu.memref_slice %arg7[%dma_start3A_21, %dma_start3A_26] : memref<4x80xi32, #tpu.memory_space<vmem>> -> memref<1x80xi32, #tpu.memory_space<vmem>>
    %dma_start3A_28 = tpu.memref_squeeze %dma_start3A_27 : memref<1x80xi32, #tpu.memory_space<vmem>> -> memref<80xi32, #tpu.memory_space<vmem>>
    %dma_start3A_29 = tpu.memref_slice %arg3[%add3A_20] : memref<320000xi32, #tpu.memory_space<hbm>> -> memref<80xi32, #tpu.memory_space<hbm>>
    tpu.enqueue_dma source(%dma_start3A_29 : memref<80xi32, #tpu.memory_space<hbm>>) target(%dma_start3A_28 : memref<80xi32, #tpu.memory_space<vmem>>) target_semaphore(%arg12 : memref<!tpu.dma_semaphore, #tpu.memory_space<semaphore_mem>>)
    %add3A_30 = arith.constant 160 : i32
    %add3A_31 = arith.addi %add3A, %add3A_30 : i32
    %dma_start3A_32 = arith.constant 2 : i32
    %dma_start3A_33 = arith.constant 0 : i32
    %dma_start3A_34 = tpu.memref_slice %arg7[%dma_start3A_32, %dma_start3A_33] : memref<4x80xi32, #tpu.memory_space<vmem>> -> memref<1x80xi32, #tpu.memory_space<vmem>>
    %dma_start3A_35 = tpu.memref_squeeze %dma_start3A_34 : memref<1x80xi32, #tpu.memory_space<vmem>> -> memref<80xi32, #tpu.memory_space<vmem>>
    %dma_start3A_36 = tpu.memref_slice %arg3[%add3A_31] : memref<320000xi32, #tpu.memory_space<hbm>> -> memref<80xi32, #tpu.memory_space<hbm>>
    %dma_start3A_37 = arith.constant 0 : i32
    %dma_start3A_38 = tpu.memref_slice %arg7[%dma_start3A_32, %dma_start3A_37] : memref<4x80xi32, #tpu.memory_space<vmem>> -> memref<1x80xi32, #tpu.memory_space<vmem>>
    %dma_start3A_39 = tpu.memref_squeeze %dma_start3A_38 : memref<1x80xi32, #tpu.memory_space<vmem>> -> memref<80xi32, #tpu.memory_space<vmem>>
    %dma_start3A_40 = tpu.memref_slice %arg3[%add3A_31] : memref<320000xi32, #tpu.memory_space<hbm>> -> memref<80xi32, #tpu.memory_space<hbm>>
    tpu.enqueue_dma source(%dma_start3A_40 : memref<80xi32, #tpu.memory_space<hbm>>) target(%dma_start3A_39 : memref<80xi32, #tpu.memory_space<vmem>>) target_semaphore(%arg13 : memref<!tpu.dma_semaphore, #tpu.memory_space<semaphore_mem>>)
    %add3A_41 = arith.constant 240 : i32
    %add3A_42 = arith.addi %add3A, %add3A_41 : i32
    %dma_start3A_43 = arith.constant 3 : i32
    %dma_start3A_44 = arith.constant 0 : i32
    %dma_start3A_45 = tpu.memref_slice %arg7[%dma_start3A_43, %dma_start3A_44] : memref<4x80xi32, #tpu.memory_space<vmem>> -> memref<1x80xi32, #tpu.memory_space<vmem>>
    %dma_start3A_46 = tpu.memref_squeeze %dma_start3A_45 : memref<1x80xi32, #tpu.memory_space<vmem>> -> memref<80xi32, #tpu.memory_space<vmem>>
    %dma_start3A_47 = tpu.memref_slice %arg3[%add3A_42] : memref<320000xi32, #tpu.memory_space<hbm>> -> memref<80xi32, #tpu.memory_space<hbm>>
    %dma_start3A_48 = arith.constant 0 : i32
    %dma_start3A_49 = tpu.memref_slice %arg7[%dma_start3A_43, %dma_start3A_48] : memref<4x80xi32, #tpu.memory_space<vmem>> -> memref<1x80xi32, #tpu.memory_space<vmem>>
    %dma_start3A_50 = tpu.memref_squeeze %dma_start3A_49 : memref<1x80xi32, #tpu.memory_space<vmem>> -> memref<80xi32, #tpu.memory_space<vmem>>
    %dma_start3A_51 = tpu.memref_slice %arg3[%add3A_42] : memref<320000xi32, #tpu.memory_space<hbm>> -> memref<80xi32, #tpu.memory_space<hbm>>
    tpu.enqueue_dma source(%dma_start3A_51 : memref<80xi32, #tpu.memory_space<hbm>>) target(%dma_start3A_50 : memref<80xi32, #tpu.memory_space<vmem>>) target_semaphore(%arg14 : memref<!tpu.dma_semaphore, #tpu.memory_space<semaphore_mem>>)
    %add3A_52 = arith.constant 0 : i32
    %add3A_53 = arith.addi %add3A, %add3A_52 : i32
    %dma_start3A_54 = arith.constant 0 : i32
    %dma_start3A_55 = arith.constant 0 : i32
    %dma_start3A_56 = tpu.memref_slice %arg8[%dma_start3A_54, %dma_start3A_55] : memref<4x80xi32, #tpu.memory_space<vmem>> -> memref<1x80xi32, #tpu.memory_space<vmem>>
    %dma_start3A_57 = tpu.memref_squeeze %dma_start3A_56 : memref<1x80xi32, #tpu.memory_space<vmem>> -> memref<80xi32, #tpu.memory_space<vmem>>
    %dma_start3A_58 = tpu.memref_slice %arg4[%add3A_53] : memref<320000xi32, #tpu.memory_space<hbm>> -> memref<80xi32, #tpu.memory_space<hbm>>
    %dma_start3A_59 = arith.constant 0 : i32
    %dma_start3A_60 = tpu.memref_slice %arg8[%dma_start3A_54, %dma_start3A_59] : memref<4x80xi32, #tpu.memory_space<vmem>> -> memref<1x80xi32, #tpu.memory_space<vmem>>
    %dma_start3A_61 = tpu.memref_squeeze %dma_start3A_60 : memref<1x80xi32, #tpu.memory_space<vmem>> -> memref<80xi32, #tpu.memory_space<vmem>>
    %dma_start3A_62 = tpu.memref_slice %arg4[%add3A_53] : memref<320000xi32, #tpu.memory_space<hbm>> -> memref<80xi32, #tpu.memory_space<hbm>>
    tpu.enqueue_dma source(%dma_start3A_62 : memref<80xi32, #tpu.memory_space<hbm>>) target(%dma_start3A_61 : memref<80xi32, #tpu.memory_space<vmem>>) target_semaphore(%arg15 : memref<!tpu.dma_semaphore, #tpu.memory_space<semaphore_mem>>)
    %add3A_63 = arith.constant 80 : i32
    %add3A_64 = arith.addi %add3A, %add3A_63 : i32
    %dma_start3A_65 = arith.constant 1 : i32
    %dma_start3A_66 = arith.constant 0 : i32
    %dma_start3A_67 = tpu.memref_slice %arg8[%dma_start3A_65, %dma_start3A_66] : memref<4x80xi32, #tpu.memory_space<vmem>> -> memref<1x80xi32, #tpu.memory_space<vmem>>
    %dma_start3A_68 = tpu.memref_squeeze %dma_start3A_67 : memref<1x80xi32, #tpu.memory_space<vmem>> -> memref<80xi32, #tpu.memory_space<vmem>>
    %dma_start3A_69 = tpu.memref_slice %arg4[%add3A_64] : memref<320000xi32, #tpu.memory_space<hbm>> -> memref<80xi32, #tpu.memory_space<hbm>>
    %dma_start3A_70 = arith.constant 0 : i32
    %dma_start3A_71 = tpu.memref_slice %arg8[%dma_start3A_65, %dma_start3A_70] : memref<4x80xi32, #tpu.memory_space<vmem>> -> memref<1x80xi32, #tpu.memory_space<vmem>>
    %dma_start3A_72 = tpu.memref_squeeze %dma_start3A_71 : memref<1x80xi32, #tpu.memory_space<vmem>> -> memref<80xi32, #tpu.memory_space<vmem>>
    %dma_start3A_73 = tpu.memref_slice %arg4[%add3A_64] : memref<320000xi32, #tpu.memory_space<hbm>> -> memref<80xi32, #tpu.memory_space<hbm>>
    tpu.enqueue_dma source(%dma_start3A_73 : memref<80xi32, #tpu.memory_space<hbm>>) target(%dma_start3A_72 : memref<80xi32, #tpu.memory_space<vmem>>) target_semaphore(%arg16 : memref<!tpu.dma_semaphore, #tpu.memory_space<semaphore_mem>>)
    %add3A_74 = arith.constant 160 : i32
    %add3A_75 = arith.addi %add3A, %add3A_74 : i32
    %dma_start3A_76 = arith.constant 2 : i32
    %dma_start3A_77 = arith.constant 0 : i32
    %dma_start3A_78 = tpu.memref_slice %arg8[%dma_start3A_76, %dma_start3A_77] : memref<4x80xi32, #tpu.memory_space<vmem>> -> memref<1x80xi32, #tpu.memory_space<vmem>>
    %dma_start3A_79 = tpu.memref_squeeze %dma_start3A_78 : memref<1x80xi32, #tpu.memory_space<vmem>> -> memref<80xi32, #tpu.memory_space<vmem>>
    %dma_start3A_80 = tpu.memref_slice %arg4[%add3A_75] : memref<320000xi32, #tpu.memory_space<hbm>> -> memref<80xi32, #tpu.memory_space<hbm>>
    %dma_start3A_81 = arith.constant 0 : i32
    %dma_start3A_82 = tpu.memref_slice %arg8[%dma_start3A_76, %dma_start3A_81] : memref<4x80xi32, #tpu.memory_space<vmem>> -> memref<1x80xi32, #tpu.memory_space<vmem>>
    %dma_start3A_83 = tpu.memref_squeeze %dma_start3A_82 : memref<1x80xi32, #tpu.memory_space<vmem>> -> memref<80xi32, #tpu.memory_space<vmem>>
    %dma_start3A_84 = tpu.memref_slice %arg4[%add3A_75] : memref<320000xi32, #tpu.memory_space<hbm>> -> memref<80xi32, #tpu.memory_space<hbm>>
    tpu.enqueue_dma source(%dma_start3A_84 : memref<80xi32, #tpu.memory_space<hbm>>) target(%dma_start3A_83 : memref<80xi32, #tpu.memory_space<vmem>>) target_semaphore(%arg17 : memref<!tpu.dma_semaphore, #tpu.memory_space<semaphore_mem>>)
    %dma_wait3A = arith.constant 0 : i32
    %dma_wait3A_85 = arith.constant 0 : i32
    %dma_wait3A_86 = tpu.memref_slice %arg7[%dma_wait3A, %dma_wait3A_85] : memref<4x80xi32, #tpu.memory_space<vmem>> -> memref<1x80xi32, #tpu.memory_space<vmem>>
    %dma_wait3A_87 = tpu.memref_squeeze %dma_wait3A_86 : memref<1x80xi32, #tpu.memory_space<vmem>> -> memref<80xi32, #tpu.memory_space<vmem>>
    %dma_wait3A_88 = arith.constant 0 : i32
    %dma_wait3A_89 = tpu.memref_slice %arg3[%dma_wait3A_88] : memref<320000xi32, #tpu.memory_space<hbm>> -> memref<80xi32, #tpu.memory_space<hbm>>
    %dma_wait3A_90 = arith.constant 0 : i32
    %dma_wait3A_91 = tpu.memref_slice %arg7[%dma_wait3A, %dma_wait3A_90] : memref<4x80xi32, #tpu.memory_space<vmem>> -> memref<1x80xi32, #tpu.memory_space<vmem>>
    %dma_wait3A_92 = tpu.memref_squeeze %dma_wait3A_91 : memref<1x80xi32, #tpu.memory_space<vmem>> -> memref<80xi32, #tpu.memory_space<vmem>>
    %dma_wait3A_93 = arith.constant 0 : i32
    %dma_wait3A_94 = tpu.memref_slice %arg3[%dma_wait3A_93] : memref<320000xi32, #tpu.memory_space<hbm>> -> memref<80xi32, #tpu.memory_space<hbm>>
    tpu.wait_dma2 semaphore(%arg11 : memref<!tpu.dma_semaphore, #tpu.memory_space<semaphore_mem>>) src(%dma_wait3A_94 : memref<80xi32, #tpu.memory_space<hbm>>) dst(%dma_wait3A_92 : memref<80xi32, #tpu.memory_space<vmem>>)
    %dma_start3A_95 = arith.constant 0 : i32
    %dma_start3A_96 = arith.constant 0 : i32
    %dma_start3A_97 = arith.constant 0 : i32
    %dma_start3A_98 = arith.constant 0 : i32
    %dma_start3A_99 = tpu.memref_slice %arg9[%dma_start3A_96, %dma_start3A_97, %dma_start3A_98] : memref<4x80x128xf32, #tpu.memory_space<vmem>> -> memref<1x80x128xf32, #tpu.memory_space<vmem>>
    %dma_start3A_100 = tpu.memref_squeeze %dma_start3A_99 : memref<1x80x128xf32, #tpu.memory_space<vmem>> -> memref<80x128xf32, #tpu.memory_space<vmem>>
    %dma_start3A_101 = arith.constant 0 : i32
    %dma_start3A_102 = tpu.memref_slice %arg7[%dma_start3A_95, %dma_start3A_101] : memref<4x80xi32, #tpu.memory_space<vmem>> -> memref<1x80xi32, #tpu.memory_space<vmem>>
    %dma_start3A_103 = tpu.memref_squeeze %dma_start3A_102 : memref<1x80xi32, #tpu.memory_space<vmem>> -> memref<80xi32, #tpu.memory_space<vmem>>
    %dma_start3A_104 = arith.constant 0 : i32
    %dma_start3A_105 = arith.constant 0 : i32
    %dma_start3A_106 = tpu.memref_slice %arg2[%dma_start3A_104, %dma_start3A_105] : memref<10000x128xf32, #tpu.memory_space<hbm>> -> memref<10000x128xf32, #tpu.memory_space<hbm>>
    tpu.enqueue_indirect_dma source(%dma_start3A_106 : memref<10000x128xf32, #tpu.memory_space<hbm>>) target(%dma_start3A_100 : memref<80x128xf32, #tpu.memory_space<vmem>>) offsets(%dma_start3A_103 : memref<80xi32, #tpu.memory_space<vmem>>) semaphore(%arg19 : memref<!tpu.dma_semaphore, #tpu.memory_space<semaphore_mem>>)
    %dma_wait3A_107 = arith.constant 1 : i32
    %dma_wait3A_108 = arith.constant 0 : i32
    %dma_wait3A_109 = tpu.memref_slice %arg7[%dma_wait3A_107, %dma_wait3A_108] : memref<4x80xi32, #tpu.memory_space<vmem>> -> memref<1x80xi32, #tpu.memory_space<vmem>>
    %dma_wait3A_110 = tpu.memref_squeeze %dma_wait3A_109 : memref<1x80xi32, #tpu.memory_space<vmem>> -> memref<80xi32, #tpu.memory_space<vmem>>
    %dma_wait3A_111 = arith.constant 0 : i32
    %dma_wait3A_112 = tpu.memref_slice %arg3[%dma_wait3A_111] : memref<320000xi32, #tpu.memory_space<hbm>> -> memref<80xi32, #tpu.memory_space<hbm>>
    %dma_wait3A_113 = arith.constant 0 : i32
    %dma_wait3A_114 = tpu.memref_slice %arg7[%dma_wait3A_107, %dma_wait3A_113] : memref<4x80xi32, #tpu.memory_space<vmem>> -> memref<1x80xi32, #tpu.memory_space<vmem>>
    %dma_wait3A_115 = tpu.memref_squeeze %dma_wait3A_114 : memref<1x80xi32, #tpu.memory_space<vmem>> -> memref<80xi32, #tpu.memory_space<vmem>>
    %dma_wait3A_116 = arith.constant 0 : i32
    %dma_wait3A_117 = tpu.memref_slice %arg3[%dma_wait3A_116] : memref<320000xi32, #tpu.memory_space<hbm>> -> memref<80xi32, #tpu.memory_space<hbm>>
    tpu.wait_dma2 semaphore(%arg12 : memref<!tpu.dma_semaphore, #tpu.memory_space<semaphore_mem>>) src(%dma_wait3A_117 : memref<80xi32, #tpu.memory_space<hbm>>) dst(%dma_wait3A_115 : memref<80xi32, #tpu.memory_space<vmem>>)
    %dma_start3A_118 = arith.constant 1 : i32
    %dma_start3A_119 = arith.constant 1 : i32
    %dma_start3A_120 = arith.constant 0 : i32
    %dma_start3A_121 = arith.constant 0 : i32
    %dma_start3A_122 = tpu.memref_slice %arg9[%dma_start3A_119, %dma_start3A_120, %dma_start3A_121] : memref<4x80x128xf32, #tpu.memory_space<vmem>> -> memref<1x80x128xf32, #tpu.memory_space<vmem>>
    %dma_start3A_123 = tpu.memref_squeeze %dma_start3A_122 : memref<1x80x128xf32, #tpu.memory_space<vmem>> -> memref<80x128xf32, #tpu.memory_space<vmem>>
    %dma_start3A_124 = arith.constant 0 : i32
    %dma_start3A_125 = tpu.memref_slice %arg7[%dma_start3A_118, %dma_start3A_124] : memref<4x80xi32, #tpu.memory_space<vmem>> -> memref<1x80xi32, #tpu.memory_space<vmem>>
    %dma_start3A_126 = tpu.memref_squeeze %dma_start3A_125 : memref<1x80xi32, #tpu.memory_space<vmem>> -> memref<80xi32, #tpu.memory_space<vmem>>
    %dma_start3A_127 = arith.constant 0 : i32
    %dma_start3A_128 = arith.constant 0 : i32
    %dma_start3A_129 = tpu.memref_slice %arg2[%dma_start3A_127, %dma_start3A_128] : memref<10000x128xf32, #tpu.memory_space<hbm>> -> memref<10000x128xf32, #tpu.memory_space<hbm>>
    tpu.enqueue_indirect_dma source(%dma_start3A_129 : memref<10000x128xf32, #tpu.memory_space<hbm>>) target(%dma_start3A_123 : memref<80x128xf32, #tpu.memory_space<vmem>>) offsets(%dma_start3A_126 : memref<80xi32, #tpu.memory_space<vmem>>) semaphore(%arg20 : memref<!tpu.dma_semaphore, #tpu.memory_space<semaphore_mem>>)
    %dma_wait3A_130 = arith.constant 2 : i32
    %dma_wait3A_131 = arith.constant 0 : i32
    %dma_wait3A_132 = tpu.memref_slice %arg7[%dma_wait3A_130, %dma_wait3A_131] : memref<4x80xi32, #tpu.memory_space<vmem>> -> memref<1x80xi32, #tpu.memory_space<vmem>>
    %dma_wait3A_133 = tpu.memref_squeeze %dma_wait3A_132 : memref<1x80xi32, #tpu.memory_space<vmem>> -> memref<80xi32, #tpu.memory_space<vmem>>
    %dma_wait3A_134 = arith.constant 0 : i32
    %dma_wait3A_135 = tpu.memref_slice %arg3[%dma_wait3A_134] : memref<320000xi32, #tpu.memory_space<hbm>> -> memref<80xi32, #tpu.memory_space<hbm>>
    %dma_wait3A_136 = arith.constant 0 : i32
    %dma_wait3A_137 = tpu.memref_slice %arg7[%dma_wait3A_130, %dma_wait3A_136] : memref<4x80xi32, #tpu.memory_space<vmem>> -> memref<1x80xi32, #tpu.memory_space<vmem>>
    %dma_wait3A_138 = tpu.memref_squeeze %dma_wait3A_137 : memref<1x80xi32, #tpu.memory_space<vmem>> -> memref<80xi32, #tpu.memory_space<vmem>>
    %dma_wait3A_139 = arith.constant 0 : i32
    %dma_wait3A_140 = tpu.memref_slice %arg3[%dma_wait3A_139] : memref<320000xi32, #tpu.memory_space<hbm>> -> memref<80xi32, #tpu.memory_space<hbm>>
    tpu.wait_dma2 semaphore(%arg13 : memref<!tpu.dma_semaphore, #tpu.memory_space<semaphore_mem>>) src(%dma_wait3A_140 : memref<80xi32, #tpu.memory_space<hbm>>) dst(%dma_wait3A_138 : memref<80xi32, #tpu.memory_space<vmem>>)
    %dma_start3A_141 = arith.constant 2 : i32
    %dma_start3A_142 = arith.constant 2 : i32
    %dma_start3A_143 = arith.constant 0 : i32
    %dma_start3A_144 = arith.constant 0 : i32
    %dma_start3A_145 = tpu.memref_slice %arg9[%dma_start3A_142, %dma_start3A_143, %dma_start3A_144] : memref<4x80x128xf32, #tpu.memory_space<vmem>> -> memref<1x80x128xf32, #tpu.memory_space<vmem>>
    %dma_start3A_146 = tpu.memref_squeeze %dma_start3A_145 : memref<1x80x128xf32, #tpu.memory_space<vmem>> -> memref<80x128xf32, #tpu.memory_space<vmem>>
    %dma_start3A_147 = arith.constant 0 : i32
    %dma_start3A_148 = tpu.memref_slice %arg7[%dma_start3A_141, %dma_start3A_147] : memref<4x80xi32, #tpu.memory_space<vmem>> -> memref<1x80xi32, #tpu.memory_space<vmem>>
    %dma_start3A_149 = tpu.memref_squeeze %dma_start3A_148 : memref<1x80xi32, #tpu.memory_space<vmem>> -> memref<80xi32, #tpu.memory_space<vmem>>
    %dma_start3A_150 = arith.constant 0 : i32
    %dma_start3A_151 = arith.constant 0 : i32
    %dma_start3A_152 = tpu.memref_slice %arg2[%dma_start3A_150, %dma_start3A_151] : memref<10000x128xf32, #tpu.memory_space<hbm>> -> memref<10000x128xf32, #tpu.memory_space<hbm>>
    tpu.enqueue_indirect_dma source(%dma_start3A_152 : memref<10000x128xf32, #tpu.memory_space<hbm>>) target(%dma_start3A_146 : memref<80x128xf32, #tpu.memory_space<vmem>>) offsets(%dma_start3A_149 : memref<80xi32, #tpu.memory_space<vmem>>) semaphore(%arg21 : memref<!tpu.dma_semaphore, #tpu.memory_space<semaphore_mem>>)
    %scan3A = arith.constant 0 : i32
    %scan3A_153 = arith.constant 0 : i32
    %scan3A_154 = arith.constant 32 : i32
    %scan3A_155 = arith.addi %scan3A_153, %scan3A_154 : i32
    %scan3A_156 = arith.constant 1 : i32
    scf.for %scan3A_169 = %scan3A_153 to %scan3A_155 step %scan3A_156  : i32 {
      %mul3A_170 = arith.constant 4 : i32
      %mul3A_171 = arith.muli %mul3A_170, %scan3A_169 : i32
      %add3A_172 = arith.constant 0 : i32
      %add3A_173 = arith.addi %mul3A_171, %add3A_172 : i32
      %lt3A_174 = arith.constant 125 : i32
      %lt3A_175 = arith.cmpi slt, %add3A_173, %lt3A_174 : i32
      %convert_element_type3A_176 = arith.extui %lt3A_175 : i1 to i32
      %cond3A_177 = arith.constant 0 : i32
      %cond3A_178 = arith.cmpi ne, %convert_element_type3A_176, %cond3A_177 : i32
      scf.if %cond3A_178 {
        %dma_wait3A_311 = arith.constant 0 : i32
        %dma_wait3A_312 = arith.constant 0 : i32
        %dma_wait3A_313 = arith.constant 0 : i32
        %dma_wait3A_314 = arith.constant 0 : i32
        %dma_wait3A_315 = tpu.memref_slice %arg9[%dma_wait3A_312, %dma_wait3A_313, %dma_wait3A_314] : memref<4x80x128xf32, #tpu.memory_space<vmem>> -> memref<1x80x128xf32, #tpu.memory_space<vmem>>
        %dma_wait3A_316 = tpu.memref_squeeze %dma_wait3A_315 : memref<1x80x128xf32, #tpu.memory_space<vmem>> -> memref<80x128xf32, #tpu.memory_space<vmem>>
        %dma_wait3A_317 = arith.constant 0 : i32
        %dma_wait3A_318 = tpu.memref_slice %arg7[%dma_wait3A_311, %dma_wait3A_317] : memref<4x80xi32, #tpu.memory_space<vmem>> -> memref<1x80xi32, #tpu.memory_space<vmem>>
        %dma_wait3A_319 = tpu.memref_squeeze %dma_wait3A_318 : memref<1x80xi32, #tpu.memory_space<vmem>> -> memref<80xi32, #tpu.memory_space<vmem>>
        %dma_wait3A_320 = arith.constant 0 : i32
        %dma_wait3A_321 = arith.constant 0 : i32
        %dma_wait3A_322 = tpu.memref_slice %arg2[%dma_wait3A_320, %dma_wait3A_321] : memref<10000x128xf32, #tpu.memory_space<hbm>> -> memref<10000x128xf32, #tpu.memory_space<hbm>>
        tpu.wait_indirect_dma semaphore(%arg19 : memref<!tpu.dma_semaphore, #tpu.memory_space<semaphore_mem>>) src(%dma_wait3A_322 : memref<10000x128xf32, #tpu.memory_space<hbm>>) dst(%dma_wait3A_316 : memref<80x128xf32, #tpu.memory_space<vmem>>)
      } else {
      }
      %ge3A = arith.constant 1 : i32
      %ge3A_179 = arith.cmpi sge, %add3A_173, %ge3A : i32
      %le3A = arith.constant 125 : i32
      %le3A_180 = arith.cmpi sle, %add3A_173, %le3A : i32
      %and3A = arith.andi %ge3A_179, %le3A_180 : i1
      %convert_element_type3A_181 = arith.extui %and3A : i1 to i32
      %cond3A_182 = arith.constant 0 : i32
      %cond3A_183 = arith.cmpi ne, %convert_element_type3A_181, %cond3A_182 : i32
      scf.if %cond3A_183 {
        %dma_wait3A_311 = arith.constant 3 : i32
        %dma_wait3A_312 = arith.constant 3 : i32
        %dma_wait3A_313 = arith.constant 0 : i32
        %dma_wait3A_314 = arith.constant 0 : i32
        %dma_wait3A_315 = tpu.memref_slice %arg9[%dma_wait3A_311, %dma_wait3A_313, %dma_wait3A_314] : memref<4x80x128xf32, #tpu.memory_space<vmem>> -> memref<1x80x128xf32, #tpu.memory_space<vmem>>
        %dma_wait3A_316 = tpu.memref_squeeze %dma_wait3A_315 : memref<1x80x128xf32, #tpu.memory_space<vmem>> -> memref<80x128xf32, #tpu.memory_space<vmem>>
        %dma_wait3A_317 = arith.constant 0 : i32
        %dma_wait3A_318 = tpu.memref_slice %arg8[%dma_wait3A_312, %dma_wait3A_317] : memref<4x80xi32, #tpu.memory_space<vmem>> -> memref<1x80xi32, #tpu.memory_space<vmem>>
        %dma_wait3A_319 = tpu.memref_squeeze %dma_wait3A_318 : memref<1x80xi32, #tpu.memory_space<vmem>> -> memref<80xi32, #tpu.memory_space<vmem>>
        %dma_wait3A_320 = arith.constant 0 : i32
        %dma_wait3A_321 = arith.constant 0 : i32
        %dma_wait3A_322 = tpu.memref_slice %arg10[%dma_wait3A_320, %dma_wait3A_321] : memref<10000x128xf32, #tpu.memory_space<vmem_shared>> -> memref<10000x128xf32, #tpu.memory_space<vmem_shared>>
        tpu.wait_indirect_dma semaphore(%arg26 : memref<!tpu.dma_semaphore, #tpu.memory_space<semaphore_mem>>) src(%dma_wait3A_316 : memref<80x128xf32, #tpu.memory_space<vmem>>) dst(%dma_wait3A_322 : memref<10000x128xf32, #tpu.memory_space<vmem_shared>>)
      } else {
      }
      %add3A_184 = arith.constant 3 : i32
      %add3A_185 = arith.addi %add3A_173, %add3A_184 : i32
      %lt3A_186 = arith.constant 125 : i32
      %lt3A_187 = arith.cmpi slt, %add3A_185, %lt3A_186 : i32
      %convert_element_type3A_188 = arith.extui %lt3A_187 : i1 to i32
      %cond3A_189 = arith.constant 0 : i32
      %cond3A_190 = arith.cmpi ne, %convert_element_type3A_188, %cond3A_189 : i32
      scf.if %cond3A_190 {
        %dma_wait3A_311 = arith.constant 3 : i32
        %dma_wait3A_312 = arith.constant 0 : i32
        %dma_wait3A_313 = tpu.memref_slice %arg7[%dma_wait3A_311, %dma_wait3A_312] : memref<4x80xi32, #tpu.memory_space<vmem>> -> memref<1x80xi32, #tpu.memory_space<vmem>>
        %dma_wait3A_314 = tpu.memref_squeeze %dma_wait3A_313 : memref<1x80xi32, #tpu.memory_space<vmem>> -> memref<80xi32, #tpu.memory_space<vmem>>
        %dma_wait3A_315 = arith.constant 0 : i32
        %dma_wait3A_316 = tpu.memref_slice %arg3[%dma_wait3A_315] : memref<320000xi32, #tpu.memory_space<hbm>> -> memref<80xi32, #tpu.memory_space<hbm>>
        %dma_wait3A_317 = arith.constant 0 : i32
        %dma_wait3A_318 = tpu.memref_slice %arg7[%dma_wait3A_311, %dma_wait3A_317] : memref<4x80xi32, #tpu.memory_space<vmem>> -> memref<1x80xi32, #tpu.memory_space<vmem>>
        %dma_wait3A_319 = tpu.memref_squeeze %dma_wait3A_318 : memref<1x80xi32, #tpu.memory_space<vmem>> -> memref<80xi32, #tpu.memory_space<vmem>>
        %dma_wait3A_320 = arith.constant 0 : i32
        %dma_wait3A_321 = tpu.memref_slice %arg3[%dma_wait3A_320] : memref<320000xi32, #tpu.memory_space<hbm>> -> memref<80xi32, #tpu.memory_space<hbm>>
        tpu.wait_dma2 semaphore(%arg14 : memref<!tpu.dma_semaphore, #tpu.memory_space<semaphore_mem>>) src(%dma_wait3A_321 : memref<80xi32, #tpu.memory_space<hbm>>) dst(%dma_wait3A_319 : memref<80xi32, #tpu.memory_space<vmem>>)
        %dma_start3A_322 = arith.constant 3 : i32
        %dma_start3A_323 = arith.constant 3 : i32
        %dma_start3A_324 = arith.constant 0 : i32
        %dma_start3A_325 = arith.constant 0 : i32
        %dma_start3A_326 = tpu.memref_slice %arg9[%dma_start3A_323, %dma_start3A_324, %dma_start3A_325] : memref<4x80x128xf32, #tpu.memory_space<vmem>> -> memref<1x80x128xf32, #tpu.memory_space<vmem>>
        %dma_start3A_327 = tpu.memref_squeeze %dma_start3A_326 : memref<1x80x128xf32, #tpu.memory_space<vmem>> -> memref<80x128xf32, #tpu.memory_space<vmem>>
        %dma_start3A_328 = arith.constant 0 : i32
        %dma_start3A_329 = tpu.memref_slice %arg7[%dma_start3A_322, %dma_start3A_328] : memref<4x80xi32, #tpu.memory_space<vmem>> -> memref<1x80xi32, #tpu.memory_space<vmem>>
        %dma_start3A_330 = tpu.memref_squeeze %dma_start3A_329 : memref<1x80xi32, #tpu.memory_space<vmem>> -> memref<80xi32, #tpu.memory_space<vmem>>
        %dma_start3A_331 = arith.constant 0 : i32
        %dma_start3A_332 = arith.constant 0 : i32
        %dma_start3A_333 = tpu.memref_slice %arg2[%dma_start3A_331, %dma_start3A_332] : memref<10000x128xf32, #tpu.memory_space<hbm>> -> memref<10000x128xf32, #tpu.memory_space<hbm>>
        tpu.enqueue_indirect_dma source(%dma_start3A_333 : memref<10000x128xf32, #tpu.memory_space<hbm>>) target(%dma_start3A_327 : memref<80x128xf32, #tpu.memory_space<vmem>>) offsets(%dma_start3A_330 : memref<80xi32, #tpu.memory_space<vmem>>) semaphore(%arg22 : memref<!tpu.dma_semaphore, #tpu.memory_space<semaphore_mem>>)
        %add3A_334 = arith.constant 3 : i32
        %add3A_335 = arith.addi %add3A_173, %add3A_334 : i32
        %mul3A_336 = arith.constant 80 : i32
        %mul3A_337 = arith.muli %add3A_335, %mul3A_336 : i32
        %add3A_338 = arith.addi %add3A, %mul3A_337 : i32
        %dma_start3A_339 = arith.constant 3 : i32
        %dma_start3A_340 = arith.constant 0 : i32
        %dma_start3A_341 = tpu.memref_slice %arg8[%dma_start3A_339, %dma_start3A_340] : memref<4x80xi32, #tpu.memory_space<vmem>> -> memref<1x80xi32, #tpu.memory_space<vmem>>
        %dma_start3A_342 = tpu.memref_squeeze %dma_start3A_341 : memref<1x80xi32, #tpu.memory_space<vmem>> -> memref<80xi32, #tpu.memory_space<vmem>>
        %dma_start3A_343 = tpu.memref_slice %arg4[%add3A_338] : memref<320000xi32, #tpu.memory_space<hbm>> -> memref<80xi32, #tpu.memory_space<hbm>>
        %dma_start3A_344 = arith.constant 0 : i32
        %dma_start3A_345 = tpu.memref_slice %arg8[%dma_start3A_339, %dma_start3A_344] : memref<4x80xi32, #tpu.memory_space<vmem>> -> memref<1x80xi32, #tpu.memory_space<vmem>>
        %dma_start3A_346 = tpu.memref_squeeze %dma_start3A_345 : memref<1x80xi32, #tpu.memory_space<vmem>> -> memref<80xi32, #tpu.memory_space<vmem>>
        %dma_start3A_347 = tpu.memref_slice %arg4[%add3A_338] : memref<320000xi32, #tpu.memory_space<hbm>> -> memref<80xi32, #tpu.memory_space<hbm>>
        tpu.enqueue_dma source(%dma_start3A_347 : memref<80xi32, #tpu.memory_space<hbm>>) target(%dma_start3A_346 : memref<80xi32, #tpu.memory_space<vmem>>) target_semaphore(%arg18 : memref<!tpu.dma_semaphore, #tpu.memory_space<semaphore_mem>>)
      } else {
      }
      %add3A_191 = arith.constant 4 : i32
      %add3A_192 = arith.addi %add3A_173, %add3A_191 : i32
      %lt3A_193 = arith.constant 125 : i32
      %lt3A_194 = arith.cmpi slt, %add3A_192, %lt3A_193 : i32
      %convert_element_type3A_195 = arith.extui %lt3A_194 : i1 to i32
      %cond3A_196 = arith.constant 0 : i32
      %cond3A_197 = arith.cmpi ne, %convert_element_type3A_195, %cond3A_196 : i32
      scf.if %cond3A_197 {
        %add3A_311 = arith.constant 4 : i32
        %add3A_312 = arith.addi %add3A_173, %add3A_311 : i32
        %mul3A_313 = arith.constant 80 : i32
        %mul3A_314 = arith.muli %add3A_312, %mul3A_313 : i32
        %add3A_315 = arith.addi %add3A, %mul3A_314 : i32
        %dma_start3A_316 = arith.constant 0 : i32
        %dma_start3A_317 = arith.constant 0 : i32
        %dma_start3A_318 = tpu.memref_slice %arg7[%dma_start3A_316, %dma_start3A_317] : memref<4x80xi32, #tpu.memory_space<vmem>> -> memref<1x80xi32, #tpu.memory_space<vmem>>
        %dma_start3A_319 = tpu.memref_squeeze %dma_start3A_318 : memref<1x80xi32, #tpu.memory_space<vmem>> -> memref<80xi32, #tpu.memory_space<vmem>>
        %dma_start3A_320 = tpu.memref_slice %arg3[%add3A_315] : memref<320000xi32, #tpu.memory_space<hbm>> -> memref<80xi32, #tpu.memory_space<hbm>>
        %dma_start3A_321 = arith.constant 0 : i32
        %dma_start3A_322 = tpu.memref_slice %arg7[%dma_start3A_316, %dma_start3A_321] : memref<4x80xi32, #tpu.memory_space<vmem>> -> memref<1x80xi32, #tpu.memory_space<vmem>>
        %dma_start3A_323 = tpu.memref_squeeze %dma_start3A_322 : memref<1x80xi32, #tpu.memory_space<vmem>> -> memref<80xi32, #tpu.memory_space<vmem>>
        %dma_start3A_324 = tpu.memref_slice %arg3[%add3A_315] : memref<320000xi32, #tpu.memory_space<hbm>> -> memref<80xi32, #tpu.memory_space<hbm>>
        tpu.enqueue_dma source(%dma_start3A_324 : memref<80xi32, #tpu.memory_space<hbm>>) target(%dma_start3A_323 : memref<80xi32, #tpu.memory_space<vmem>>) target_semaphore(%arg11 : memref<!tpu.dma_semaphore, #tpu.memory_space<semaphore_mem>>)
      } else {
      }
      %lt3A_198 = arith.constant 125 : i32
      %lt3A_199 = arith.cmpi slt, %add3A_173, %lt3A_198 : i32
      %convert_element_type3A_200 = arith.extui %lt3A_199 : i1 to i32
      %cond3A_201 = arith.constant 0 : i32
      %cond3A_202 = arith.cmpi ne, %convert_element_type3A_200, %cond3A_201 : i32
      scf.if %cond3A_202 {
        %dma_wait3A_311 = arith.constant 0 : i32
        %dma_wait3A_312 = arith.constant 0 : i32
        %dma_wait3A_313 = tpu.memref_slice %arg8[%dma_wait3A_311, %dma_wait3A_312] : memref<4x80xi32, #tpu.memory_space<vmem>> -> memref<1x80xi32, #tpu.memory_space<vmem>>
        %dma_wait3A_314 = tpu.memref_squeeze %dma_wait3A_313 : memref<1x80xi32, #tpu.memory_space<vmem>> -> memref<80xi32, #tpu.memory_space<vmem>>
        %dma_wait3A_315 = arith.constant 0 : i32
        %dma_wait3A_316 = tpu.memref_slice %arg4[%dma_wait3A_315] : memref<320000xi32, #tpu.memory_space<hbm>> -> memref<80xi32, #tpu.memory_space<hbm>>
        %dma_wait3A_317 = arith.constant 0 : i32
        %dma_wait3A_318 = tpu.memref_slice %arg8[%dma_wait3A_311, %dma_wait3A_317] : memref<4x80xi32, #tpu.memory_space<vmem>> -> memref<1x80xi32, #tpu.memory_space<vmem>>
        %dma_wait3A_319 = tpu.memref_squeeze %dma_wait3A_318 : memref<1x80xi32, #tpu.memory_space<vmem>> -> memref<80xi32, #tpu.memory_space<vmem>>
        %dma_wait3A_320 = arith.constant 0 : i32
        %dma_wait3A_321 = tpu.memref_slice %arg4[%dma_wait3A_320] : memref<320000xi32, #tpu.memory_space<hbm>> -> memref<80xi32, #tpu.memory_space<hbm>>
        tpu.wait_dma2 semaphore(%arg15 : memref<!tpu.dma_semaphore, #tpu.memory_space<semaphore_mem>>) src(%dma_wait3A_321 : memref<80xi32, #tpu.memory_space<hbm>>) dst(%dma_wait3A_319 : memref<80xi32, #tpu.memory_space<vmem>>)
        %dma_start3A_322 = arith.constant 0 : i32
        %dma_start3A_323 = arith.constant 0 : i32
        %dma_start3A_324 = arith.constant 0 : i32
        %dma_start3A_325 = arith.constant 0 : i32
        %dma_start3A_326 = tpu.memref_slice %arg9[%dma_start3A_322, %dma_start3A_324, %dma_start3A_325] : memref<4x80x128xf32, #tpu.memory_space<vmem>> -> memref<1x80x128xf32, #tpu.memory_space<vmem>>
        %dma_start3A_327 = tpu.memref_squeeze %dma_start3A_326 : memref<1x80x128xf32, #tpu.memory_space<vmem>> -> memref<80x128xf32, #tpu.memory_space<vmem>>
        %dma_start3A_328 = arith.constant 0 : i32
        %dma_start3A_329 = tpu.memref_slice %arg8[%dma_start3A_323, %dma_start3A_328] : memref<4x80xi32, #tpu.memory_space<vmem>> -> memref<1x80xi32, #tpu.memory_space<vmem>>
        %dma_start3A_330 = tpu.memref_squeeze %dma_start3A_329 : memref<1x80xi32, #tpu.memory_space<vmem>> -> memref<80xi32, #tpu.memory_space<vmem>>
        %dma_start3A_331 = arith.constant 0 : i32
        %dma_start3A_332 = arith.constant 0 : i32
        %dma_start3A_333 = tpu.memref_slice %arg10[%dma_start3A_331, %dma_start3A_332] : memref<10000x128xf32, #tpu.memory_space<vmem_shared>> -> memref<10000x128xf32, #tpu.memory_space<vmem_shared>>
        tpu.enqueue_indirect_dma source(%dma_start3A_327 : memref<80x128xf32, #tpu.memory_space<vmem>>) target(%dma_start3A_333 : memref<10000x128xf32, #tpu.memory_space<vmem_shared>>) offsets(%dma_start3A_330 : memref<80xi32, #tpu.memory_space<vmem>>) semaphore(%arg23 : memref<!tpu.dma_semaphore, #tpu.memory_space<semaphore_mem>>) {add = true}
      } else {
      }
      %mul3A_203 = arith.constant 4 : i32
      %mul3A_204 = arith.muli %mul3A_203, %scan3A_169 : i32
      %add3A_205 = arith.constant 1 : i32
      %add3A_206 = arith.addi %mul3A_204, %add3A_205 : i32
      %lt3A_207 = arith.constant 125 : i32
      %lt3A_208 = arith.cmpi slt, %add3A_206, %lt3A_207 : i32
      %convert_element_type3A_209 = arith.extui %lt3A_208 : i1 to i32
      %cond3A_210 = arith.constant 0 : i32
      %cond3A_211 = arith.cmpi ne, %convert_element_type3A_209, %cond3A_210 : i32
      scf.if %cond3A_211 {
        %dma_wait3A_311 = arith.constant 1 : i32
        %dma_wait3A_312 = arith.constant 1 : i32
        %dma_wait3A_313 = arith.constant 0 : i32
        %dma_wait3A_314 = arith.constant 0 : i32
        %dma_wait3A_315 = tpu.memref_slice %arg9[%dma_wait3A_312, %dma_wait3A_313, %dma_wait3A_314] : memref<4x80x128xf32, #tpu.memory_space<vmem>> -> memref<1x80x128xf32, #tpu.memory_space<vmem>>
        %dma_wait3A_316 = tpu.memref_squeeze %dma_wait3A_315 : memref<1x80x128xf32, #tpu.memory_space<vmem>> -> memref<80x128xf32, #tpu.memory_space<vmem>>
        %dma_wait3A_317 = arith.constant 0 : i32
        %dma_wait3A_318 = tpu.memref_slice %arg7[%dma_wait3A_311, %dma_wait3A_317] : memref<4x80xi32, #tpu.memory_space<vmem>> -> memref<1x80xi32, #tpu.memory_space<vmem>>
        %dma_wait3A_319 = tpu.memref_squeeze %dma_wait3A_318 : memref<1x80xi32, #tpu.memory_space<vmem>> -> memref<80xi32, #tpu.memory_space<vmem>>
        %dma_wait3A_320 = arith.constant 0 : i32
        %dma_wait3A_321 = arith.constant 0 : i32
        %dma_wait3A_322 = tpu.memref_slice %arg2[%dma_wait3A_320, %dma_wait3A_321] : memref<10000x128xf32, #tpu.memory_space<hbm>> -> memref<10000x128xf32, #tpu.memory_space<hbm>>
        tpu.wait_indirect_dma semaphore(%arg20 : memref<!tpu.dma_semaphore, #tpu.memory_space<semaphore_mem>>) src(%dma_wait3A_322 : memref<10000x128xf32, #tpu.memory_space<hbm>>) dst(%dma_wait3A_316 : memref<80x128xf32, #tpu.memory_space<vmem>>)
      } else {
      }
      %ge3A_212 = arith.constant 1 : i32
      %ge3A_213 = arith.cmpi sge, %add3A_206, %ge3A_212 : i32
      %le3A_214 = arith.constant 125 : i32
      %le3A_215 = arith.cmpi sle, %add3A_206, %le3A_214 : i32
      %and3A_216 = arith.andi %ge3A_213, %le3A_215 : i1
      %convert_element_type3A_217 = arith.extui %and3A_216 : i1 to i32
      %cond3A_218 = arith.constant 0 : i32
      %cond3A_219 = arith.cmpi ne, %convert_element_type3A_217, %cond3A_218 : i32
      scf.if %cond3A_219 {
        %dma_wait3A_311 = arith.constant 0 : i32
        %dma_wait3A_312 = arith.constant 0 : i32
        %dma_wait3A_313 = arith.constant 0 : i32
        %dma_wait3A_314 = arith.constant 0 : i32
        %dma_wait3A_315 = tpu.memref_slice %arg9[%dma_wait3A_311, %dma_wait3A_313, %dma_wait3A_314] : memref<4x80x128xf32, #tpu.memory_space<vmem>> -> memref<1x80x128xf32, #tpu.memory_space<vmem>>
        %dma_wait3A_316 = tpu.memref_squeeze %dma_wait3A_315 : memref<1x80x128xf32, #tpu.memory_space<vmem>> -> memref<80x128xf32, #tpu.memory_space<vmem>>
        %dma_wait3A_317 = arith.constant 0 : i32
        %dma_wait3A_318 = tpu.memref_slice %arg8[%dma_wait3A_312, %dma_wait3A_317] : memref<4x80xi32, #tpu.memory_space<vmem>> -> memref<1x80xi32, #tpu.memory_space<vmem>>
        %dma_wait3A_319 = tpu.memref_squeeze %dma_wait3A_318 : memref<1x80xi32, #tpu.memory_space<vmem>> -> memref<80xi32, #tpu.memory_space<vmem>>
        %dma_wait3A_320 = arith.constant 0 : i32
        %dma_wait3A_321 = arith.constant 0 : i32
        %dma_wait3A_322 = tpu.memref_slice %arg10[%dma_wait3A_320, %dma_wait3A_321] : memref<10000x128xf32, #tpu.memory_space<vmem_shared>> -> memref<10000x128xf32, #tpu.memory_space<vmem_shared>>
        tpu.wait_indirect_dma semaphore(%arg23 : memref<!tpu.dma_semaphore, #tpu.memory_space<semaphore_mem>>) src(%dma_wait3A_316 : memref<80x128xf32, #tpu.memory_space<vmem>>) dst(%dma_wait3A_322 : memref<10000x128xf32, #tpu.memory_space<vmem_shared>>)
      } else {
      }
      %add3A_220 = arith.constant 3 : i32
      %add3A_221 = arith.addi %add3A_206, %add3A_220 : i32
      %lt3A_222 = arith.constant 125 : i32
      %lt3A_223 = arith.cmpi slt, %add3A_221, %lt3A_222 : i32
      %convert_element_type3A_224 = arith.extui %lt3A_223 : i1 to i32
      %cond3A_225 = arith.constant 0 : i32
      %cond3A_226 = arith.cmpi ne, %convert_element_type3A_224, %cond3A_225 : i32
      scf.if %cond3A_226 {
        %dma_wait3A_311 = arith.constant 0 : i32
        %dma_wait3A_312 = arith.constant 0 : i32
        %dma_wait3A_313 = tpu.memref_slice %arg7[%dma_wait3A_311, %dma_wait3A_312] : memref<4x80xi32, #tpu.memory_space<vmem>> -> memref<1x80xi32, #tpu.memory_space<vmem>>
        %dma_wait3A_314 = tpu.memref_squeeze %dma_wait3A_313 : memref<1x80xi32, #tpu.memory_space<vmem>> -> memref<80xi32, #tpu.memory_space<vmem>>
        %dma_wait3A_315 = arith.constant 0 : i32
        %dma_wait3A_316 = tpu.memref_slice %arg3[%dma_wait3A_315] : memref<320000xi32, #tpu.memory_space<hbm>> -> memref<80xi32, #tpu.memory_space<hbm>>
        %dma_wait3A_317 = arith.constant 0 : i32
        %dma_wait3A_318 = tpu.memref_slice %arg7[%dma_wait3A_311, %dma_wait3A_317] : memref<4x80xi32, #tpu.memory_space<vmem>> -> memref<1x80xi32, #tpu.memory_space<vmem>>
        %dma_wait3A_319 = tpu.memref_squeeze %dma_wait3A_318 : memref<1x80xi32, #tpu.memory_space<vmem>> -> memref<80xi32, #tpu.memory_space<vmem>>
        %dma_wait3A_320 = arith.constant 0 : i32
        %dma_wait3A_321 = tpu.memref_slice %arg3[%dma_wait3A_320] : memref<320000xi32, #tpu.memory_space<hbm>> -> memref<80xi32, #tpu.memory_space<hbm>>
        tpu.wait_dma2 semaphore(%arg11 : memref<!tpu.dma_semaphore, #tpu.memory_space<semaphore_mem>>) src(%dma_wait3A_321 : memref<80xi32, #tpu.memory_space<hbm>>) dst(%dma_wait3A_319 : memref<80xi32, #tpu.memory_space<vmem>>)
        %dma_start3A_322 = arith.constant 0 : i32
        %dma_start3A_323 = arith.constant 0 : i32
        %dma_start3A_324 = arith.constant 0 : i32
        %dma_start3A_325 = arith.constant 0 : i32
        %dma_start3A_326 = tpu.memref_slice %arg9[%dma_start3A_323, %dma_start3A_324, %dma_start3A_325] : memref<4x80x128xf32, #tpu.memory_space<vmem>> -> memref<1x80x128xf32, #tpu.memory_space<vmem>>
        %dma_start3A_327 = tpu.memref_squeeze %dma_start3A_326 : memref<1x80x128xf32, #tpu.memory_space<vmem>> -> memref<80x128xf32, #tpu.memory_space<vmem>>
        %dma_start3A_328 = arith.constant 0 : i32
        %dma_start3A_329 = tpu.memref_slice %arg7[%dma_start3A_322, %dma_start3A_328] : memref<4x80xi32, #tpu.memory_space<vmem>> -> memref<1x80xi32, #tpu.memory_space<vmem>>
        %dma_start3A_330 = tpu.memref_squeeze %dma_start3A_329 : memref<1x80xi32, #tpu.memory_space<vmem>> -> memref<80xi32, #tpu.memory_space<vmem>>
        %dma_start3A_331 = arith.constant 0 : i32
        %dma_start3A_332 = arith.constant 0 : i32
        %dma_start3A_333 = tpu.memref_slice %arg2[%dma_start3A_331, %dma_start3A_332] : memref<10000x128xf32, #tpu.memory_space<hbm>> -> memref<10000x128xf32, #tpu.memory_space<hbm>>
        tpu.enqueue_indirect_dma source(%dma_start3A_333 : memref<10000x128xf32, #tpu.memory_space<hbm>>) target(%dma_start3A_327 : memref<80x128xf32, #tpu.memory_space<vmem>>) offsets(%dma_start3A_330 : memref<80xi32, #tpu.memory_space<vmem>>) semaphore(%arg19 : memref<!tpu.dma_semaphore, #tpu.memory_space<semaphore_mem>>)
        %add3A_334 = arith.constant 3 : i32
        %add3A_335 = arith.addi %add3A_206, %add3A_334 : i32
        %mul3A_336 = arith.constant 80 : i32
        %mul3A_337 = arith.muli %add3A_335, %mul3A_336 : i32
        %add3A_338 = arith.addi %add3A, %mul3A_337 : i32
        %dma_start3A_339 = arith.constant 0 : i32
        %dma_start3A_340 = arith.constant 0 : i32
        %dma_start3A_341 = tpu.memref_slice %arg8[%dma_start3A_339, %dma_start3A_340] : memref<4x80xi32, #tpu.memory_space<vmem>> -> memref<1x80xi32, #tpu.memory_space<vmem>>
        %dma_start3A_342 = tpu.memref_squeeze %dma_start3A_341 : memref<1x80xi32, #tpu.memory_space<vmem>> -> memref<80xi32, #tpu.memory_space<vmem>>
        %dma_start3A_343 = tpu.memref_slice %arg4[%add3A_338] : memref<320000xi32, #tpu.memory_space<hbm>> -> memref<80xi32, #tpu.memory_space<hbm>>
        %dma_start3A_344 = arith.constant 0 : i32
        %dma_start3A_345 = tpu.memref_slice %arg8[%dma_start3A_339, %dma_start3A_344] : memref<4x80xi32, #tpu.memory_space<vmem>> -> memref<1x80xi32, #tpu.memory_space<vmem>>
        %dma_start3A_346 = tpu.memref_squeeze %dma_start3A_345 : memref<1x80xi32, #tpu.memory_space<vmem>> -> memref<80xi32, #tpu.memory_space<vmem>>
        %dma_start3A_347 = tpu.memref_slice %arg4[%add3A_338] : memref<320000xi32, #tpu.memory_space<hbm>> -> memref<80xi32, #tpu.memory_space<hbm>>
        tpu.enqueue_dma source(%dma_start3A_347 : memref<80xi32, #tpu.memory_space<hbm>>) target(%dma_start3A_346 : memref<80xi32, #tpu.memory_space<vmem>>) target_semaphore(%arg15 : memref<!tpu.dma_semaphore, #tpu.memory_space<semaphore_mem>>)
      } else {
      }
      %add3A_227 = arith.constant 4 : i32
      %add3A_228 = arith.addi %add3A_206, %add3A_227 : i32
      %lt3A_229 = arith.constant 125 : i32
      %lt3A_230 = arith.cmpi slt, %add3A_228, %lt3A_229 : i32
      %convert_element_type3A_231 = arith.extui %lt3A_230 : i1 to i32
      %cond3A_232 = arith.constant 0 : i32
      %cond3A_233 = arith.cmpi ne, %convert_element_type3A_231, %cond3A_232 : i32
      scf.if %cond3A_233 {
        %add3A_311 = arith.constant 4 : i32
        %add3A_312 = arith.addi %add3A_206, %add3A_311 : i32
        %mul3A_313 = arith.constant 80 : i32
        %mul3A_314 = arith.muli %add3A_312, %mul3A_313 : i32
        %add3A_315 = arith.addi %add3A, %mul3A_314 : i32
        %dma_start3A_316 = arith.constant 1 : i32
        %dma_start3A_317 = arith.constant 0 : i32
        %dma_start3A_318 = tpu.memref_slice %arg7[%dma_start3A_316, %dma_start3A_317] : memref<4x80xi32, #tpu.memory_space<vmem>> -> memref<1x80xi32, #tpu.memory_space<vmem>>
        %dma_start3A_319 = tpu.memref_squeeze %dma_start3A_318 : memref<1x80xi32, #tpu.memory_space<vmem>> -> memref<80xi32, #tpu.memory_space<vmem>>
        %dma_start3A_320 = tpu.memref_slice %arg3[%add3A_315] : memref<320000xi32, #tpu.memory_space<hbm>> -> memref<80xi32, #tpu.memory_space<hbm>>
        %dma_start3A_321 = arith.constant 0 : i32
        %dma_start3A_322 = tpu.memref_slice %arg7[%dma_start3A_316, %dma_start3A_321] : memref<4x80xi32, #tpu.memory_space<vmem>> -> memref<1x80xi32, #tpu.memory_space<vmem>>
        %dma_start3A_323 = tpu.memref_squeeze %dma_start3A_322 : memref<1x80xi32, #tpu.memory_space<vmem>> -> memref<80xi32, #tpu.memory_space<vmem>>
        %dma_start3A_324 = tpu.memref_slice %arg3[%add3A_315] : memref<320000xi32, #tpu.memory_space<hbm>> -> memref<80xi32, #tpu.memory_space<hbm>>
        tpu.enqueue_dma source(%dma_start3A_324 : memref<80xi32, #tpu.memory_space<hbm>>) target(%dma_start3A_323 : memref<80xi32, #tpu.memory_space<vmem>>) target_semaphore(%arg12 : memref<!tpu.dma_semaphore, #tpu.memory_space<semaphore_mem>>)
      } else {
      }
      %lt3A_234 = arith.constant 125 : i32
      %lt3A_235 = arith.cmpi slt, %add3A_206, %lt3A_234 : i32
      %convert_element_type3A_236 = arith.extui %lt3A_235 : i1 to i32
      %cond3A_237 = arith.constant 0 : i32
      %cond3A_238 = arith.cmpi ne, %convert_element_type3A_236, %cond3A_237 : i32
      scf.if %cond3A_238 {
        %dma_wait3A_311 = arith.constant 1 : i32
        %dma_wait3A_312 = arith.constant 0 : i32
        %dma_wait3A_313 = tpu.memref_slice %arg8[%dma_wait3A_311, %dma_wait3A_312] : memref<4x80xi32, #tpu.memory_space<vmem>> -> memref<1x80xi32, #tpu.memory_space<vmem>>
        %dma_wait3A_314 = tpu.memref_squeeze %dma_wait3A_313 : memref<1x80xi32, #tpu.memory_space<vmem>> -> memref<80xi32, #tpu.memory_space<vmem>>
        %dma_wait3A_315 = arith.constant 0 : i32
        %dma_wait3A_316 = tpu.memref_slice %arg4[%dma_wait3A_315] : memref<320000xi32, #tpu.memory_space<hbm>> -> memref<80xi32, #tpu.memory_space<hbm>>
        %dma_wait3A_317 = arith.constant 0 : i32
        %dma_wait3A_318 = tpu.memref_slice %arg8[%dma_wait3A_311, %dma_wait3A_317] : memref<4x80xi32, #tpu.memory_space<vmem>> -> memref<1x80xi32, #tpu.memory_space<vmem>>
        %dma_wait3A_319 = tpu.memref_squeeze %dma_wait3A_318 : memref<1x80xi32, #tpu.memory_space<vmem>> -> memref<80xi32, #tpu.memory_space<vmem>>
        %dma_wait3A_320 = arith.constant 0 : i32
        %dma_wait3A_321 = tpu.memref_slice %arg4[%dma_wait3A_320] : memref<320000xi32, #tpu.memory_space<hbm>> -> memref<80xi32, #tpu.memory_space<hbm>>
        tpu.wait_dma2 semaphore(%arg16 : memref<!tpu.dma_semaphore, #tpu.memory_space<semaphore_mem>>) src(%dma_wait3A_321 : memref<80xi32, #tpu.memory_space<hbm>>) dst(%dma_wait3A_319 : memref<80xi32, #tpu.memory_space<vmem>>)
        %dma_start3A_322 = arith.constant 1 : i32
        %dma_start3A_323 = arith.constant 1 : i32
        %dma_start3A_324 = arith.constant 0 : i32
        %dma_start3A_325 = arith.constant 0 : i32
        %dma_start3A_326 = tpu.memref_slice %arg9[%dma_start3A_322, %dma_start3A_324, %dma_start3A_325] : memref<4x80x128xf32, #tpu.memory_space<vmem>> -> memref<1x80x128xf32, #tpu.memory_space<vmem>>
        %dma_start3A_327 = tpu.memref_squeeze %dma_start3A_326 : memref<1x80x128xf32, #tpu.memory_space<vmem>> -> memref<80x128xf32, #tpu.memory_space<vmem>>
        %dma_start3A_328 = arith.constant 0 : i32
        %dma_start3A_329 = tpu.memref_slice %arg8[%dma_start3A_323, %dma_start3A_328] : memref<4x80xi32, #tpu.memory_space<vmem>> -> memref<1x80xi32, #tpu.memory_space<vmem>>
        %dma_start3A_330 = tpu.memref_squeeze %dma_start3A_329 : memref<1x80xi32, #tpu.memory_space<vmem>> -> memref<80xi32, #tpu.memory_space<vmem>>
        %dma_start3A_331 = arith.constant 0 : i32
        %dma_start3A_332 = arith.constant 0 : i32
        %dma_start3A_333 = tpu.memref_slice %arg10[%dma_start3A_331, %dma_start3A_332] : memref<10000x128xf32, #tpu.memory_space<vmem_shared>> -> memref<10000x128xf32, #tpu.memory_space<vmem_shared>>
        tpu.enqueue_indirect_dma source(%dma_start3A_327 : memref<80x128xf32, #tpu.memory_space<vmem>>) target(%dma_start3A_333 : memref<10000x128xf32, #tpu.memory_space<vmem_shared>>) offsets(%dma_start3A_330 : memref<80xi32, #tpu.memory_space<vmem>>) semaphore(%arg24 : memref<!tpu.dma_semaphore, #tpu.memory_space<semaphore_mem>>) {add = true}
      } else {
      }
      %mul3A_239 = arith.constant 4 : i32
      %mul3A_240 = arith.muli %mul3A_239, %scan3A_169 : i32
      %add3A_241 = arith.constant 2 : i32
      %add3A_242 = arith.addi %mul3A_240, %add3A_241 : i32
      %lt3A_243 = arith.constant 125 : i32
      %lt3A_244 = arith.cmpi slt, %add3A_242, %lt3A_243 : i32
      %convert_element_type3A_245 = arith.extui %lt3A_244 : i1 to i32
      %cond3A_246 = arith.constant 0 : i32
      %cond3A_247 = arith.cmpi ne, %convert_element_type3A_245, %cond3A_246 : i32
      scf.if %cond3A_247 {
        %dma_wait3A_311 = arith.constant 2 : i32
        %dma_wait3A_312 = arith.constant 2 : i32
        %dma_wait3A_313 = arith.constant 0 : i32
        %dma_wait3A_314 = arith.constant 0 : i32
        %dma_wait3A_315 = tpu.memref_slice %arg9[%dma_wait3A_312, %dma_wait3A_313, %dma_wait3A_314] : memref<4x80x128xf32, #tpu.memory_space<vmem>> -> memref<1x80x128xf32, #tpu.memory_space<vmem>>
        %dma_wait3A_316 = tpu.memref_squeeze %dma_wait3A_315 : memref<1x80x128xf32, #tpu.memory_space<vmem>> -> memref<80x128xf32, #tpu.memory_space<vmem>>
        %dma_wait3A_317 = arith.constant 0 : i32
        %dma_wait3A_318 = tpu.memref_slice %arg7[%dma_wait3A_311, %dma_wait3A_317] : memref<4x80xi32, #tpu.memory_space<vmem>> -> memref<1x80xi32, #tpu.memory_space<vmem>>
        %dma_wait3A_319 = tpu.memref_squeeze %dma_wait3A_318 : memref<1x80xi32, #tpu.memory_space<vmem>> -> memref<80xi32, #tpu.memory_space<vmem>>
        %dma_wait3A_320 = arith.constant 0 : i32
        %dma_wait3A_321 = arith.constant 0 : i32
        %dma_wait3A_322 = tpu.memref_slice %arg2[%dma_wait3A_320, %dma_wait3A_321] : memref<10000x128xf32, #tpu.memory_space<hbm>> -> memref<10000x128xf32, #tpu.memory_space<hbm>>
        tpu.wait_indirect_dma semaphore(%arg21 : memref<!tpu.dma_semaphore, #tpu.memory_space<semaphore_mem>>) src(%dma_wait3A_322 : memref<10000x128xf32, #tpu.memory_space<hbm>>) dst(%dma_wait3A_316 : memref<80x128xf32, #tpu.memory_space<vmem>>)
      } else {
      }
      %ge3A_248 = arith.constant 1 : i32
      %ge3A_249 = arith.cmpi sge, %add3A_242, %ge3A_248 : i32
      %le3A_250 = arith.constant 125 : i32
      %le3A_251 = arith.cmpi sle, %add3A_242, %le3A_250 : i32
      %and3A_252 = arith.andi %ge3A_249, %le3A_251 : i1
      %convert_element_type3A_253 = arith.extui %and3A_252 : i1 to i32
      %cond3A_254 = arith.constant 0 : i32
      %cond3A_255 = arith.cmpi ne, %convert_element_type3A_253, %cond3A_254 : i32
      scf.if %cond3A_255 {
        %dma_wait3A_311 = arith.constant 1 : i32
        %dma_wait3A_312 = arith.constant 1 : i32
        %dma_wait3A_313 = arith.constant 0 : i32
        %dma_wait3A_314 = arith.constant 0 : i32
        %dma_wait3A_315 = tpu.memref_slice %arg9[%dma_wait3A_311, %dma_wait3A_313, %dma_wait3A_314] : memref<4x80x128xf32, #tpu.memory_space<vmem>> -> memref<1x80x128xf32, #tpu.memory_space<vmem>>
        %dma_wait3A_316 = tpu.memref_squeeze %dma_wait3A_315 : memref<1x80x128xf32, #tpu.memory_space<vmem>> -> memref<80x128xf32, #tpu.memory_space<vmem>>
        %dma_wait3A_317 = arith.constant 0 : i32
        %dma_wait3A_318 = tpu.memref_slice %arg8[%dma_wait3A_312, %dma_wait3A_317] : memref<4x80xi32, #tpu.memory_space<vmem>> -> memref<1x80xi32, #tpu.memory_space<vmem>>
        %dma_wait3A_319 = tpu.memref_squeeze %dma_wait3A_318 : memref<1x80xi32, #tpu.memory_space<vmem>> -> memref<80xi32, #tpu.memory_space<vmem>>
        %dma_wait3A_320 = arith.constant 0 : i32
        %dma_wait3A_321 = arith.constant 0 : i32
        %dma_wait3A_322 = tpu.memref_slice %arg10[%dma_wait3A_320, %dma_wait3A_321] : memref<10000x128xf32, #tpu.memory_space<vmem_shared>> -> memref<10000x128xf32, #tpu.memory_space<vmem_shared>>
        tpu.wait_indirect_dma semaphore(%arg24 : memref<!tpu.dma_semaphore, #tpu.memory_space<semaphore_mem>>) src(%dma_wait3A_316 : memref<80x128xf32, #tpu.memory_space<vmem>>) dst(%dma_wait3A_322 : memref<10000x128xf32, #tpu.memory_space<vmem_shared>>)
      } else {
      }
      %add3A_256 = arith.constant 3 : i32
      %add3A_257 = arith.addi %add3A_242, %add3A_256 : i32
      %lt3A_258 = arith.constant 125 : i32
      %lt3A_259 = arith.cmpi slt, %add3A_257, %lt3A_258 : i32
      %convert_element_type3A_260 = arith.extui %lt3A_259 : i1 to i32
      %cond3A_261 = arith.constant 0 : i32
      %cond3A_262 = arith.cmpi ne, %convert_element_type3A_260, %cond3A_261 : i32
      scf.if %cond3A_262 {
        %dma_wait3A_311 = arith.constant 1 : i32
        %dma_wait3A_312 = arith.constant 0 : i32
        %dma_wait3A_313 = tpu.memref_slice %arg7[%dma_wait3A_311, %dma_wait3A_312] : memref<4x80xi32, #tpu.memory_space<vmem>> -> memref<1x80xi32, #tpu.memory_space<vmem>>
        %dma_wait3A_314 = tpu.memref_squeeze %dma_wait3A_313 : memref<1x80xi32, #tpu.memory_space<vmem>> -> memref<80xi32, #tpu.memory_space<vmem>>
        %dma_wait3A_315 = arith.constant 0 : i32
        %dma_wait3A_316 = tpu.memref_slice %arg3[%dma_wait3A_315] : memref<320000xi32, #tpu.memory_space<hbm>> -> memref<80xi32, #tpu.memory_space<hbm>>
        %dma_wait3A_317 = arith.constant 0 : i32
        %dma_wait3A_318 = tpu.memref_slice %arg7[%dma_wait3A_311, %dma_wait3A_317] : memref<4x80xi32, #tpu.memory_space<vmem>> -> memref<1x80xi32, #tpu.memory_space<vmem>>
        %dma_wait3A_319 = tpu.memref_squeeze %dma_wait3A_318 : memref<1x80xi32, #tpu.memory_space<vmem>> -> memref<80xi32, #tpu.memory_space<vmem>>
        %dma_wait3A_320 = arith.constant 0 : i32
        %dma_wait3A_321 = tpu.memref_slice %arg3[%dma_wait3A_320] : memref<320000xi32, #tpu.memory_space<hbm>> -> memref<80xi32, #tpu.memory_space<hbm>>
        tpu.wait_dma2 semaphore(%arg12 : memref<!tpu.dma_semaphore, #tpu.memory_space<semaphore_mem>>) src(%dma_wait3A_321 : memref<80xi32, #tpu.memory_space<hbm>>) dst(%dma_wait3A_319 : memref<80xi32, #tpu.memory_space<vmem>>)
        %dma_start3A_322 = arith.constant 1 : i32
        %dma_start3A_323 = arith.constant 1 : i32
        %dma_start3A_324 = arith.constant 0 : i32
        %dma_start3A_325 = arith.constant 0 : i32
        %dma_start3A_326 = tpu.memref_slice %arg9[%dma_start3A_323, %dma_start3A_324, %dma_start3A_325] : memref<4x80x128xf32, #tpu.memory_space<vmem>> -> memref<1x80x128xf32, #tpu.memory_space<vmem>>
        %dma_start3A_327 = tpu.memref_squeeze %dma_start3A_326 : memref<1x80x128xf32, #tpu.memory_space<vmem>> -> memref<80x128xf32, #tpu.memory_space<vmem>>
        %dma_start3A_328 = arith.constant 0 : i32
        %dma_start3A_329 = tpu.memref_slice %arg7[%dma_start3A_322, %dma_start3A_328] : memref<4x80xi32, #tpu.memory_space<vmem>> -> memref<1x80xi32, #tpu.memory_space<vmem>>
        %dma_start3A_330 = tpu.memref_squeeze %dma_start3A_329 : memref<1x80xi32, #tpu.memory_space<vmem>> -> memref<80xi32, #tpu.memory_space<vmem>>
        %dma_start3A_331 = arith.constant 0 : i32
        %dma_start3A_332 = arith.constant 0 : i32
        %dma_start3A_333 = tpu.memref_slice %arg2[%dma_start3A_331, %dma_start3A_332] : memref<10000x128xf32, #tpu.memory_space<hbm>> -> memref<10000x128xf32, #tpu.memory_space<hbm>>
        tpu.enqueue_indirect_dma source(%dma_start3A_333 : memref<10000x128xf32, #tpu.memory_space<hbm>>) target(%dma_start3A_327 : memref<80x128xf32, #tpu.memory_space<vmem>>) offsets(%dma_start3A_330 : memref<80xi32, #tpu.memory_space<vmem>>) semaphore(%arg20 : memref<!tpu.dma_semaphore, #tpu.memory_space<semaphore_mem>>)
        %add3A_334 = arith.constant 3 : i32
        %add3A_335 = arith.addi %add3A_242, %add3A_334 : i32
        %mul3A_336 = arith.constant 80 : i32
        %mul3A_337 = arith.muli %add3A_335, %mul3A_336 : i32
        %add3A_338 = arith.addi %add3A, %mul3A_337 : i32
        %dma_start3A_339 = arith.constant 1 : i32
        %dma_start3A_340 = arith.constant 0 : i32
        %dma_start3A_341 = tpu.memref_slice %arg8[%dma_start3A_339, %dma_start3A_340] : memref<4x80xi32, #tpu.memory_space<vmem>> -> memref<1x80xi32, #tpu.memory_space<vmem>>
        %dma_start3A_342 = tpu.memref_squeeze %dma_start3A_341 : memref<1x80xi32, #tpu.memory_space<vmem>> -> memref<80xi32, #tpu.memory_space<vmem>>
        %dma_start3A_343 = tpu.memref_slice %arg4[%add3A_338] : memref<320000xi32, #tpu.memory_space<hbm>> -> memref<80xi32, #tpu.memory_space<hbm>>
        %dma_start3A_344 = arith.constant 0 : i32
        %dma_start3A_345 = tpu.memref_slice %arg8[%dma_start3A_339, %dma_start3A_344] : memref<4x80xi32, #tpu.memory_space<vmem>> -> memref<1x80xi32, #tpu.memory_space<vmem>>
        %dma_start3A_346 = tpu.memref_squeeze %dma_start3A_345 : memref<1x80xi32, #tpu.memory_space<vmem>> -> memref<80xi32, #tpu.memory_space<vmem>>
        %dma_start3A_347 = tpu.memref_slice %arg4[%add3A_338] : memref<320000xi32, #tpu.memory_space<hbm>> -> memref<80xi32, #tpu.memory_space<hbm>>
        tpu.enqueue_dma source(%dma_start3A_347 : memref<80xi32, #tpu.memory_space<hbm>>) target(%dma_start3A_346 : memref<80xi32, #tpu.memory_space<vmem>>) target_semaphore(%arg16 : memref<!tpu.dma_semaphore, #tpu.memory_space<semaphore_mem>>)
      } else {
      }
      %add3A_263 = arith.constant 4 : i32
      %add3A_264 = arith.addi %add3A_242, %add3A_263 : i32
      %lt3A_265 = arith.constant 125 : i32
      %lt3A_266 = arith.cmpi slt, %add3A_264, %lt3A_265 : i32
      %convert_element_type3A_267 = arith.extui %lt3A_266 : i1 to i32
      %cond3A_268 = arith.constant 0 : i32
      %cond3A_269 = arith.cmpi ne, %convert_element_type3A_267, %cond3A_268 : i32
      scf.if %cond3A_269 {
        %add3A_311 = arith.constant 4 : i32
        %add3A_312 = arith.addi %add3A_242, %add3A_311 : i32
        %mul3A_313 = arith.constant 80 : i32
        %mul3A_314 = arith.muli %add3A_312, %mul3A_313 : i32
        %add3A_315 = arith.addi %add3A, %mul3A_314 : i32
        %dma_start3A_316 = arith.constant 2 : i32
        %dma_start3A_317 = arith.constant 0 : i32
        %dma_start3A_318 = tpu.memref_slice %arg7[%dma_start3A_316, %dma_start3A_317] : memref<4x80xi32, #tpu.memory_space<vmem>> -> memref<1x80xi32, #tpu.memory_space<vmem>>
        %dma_start3A_319 = tpu.memref_squeeze %dma_start3A_318 : memref<1x80xi32, #tpu.memory_space<vmem>> -> memref<80xi32, #tpu.memory_space<vmem>>
        %dma_start3A_320 = tpu.memref_slice %arg3[%add3A_315] : memref<320000xi32, #tpu.memory_space<hbm>> -> memref<80xi32, #tpu.memory_space<hbm>>
        %dma_start3A_321 = arith.constant 0 : i32
        %dma_start3A_322 = tpu.memref_slice %arg7[%dma_start3A_316, %dma_start3A_321] : memref<4x80xi32, #tpu.memory_space<vmem>> -> memref<1x80xi32, #tpu.memory_space<vmem>>
        %dma_start3A_323 = tpu.memref_squeeze %dma_start3A_322 : memref<1x80xi32, #tpu.memory_space<vmem>> -> memref<80xi32, #tpu.memory_space<vmem>>
        %dma_start3A_324 = tpu.memref_slice %arg3[%add3A_315] : memref<320000xi32, #tpu.memory_space<hbm>> -> memref<80xi32, #tpu.memory_space<hbm>>
        tpu.enqueue_dma source(%dma_start3A_324 : memref<80xi32, #tpu.memory_space<hbm>>) target(%dma_start3A_323 : memref<80xi32, #tpu.memory_space<vmem>>) target_semaphore(%arg13 : memref<!tpu.dma_semaphore, #tpu.memory_space<semaphore_mem>>)
      } else {
      }
      %lt3A_270 = arith.constant 125 : i32
      %lt3A_271 = arith.cmpi slt, %add3A_242, %lt3A_270 : i32
      %convert_element_type3A_272 = arith.extui %lt3A_271 : i1 to i32
      %cond3A_273 = arith.constant 0 : i32
      %cond3A_274 = arith.cmpi ne, %convert_element_type3A_272, %cond3A_273 : i32
      scf.if %cond3A_274 {
        %dma_wait3A_311 = arith.constant 2 : i32
        %dma_wait3A_312 = arith.constant 0 : i32
        %dma_wait3A_313 = tpu.memref_slice %arg8[%dma_wait3A_311, %dma_wait3A_312] : memref<4x80xi32, #tpu.memory_space<vmem>> -> memref<1x80xi32, #tpu.memory_space<vmem>>
        %dma_wait3A_314 = tpu.memref_squeeze %dma_wait3A_313 : memref<1x80xi32, #tpu.memory_space<vmem>> -> memref<80xi32, #tpu.memory_space<vmem>>
        %dma_wait3A_315 = arith.constant 0 : i32
        %dma_wait3A_316 = tpu.memref_slice %arg4[%dma_wait3A_315] : memref<320000xi32, #tpu.memory_space<hbm>> -> memref<80xi32, #tpu.memory_space<hbm>>
        %dma_wait3A_317 = arith.constant 0 : i32
        %dma_wait3A_318 = tpu.memref_slice %arg8[%dma_wait3A_311, %dma_wait3A_317] : memref<4x80xi32, #tpu.memory_space<vmem>> -> memref<1x80xi32, #tpu.memory_space<vmem>>
        %dma_wait3A_319 = tpu.memref_squeeze %dma_wait3A_318 : memref<1x80xi32, #tpu.memory_space<vmem>> -> memref<80xi32, #tpu.memory_space<vmem>>
        %dma_wait3A_320 = arith.constant 0 : i32
        %dma_wait3A_321 = tpu.memref_slice %arg4[%dma_wait3A_320] : memref<320000xi32, #tpu.memory_space<hbm>> -> memref<80xi32, #tpu.memory_space<hbm>>
        tpu.wait_dma2 semaphore(%arg17 : memref<!tpu.dma_semaphore, #tpu.memory_space<semaphore_mem>>) src(%dma_wait3A_321 : memref<80xi32, #tpu.memory_space<hbm>>) dst(%dma_wait3A_319 : memref<80xi32, #tpu.memory_space<vmem>>)
        %dma_start3A_322 = arith.constant 2 : i32
        %dma_start3A_323 = arith.constant 2 : i32
        %dma_start3A_324 = arith.constant 0 : i32
        %dma_start3A_325 = arith.constant 0 : i32
        %dma_start3A_326 = tpu.memref_slice %arg9[%dma_start3A_322, %dma_start3A_324, %dma_start3A_325] : memref<4x80x128xf32, #tpu.memory_space<vmem>> -> memref<1x80x128xf32, #tpu.memory_space<vmem>>
        %dma_start3A_327 = tpu.memref_squeeze %dma_start3A_326 : memref<1x80x128xf32, #tpu.memory_space<vmem>> -> memref<80x128xf32, #tpu.memory_space<vmem>>
        %dma_start3A_328 = arith.constant 0 : i32
        %dma_start3A_329 = tpu.memref_slice %arg8[%dma_start3A_323, %dma_start3A_328] : memref<4x80xi32, #tpu.memory_space<vmem>> -> memref<1x80xi32, #tpu.memory_space<vmem>>
        %dma_start3A_330 = tpu.memref_squeeze %dma_start3A_329 : memref<1x80xi32, #tpu.memory_space<vmem>> -> memref<80xi32, #tpu.memory_space<vmem>>
        %dma_start3A_331 = arith.constant 0 : i32
        %dma_start3A_332 = arith.constant 0 : i32
        %dma_start3A_333 = tpu.memref_slice %arg10[%dma_start3A_331, %dma_start3A_332] : memref<10000x128xf32, #tpu.memory_space<vmem_shared>> -> memref<10000x128xf32, #tpu.memory_space<vmem_shared>>
        tpu.enqueue_indirect_dma source(%dma_start3A_327 : memref<80x128xf32, #tpu.memory_space<vmem>>) target(%dma_start3A_333 : memref<10000x128xf32, #tpu.memory_space<vmem_shared>>) offsets(%dma_start3A_330 : memref<80xi32, #tpu.memory_space<vmem>>) semaphore(%arg25 : memref<!tpu.dma_semaphore, #tpu.memory_space<semaphore_mem>>) {add = true}
      } else {
      }
      %mul3A_275 = arith.constant 4 : i32
      %mul3A_276 = arith.muli %mul3A_275, %scan3A_169 : i32
      %add3A_277 = arith.constant 3 : i32
      %add3A_278 = arith.addi %mul3A_276, %add3A_277 : i32
      %lt3A_279 = arith.constant 125 : i32
      %lt3A_280 = arith.cmpi slt, %add3A_278, %lt3A_279 : i32
      %convert_element_type3A_281 = arith.extui %lt3A_280 : i1 to i32
      %cond3A_282 = arith.constant 0 : i32
      %cond3A_283 = arith.cmpi ne, %convert_element_type3A_281, %cond3A_282 : i32
      scf.if %cond3A_283 {
        %dma_wait3A_311 = arith.constant 3 : i32
        %dma_wait3A_312 = arith.constant 3 : i32
        %dma_wait3A_313 = arith.constant 0 : i32
        %dma_wait3A_314 = arith.constant 0 : i32
        %dma_wait3A_315 = tpu.memref_slice %arg9[%dma_wait3A_312, %dma_wait3A_313, %dma_wait3A_314] : memref<4x80x128xf32, #tpu.memory_space<vmem>> -> memref<1x80x128xf32, #tpu.memory_space<vmem>>
        %dma_wait3A_316 = tpu.memref_squeeze %dma_wait3A_315 : memref<1x80x128xf32, #tpu.memory_space<vmem>> -> memref<80x128xf32, #tpu.memory_space<vmem>>
        %dma_wait3A_317 = arith.constant 0 : i32
        %dma_wait3A_318 = tpu.memref_slice %arg7[%dma_wait3A_311, %dma_wait3A_317] : memref<4x80xi32, #tpu.memory_space<vmem>> -> memref<1x80xi32, #tpu.memory_space<vmem>>
        %dma_wait3A_319 = tpu.memref_squeeze %dma_wait3A_318 : memref<1x80xi32, #tpu.memory_space<vmem>> -> memref<80xi32, #tpu.memory_space<vmem>>
        %dma_wait3A_320 = arith.constant 0 : i32
        %dma_wait3A_321 = arith.constant 0 : i32
        %dma_wait3A_322 = tpu.memref_slice %arg2[%dma_wait3A_320, %dma_wait3A_321] : memref<10000x128xf32, #tpu.memory_space<hbm>> -> memref<10000x128xf32, #tpu.memory_space<hbm>>
        tpu.wait_indirect_dma semaphore(%arg22 : memref<!tpu.dma_semaphore, #tpu.memory_space<semaphore_mem>>) src(%dma_wait3A_322 : memref<10000x128xf32, #tpu.memory_space<hbm>>) dst(%dma_wait3A_316 : memref<80x128xf32, #tpu.memory_space<vmem>>)
      } else {
      }
      %ge3A_284 = arith.constant 1 : i32
      %ge3A_285 = arith.cmpi sge, %add3A_278, %ge3A_284 : i32
      %le3A_286 = arith.constant 125 : i32
      %le3A_287 = arith.cmpi sle, %add3A_278, %le3A_286 : i32
      %and3A_288 = arith.andi %ge3A_285, %le3A_287 : i1
      %convert_element_type3A_289 = arith.extui %and3A_288 : i1 to i32
      %cond3A_290 = arith.constant 0 : i32
      %cond3A_291 = arith.cmpi ne, %convert_element_type3A_289, %cond3A_290 : i32
      scf.if %cond3A_291 {
        %dma_wait3A_311 = arith.constant 2 : i32
        %dma_wait3A_312 = arith.constant 2 : i32
        %dma_wait3A_313 = arith.constant 0 : i32
        %dma_wait3A_314 = arith.constant 0 : i32
        %dma_wait3A_315 = tpu.memref_slice %arg9[%dma_wait3A_311, %dma_wait3A_313, %dma_wait3A_314] : memref<4x80x128xf32, #tpu.memory_space<vmem>> -> memref<1x80x128xf32, #tpu.memory_space<vmem>>
        %dma_wait3A_316 = tpu.memref_squeeze %dma_wait3A_315 : memref<1x80x128xf32, #tpu.memory_space<vmem>> -> memref<80x128xf32, #tpu.memory_space<vmem>>
        %dma_wait3A_317 = arith.constant 0 : i32
        %dma_wait3A_318 = tpu.memref_slice %arg8[%dma_wait3A_312, %dma_wait3A_317] : memref<4x80xi32, #tpu.memory_space<vmem>> -> memref<1x80xi32, #tpu.memory_space<vmem>>
        %dma_wait3A_319 = tpu.memref_squeeze %dma_wait3A_318 : memref<1x80xi32, #tpu.memory_space<vmem>> -> memref<80xi32, #tpu.memory_space<vmem>>
        %dma_wait3A_320 = arith.constant 0 : i32
        %dma_wait3A_321 = arith.constant 0 : i32
        %dma_wait3A_322 = tpu.memref_slice %arg10[%dma_wait3A_320, %dma_wait3A_321] : memref<10000x128xf32, #tpu.memory_space<vmem_shared>> -> memref<10000x128xf32, #tpu.memory_space<vmem_shared>>
        tpu.wait_indirect_dma semaphore(%arg25 : memref<!tpu.dma_semaphore, #tpu.memory_space<semaphore_mem>>) src(%dma_wait3A_316 : memref<80x128xf32, #tpu.memory_space<vmem>>) dst(%dma_wait3A_322 : memref<10000x128xf32, #tpu.memory_space<vmem_shared>>)
      } else {
      }
      %add3A_292 = arith.constant 3 : i32
      %add3A_293 = arith.addi %add3A_278, %add3A_292 : i32
      %lt3A_294 = arith.constant 125 : i32
      %lt3A_295 = arith.cmpi slt, %add3A_293, %lt3A_294 : i32
      %convert_element_type3A_296 = arith.extui %lt3A_295 : i1 to i32
      %cond3A_297 = arith.constant 0 : i32
      %cond3A_298 = arith.cmpi ne, %convert_element_type3A_296, %cond3A_297 : i32
      scf.if %cond3A_298 {
        %dma_wait3A_311 = arith.constant 2 : i32
        %dma_wait3A_312 = arith.constant 0 : i32
        %dma_wait3A_313 = tpu.memref_slice %arg7[%dma_wait3A_311, %dma_wait3A_312] : memref<4x80xi32, #tpu.memory_space<vmem>> -> memref<1x80xi32, #tpu.memory_space<vmem>>
        %dma_wait3A_314 = tpu.memref_squeeze %dma_wait3A_313 : memref<1x80xi32, #tpu.memory_space<vmem>> -> memref<80xi32, #tpu.memory_space<vmem>>
        %dma_wait3A_315 = arith.constant 0 : i32
        %dma_wait3A_316 = tpu.memref_slice %arg3[%dma_wait3A_315] : memref<320000xi32, #tpu.memory_space<hbm>> -> memref<80xi32, #tpu.memory_space<hbm>>
        %dma_wait3A_317 = arith.constant 0 : i32
        %dma_wait3A_318 = tpu.memref_slice %arg7[%dma_wait3A_311, %dma_wait3A_317] : memref<4x80xi32, #tpu.memory_space<vmem>> -> memref<1x80xi32, #tpu.memory_space<vmem>>
        %dma_wait3A_319 = tpu.memref_squeeze %dma_wait3A_318 : memref<1x80xi32, #tpu.memory_space<vmem>> -> memref<80xi32, #tpu.memory_space<vmem>>
        %dma_wait3A_320 = arith.constant 0 : i32
        %dma_wait3A_321 = tpu.memref_slice %arg3[%dma_wait3A_320] : memref<320000xi32, #tpu.memory_space<hbm>> -> memref<80xi32, #tpu.memory_space<hbm>>
        tpu.wait_dma2 semaphore(%arg13 : memref<!tpu.dma_semaphore, #tpu.memory_space<semaphore_mem>>) src(%dma_wait3A_321 : memref<80xi32, #tpu.memory_space<hbm>>) dst(%dma_wait3A_319 : memref<80xi32, #tpu.memory_space<vmem>>)
        %dma_start3A_322 = arith.constant 2 : i32
        %dma_start3A_323 = arith.constant 2 : i32
        %dma_start3A_324 = arith.constant 0 : i32
        %dma_start3A_325 = arith.constant 0 : i32
        %dma_start3A_326 = tpu.memref_slice %arg9[%dma_start3A_323, %dma_start3A_324, %dma_start3A_325] : memref<4x80x128xf32, #tpu.memory_space<vmem>> -> memref<1x80x128xf32, #tpu.memory_space<vmem>>
        %dma_start3A_327 = tpu.memref_squeeze %dma_start3A_326 : memref<1x80x128xf32, #tpu.memory_space<vmem>> -> memref<80x128xf32, #tpu.memory_space<vmem>>
        %dma_start3A_328 = arith.constant 0 : i32
        %dma_start3A_329 = tpu.memref_slice %arg7[%dma_start3A_322, %dma_start3A_328] : memref<4x80xi32, #tpu.memory_space<vmem>> -> memref<1x80xi32, #tpu.memory_space<vmem>>
        %dma_start3A_330 = tpu.memref_squeeze %dma_start3A_329 : memref<1x80xi32, #tpu.memory_space<vmem>> -> memref<80xi32, #tpu.memory_space<vmem>>
        %dma_start3A_331 = arith.constant 0 : i32
        %dma_start3A_332 = arith.constant 0 : i32
        %dma_start3A_333 = tpu.memref_slice %arg2[%dma_start3A_331, %dma_start3A_332] : memref<10000x128xf32, #tpu.memory_space<hbm>> -> memref<10000x128xf32, #tpu.memory_space<hbm>>
        tpu.enqueue_indirect_dma source(%dma_start3A_333 : memref<10000x128xf32, #tpu.memory_space<hbm>>) target(%dma_start3A_327 : memref<80x128xf32, #tpu.memory_space<vmem>>) offsets(%dma_start3A_330 : memref<80xi32, #tpu.memory_space<vmem>>) semaphore(%arg21 : memref<!tpu.dma_semaphore, #tpu.memory_space<semaphore_mem>>)
        %add3A_334 = arith.constant 3 : i32
        %add3A_335 = arith.addi %add3A_278, %add3A_334 : i32
        %mul3A_336 = arith.constant 80 : i32
        %mul3A_337 = arith.muli %add3A_335, %mul3A_336 : i32
        %add3A_338 = arith.addi %add3A, %mul3A_337 : i32
        %dma_start3A_339 = arith.constant 2 : i32
        %dma_start3A_340 = arith.constant 0 : i32
        %dma_start3A_341 = tpu.memref_slice %arg8[%dma_start3A_339, %dma_start3A_340] : memref<4x80xi32, #tpu.memory_space<vmem>> -> memref<1x80xi32, #tpu.memory_space<vmem>>
        %dma_start3A_342 = tpu.memref_squeeze %dma_start3A_341 : memref<1x80xi32, #tpu.memory_space<vmem>> -> memref<80xi32, #tpu.memory_space<vmem>>
        %dma_start3A_343 = tpu.memref_slice %arg4[%add3A_338] : memref<320000xi32, #tpu.memory_space<hbm>> -> memref<80xi32, #tpu.memory_space<hbm>>
        %dma_start3A_344 = arith.constant 0 : i32
        %dma_start3A_345 = tpu.memref_slice %arg8[%dma_start3A_339, %dma_start3A_344] : memref<4x80xi32, #tpu.memory_space<vmem>> -> memref<1x80xi32, #tpu.memory_space<vmem>>
        %dma_start3A_346 = tpu.memref_squeeze %dma_start3A_345 : memref<1x80xi32, #tpu.memory_space<vmem>> -> memref<80xi32, #tpu.memory_space<vmem>>
        %dma_start3A_347 = tpu.memref_slice %arg4[%add3A_338] : memref<320000xi32, #tpu.memory_space<hbm>> -> memref<80xi32, #tpu.memory_space<hbm>>
        tpu.enqueue_dma source(%dma_start3A_347 : memref<80xi32, #tpu.memory_space<hbm>>) target(%dma_start3A_346 : memref<80xi32, #tpu.memory_space<vmem>>) target_semaphore(%arg17 : memref<!tpu.dma_semaphore, #tpu.memory_space<semaphore_mem>>)
      } else {
      }
      %add3A_299 = arith.constant 4 : i32
      %add3A_300 = arith.addi %add3A_278, %add3A_299 : i32
      %lt3A_301 = arith.constant 125 : i32
      %lt3A_302 = arith.cmpi slt, %add3A_300, %lt3A_301 : i32
      %convert_element_type3A_303 = arith.extui %lt3A_302 : i1 to i32
      %cond3A_304 = arith.constant 0 : i32
      %cond3A_305 = arith.cmpi ne, %convert_element_type3A_303, %cond3A_304 : i32
      scf.if %cond3A_305 {
        %add3A_311 = arith.constant 4 : i32
        %add3A_312 = arith.addi %add3A_278, %add3A_311 : i32
        %mul3A_313 = arith.constant 80 : i32
        %mul3A_314 = arith.muli %add3A_312, %mul3A_313 : i32
        %add3A_315 = arith.addi %add3A, %mul3A_314 : i32
        %dma_start3A_316 = arith.constant 3 : i32
        %dma_start3A_317 = arith.constant 0 : i32
        %dma_start3A_318 = tpu.memref_slice %arg7[%dma_start3A_316, %dma_start3A_317] : memref<4x80xi32, #tpu.memory_space<vmem>> -> memref<1x80xi32, #tpu.memory_space<vmem>>
        %dma_start3A_319 = tpu.memref_squeeze %dma_start3A_318 : memref<1x80xi32, #tpu.memory_space<vmem>> -> memref<80xi32, #tpu.memory_space<vmem>>
        %dma_start3A_320 = tpu.memref_slice %arg3[%add3A_315] : memref<320000xi32, #tpu.memory_space<hbm>> -> memref<80xi32, #tpu.memory_space<hbm>>
        %dma_start3A_321 = arith.constant 0 : i32
        %dma_start3A_322 = tpu.memref_slice %arg7[%dma_start3A_316, %dma_start3A_321] : memref<4x80xi32, #tpu.memory_space<vmem>> -> memref<1x80xi32, #tpu.memory_space<vmem>>
        %dma_start3A_323 = tpu.memref_squeeze %dma_start3A_322 : memref<1x80xi32, #tpu.memory_space<vmem>> -> memref<80xi32, #tpu.memory_space<vmem>>
        %dma_start3A_324 = tpu.memref_slice %arg3[%add3A_315] : memref<320000xi32, #tpu.memory_space<hbm>> -> memref<80xi32, #tpu.memory_space<hbm>>
        tpu.enqueue_dma source(%dma_start3A_324 : memref<80xi32, #tpu.memory_space<hbm>>) target(%dma_start3A_323 : memref<80xi32, #tpu.memory_space<vmem>>) target_semaphore(%arg14 : memref<!tpu.dma_semaphore, #tpu.memory_space<semaphore_mem>>)
      } else {
      }
      %lt3A_306 = arith.constant 125 : i32
      %lt3A_307 = arith.cmpi slt, %add3A_278, %lt3A_306 : i32
      %convert_element_type3A_308 = arith.extui %lt3A_307 : i1 to i32
      %cond3A_309 = arith.constant 0 : i32
      %cond3A_310 = arith.cmpi ne, %convert_element_type3A_308, %cond3A_309 : i32
      scf.if %cond3A_310 {
        %dma_wait3A_311 = arith.constant 3 : i32
        %dma_wait3A_312 = arith.constant 0 : i32
        %dma_wait3A_313 = tpu.memref_slice %arg8[%dma_wait3A_311, %dma_wait3A_312] : memref<4x80xi32, #tpu.memory_space<vmem>> -> memref<1x80xi32, #tpu.memory_space<vmem>>
        %dma_wait3A_314 = tpu.memref_squeeze %dma_wait3A_313 : memref<1x80xi32, #tpu.memory_space<vmem>> -> memref<80xi32, #tpu.memory_space<vmem>>
        %dma_wait3A_315 = arith.constant 0 : i32
        %dma_wait3A_316 = tpu.memref_slice %arg4[%dma_wait3A_315] : memref<320000xi32, #tpu.memory_space<hbm>> -> memref<80xi32, #tpu.memory_space<hbm>>
        %dma_wait3A_317 = arith.constant 0 : i32
        %dma_wait3A_318 = tpu.memref_slice %arg8[%dma_wait3A_311, %dma_wait3A_317] : memref<4x80xi32, #tpu.memory_space<vmem>> -> memref<1x80xi32, #tpu.memory_space<vmem>>
        %dma_wait3A_319 = tpu.memref_squeeze %dma_wait3A_318 : memref<1x80xi32, #tpu.memory_space<vmem>> -> memref<80xi32, #tpu.memory_space<vmem>>
        %dma_wait3A_320 = arith.constant 0 : i32
        %dma_wait3A_321 = tpu.memref_slice %arg4[%dma_wait3A_320] : memref<320000xi32, #tpu.memory_space<hbm>> -> memref<80xi32, #tpu.memory_space<hbm>>
        tpu.wait_dma2 semaphore(%arg18 : memref<!tpu.dma_semaphore, #tpu.memory_space<semaphore_mem>>) src(%dma_wait3A_321 : memref<80xi32, #tpu.memory_space<hbm>>) dst(%dma_wait3A_319 : memref<80xi32, #tpu.memory_space<vmem>>)
        %dma_start3A_322 = arith.constant 3 : i32
        %dma_start3A_323 = arith.constant 3 : i32
        %dma_start3A_324 = arith.constant 0 : i32
        %dma_start3A_325 = arith.constant 0 : i32
        %dma_start3A_326 = tpu.memref_slice %arg9[%dma_start3A_322, %dma_start3A_324, %dma_start3A_325] : memref<4x80x128xf32, #tpu.memory_space<vmem>> -> memref<1x80x128xf32, #tpu.memory_space<vmem>>
        %dma_start3A_327 = tpu.memref_squeeze %dma_start3A_326 : memref<1x80x128xf32, #tpu.memory_space<vmem>> -> memref<80x128xf32, #tpu.memory_space<vmem>>
        %dma_start3A_328 = arith.constant 0 : i32
        %dma_start3A_329 = tpu.memref_slice %arg8[%dma_start3A_323, %dma_start3A_328] : memref<4x80xi32, #tpu.memory_space<vmem>> -> memref<1x80xi32, #tpu.memory_space<vmem>>
        %dma_start3A_330 = tpu.memref_squeeze %dma_start3A_329 : memref<1x80xi32, #tpu.memory_space<vmem>> -> memref<80xi32, #tpu.memory_space<vmem>>
        %dma_start3A_331 = arith.constant 0 : i32
        %dma_start3A_332 = arith.constant 0 : i32
        %dma_start3A_333 = tpu.memref_slice %arg10[%dma_start3A_331, %dma_start3A_332] : memref<10000x128xf32, #tpu.memory_space<vmem_shared>> -> memref<10000x128xf32, #tpu.memory_space<vmem_shared>>
        tpu.enqueue_indirect_dma source(%dma_start3A_327 : memref<80x128xf32, #tpu.memory_space<vmem>>) target(%dma_start3A_333 : memref<10000x128xf32, #tpu.memory_space<vmem_shared>>) offsets(%dma_start3A_330 : memref<80xi32, #tpu.memory_space<vmem>>) semaphore(%arg26 : memref<!tpu.dma_semaphore, #tpu.memory_space<semaphore_mem>>) {add = true}
      } else {
      }
    }
    %scan3A_157 = arith.constant 32 : i32
    %barrier3A_158 = arith.constant 0 : index
    tpu.barrier barrier_id(%barrier3A_158)
    %lt3A_159 = arith.constant 15 : i32
    %lt3A_160 = arith.cmpi slt, %arg1, %lt3A_159 : i32
    %convert_element_type3A_161 = arith.extui %lt3A_160 : i1 to i32
    %cond3A_162 = arith.constant 0 : i32
    %cond3A_163 = arith.cmpi ne, %convert_element_type3A_161, %cond3A_162 : i32
    scf.if %cond3A_163 {
      %mul3A_169 = arith.constant 640 : i32
      %mul3A_170 = arith.muli %arg1, %mul3A_169 : i32
      "tpu.region"() ({
        %run_scoped3A = tpu.sem_alloc : memref<!tpu.dma_semaphore, #tpu.memory_space<semaphore_mem>>
        %dma_start3A_171 = arith.constant 0 : i32
        %dma_start3A_172 = tpu.memref_slice %arg6[%arg0, %mul3A_170, %dma_start3A_171] : memref<2x10000x128xf32, #tpu.memory_space<hbm>> -> memref<1x640x128xf32, #tpu.memory_space<hbm>>
        %dma_start3A_173 = tpu.memref_squeeze %dma_start3A_172 : memref<1x640x128xf32, #tpu.memory_space<hbm>> -> memref<640x128xf32, #tpu.memory_space<hbm>>
        %dma_start3A_174 = arith.constant 0 : i32
        %dma_start3A_175 = tpu.memref_slice %arg10[%mul3A_170, %dma_start3A_174] : memref<10000x128xf32, #tpu.memory_space<vmem_shared>> -> memref<640x128xf32, #tpu.memory_space<vmem_shared>>
        tpu.enqueue_dma source(%dma_start3A_175 : memref<640x128xf32, #tpu.memory_space<vmem_shared>>) target(%dma_start3A_173 : memref<640x128xf32, #tpu.memory_space<hbm>>) target_semaphore(%run_scoped3A : memref<!tpu.dma_semaphore, #tpu.memory_space<semaphore_mem>>)
        %dma_wait3A_176 = arith.constant 0 : i32
        %dma_wait3A_177 = tpu.memref_slice %arg6[%arg0, %mul3A_170, %dma_wait3A_176] : memref<2x10000x128xf32, #tpu.memory_space<hbm>> -> memref<1x640x128xf32, #tpu.memory_space<hbm>>
        %dma_wait3A_178 = tpu.memref_squeeze %dma_wait3A_177 : memref<1x640x128xf32, #tpu.memory_space<hbm>> -> memref<640x128xf32, #tpu.memory_space<hbm>>
        %dma_wait3A_179 = arith.constant 0 : i32
        %dma_wait3A_180 = tpu.memref_slice %arg10[%mul3A_170, %dma_wait3A_179] : memref<10000x128xf32, #tpu.memory_space<vmem_shared>> -> memref<640x128xf32, #tpu.memory_space<vmem_shared>>
        tpu.wait_dma2 semaphore(%run_scoped3A : memref<!tpu.dma_semaphore, #tpu.memory_space<semaphore_mem>>) src(%dma_wait3A_180 : memref<640x128xf32, #tpu.memory_space<vmem_shared>>) dst(%dma_wait3A_178 : memref<640x128xf32, #tpu.memory_space<hbm>>)
        tpu.yield
      }) : () -> ()
    } else {
    }
    %eq3A_164 = arith.constant 15 : i32
    %eq3A_165 = arith.cmpi eq, %arg1, %eq3A_164 : i32
    %convert_element_type3A_166 = arith.extui %eq3A_165 : i1 to i32
    %cond3A_167 = arith.constant 0 : i32
    %cond3A_168 = arith.cmpi ne, %convert_element_type3A_166, %cond3A_167 : i32
    scf.if %cond3A_168 {
      "tpu.region"() ({
        %run_scoped3A = tpu.sem_alloc : memref<!tpu.dma_semaphore, #tpu.memory_space<semaphore_mem>>
        %dma_start3A_169 = arith.constant 9600 : i32
        %dma_start3A_170 = arith.constant 0 : i32
        %dma_start3A_171 = tpu.memref_slice %arg6[%arg0, %dma_start3A_169, %dma_start3A_170] : memref<2x10000x128xf32, #tpu.memory_space<hbm>> -> memref<1x400x128xf32, #tpu.memory_space<hbm>>
        %dma_start3A_172 = tpu.memref_squeeze %dma_start3A_171 : memref<1x400x128xf32, #tpu.memory_space<hbm>> -> memref<400x128xf32, #tpu.memory_space<hbm>>
        %dma_start3A_173 = arith.constant 9600 : i32
        %dma_start3A_174 = arith.constant 0 : i32
        %dma_start3A_175 = tpu.memref_slice %arg10[%dma_start3A_173, %dma_start3A_174] : memref<10000x128xf32, #tpu.memory_space<vmem_shared>> -> memref<400x128xf32, #tpu.memory_space<vmem_shared>>
        tpu.enqueue_dma source(%dma_start3A_175 : memref<400x128xf32, #tpu.memory_space<vmem_shared>>) target(%dma_start3A_172 : memref<400x128xf32, #tpu.memory_space<hbm>>) target_semaphore(%run_scoped3A : memref<!tpu.dma_semaphore, #tpu.memory_space<semaphore_mem>>)
        %dma_wait3A_176 = arith.constant 9600 : i32
        %dma_wait3A_177 = arith.constant 0 : i32
        %dma_wait3A_178 = tpu.memref_slice %arg6[%arg0, %dma_wait3A_176, %dma_wait3A_177] : memref<2x10000x128xf32, #tpu.memory_space<hbm>> -> memref<1x400x128xf32, #tpu.memory_space<hbm>>
        %dma_wait3A_179 = tpu.memref_squeeze %dma_wait3A_178 : memref<1x400x128xf32, #tpu.memory_space<hbm>> -> memref<400x128xf32, #tpu.memory_space<hbm>>
        %dma_wait3A_180 = arith.constant 9600 : i32
        %dma_wait3A_181 = arith.constant 0 : i32
        %dma_wait3A_182 = tpu.memref_slice %arg10[%dma_wait3A_180, %dma_wait3A_181] : memref<10000x128xf32, #tpu.memory_space<vmem_shared>> -> memref<400x128xf32, #tpu.memory_space<vmem_shared>>
        tpu.wait_dma2 semaphore(%run_scoped3A : memref<!tpu.dma_semaphore, #tpu.memory_space<semaphore_mem>>) src(%dma_wait3A_182 : memref<400x128xf32, #tpu.memory_space<vmem_shared>>) dst(%dma_wait3A_179 : memref<400x128xf32, #tpu.memory_space<hbm>>)
        tpu.yield
      }) : () -> ()
    } else {
    }
    return
  }
}

module attributes {stable_mosaic.version = 14 : i64} {
  func.func @_tc_layer_body(%arg0: i32, %arg1: memref<2x1000x128xf32, #tpu.memory_space<vmem>>, %arg2: memref<2x1000x1xf32, #tpu.memory_space<vmem>>, %arg3: memref<1000x128xf32, #tpu.memory_space<vmem>>, %arg4: memref<128x128xf32, #tpu.memory_space<vmem>>, %arg5: memref<128x128xf32, #tpu.memory_space<vmem>>, %arg6: memref<1x128xf32, #tpu.memory_space<vmem>>, %arg7: memref<1000x128xf32, #tpu.memory_space<vmem>>) attributes {dimension_semantics = [#tpu.dimension_semantics<arbitrary>], iteration_bounds = array<i64: 10>, scalar_prefetch = 0 : i64, scratch_operands = 0 : i64, tpu.core_type = #tpu.core_type<tc>, window_params = [{transform_indices = @transform_0, window_bounds = array<i64: 2, 1000, 128>}, {transform_indices = @transform_1, window_bounds = array<i64: 2, 1000, 1>}, {transform_indices = @transform_2, window_bounds = array<i64: 1000, 128>}, {pipeline_mode = #tpu.pipeline_mode<synchronous>, transform_indices = @transform_3, window_bounds = array<i64: 128, 128>}, {pipeline_mode = #tpu.pipeline_mode<synchronous>, transform_indices = @transform_4, window_bounds = array<i64: 128, 128>}, {pipeline_mode = #tpu.pipeline_mode<synchronous>, transform_indices = @transform_5, window_bounds = array<i64: 1, 128>}, {transform_indices = @transform_6, window_bounds = array<i64: 1000, 128>}]} {
    %get3A = arith.constant 0 : index
    %get3A_0 = arith.constant 0 : index
    %get3A_1 = arith.constant 0 : index
    %get3A_2 = vector.load %arg1[%get3A, %get3A_0, %get3A_1] : memref<2x1000x128xf32, #tpu.memory_space<vmem>>, vector<2x1000x128xf32>
    %slice3A = vector.extract_strided_slice %get3A_2 {offsets = [0, 0, 0], sizes = [1, 1000, 128], strides = [1, 1, 1]} : vector<2x1000x128xf32> to vector<1x1000x128xf32>
    %squeeze3A = vector.shape_cast %slice3A : vector<1x1000x128xf32> to vector<1000x128xf32>
    %slice3A_3 = vector.extract_strided_slice %get3A_2 {offsets = [1, 0, 0], sizes = [1, 1000, 128], strides = [1, 1, 1]} : vector<2x1000x128xf32> to vector<1x1000x128xf32>
    %squeeze3A_4 = vector.shape_cast %slice3A_3 : vector<1x1000x128xf32> to vector<1000x128xf32>
    %add3A = arith.addf %squeeze3A, %squeeze3A_4 : vector<1000x128xf32>
    %get3A_5 = arith.constant 0 : index
    %get3A_6 = arith.constant 0 : index
    %get3A_7 = arith.constant 0 : index
    %get3A_8 = vector.load %arg2[%get3A_5, %get3A_6, %get3A_7] : memref<2x1000x1xf32, #tpu.memory_space<vmem>>, vector<2x1000x1xf32>
    %slice3A_9 = vector.extract_strided_slice %get3A_8 {offsets = [0, 0, 0], sizes = [1, 1000, 1], strides = [1, 1, 1]} : vector<2x1000x1xf32> to vector<1x1000x1xf32>
    %squeeze3A_10 = vector.shape_cast %slice3A_9 : vector<1x1000x1xf32> to vector<1000x1xf32>
    %slice3A_11 = vector.extract_strided_slice %get3A_8 {offsets = [1, 0, 0], sizes = [1, 1000, 1], strides = [1, 1, 1]} : vector<2x1000x1xf32> to vector<1x1000x1xf32>
    %squeeze3A_12 = vector.shape_cast %slice3A_11 : vector<1x1000x1xf32> to vector<1000x1xf32>
    %add3A_13 = arith.addf %squeeze3A_10, %squeeze3A_12 : vector<1000x1xf32>
    %max3A = arith.constant 1.000000e+00 : f32
    %max3A_14 = vector.broadcast %max3A : f32 to vector<1000x1xf32>
    %max3A_15 = arith.maximumf %add3A_13, %max3A_14 : vector<1000x1xf32>
    %div3A = vector.broadcast %max3A_15 : vector<1000x1xf32> to vector<1000x128xf32>
    %div3A_16 = arith.divf %add3A, %div3A : vector<1000x128xf32>
    %get3A_17 = arith.constant 0 : index
    %get3A_18 = arith.constant 0 : index
    %get3A_19 = vector.load %arg4[%get3A_17, %get3A_18] : memref<128x128xf32, #tpu.memory_space<vmem>>, vector<128x128xf32>
    %dot_general3A = arith.constant dense<0.000000e+00> : vector<1000x128xf32>
    %dot_general3A_20 = tpu.matmul %div3A_16, %get3A_19, %dot_general3A {dimension_numbers = #tpu.dot_dimension_numbers<[1], [0], [0], [1], [0, 0, 1, 1], [], []>, transpose_lhs_hint = false} : vector<1000x128xf32>, vector<128x128xf32>, vector<1000x128xf32> -> vector<1000x128xf32>
    %get3A_21 = arith.constant 0 : index
    %get3A_22 = arith.constant 0 : index
    %get3A_23 = vector.load %arg3[%get3A_21, %get3A_22] : memref<1000x128xf32, #tpu.memory_space<vmem>>, vector<1000x128xf32>
    %get3A_24 = arith.constant 0 : index
    %get3A_25 = arith.constant 0 : index
    %get3A_26 = vector.load %arg5[%get3A_24, %get3A_25] : memref<128x128xf32, #tpu.memory_space<vmem>>, vector<128x128xf32>
    %dot_general3A_27 = arith.constant dense<0.000000e+00> : vector<1000x128xf32>
    %dot_general3A_28 = tpu.matmul %get3A_23, %get3A_26, %dot_general3A_27 {dimension_numbers = #tpu.dot_dimension_numbers<[1], [0], [0], [1], [0, 0, 1, 1], [], []>, transpose_lhs_hint = false} : vector<1000x128xf32>, vector<128x128xf32>, vector<1000x128xf32> -> vector<1000x128xf32>
    %add3A_29 = arith.addf %dot_general3A_20, %dot_general3A_28 : vector<1000x128xf32>
    %get3A_30 = arith.constant 0 : index
    %get3A_31 = arith.constant 0 : index
    %get3A_32 = vector.load %arg6[%get3A_30, %get3A_31] : memref<1x128xf32, #tpu.memory_space<vmem>>, vector<1x128xf32>
    %add3A_33 = vector.broadcast %get3A_32 : vector<1x128xf32> to vector<1000x128xf32>
    %add3A_34 = arith.addf %add3A_29, %add3A_33 : vector<1000x128xf32>
    %max3A_35 = arith.constant 0.000000e+00 : f32
    %max3A_36 = vector.broadcast %max3A_35 : f32 to vector<1000x128xf32>
    %max3A_37 = arith.maximumf %add3A_34, %max3A_36 : vector<1000x128xf32>
    %swap3A = arith.constant 0 : index
    %swap3A_38 = arith.constant 0 : index
    %swap3A_39 = vector.load %arg7[%swap3A, %swap3A_38] : memref<1000x128xf32, #tpu.memory_space<vmem>>, vector<1000x128xf32>
    tpu.vector_store %arg7[%swap3A, %swap3A_38], %max3A_37 {strides = array<i32>} : memref<1000x128xf32, #tpu.memory_space<vmem>>, vector<1000x128xf32>,
    return
  }
  func.func @transform_0(%arg0: i32) -> (i32, i32, i32) {
    %c0_i32 = arith.constant 0 : i32
    %c0_i32_0 = arith.constant 0 : i32
    %c0_i32_1 = arith.constant 0 : i32
    return %c0_i32, %arg0, %c0_i32_0 : i32, i32, i32
  }
  func.func @transform_1(%arg0: i32) -> (i32, i32, i32) {
    %c0_i32 = arith.constant 0 : i32
    %c0_i32_0 = arith.constant 0 : i32
    %c0_i32_1 = arith.constant 0 : i32
    return %c0_i32, %arg0, %c0_i32_0 : i32, i32, i32
  }
  func.func @transform_2(%arg0: i32) -> (i32, i32) {
    %c0_i32 = arith.constant 0 : i32
    %c0_i32_0 = arith.constant 0 : i32
    return %arg0, %c0_i32 : i32, i32
  }
  func.func @transform_3(%arg0: i32) -> (i32, i32) {
    %c0_i32 = arith.constant 0 : i32
    %c0_i32_0 = arith.constant 0 : i32
    %c0_i32_1 = arith.constant 0 : i32
    return %c0_i32, %c0_i32_0 : i32, i32
  }
  func.func @transform_4(%arg0: i32) -> (i32, i32) {
    %c0_i32 = arith.constant 0 : i32
    %c0_i32_0 = arith.constant 0 : i32
    %c0_i32_1 = arith.constant 0 : i32
    return %c0_i32, %c0_i32_0 : i32, i32
  }
  func.func @transform_5(%arg0: i32) -> (i32, i32) {
    %c0_i32 = arith.constant 0 : i32
    %c0_i32_0 = arith.constant 0 : i32
    %c0_i32_1 = arith.constant 0 : i32
    return %c0_i32, %c0_i32_0 : i32, i32
  }
  func.func @transform_6(%arg0: i32) -> (i32, i32) {
    %c0_i32 = arith.constant 0 : i32
    %c0_i32_0 = arith.constant 0 : i32
    return %arg0, %c0_i32 : i32, i32
  }
}

module attributes {stable_mosaic.version = 14 : i64} {
  func.func @_tc_pool_body(%arg0: i32, %arg1: memref<2x1000x128xf32, #tpu.memory_space<vmem>>, %arg2: memref<2x1000x1xf32, #tpu.memory_space<vmem>>, %arg3: memref<1000x128xf32, #tpu.memory_space<vmem>>, %arg4: memref<128x128xf32, #tpu.memory_space<vmem>>, %arg5: memref<128x128xf32, #tpu.memory_space<vmem>>, %arg6: memref<1x128xf32, #tpu.memory_space<vmem>>, %arg7: memref<1000x1xi32, #tpu.memory_space<vmem>>, %arg8: memref<128x64xf32, #tpu.memory_space<vmem>>, %arg9: memref<1x64xf32, #tpu.memory_space<vmem>>, %arg10: memref<64x128xf32, #tpu.memory_space<vmem>>, %arg11: memref<1x128xf32, #tpu.memory_space<vmem>>, %arg12: memref<64x128xf32, #tpu.memory_space<vmem>>, %arg13: memref<64x128xf32, #tpu.memory_space<vmem>>, %arg14: memref<64x128xf32, #tpu.memory_space<vmem>>) attributes {dimension_semantics = [#tpu.dimension_semantics<arbitrary>], iteration_bounds = array<i64: 10>, scalar_prefetch = 0 : i64, scratch_operands = 2 : i64, tpu.core_type = #tpu.core_type<tc>, window_params = [{transform_indices = @transform_0, window_bounds = array<i64: 2, 1000, 128>}, {transform_indices = @transform_1, window_bounds = array<i64: 2, 1000, 1>}, {transform_indices = @transform_2, window_bounds = array<i64: 1000, 128>}, {pipeline_mode = #tpu.pipeline_mode<synchronous>, transform_indices = @transform_3, window_bounds = array<i64: 128, 128>}, {pipeline_mode = #tpu.pipeline_mode<synchronous>, transform_indices = @transform_4, window_bounds = array<i64: 128, 128>}, {pipeline_mode = #tpu.pipeline_mode<synchronous>, transform_indices = @transform_5, window_bounds = array<i64: 1, 128>}, {transform_indices = @transform_6, window_bounds = array<i64: 1000, 1>}, {pipeline_mode = #tpu.pipeline_mode<synchronous>, transform_indices = @transform_7, window_bounds = array<i64: 128, 64>}, {pipeline_mode = #tpu.pipeline_mode<synchronous>, transform_indices = @transform_8, window_bounds = array<i64: 1, 64>}, {pipeline_mode = #tpu.pipeline_mode<synchronous>, transform_indices = @transform_9, window_bounds = array<i64: 64, 128>}, {pipeline_mode = #tpu.pipeline_mode<synchronous>, transform_indices = @transform_10, window_bounds = array<i64: 1, 128>}, {pipeline_mode = #tpu.pipeline_mode<synchronous>, transform_indices = @transform_11, window_bounds = array<i64: 64, 128>}]} {
    %eq3A = arith.constant 0 : i32
    %eq3A_0 = arith.cmpi eq, %arg0, %eq3A : i32
    %convert_element_type3A = arith.extui %eq3A_0 : i1 to i32
    %cond3A = arith.constant 0 : i32
    %cond3A_1 = arith.cmpi ne, %convert_element_type3A, %cond3A : i32
    scf.if %cond3A_1 {
      %broadcast_in_dim3A_70 = arith.constant 0.000000e+00 : f32
      %broadcast_in_dim3A_71 = vector.broadcast %broadcast_in_dim3A_70 : f32 to vector<64x128xf32>
      %swap3A_72 = arith.constant 0 : index
      %swap3A_73 = arith.constant 0 : index
      %swap3A_74 = vector.load %arg13[%swap3A_72, %swap3A_73] : memref<64x128xf32, #tpu.memory_space<vmem>>, vector<64x128xf32>
      tpu.vector_store %arg13[%swap3A_72, %swap3A_73], %broadcast_in_dim3A_71 {strides = array<i32>} : memref<64x128xf32, #tpu.memory_space<vmem>>, vector<64x128xf32>,
      %broadcast_in_dim3A_75 = arith.constant 0.000000e+00 : f32
      %broadcast_in_dim3A_76 = vector.broadcast %broadcast_in_dim3A_75 : f32 to vector<64x128xf32>
      %swap3A_77 = arith.constant 0 : index
      %swap3A_78 = arith.constant 0 : index
      %swap3A_79 = vector.load %arg14[%swap3A_77, %swap3A_78] : memref<64x128xf32, #tpu.memory_space<vmem>>, vector<64x128xf32>
      tpu.vector_store %arg14[%swap3A_77, %swap3A_78], %broadcast_in_dim3A_76 {strides = array<i32>} : memref<64x128xf32, #tpu.memory_space<vmem>>, vector<64x128xf32>,
    } else {
    }
    %get3A = arith.constant 0 : index
    %get3A_2 = arith.constant 0 : index
    %get3A_3 = arith.constant 0 : index
    %get3A_4 = vector.load %arg1[%get3A, %get3A_2, %get3A_3] : memref<2x1000x128xf32, #tpu.memory_space<vmem>>, vector<2x1000x128xf32>
    %slice3A = vector.extract_strided_slice %get3A_4 {offsets = [0, 0, 0], sizes = [1, 1000, 128], strides = [1, 1, 1]} : vector<2x1000x128xf32> to vector<1x1000x128xf32>
    %squeeze3A = vector.shape_cast %slice3A : vector<1x1000x128xf32> to vector<1000x128xf32>
    %slice3A_5 = vector.extract_strided_slice %get3A_4 {offsets = [1, 0, 0], sizes = [1, 1000, 128], strides = [1, 1, 1]} : vector<2x1000x128xf32> to vector<1x1000x128xf32>
    %squeeze3A_6 = vector.shape_cast %slice3A_5 : vector<1x1000x128xf32> to vector<1000x128xf32>
    %add3A = arith.addf %squeeze3A, %squeeze3A_6 : vector<1000x128xf32>
    %get3A_7 = arith.constant 0 : index
    %get3A_8 = arith.constant 0 : index
    %get3A_9 = arith.constant 0 : index
    %get3A_10 = vector.load %arg2[%get3A_7, %get3A_8, %get3A_9] : memref<2x1000x1xf32, #tpu.memory_space<vmem>>, vector<2x1000x1xf32>
    %slice3A_11 = vector.extract_strided_slice %get3A_10 {offsets = [0, 0, 0], sizes = [1, 1000, 1], strides = [1, 1, 1]} : vector<2x1000x1xf32> to vector<1x1000x1xf32>
    %squeeze3A_12 = vector.shape_cast %slice3A_11 : vector<1x1000x1xf32> to vector<1000x1xf32>
    %slice3A_13 = vector.extract_strided_slice %get3A_10 {offsets = [1, 0, 0], sizes = [1, 1000, 1], strides = [1, 1, 1]} : vector<2x1000x1xf32> to vector<1x1000x1xf32>
    %squeeze3A_14 = vector.shape_cast %slice3A_13 : vector<1x1000x1xf32> to vector<1000x1xf32>
    %add3A_15 = arith.addf %squeeze3A_12, %squeeze3A_14 : vector<1000x1xf32>
    %max3A = arith.constant 1.000000e+00 : f32
    %max3A_16 = vector.broadcast %max3A : f32 to vector<1000x1xf32>
    %max3A_17 = arith.maximumf %add3A_15, %max3A_16 : vector<1000x1xf32>
    %div3A = vector.broadcast %max3A_17 : vector<1000x1xf32> to vector<1000x128xf32>
    %div3A_18 = arith.divf %add3A, %div3A : vector<1000x128xf32>
    %get3A_19 = arith.constant 0 : index
    %get3A_20 = arith.constant 0 : index
    %get3A_21 = vector.load %arg4[%get3A_19, %get3A_20] : memref<128x128xf32, #tpu.memory_space<vmem>>, vector<128x128xf32>
    %dot_general3A = arith.constant dense<0.000000e+00> : vector<1000x128xf32>
    %dot_general3A_22 = tpu.matmul %div3A_18, %get3A_21, %dot_general3A {dimension_numbers = #tpu.dot_dimension_numbers<[1], [0], [0], [1], [0, 0, 1, 1], [], []>, transpose_lhs_hint = false} : vector<1000x128xf32>, vector<128x128xf32>, vector<1000x128xf32> -> vector<1000x128xf32>
    %get3A_23 = arith.constant 0 : index
    %get3A_24 = arith.constant 0 : index
    %get3A_25 = vector.load %arg3[%get3A_23, %get3A_24] : memref<1000x128xf32, #tpu.memory_space<vmem>>, vector<1000x128xf32>
    %get3A_26 = arith.constant 0 : index
    %get3A_27 = arith.constant 0 : index
    %get3A_28 = vector.load %arg5[%get3A_26, %get3A_27] : memref<128x128xf32, #tpu.memory_space<vmem>>, vector<128x128xf32>
    %dot_general3A_29 = arith.constant dense<0.000000e+00> : vector<1000x128xf32>
    %dot_general3A_30 = tpu.matmul %get3A_25, %get3A_28, %dot_general3A_29 {dimension_numbers = #tpu.dot_dimension_numbers<[1], [0], [0], [1], [0, 0, 1, 1], [], []>, transpose_lhs_hint = false} : vector<1000x128xf32>, vector<128x128xf32>, vector<1000x128xf32> -> vector<1000x128xf32>
    %add3A_31 = arith.addf %dot_general3A_22, %dot_general3A_30 : vector<1000x128xf32>
    %get3A_32 = arith.constant 0 : index
    %get3A_33 = arith.constant 0 : index
    %get3A_34 = vector.load %arg6[%get3A_32, %get3A_33] : memref<1x128xf32, #tpu.memory_space<vmem>>, vector<1x128xf32>
    %add3A_35 = vector.broadcast %get3A_34 : vector<1x128xf32> to vector<1000x128xf32>
    %add3A_36 = arith.addf %add3A_31, %add3A_35 : vector<1000x128xf32>
    %max3A_37 = arith.constant 0.000000e+00 : f32
    %max3A_38 = vector.broadcast %max3A_37 : f32 to vector<1000x128xf32>
    %max3A_39 = arith.maximumf %add3A_36, %max3A_38 : vector<1000x128xf32>
    %get3A_40 = arith.constant 0 : index
    %get3A_41 = arith.constant 0 : index
    %get3A_42 = vector.load %arg7[%get3A_40, %get3A_41] : memref<1000x1xi32, #tpu.memory_space<vmem>>, vector<1000x1xi32>
    %iota3A = tpu.iota {dimensions = array<i32: 1>} : vector<1000x64xi32>
    %eq3A_43 = vector.broadcast %get3A_42 : vector<1000x1xi32> to vector<1000x64xi32>
    %eq3A_44 = arith.cmpi eq, %eq3A_43, %iota3A : vector<1000x64xi32>
    %convert_element_type3A_45 = arith.extui %eq3A_44 : vector<1000x64xi1> to vector<1000x64xi32>
    %convert_element_type3A_46 = arith.sitofp %convert_element_type3A_45 : vector<1000x64xi32> to vector<1000x64xf32>
    %get3A_47 = arith.constant 0 : index
    %get3A_48 = arith.constant 0 : index
    %get3A_49 = vector.load %arg13[%get3A_47, %get3A_48] : memref<64x128xf32, #tpu.memory_space<vmem>>, vector<64x128xf32>
    %dot_general3A_50 = arith.constant dense<0.000000e+00> : vector<64x128xf32>
    %dot_general3A_51 = tpu.matmul %convert_element_type3A_46, %max3A_39, %dot_general3A_50 {dimension_numbers = #tpu.dot_dimension_numbers<[0], [0], [1], [1], [0, 1, 1, 1], [], []>, transpose_lhs_hint = false} : vector<1000x64xf32>, vector<1000x128xf32>, vector<64x128xf32> -> vector<64x128xf32>
    %add3A_52 = arith.addf %get3A_49, %dot_general3A_51 : vector<64x128xf32>
    %swap3A = arith.constant 0 : index
    %swap3A_53 = arith.constant 0 : index
    %swap3A_54 = vector.load %arg13[%swap3A, %swap3A_53] : memref<64x128xf32, #tpu.memory_space<vmem>>, vector<64x128xf32>
    tpu.vector_store %arg13[%swap3A, %swap3A_53], %add3A_52 {strides = array<i32>} : memref<64x128xf32, #tpu.memory_space<vmem>>, vector<64x128xf32>,
    %get3A_55 = arith.constant 0 : index
    %get3A_56 = arith.constant 0 : index
    %get3A_57 = vector.load %arg14[%get3A_55, %get3A_56] : memref<64x128xf32, #tpu.memory_space<vmem>>, vector<64x128xf32>
    %broadcast_in_dim3A = arith.constant 1.000000e+00 : f32
    %broadcast_in_dim3A_58 = vector.broadcast %broadcast_in_dim3A : f32 to vector<1000x128xf32>
    %dot_general3A_59 = arith.constant dense<0.000000e+00> : vector<64x128xf32>
    %dot_general3A_60 = tpu.matmul %convert_element_type3A_46, %broadcast_in_dim3A_58, %dot_general3A_59 {dimension_numbers = #tpu.dot_dimension_numbers<[0], [0], [1], [1], [0, 1, 1, 1], [], []>, transpose_lhs_hint = false} : vector<1000x64xf32>, vector<1000x128xf32>, vector<64x128xf32> -> vector<64x128xf32>
    %add3A_61 = arith.addf %get3A_57, %dot_general3A_60 : vector<64x128xf32>
    %swap3A_62 = arith.constant 0 : index
    %swap3A_63 = arith.constant 0 : index
    %swap3A_64 = vector.load %arg14[%swap3A_62, %swap3A_63] : memref<64x128xf32, #tpu.memory_space<vmem>>, vector<64x128xf32>
    tpu.vector_store %arg14[%swap3A_62, %swap3A_63], %add3A_61 {strides = array<i32>} : memref<64x128xf32, #tpu.memory_space<vmem>>, vector<64x128xf32>,
    %eq3A_65 = arith.constant 9 : i32
    %eq3A_66 = arith.cmpi eq, %arg0, %eq3A_65 : i32
    %convert_element_type3A_67 = arith.extui %eq3A_66 : i1 to i32
    %cond3A_68 = arith.constant 0 : i32
    %cond3A_69 = arith.cmpi ne, %convert_element_type3A_67, %cond3A_68 : i32
    scf.if %cond3A_69 {
      %get3A_70 = arith.constant 0 : index
      %get3A_71 = arith.constant 0 : index
      %get3A_72 = vector.load %arg13[%get3A_70, %get3A_71] : memref<64x128xf32, #tpu.memory_space<vmem>>, vector<64x128xf32>
      %get3A_73 = arith.constant 0 : index
      %get3A_74 = arith.constant 0 : index
      %get3A_75 = vector.load %arg14[%get3A_73, %get3A_74] : memref<64x128xf32, #tpu.memory_space<vmem>>, vector<64x128xf32>
      %max3A_76 = arith.constant 1.000000e+00 : f32
      %max3A_77 = vector.broadcast %max3A_76 : f32 to vector<64x128xf32>
      %max3A_78 = arith.maximumf %get3A_75, %max3A_77 : vector<64x128xf32>
      %div3A_79 = arith.divf %get3A_72, %max3A_78 : vector<64x128xf32>
      %get3A_80 = arith.constant 0 : index
      %get3A_81 = arith.constant 0 : index
      %get3A_82 = vector.load %arg8[%get3A_80, %get3A_81] : memref<128x64xf32, #tpu.memory_space<vmem>>, vector<128x64xf32>
      %dot_general3A_83 = arith.constant dense<0.000000e+00> : vector<64x64xf32>
      %dot_general3A_84 = tpu.matmul %div3A_79, %get3A_82, %dot_general3A_83 {dimension_numbers = #tpu.dot_dimension_numbers<[1], [0], [0], [1], [0, 0, 1, 1], [], []>, transpose_lhs_hint = false} : vector<64x128xf32>, vector<128x64xf32>, vector<64x64xf32> -> vector<64x64xf32>
      %get3A_85 = arith.constant 0 : index
      %get3A_86 = arith.constant 0 : index
      %get3A_87 = vector.load %arg9[%get3A_85, %get3A_86] : memref<1x64xf32, #tpu.memory_space<vmem>>, vector<1x64xf32>
      %add3A_88 = vector.broadcast %get3A_87 : vector<1x64xf32> to vector<64x64xf32>
      %add3A_89 = arith.addf %dot_general3A_84, %add3A_88 : vector<64x64xf32>
      %max3A_90 = arith.constant 0.000000e+00 : f32
      %max3A_91 = vector.broadcast %max3A_90 : f32 to vector<64x64xf32>
      %max3A_92 = arith.maximumf %add3A_89, %max3A_91 : vector<64x64xf32>
      %get3A_93 = arith.constant 0 : index
      %get3A_94 = arith.constant 0 : index
      %get3A_95 = vector.load %arg10[%get3A_93, %get3A_94] : memref<64x128xf32, #tpu.memory_space<vmem>>, vector<64x128xf32>
      %dot_general3A_96 = arith.constant dense<0.000000e+00> : vector<64x128xf32>
      %dot_general3A_97 = tpu.matmul %max3A_92, %get3A_95, %dot_general3A_96 {dimension_numbers = #tpu.dot_dimension_numbers<[1], [0], [0], [1], [0, 0, 1, 1], [], []>, transpose_lhs_hint = false} : vector<64x64xf32>, vector<64x128xf32>, vector<64x128xf32> -> vector<64x128xf32>
      %get3A_98 = arith.constant 0 : index
      %get3A_99 = arith.constant 0 : index
      %get3A_100 = vector.load %arg11[%get3A_98, %get3A_99] : memref<1x128xf32, #tpu.memory_space<vmem>>, vector<1x128xf32>
      %add3A_101 = vector.broadcast %get3A_100 : vector<1x128xf32> to vector<64x128xf32>
      %add3A_102 = arith.addf %dot_general3A_97, %add3A_101 : vector<64x128xf32>
      %swap3A_103 = arith.constant 0 : index
      %swap3A_104 = arith.constant 0 : index
      %swap3A_105 = vector.load %arg12[%swap3A_103, %swap3A_104] : memref<64x128xf32, #tpu.memory_space<vmem>>, vector<64x128xf32>
      tpu.vector_store %arg12[%swap3A_103, %swap3A_104], %add3A_102 {strides = array<i32>} : memref<64x128xf32, #tpu.memory_space<vmem>>, vector<64x128xf32>,
    } else {
    }
    return
  }
  func.func @transform_0(%arg0: i32) -> (i32, i32, i32) {
    %c0_i32 = arith.constant 0 : i32
    %c0_i32_0 = arith.constant 0 : i32
    %c0_i32_1 = arith.constant 0 : i32
    return %c0_i32, %arg0, %c0_i32_0 : i32, i32, i32
  }
  func.func @transform_1(%arg0: i32) -> (i32, i32, i32) {
    %c0_i32 = arith.constant 0 : i32
    %c0_i32_0 = arith.constant 0 : i32
    %c0_i32_1 = arith.constant 0 : i32
    return %c0_i32, %arg0, %c0_i32_0 : i32, i32, i32
  }
  func.func @transform_2(%arg0: i32) -> (i32, i32) {
    %c0_i32 = arith.constant 0 : i32
    %c0_i32_0 = arith.constant 0 : i32
    return %arg0, %c0_i32 : i32, i32
  }
  func.func @transform_3(%arg0: i32) -> (i32, i32) {
    %c0_i32 = arith.constant 0 : i32
    %c0_i32_0 = arith.constant 0 : i32
    %c0_i32_1 = arith.constant 0 : i32
    return %c0_i32, %c0_i32_0 : i32, i32
  }
  func.func @transform_4(%arg0: i32) -> (i32, i32) {
    %c0_i32 = arith.constant 0 : i32
    %c0_i32_0 = arith.constant 0 : i32
    %c0_i32_1 = arith.constant 0 : i32
    return %c0_i32, %c0_i32_0 : i32, i32
  }
  func.func @transform_5(%arg0: i32) -> (i32, i32) {
    %c0_i32 = arith.constant 0 : i32
    %c0_i32_0 = arith.constant 0 : i32
    %c0_i32_1 = arith.constant 0 : i32
    return %c0_i32, %c0_i32_0 : i32, i32
  }
  func.func @transform_6(%arg0: i32) -> (i32, i32) {
    %c0_i32 = arith.constant 0 : i32
    %c0_i32_0 = arith.constant 0 : i32
    return %arg0, %c0_i32 : i32, i32
  }
  func.func @transform_7(%arg0: i32) -> (i32, i32) {
    %c0_i32 = arith.constant 0 : i32
    %c0_i32_0 = arith.constant 0 : i32
    %c0_i32_1 = arith.constant 0 : i32
    return %c0_i32, %c0_i32_0 : i32, i32
  }
  func.func @transform_8(%arg0: i32) -> (i32, i32) {
    %c0_i32 = arith.constant 0 : i32
    %c0_i32_0 = arith.constant 0 : i32
    %c0_i32_1 = arith.constant 0 : i32
    return %c0_i32, %c0_i32_0 : i32, i32
  }
  func.func @transform_9(%arg0: i32) -> (i32, i32) {
    %c0_i32 = arith.constant 0 : i32
    %c0_i32_0 = arith.constant 0 : i32
    %c0_i32_1 = arith.constant 0 : i32
    return %c0_i32, %c0_i32_0 : i32, i32
  }
  func.func @transform_10(%arg0: i32) -> (i32, i32) {
    %c0_i32 = arith.constant 0 : i32
    %c0_i32_0 = arith.constant 0 : i32
    %c0_i32_1 = arith.constant 0 : i32
    return %c0_i32, %c0_i32_0 : i32, i32
  }
  func.func @transform_11(%arg0: i32) -> (i32, i32) {
    %c0_i32 = arith.constant 0 : i32
    %c0_i32_0 = arith.constant 0 : i32
    %c0_i32_1 = arith.constant 0 : i32
    return %c0_i32, %c0_i32_0 : i32, i32
  }
}

</mosaic_0001>

<sc_bundles>
// kernel: kernel.11.cloned.1.call-start
scs
__scs_entry_jumppad:
0x0: {  	(pc) =	sbr.rel $0x88, $3  }
0x1: {  	(tag) =	ssettag $0x0;
	lr =	simm.s32 $0x1  }
0x2: {  	[smem:$0x3F91] =	sst lr;
	_ =	strace $0xD0000000  }
0x3: {  	_ = 	snop  }
0x4: {  	_ = 	snop  }
0x5: {  	_ = 	snop  }
0x6: {  	_ = 	snop  }
0x7: {  	_ = 	snop  }
__scs_overlays_trampoline_lowered:
0x8: {  	[smem:$0x3FA0] =	sst s0  }
0x9: {  	[smem:$0x3FA1] =	sst s1  }
0xa: {  	[smem:$0x3FA2] =	sst s2  }
0xb: {  	[smem:$0x3FA3] =	sst s3  }
0xc: {  	[smem:$0x3FA4] =	sst s4  }
0xd: {  	[smem:$0x3FA5] =	sst s5  }
0xe: {  	[smem:$0x3FA6] =	sst s6  }
0xf: {  	[smem:$0x3FA7] =	sst s7  }
0x10: {  	[smem:$0x3FA8] =	sst s8  }
0x11: {  	[smem:$0x3FA9] =	sst s9;
	s0 =	simm.s32 @!p0 $0x0  }
0x12: {  	s1 =	sld [smem:$0x3F8F];
	s0 =	simm.s32 @p0 $0x1  }
0x13: {  	[smem:$0x3FAA] =	sst s0;
	s0 =	simm.s32 @!p1 $0x0  }
0x14: {  	s2 =	sld [smem:$0x3F8E];
	s0 =	simm.s32 @p1 $0x1  }
0x15: {  	[smem:$0x3FAB] =	sst s0;
	s0 =	simm.s32 @!p2 $0x0  }
0x16: {  	s3 =	sld [smem:$0x3FDB];
	s0 =	simm.s32 @p2 $0x1  }
0x17: {  	s4 =	simm.s32 $0x1BF5;
	[smem:$0x3FAD] =	sst s0  }
0x18: {  	s0 =	sld [smem:$0x3F90];
	_ =	swait.ge [sflag:s4], $0x0  }
0x19: {  	s7 =	sld [smem:$0x3F91]  }
0x1a: {  	s8 =	sadd.s32 $0xFFFFE003, lr  }
0x1b: {  	s9 =	sadd.s32 $0xFFFFFEF7, lr;
	s5 =	simm.s32 $0xFFFFFFFF;
	p2 =	slt.u32 s8, $0xFFFFF086  }
0x1c: {  	p1 =	slt.u32 s9, $0xF7A;
	s5 =	simm.s32 @!p2 $0x0  }
0x1d: {  	s5 =	simm.s32 @p1 $0x1;
	p0 =	seq.s32 s7, s2  }
0x1e: {  	s7 =	smul.u32 @!p0 $0xF7A, s2;
	p2 =	seq.s32 @!p0 s5, $0x0  }
0x1f: {  	s9 =	smul.u32 $0xF7A, s1;
	s8 =	simm.s32 @!p0 $0x1BF5;
	p2 =	por !p2, p0  }
0x20: {  	[sflag:s8] =	ssyncset.s32 @!p0 $0xFFFFF086;
	s6 =	sadd.s32 @!p0 s3, s7;
	s7 =	simm.s32 @!p0 $0x108  }
0x21: {  	s3 =	sadd.s32 s3, s9;
	s6 =	sadd.s32 @!p0 $0x88, s6;
	s7 =	simm.s32 @p2 $0x1082  }
0x22: {  	[simem:s7], [sflag:s8] =	dma.local @!p0 [hbm:s6], $0xF7A  }
0x23: {  	s9 =	sor.u32 $0xD0000000, s2;
	s6 =	simm.s32 $0x108;
	_ =	swait.ge @!p0 [sflag:s8], $0x0  }
0x24: {  	s3 =	sadd.s32 $0x88, s3;
	s6 =	simm.s32 @!p1 $0x1082;
	[sflag:s4] =	ssyncset.s32 $0xFFFFF086  }
0x25: {  	[simem:s6], [sflag:s4] =	dma.local [hbm:s3], $0xF7A  }
0x26: {  	[smem:$0x3F91] =	sst s1;
	(tag) =	ssettag s2;
	_ =	strace s9  }
0x27: {  	s1 =	sld [smem:$0x3FA1]  }
0x28: {  	s2 =	sld [smem:$0x3FA2]  }
0x29: {  	s4 =	sld [smem:$0x3FA4]  }
0x2a: {  	p0 =	seq.s32 s5, $0x0;
	s5 =	sld [smem:$0x3FA5]  }
0x2b: {  	s6 =	sld [smem:$0x3FA6]  }
0x2c: {  	s7 =	sld [smem:$0x3FA7]  }
0x2d: {  	s3 =	simm.s32 $0x108;
	s8 =	sld [smem:$0x3FA8]  }
0x2e: {  	s3 =	simm.s32 @!p0 $0x1082;
	s9 =	sld [smem:$0x3FA9]  }
0x2f: {  	lr =	sadd.s32 s0, s3;
	s0 =	sld [smem:$0x3FA0]  }
0x30: {  	s3 =	sld [smem:$0x3FA3]  }
0x31: {  	[smem:$0x3FAC] =	sst s10  }
0x32: {  	s10 =	sld [smem:$0x3FAA];
	_ =	sdelay $0x3  }
0x33: {  	p0 =	seq.s32 s10, $0x1;
	s10 =	sld [smem:$0x3FAC];
	_ =	sdelay $0x3  }
0x34: {  	[smem:$0x3FAC] =	sst s10  }
0x35: {  	s10 =	sld [smem:$0x3FAB];
	_ =	sdelay $0x3  }
0x36: {  	p1 =	seq.s32 s10, $0x1;
	s10 =	sld [smem:$0x3FAC];
	_ =	sdelay $0x3  }
0x37: {  	[smem:$0x3FAC] =	sst s10  }
0x38: {  	s10 =	sld [smem:$0x3FAD]  }
0x39: {  	_ = 	snop;
	(pc) =	sbr.ind lr, $3  }
0x3a: {  	_ = 	snop  }
0x3b: {  	_ = 	snop  }
0x3c: {  	p2 =	seq.s32 s10, $0x1;
	s10 =	sld [smem:$0x3FAC]  }
0x3d: {  	_ =	shalt  }
0x3e: {  	_ =	shalt  }
0x3f: {  	_ =	shalt  }
0x40: {  	_ =	shalt  }
0x41: {  	_ =	shalt  }
0x42: {  	_ =	shalt  }
0x43: {  	_ =	shalt  }
0x44: {  	_ =	shalt  }
0x45: {  	_ =	shalt  }
0x46: {  	_ =	shalt  }
0x47: {  	_ =	shalt  }
0x48: {  	_ =	shalt  }
0x49: {  	_ =	shalt  }
0x4a: {  	_ =	shalt  }
0x4b: {  	_ =	shalt  }
0x4c: {  	_ =	shalt  }
0x4d: {  	_ =	shalt  }
0x4e: {  	_ =	shalt  }
0x4f: {  	_ =	shalt  }
0x50: {  	_ =	shalt  }
0x51: {  	_ =	shalt  }
0x52: {  	_ =	shalt  }
0x53: {  	_ =	shalt  }
0x54: {  	_ =	shalt  }
0x55: {  	_ =	shalt  }
0x56: {  	_ =	shalt  }
0x57: {  	_ =	shalt  }
0x58: {  	_ =	shalt  }
0x59: {  	_ =	shalt  }
0x5a: {  	_ =	shalt  }
0x5b: {  	_ =	shalt  }
0x5c: {  	_ =	shalt  }
0x5d: {  	_ =	shalt  }
0x5e: {  	_ =	shalt  }
0x5f: {  	_ =	shalt  }
0x60: {  	_ =	shalt  }
0x61: {  	_ =	shalt  }
0x62: {  	_ =	shalt  }
0x63: {  	_ =	shalt  }
0x64: {  	_ =	shalt  }
0x65: {  	_ =	shalt  }
0x66: {  	_ =	shalt  }
0x67: {  	_ =	shalt  }
0x68: {  	_ =	shalt  }
0x69: {  	_ =	shalt  }
0x6a: {  	_ =	shalt  }
0x6b: {  	_ =	shalt  }
0x6c: {  	_ =	shalt  }
0x6d: {  	_ =	shalt  }
0x6e: {  	_ =	shalt  }
0x6f: {  	_ =	shalt  }
0x70: {  	_ =	shalt  }
0x71: {  	_ =	shalt  }
0x72: {  	_ =	shalt  }
0x73: {  	_ =	shalt  }
0x74: {  	_ =	shalt  }
0x75: {  	_ =	shalt  }
0x76: {  	_ =	shalt  }
0x77: {  	_ =	shalt  }
0x78: {  	_ =	shalt  }
0x79: {  	_ =	shalt  }
0x7a: {  	_ =	shalt  }
0x7b: {  	_ =	shalt  }
0x7c: {  	_ =	shalt  }
0x7d: {  	_ =	shalt  }
0x7e: {  	_ =	shalt  }
0x7f: {  	_ =	shalt  }
0x80: {  	_ =	shalt  }
0x81: {  	_ =	shalt  }
0x82: {  	_ =	shalt  }
0x83: {  	_ =	shalt  }
0x84: {  	_ =	shalt  }
0x85: {  	_ =	shalt  }
0x86: {  	_ =	shalt  }
0x87: {  	_ =	shalt  }
.Lfunc_end0:
.L_simem_size_0:
called_computation.1_lowered:
.L_overlay_start_0:
0x88: {  	s2 =	sld [smem:$0x3FD9]  }
0x89: {  	s3 =	sld [smem:$0x3FFE];
	_ =	sdelay $0x1  }
0x8a: {  	s1 =	srdreg.scid  }
0x8b: {  	s0 =	sand.u32 $0x1, s1  }
0x8c: {  	s16 =	sshll.u32 s0, $0xA;
	s2 =	sadd.s32 s3, s2  }
0x8d: {  	s2 =	sadd.s32 s2, s16  }
0x8e: {  	[smem:$0x3FB8] =	sst s2  }
0x8f: {  	_ = 	snop  }
0x90: {  	(tm) =	ssettm $0x1  }
0x91: {  	s17 =	sld [smem:$0x3FFB];
	_ =	sdelay $0x3  }
0x92: {  	_ =	strace s17  }
0x93: {  	s2 =	sld [smem:$0x3FFC];
	_ =	sdelay $0x3  }
0x94: {  	_ =	strace s2  }
0x95: {  	s2 =	sld [smem:$0x3FFD];
	_ =	sdelay $0x3  }
0x96: {  	_ =	strace s2  }
0x97: {  	_ =	strace $0x8FFFFFFF  }
0x98: {  	s18 =	sld [smem:$0x3FDB];
	_ =	sdelay $0x1  }
0x99: {  	s19 =	simm.s32 $_scs_section_size  }
0x9a: {  	s4 =	simm.s32 $_size__tile_overlayer_lowered;
	s5 =	simm.s32 $_tile_overlayer_lowered  }
0x9b: {  	s22 =	simm.s32 $0x1BFF;
	s21 =	sshll.u32 s5, $0x1;
	s2 =	sadd.s32 s19, s18  }
0x9c: {  	s6 =	simm.s32 $0x0;
	s20 =	sshll.u32 s4, $0x1;
	s4 =	sadd.s32 s21, s2  }
0x9d: {  	[timem:s6], [sflag:s22] =	dma.local [hbm:s4], s20  }
0x9e: {  	_ =	swait.ge [sflag:s22], s20  }
0x9f: {  	s3 =	ssub.s32 $0x0, s20;
	[sflag:s22] =	ssyncset.done $0x0  }
0xa0: {  	[sflag:s22] =	ssyncadd.s32 s3;
	_ =	sdelay $0x1  }
0xa1: {  	s23 =	simm.s32 $0x1B8B  }
0xa2: {  	_ =	swait.ge [sflag:s23], $0x1  }
0xa3: {  	[sflag:s23] =	ssyncset.done $0x0  }
0xa4: {  	s25 =	simm.s32 $0x1B8E;
	s24 =	sld [smem:$0x3FFE];
	[sflag:s23] =	ssyncadd.s32 $0xFFFFFFFF  }
0xa5: {  	s26 =	simm.s32 $execute0_lowered;
	[smem:$0x3FD2] =	sst s25  }
0xa6: {  	s4 =	sshll.u32 s26, $0x1;
	_ =	strace $0x80000049;
	[dreg:$0x1] =	wrdreg $0xFFFFFFFF  }
0xa7: {  	s28 =	simm.s32 $_size_execute0_lowered;
	s2 =	sadd.s32 s2, s4;
	[dreg:$0x0] =	wrdreg $0x0  }
0xa8: {  	s4 =	sshll.u32 s28, $0x1;
	[dreg:$0x2] =	wrdreg s2  }
0xa9: {  	[dreg:$0x3] =	wrdreg s4  }
0xaa: {  	[dreg:$0x4] =	wrdreg $0xC0  }
0xab: {  	_ =	task [dreg:s6], $0x5FFFF  }
0xac: {  	[dreg:$0x1] =	wrdreg $0xFFFFFFFF  }
0xad: {  	[dreg:$0x0] =	wrdreg $0x60  }
0xae: {  	[dreg:$0x2] =	wrdreg s24  }
0xaf: {  	[dreg:$0x3] =	wrdreg $0xA4000  }
0xb0: {  	[dreg:$0x4] =	wrdreg $0x9  }
0xb1: {  	_ =	task.clear_ibuf [dreg:s6], $0x5FFFF;
	_ =	strace $0x90000049  }
0xb2: {  	s29 =	simm.s32 $0x9;
	_ =	strace $0x8000004B  }
0xb3: {  	_ =	swait.ge [sflag:s29], $0x1  }
0xb4: {  	[sflag:s29] =	ssyncadd.s32 $0xFFFFFFFF  }
0xb5: {  	_ =	strace $0x9000004B  }
0xb6: {  	_ =	sfence  }
0xb7: {  	s30 =	sld [smem:$0x0];
	_ =	sdelay $0x2  }
0xb8: {  	s31 =	sshll.u32 s1, $0xD;
	s1 =	sshrl.u32 s1, $0x2  }
0xb9: {  	s3 =	sand.u32 $0x4000, s31;
	s1 =	sadd.s32 s1, s30  }
0xba: {  	s0 =	sor.u32 s3, s0;
	s1 =	sshll.u32 s1, $0x11  }
0xbb: {  	s0 =	sor.u32 s1, s0  }
0xbc: {  	s0 =	sadd.s32 $0x8F2B, s0  }
0xbd: {  	[sflag:s0] =	ssyncadd.remote.s32 $0x1  }
0xbe: {  	_ =	sfence.sel $0xFFFF  }
0xbf: {  	[dreg:$0x0] =	wrdreg $0xFFFFFFFF;
	(pc) =	sbr.abs _section_cstart, $3  }
0xc0: {  	[dreg:$0x1] =	wrdreg $0xFFFFFFFF  }
0xc1: {  	_ =	task.clear_ibuf [dreg:s6], $0x2FFFF;
	_ =	strace $0x9FFFFFFF  }
0xc2: {  	(tm) =	ssettm $0x7FFFFFFF  }
0xc3: {  	_ =	shalt  }
tec
execute0_lowered:
.L_overlay_start_1:
0x0: {  	(tag) =	ssettag $0x1  }
0x1: {  	s0 =	rddreg [dreg:$0x0]  }
0x2: {  	s1 =	rddreg [dreg:$0x1];
	s3 =	simm.s32 $0x0  }
0x3: {  	s14 =	stileid.u32;
	s7 =	srdreg.scid;
	s31 =	simm.s32 $0x200  }
0x4: {  	s29 =	simm.s32 $0x6;
	[smem:$0x7FF] =	sst s3;
	s2 =	smul.u32 $0x2800, s14  }
0x5: {  	s4 =	sadd.s32 $0x3E200, s0;
	s5 =	sadd.s32 $0xD200, s0;
	s8 =	smul.u32 $0x50000, s14  }
0x6: {  	s6 =	sadd.s32 $0x3400, s0;
	s7 =	sand.u32 $0x1, s7;
	s12 =	smul.u32 $0x2710, s14  }
0x7: {  	s13 =	sadd.s32 $0xDB000, s0;
	s24 =	sadd.s32 $0x12C000, s1;
	s16 =	smul.u32 $0x14000, s14  }
0x8: {  	p0 =	seq.s32 s14, $0xF;
	s14 =	simm.s32 $0x7;
	_ =	strace $0x8000004A  }
0x9: {  	s9 =	ssub.s32 $0x2, s7;
	s10 =	smul.u32 $0x27100, s7;
	[dreg:$0x5] =	wrdreg s24  }
0xa: {  	s26 =	smul.u32 $0x138800, s7;
	s2 =	sadd.s32 s2, s0;
	s11 =	sshrl.u32 s9, $0x1  }
0xb: {  	s8 =	sshrl.u32 s8, $0x2;
	s0 =	sadd.s32 $0x3C800, s0;
	s9 =	ssub.s32 s9, s11  }
0xc: {  	s8 =	sadd.s32 s8, s1;
	s2 =	sadd.s32 $0x17000, s2;
	[dreg:$0x6] =	wrdreg s0  }
0xd: {  	s10 =	sadd.s32 s12, s10;
	s19 =	sadd.s32 s16, s26;
	[dreg:$0x3] =	wrdreg s8  }
0xe: {  	s16 =	simm.s32 $0x9;
	s11 =	simm.s32 $0xE;
	[dreg:$0x4] =	wrdreg s2  }
0xf: {  	s25 =	sshrl.u32 s10, $0x3;
	s2 =	sshrl.u32 s26, $0x3;
	s22 =	smax.u32 s9, $0x1  }
0x10: {  	s23 =	sadd.s32 $0x1E0, s10;
	s24 =	sadd.s32 $0x190, s10;
	s8 =	simm.s32 $0x50  }
0x11: {  	s9 =	simm.s32 $0x400;
	s28 =	sadd.s32 $0xA, s25;
	s30 =	sadd.s32 $0x14, s25  }
0x12: {  	s17 =	sadd.s32 s5, s25;
	s0 =	sadd.s32 s6, s25;
	[dreg:$0x10] =	wrdreg s22  }
0x13: {  	s21 =	sadd.s32 s13, s2;
	s25 =	sadd.s32 $0x230, s10;
	[dreg:$0x7] =	wrdreg s17  }
0x14: {  	s26 =	sshrl.u32 s24, $0x3;
	s15 =	sadd.s32 s5, s28;
	[dreg:$0xb] =	wrdreg s0  }
0x15: {  	s18 =	sadd.s32 s5, s30;
	s12 =	sadd.s32 $0x1E, s17;
	[dreg:$0x8] =	wrdreg s15  }
0x16: {  	s7 =	sadd.s32 s6, s28;
	s0 =	sshrl.u32 s19, $0x3;
	[dreg:$0x9] =	wrdreg s18  }
0x17: {  	s20 =	sadd.s32 s6, s30;
	s28 =	sshrl.u32 s25, $0x3;
	[dreg:$0xa] =	wrdreg s12  }
0x18: {  	s24 =	sadd.s32 s26, s5;
	s30 =	sadd.s32 $0x140, s10;
	[dreg:$0xc] =	wrdreg s7  }
0x19: {  	s17 =	simm.s32 $0x4;
	s19 =	simm.s32 $0x5;
	[dreg:$0xd] =	wrdreg s20  }
.Ltmp0:
0x1a: {  	s0 =	sadd.s32 s13, s0;
	s25 =	sadd.s32 s28, s5;
	(pc) =	sbr.rel .LBB2_1-.Ltmp0, $4  }
0x1b: {  	[dreg:$0x11] =	wrdreg s30;
	s7 =	simm.s32 $0x1;
	s20 =	simm.s32 $0xA  }
0x1c: {  	s12 =	simm.s32 $0x0;
	[dreg:$0xe] =	wrdreg s0;
	s0 =	sadd.s32 $0x25800, s21  }
0x1d: {  	s21 =	simm.s32 $0xD;
	[dreg:$0xf] =	wrdreg s0;
	s0 =	sshrl.u32 s23, $0x3  }
0x1e: {  	s23 =	sadd.s32 s26, s6;
	s26 =	simm.s32 $0xB;
	s22 =	sadd.s32 s0, s5  }
.LBB2_12:
0x1f: {  	[bflag:$0x0] =	sbarrier.arrive $0xFFFF  }
0x20: {  	s2 =	rddreg [dreg:$0xf]  }
0x21: {  	s0 =	simm.s32 @p0 $0x1FD1;
	s12 =	rddreg [dreg:$0x13]  }
0x22: {  	[hbm:s2], [sflag:s0] =	dma.local @p0 [spmem:s12], $0x1900  }
0x23: {  	s0 =	simm.s32 @p0 $0x11  }
0x24: {  	_ =	swait.ge @p0 [sflag:s0], $0x1900  }
0x25: {  	s2 =	rddreg [dreg:$0x14]  }
0x26: {  	[sflag:s0] =	ssyncset.done @p0 $0x0;
	s12 =	rddreg [dreg:$0x15]  }
0x27: {  	[sflag:s0] =	ssyncadd.s32 @p0 $0xFFFFE700;
	s0 =	rddreg [dreg:$0xe]  }
0x28: {  	[hbm:s0], [sflag:s2] =	dma.local @!p0 [spmem:s12], $0x2800  }
0x29: {  	s0 =	simm.s32 @!p0 $0x11  }
0x2a: {  	_ =	swait.ge @!p0 [sflag:s0], $0x2800  }
0x2b: {  	s28 =	rddreg [dreg:$0x12]  }
0x2c: {  	s30 =	rddreg [dreg:$0x10];
	s12 =	sadd.s32 $0x1, s28  }
0x2d: {  	p1 =	sne.s32 s12, s30  }
.Ltmp1:
0x2e: {  	_ = 	snop;
	(pc) =	sbr.rel @!p1 .LBB2_13-.Ltmp1, $3  }
0x2f: {  	_ =	sdelay $0x1  }
0x30: {  	[sflag:s0] =	ssyncset.done @!p0 $0x0  }
0x31: {  	[sflag:s0] =	ssyncadd.s32 @!p0 $0xFFFFD800  }
.LBB2_1:
0x32: {  	[dreg:$0x12] =	wrdreg s12  }
0x33: {  	s0 =	rddreg [dreg:$0x5]  }
0x34: {  	s2 =	rddreg [dreg:$0x6];
	s12 =	sshrl.u32 @p0 s0, $0x3  }
0x35: {  	s0 =	simm.s32 @p0 $0x1FD1;
	[dreg:$0x13] =	wrdreg s12  }
0x36: {  	[spmem:s12], [sflag:s0] =	dma.local @p0 [hbm:s2], $0x1900  }
0x37: {  	s0 =	simm.s32 @p0 $0x11  }
0x38: {  	s2 =	stileid.u32;
	_ =	swait.ge @p0 [sflag:s0], $0x1900  }
0x39: {  	s2 =	sshll.u32 @!p0 s2, $0x6;
	[sflag:s0] =	ssyncset.done @p0 $0x0  }
0x3a: {  	s2 =	sor.u32 @!p0 $0x1C11, s2;
	[sflag:s0] =	ssyncadd.s32 @p0 $0xFFFFE700;
	s0 =	rddreg [dreg:$0x3]  }
0x3b: {  	[dreg:$0x14] =	wrdreg s2  }
0x3c: {  	s12 =	sshrl.u32 @!p0 s0, $0x3;
	s0 =	rddreg [dreg:$0x4]  }
0x3d: {  	[dreg:$0x15] =	wrdreg s12  }
0x3e: {  	[spmem:s12], [sflag:s2] =	dma.local @!p0 [hbm:s0], $0x2800  }
0x3f: {  	s0 =	simm.s32 @!p0 $0x11  }
0x40: {  	_ =	swait.ge @!p0 [sflag:s0], $0x2800  }
0x41: {  	[sflag:s0] =	ssyncset.done @!p0 $0x0  }
0x42: {  	[sflag:s0] =	ssyncadd.s32 @!p0 $0xFFFFD800  }
0x43: {  	[bflag:$0x0] =	sbarrier.arrive $0xFFFF  }
0x44: {  	s12 =	rddreg [dreg:$0x7]  }
0x45: {  	[tilespmem:s3], [sflag:$0x1] =	stream.linear.gather [hbm4b:s12+s3], $0x50, $0x38;
	[tilespmem:$0x1DC80] =	vst v63  }
0x46: {  	s2 =	simm.s32 $0x80;
	s13 =	rddreg [dreg:$0x8]  }
0x47: {  	[tilespmem:s2], [sflag:$0x2] =	stream.linear.gather [hbm4b:s13+s3], $0x50, $0x38;
	[tilespmem:$0x1DC80] =	vst v63  }
0x48: {  	s15 =	rddreg [dreg:$0x9];
	s12 =	simm.s32 $0x100  }
0x49: {  	[tilespmem:s12], [sflag:$0x3] =	stream.linear.gather [hbm4b:s15+s3], $0x50, $0x38;
	[tilespmem:$0x1DC80] =	vst v63  }
0x4a: {  	s18 =	rddreg [dreg:$0xa];
	s13 =	simm.s32 $0x180  }
0x4b: {  	[tilespmem:s13], [sflag:$0x4] =	stream.linear.gather [hbm4b:s18+s3], $0x50, $0x38;
	[tilespmem:$0x1DC80] =	vst v63  }
0x4c: {  	s13 =	rddreg [dreg:$0xb]  }
0x4d: {  	[tilespmem:s31], [sflag:$0x5] =	stream.linear.gather [hbm4b:s13+s3], $0x50, $0x38;
	[tilespmem:$0x1DC80] =	vst v63  }
0x4e: {  	s15 =	rddreg [dreg:$0xc];
	s18 =	simm.s32 $0x280  }
0x4f: {  	[tilespmem:s18], [sflag:$0x6] =	stream.linear.gather [hbm4b:s15+s3], $0x50, $0x38;
	[tilespmem:$0x1DC80] =	vst v63  }
0x50: {  	s13 =	rddreg [dreg:$0xd];
	s15 =	simm.s32 $0x300  }
0x51: {  	[tilespmem:s15], [sflag:$0x7] =	stream.linear.gather [hbm4b:s13+s3], $0x50, $0x38;
	[tilespmem:$0x1DC80] =	vst v63  }
0x52: {  	_ =	swait.ge [sflag:s7], $0x50  }
0x53: {  	[sflag:s7] =	ssyncset.done $0x0  }
0x54: {  	s18 =	simm.s32 $0x2;
	[sflag:s7] =	ssyncadd.s32 $0xFFFFFFB0  }
0x55: {  	[tilespmem:s9], [sflag:$0x9] =	stream.indirect.gather [hbm4b:s4+s8], $0x80, s3, s8, $0xb8;
	[tilespmem:$0x1DC80] =	vst v63  }
0x56: {  	_ =	swait.ge [sflag:s18], $0x50  }
0x57: {  	[sflag:s18] =	ssyncset.done $0x0  }
0x58: {  	s13 =	simm.s32 $0x2C00;
	s15 =	simm.s32 $0x3;
	[sflag:s18] =	ssyncadd.s32 $0xFFFFFFB0  }
0x59: {  	[tilespmem:s13], [sflag:$0xA] =	stream.indirect.gather [hbm4b:s4+s8], $0x80, s2, s8, $0xb8;
	[tilespmem:$0x1DC80] =	vst v63  }
.Ltmp2:
0x5a: {  	_ =	swait.ge [sflag:s15], $0x50;
	(pc) =	sbr.rel .LBB2_2-.Ltmp2, $4  }
0x5b: {  	[sflag:s15] =	ssyncset.done $0x0  }
0x5c: {  	s30 =	simm.s32 $0x0;
	s18 =	simm.s32 $0x5400;
	[sflag:s15] =	ssyncadd.s32 $0xFFFFFFB0  }
0x5d: {  	[tilespmem:s18], [sflag:$0xB] =	stream.indirect.gather [hbm4b:s4+s8], $0x80, s12, s8, $0xb8;
	[tilespmem:$0x1DC80] =	vst v63  }
0x5e: {  	s28 =	rddreg [dreg:$0x11];
	s12 =	simm.s32 $0x6;
	s18 =	simm.s32 $0x0  }
.LBB2_14:
0x5f: {  	s2 =	sshll.u32 s30, $0x2  }
0x60: {  	p2 =	por $0x0, $0x0;
	s2 =	sadd.s32 $0x6, s2  }
.LBB2_11:
0x61: {  	s13 =	simm.s32 @p1 $0xC  }
0x62: {  	_ =	swait.ge @p1 [sflag:s13], $0x2800  }
0x63: {  	p3 =	sgt.u32 s0, $0x7D;
	[sflag:s13] =	ssyncset.done @p1 $0x0  }
0x64: {  	s0 =	simm.s32 @!p3 $0xF;
	[sflag:s13] =	ssyncadd.s32 @p1 $0xFFFFD800  }
0x65: {  	_ =	swait.ge @!p3 [sflag:s0], $0x2800  }
0x66: {  	[sflag:s0] =	ssyncset.done @!p3 $0x0  }
0x67: {  	[sflag:s0] =	ssyncadd.s32 @!p3 $0xFFFFD800;
	s0 =	simm.s32 @p2 $0x3  }
0x68: {  	_ =	swait.ge @p2 [sflag:s0], $0x50  }
0x69: {  	s15 =	simm.s32 @p2 $0x5400;
	s2 =	smul.u32 @p2 $0x50, s2;
	[sflag:s0] =	ssyncset.done @p2 $0x0  }
0x6a: {  	s13 =	simm.s32 @p2 $0x100;
	[sflag:s0] =	ssyncadd.s32 @p2 $0xFFFFFFB0;
	s0 =	simm.s32 @p2 $0x50  }
0x6b: {  	[tilespmem:s15], [sflag:$0xB] =	stream.indirect.gather @p2 [hbm4b:s4+s0], $0x80, s13, s0, $0xb8;
	[tilespmem:$0x1DC80] =	vst v63  }
0x6c: {  	s0 =	sadd.s32 @p2 s10, s2  }
0x6d: {  	s0 =	sshrl.u32 @p2 s0, $0x3  }
0x6e: {  	s2 =	simm.s32 @p2 $0x0;
	s13 =	simm.s32 @p2 $0x300;
	s0 =	sadd.s32 @p2 s6, s0  }
0x6f: {  	[tilespmem:s13], [sflag:$0x7] =	stream.linear.gather @p2 [hbm4b:s0+s2], $0x50, $0x38;
	[tilespmem:$0x1DC80] =	vst v63  }
0x70: {  	s0 =	sadd.s32 @p2 s18, s25;
	s13 =	simm.s32 @p2 $0x180  }
0x71: {  	[tilespmem:s13], [sflag:$0x4] =	stream.linear.gather @p2 [hbm4b:s0+s2], $0x50, $0x38;
	[tilespmem:$0x1DC80] =	vst v63  }
0x72: {  	s0 =	simm.s32 @p1 $0x8  }
0x73: {  	_ =	swait.ge @p1 [sflag:s0], $0x50  }
0x74: {  	s18 =	sadd.s32 $0x28, s18;
	s2 =	simm.s32 @p1 $0x380;
	[sflag:s0] =	ssyncset.done @p1 $0x0  }
0x75: {  	s13 =	simm.s32 @p1 $0x7C00;
	[sflag:s0] =	ssyncadd.s32 @p1 $0xFFFFFFB0;
	s0 =	simm.s32 @p1 $0x50  }
0x76: {  	[spmem:s1] =	stream.indirect.scatter.add.f32 @p1 [tilespmem:s13], [sflag:$0x10], $0x80, s2, s0, $0xb8;
	[tilespmem:$0x1DC80] =	vst v63  }
0x77: {  	p1 =	sne.s32 s18, $0x500  }
.Ltmp3:
0x78: {  	_ = 	snop;
	(pc) =	sbr.rel @!p1 .LBB2_12-.Ltmp3, $2  }
0x79: {  	_ =	sdelay $0x2  }
0x7a: {  	s30 =	sadd.s32 $0x1, s30;
	s12 =	sadd.s32 $0x4, s12;
	s28 =	sadd.s32 $0x140, s28  }
.LBB2_2:
0x7b: {  	s0 =	sadd.s32 $0xFFFFFFF9, s12  }
0x7c: {  	p2 =	sgt.u32 s0, $0x7C  }
0x7d: {  	s0 =	sadd.s32 @!p2 $0xFFFFFFFD, s12  }
0x7e: {  	p1 =	sgt.u32 @!p2 s0, $0x7C  }
0x7f: {  	_ =	swait.ge [sflag:s16], $0x2800;
	p3 =	por p2, !p1  }
.Ltmp4:
0x80: {  	[sflag:s16] =	ssyncset.done $0x0;
	(pc) =	sbr.rel @!p3 .LBB2_4-.Ltmp4, $4  }
0x81: {  	[sflag:s16] =	ssyncadd.s32 $0xFFFFD800;
	s2 =	simm.s32 @!p2 $0x10  }
0x82: {  	_ =	swait.ge @!p2 [sflag:s2], $0x2800  }
0x83: {  	[sflag:s2] =	ssyncset.done @!p2 $0x0  }
0x84: {  	p1 =	por @!p2 $0x0, $0x0;
	[sflag:s2] =	ssyncadd.s32 @!p2 $0xFFFFD800  }
0x85: {  	_ =	swait.ge [sflag:s17], $0x50  }
0x86: {  	s0 =	simm.s32 @p2 $0x3;
	s13 =	simm.s32 $0x180;
	[sflag:s17] =	ssyncset.done $0x0  }
0x87: {  	s15 =	simm.s32 $0x7C00;
	s2 =	smul.u32 $0x50, s0;
	[sflag:s17] =	ssyncadd.s32 $0xFFFFFFB0  }
0x88: {  	[tilespmem:s15], [sflag:$0xC] =	stream.indirect.gather [hbm4b:s4+s8], $0x80, s13, s8, $0xb8;
	[tilespmem:$0x1DC80] =	vst v63  }
0x89: {  	s2 =	sadd.s32 s10, s2  }
0x8a: {  	s2 =	sshrl.u32 s2, $0x3  }
0x8b: {  	p1 =	por $0x1, $0x1;
	s15 =	simm.s32 $0x380;
	s2 =	sadd.s32 s6, s2  }
0x8c: {  	[tilespmem:s15], [sflag:$0x8] =	stream.linear.gather [hbm4b:s2+s3], $0x50, $0x38;
	[tilespmem:$0x1DC80] =	vst v63  }
.LBB2_4:
0x8d: {  	p2 =	seq.s32 s18, $0x4D8  }
0x8e: {  	s2 =	sshrl.u32 @!p2 s28, $0x3  }
0x8f: {  	p3 =	sgt.u32 s30, $0x1E;
	s13 =	simm.s32 @!p2 $0x0;
	s2 =	sadd.s32 @!p2 s5, s2  }
0x90: {  	[tilespmem:s13], [sflag:$0x1] =	stream.linear.gather @!p2 [hbm4b:s2+s13], $0x50, $0x38;
	[tilespmem:$0x1DC80] =	vst v63  }
.Ltmp5:
0x91: {  	_ = 	snop;
	(pc) =	sbr.rel @p3 .LBB2_6-.Ltmp5, $4  }
0x92: {  	_ =	swait.ge [sflag:s19], $0x50  }
0x93: {  	[sflag:s19] =	ssyncset.done $0x0  }
0x94: {  	[sflag:s19] =	ssyncadd.s32 $0xFFFFFFB0  }
0x95: {  	[spmem:s1] =	stream.indirect.scatter.add.f32 [tilespmem:s9], [sflag:$0xD], $0x80, s31, s8, $0xb8;
	[tilespmem:$0x1DC80] =	vst v63  }
0x96: {  	_ =	swait.ge [sflag:s20], $0x2800  }
.Ltmp6:
0x97: {  	[sflag:s20] =	ssyncset.done $0x0;
	(pc) =	sbr.rel .LBB2_7-.Ltmp6, $4  }
0x98: {  	[sflag:s20] =	ssyncadd.s32 $0xFFFFD800  }
0x99: {  	_ =	swait.ge [sflag:s21], $0x2800  }
0x9a: {  	[sflag:s21] =	ssyncset.done $0x0  }
0x9b: {  	[sflag:s21] =	ssyncadd.s32 $0xFFFFD800  }
.LBB2_6:
.Ltmp7:
0x9c: {  	(pc) =	sbr.rel @p2 .LBB2_14-.Ltmp7, $4  }
0x9d: {  	_ = 	snop  }
0x9e: {  	_ =	swait.ge [sflag:s21], $0x2800  }
0x9f: {  	[sflag:s21] =	ssyncset.done $0x0  }
0xa0: {  	[sflag:s21] =	ssyncadd.s32 $0xFFFFD800  }
.LBB2_7:
0xa1: {  	_ =	swait.ge [sflag:s7], $0x50;
	p2 =	sgt.u32 s30, $0x1D  }
.Ltmp8:
0xa2: {  	[sflag:s7] =	ssyncset.done $0x0;
	(pc) =	sbr.rel @p2 .LBB2_9-.Ltmp8, $4  }
0xa3: {  	s2 =	sshrl.u32 s28, $0x3;
	[sflag:s7] =	ssyncadd.s32 $0xFFFFFFB0  }
0xa4: {  	[tilespmem:s9], [sflag:$0x9] =	stream.indirect.gather [hbm4b:s4+s8], $0x80, s3, s8, $0xb8;
	[tilespmem:$0x1DC80] =	vst v63  }
0xa5: {  	s2 =	sadd.s32 s6, s2  }
0xa6: {  	[tilespmem:s31], [sflag:$0x5] =	stream.linear.gather [hbm4b:s2+s3], $0x50, $0x38;
	[tilespmem:$0x1DC80] =	vst v63  }
.Ltmp9:
0xa7: {  	(pc) =	sbr.rel .LBB2_10-.Ltmp9, $3  }
0xa8: {  	_ =	sdelay $0x1  }
0xa9: {  	s2 =	sadd.s32 s18, s24;
	s13 =	simm.s32 $0x80  }
0xaa: {  	[tilespmem:s13], [sflag:$0x2] =	stream.linear.gather [hbm4b:s2+s3], $0x50, $0x38;
	[tilespmem:$0x1DC80] =	vst v63  }
.LBB2_9:
.Ltmp10:
0xab: {  	(pc) =	sbr.rel @p3 .LBB2_14-.Ltmp10, $1  }
0xac: {  	_ =	sdelay $0x3  }
.LBB2_10:
0xad: {  	_ =	swait.ge [sflag:s29], $0x50  }
0xae: {  	[sflag:s29] =	ssyncset.done $0x0  }
0xaf: {  	s2 =	simm.s32 $0x280;
	s13 =	simm.s32 $0x2C00;
	[sflag:s29] =	ssyncadd.s32 $0xFFFFFFB0  }
0xb0: {  	[spmem:s1] =	stream.indirect.scatter.add.f32 [tilespmem:s13], [sflag:$0xE], $0x80, s2, s8, $0xb8;
	[tilespmem:$0x1DC80] =	vst v63  }
0xb1: {  	_ =	swait.ge [sflag:s26], $0x2800  }
0xb2: {  	[sflag:s26] =	ssyncset.done $0x0  }
0xb3: {  	[sflag:s26] =	ssyncadd.s32 $0xFFFFD800  }
0xb4: {  	_ =	swait.ge [sflag:s11], $0x2800  }
0xb5: {  	[sflag:s11] =	ssyncset.done $0x0  }
0xb6: {  	s2 =	simm.s32 @!p2 $0x2;
	[sflag:s11] =	ssyncadd.s32 $0xFFFFD800  }
0xb7: {  	_ =	swait.ge @!p2 [sflag:s2], $0x50  }
0xb8: {  	s15 =	simm.s32 @!p2 $0x2C00;
	[sflag:s2] =	ssyncset.done @!p2 $0x0  }
0xb9: {  	s13 =	simm.s32 @!p2 $0x80;
	[sflag:s2] =	ssyncadd.s32 @!p2 $0xFFFFFFB0;
	s2 =	simm.s32 @!p2 $0x50  }
0xba: {  	[tilespmem:s15], [sflag:$0xA] =	stream.indirect.gather @!p2 [hbm4b:s4+s2], $0x80, s13, s2, $0xb8;
	[tilespmem:$0x1DC80] =	vst v63  }
0xbb: {  	s2 =	sadd.s32 @!p2 s18, s23;
	s13 =	simm.s32 @!p2 $0x0;
	s15 =	simm.s32 @!p2 $0x280  }
0xbc: {  	[tilespmem:s15], [sflag:$0x6] =	stream.linear.gather @!p2 [hbm4b:s2+s13], $0x50, $0x38;
	[tilespmem:$0x1DC80] =	vst v63  }
0xbd: {  	s2 =	sadd.s32 @!p2 s18, s22;
	s15 =	simm.s32 @!p2 $0x100  }
0xbe: {  	[tilespmem:s15], [sflag:$0x3] =	stream.linear.gather @!p2 [hbm4b:s2+s13], $0x50, $0x38;
	[tilespmem:$0x1DC80] =	vst v63  }
.Ltmp11:
0xbf: {  	_ = 	snop;
	(pc) =	sbr.rel .LBB2_11-.Ltmp11, $4  }
0xc0: {  	_ =	swait.ge [sflag:s14], $0x50  }
0xc1: {  	p2 =	slt.u32 s30, $0x1E;
	s13 =	simm.s32 $0x300;
	[sflag:s14] =	ssyncset.done $0x0  }
0xc2: {  	s15 =	simm.s32 $0x5400;
	s2 =	smov.u32 s12;
	[sflag:s14] =	ssyncadd.s32 $0xFFFFFFB0  }
0xc3: {  	[spmem:s1] =	stream.indirect.scatter.add.f32 [tilespmem:s15], [sflag:$0xF], $0x80, s13, s8, $0xb8;
	[tilespmem:$0x1DC80] =	vst v63  }
.LBB2_13:
0xc4: {  	_ =	sfence.sel $0x180000  }
0xc5: {  	[bflag:$0x0] =	sbarrier.arrive $0xFFFF  }
0xc6: {  	_ =	strace $0x9000004A  }
0xc7: {  	s0 =	stileid.u32;
	[bflag:$0x2] =	sbarrier.arrive $0xFFFF  }
0xc8: {  	p0 =	sne.s32 s0, $0x0;
	s0 =	rddreg [dreg:$0x2]  }
0xc9: {  	s0 =	sadd.s32 @!p0 $0x100000, s0  }
0xca: {  	[sflag:s0] =	ssyncadd.tile.s32 @!p0 $0x1;
	_ =	shalt  }
.Lfunc_end2:
_tile_overlayer_lowered:
.L_overlay_start_2:
0xcb: {  	(tag) =	ssettag $0x2  }
0xcc: {  	s0 =	rddreg [dreg:$0x0];
	s2 =	stileid.u32  }
0xcd: {  	s1 =	rddreg [dreg:$0x1];
	p0 =	sne.s32 s2, $0x0  }
0xce: {  	s3 =	rddreg [dreg:$0x2];
	[bflag:$0x3] =	sbarrier.arrive $0xFFFF;
	s2 =	simm.s32 @!p0 $0x1C11  }
0xcf: {  	[timem:s3], [sflag:s2] =	dma.local @!p0 [hbm:s0], s1  }
0xd0: {  	s0 =	simm.s32 @!p0 $0x11  }
0xd1: {  	_ =	swait.ge @!p0 [sflag:s0], s1  }
0xd2: {  	s1 =	ssub.s32 @!p0 $0x0, s1;
	[sflag:s0] =	ssyncset.done @!p0 $0x0  }
0xd3: {  	[sflag:s0] =	ssyncadd.s32 @!p0 s1  }
0xd4: {  	[bflag:$0x3] =	sbarrier.arrive $0xFFFF  }
0xd5: {  	_ =	shalt  }

// kernel: kernel.14.cloned.1.call-start
scs
__scs_entry_jumppad:
0x0: {  	(pc) =	sbr.rel $0x88, $3  }
0x1: {  	(tag) =	ssettag $0x0;
	lr =	simm.s32 $0x1  }
0x2: {  	[smem:$0x3F91] =	sst lr;
	_ =	strace $0xD0000000  }
0x3: {  	_ = 	snop  }
0x4: {  	_ = 	snop  }
0x5: {  	_ = 	snop  }
0x6: {  	_ = 	snop  }
0x7: {  	_ = 	snop  }
__scs_overlays_trampoline_lowered:
0x8: {  	[smem:$0x3FA0] =	sst s0  }
0x9: {  	[smem:$0x3FA1] =	sst s1  }
0xa: {  	[smem:$0x3FA2] =	sst s2  }
0xb: {  	[smem:$0x3FA3] =	sst s3  }
0xc: {  	[smem:$0x3FA4] =	sst s4  }
0xd: {  	[smem:$0x3FA5] =	sst s5  }
0xe: {  	[smem:$0x3FA6] =	sst s6  }
0xf: {  	[smem:$0x3FA7] =	sst s7  }
0x10: {  	[smem:$0x3FA8] =	sst s8  }
0x11: {  	[smem:$0x3FA9] =	sst s9;
	s0 =	simm.s32 @!p0 $0x0  }
0x12: {  	s1 =	sld [smem:$0x3F8F];
	s0 =	simm.s32 @p0 $0x1  }
0x13: {  	[smem:$0x3FAA] =	sst s0;
	s0 =	simm.s32 @!p1 $0x0  }
0x14: {  	s2 =	sld [smem:$0x3F8E];
	s0 =	simm.s32 @p1 $0x1  }
0x15: {  	[smem:$0x3FAB] =	sst s0;
	s0 =	simm.s32 @!p2 $0x0  }
0x16: {  	s3 =	sld [smem:$0x3FDB];
	s0 =	simm.s32 @p2 $0x1  }
0x17: {  	s4 =	simm.s32 $0x1BF5;
	[smem:$0x3FAD] =	sst s0  }
0x18: {  	s0 =	sld [smem:$0x3F90];
	_ =	swait.ge [sflag:s4], $0x0  }
0x19: {  	s7 =	sld [smem:$0x3F91]  }
0x1a: {  	s8 =	sadd.s32 $0xFFFFE003, lr  }
0x1b: {  	s9 =	sadd.s32 $0xFFFFFEF7, lr;
	s5 =	simm.s32 $0xFFFFFFFF;
	p2 =	slt.u32 s8, $0xFFFFF086  }
0x1c: {  	p1 =	slt.u32 s9, $0xF7A;
	s5 =	simm.s32 @!p2 $0x0  }
0x1d: {  	s5 =	simm.s32 @p1 $0x1;
	p0 =	seq.s32 s7, s2  }
0x1e: {  	s7 =	smul.u32 @!p0 $0xF7A, s2;
	p2 =	seq.s32 @!p0 s5, $0x0  }
0x1f: {  	s9 =	smul.u32 $0xF7A, s1;
	s8 =	simm.s32 @!p0 $0x1BF5;
	p2 =	por !p2, p0  }
0x20: {  	[sflag:s8] =	ssyncset.s32 @!p0 $0xFFFFF086;
	s6 =	sadd.s32 @!p0 s3, s7;
	s7 =	simm.s32 @!p0 $0x108  }
0x21: {  	s3 =	sadd.s32 s3, s9;
	s6 =	sadd.s32 @!p0 $0x88, s6;
	s7 =	simm.s32 @p2 $0x1082  }
0x22: {  	[simem:s7], [sflag:s8] =	dma.local @!p0 [hbm:s6], $0xF7A  }
0x23: {  	s9 =	sor.u32 $0xD0000000, s2;
	s6 =	simm.s32 $0x108;
	_ =	swait.ge @!p0 [sflag:s8], $0x0  }
0x24: {  	s3 =	sadd.s32 $0x88, s3;
	s6 =	simm.s32 @!p1 $0x1082;
	[sflag:s4] =	ssyncset.s32 $0xFFFFF086  }
0x25: {  	[simem:s6], [sflag:s4] =	dma.local [hbm:s3], $0xF7A  }
0x26: {  	[smem:$0x3F91] =	sst s1;
	(tag) =	ssettag s2;
	_ =	strace s9  }
0x27: {  	s1 =	sld [smem:$0x3FA1]  }
0x28: {  	s2 =	sld [smem:$0x3FA2]  }
0x29: {  	s4 =	sld [smem:$0x3FA4]  }
0x2a: {  	p0 =	seq.s32 s5, $0x0;
	s5 =	sld [smem:$0x3FA5]  }
0x2b: {  	s6 =	sld [smem:$0x3FA6]  }
0x2c: {  	s7 =	sld [smem:$0x3FA7]  }
0x2d: {  	s3 =	simm.s32 $0x108;
	s8 =	sld [smem:$0x3FA8]  }
0x2e: {  	s3 =	simm.s32 @!p0 $0x1082;
	s9 =	sld [smem:$0x3FA9]  }
0x2f: {  	lr =	sadd.s32 s0, s3;
	s0 =	sld [smem:$0x3FA0]  }
0x30: {  	s3 =	sld [smem:$0x3FA3]  }
0x31: {  	[smem:$0x3FAC] =	sst s10  }
0x32: {  	s10 =	sld [smem:$0x3FAA];
	_ =	sdelay $0x3  }
0x33: {  	p0 =	seq.s32 s10, $0x1;
	s10 =	sld [smem:$0x3FAC];
	_ =	sdelay $0x3  }
0x34: {  	[smem:$0x3FAC] =	sst s10  }
0x35: {  	s10 =	sld [smem:$0x3FAB];
	_ =	sdelay $0x3  }
0x36: {  	p1 =	seq.s32 s10, $0x1;
	s10 =	sld [smem:$0x3FAC];
	_ =	sdelay $0x3  }
0x37: {  	[smem:$0x3FAC] =	sst s10  }
0x38: {  	s10 =	sld [smem:$0x3FAD]  }
0x39: {  	_ = 	snop;
	(pc) =	sbr.ind lr, $3  }
0x3a: {  	_ = 	snop  }
0x3b: {  	_ = 	snop  }
0x3c: {  	p2 =	seq.s32 s10, $0x1;
	s10 =	sld [smem:$0x3FAC]  }
0x3d: {  	_ =	shalt  }
0x3e: {  	_ =	shalt  }
0x3f: {  	_ =	shalt  }
0x40: {  	_ =	shalt  }
0x41: {  	_ =	shalt  }
0x42: {  	_ =	shalt  }
0x43: {  	_ =	shalt  }
0x44: {  	_ =	shalt  }
0x45: {  	_ =	shalt  }
0x46: {  	_ =	shalt  }
0x47: {  	_ =	shalt  }
0x48: {  	_ =	shalt  }
0x49: {  	_ =	shalt  }
0x4a: {  	_ =	shalt  }
0x4b: {  	_ =	shalt  }
0x4c: {  	_ =	shalt  }
0x4d: {  	_ =	shalt  }
0x4e: {  	_ =	shalt  }
0x4f: {  	_ =	shalt  }
0x50: {  	_ =	shalt  }
0x51: {  	_ =	shalt  }
0x52: {  	_ =	shalt  }
0x53: {  	_ =	shalt  }
0x54: {  	_ =	shalt  }
0x55: {  	_ =	shalt  }
0x56: {  	_ =	shalt  }
0x57: {  	_ =	shalt  }
0x58: {  	_ =	shalt  }
0x59: {  	_ =	shalt  }
0x5a: {  	_ =	shalt  }
0x5b: {  	_ =	shalt  }
0x5c: {  	_ =	shalt  }
0x5d: {  	_ =	shalt  }
0x5e: {  	_ =	shalt  }
0x5f: {  	_ =	shalt  }
0x60: {  	_ =	shalt  }
0x61: {  	_ =	shalt  }
0x62: {  	_ =	shalt  }
0x63: {  	_ =	shalt  }
0x64: {  	_ =	shalt  }
0x65: {  	_ =	shalt  }
0x66: {  	_ =	shalt  }
0x67: {  	_ =	shalt  }
0x68: {  	_ =	shalt  }
0x69: {  	_ =	shalt  }
0x6a: {  	_ =	shalt  }
0x6b: {  	_ =	shalt  }
0x6c: {  	_ =	shalt  }
0x6d: {  	_ =	shalt  }
0x6e: {  	_ =	shalt  }
0x6f: {  	_ =	shalt  }
0x70: {  	_ =	shalt  }
0x71: {  	_ =	shalt  }
0x72: {  	_ =	shalt  }
0x73: {  	_ =	shalt  }
0x74: {  	_ =	shalt  }
0x75: {  	_ =	shalt  }
0x76: {  	_ =	shalt  }
0x77: {  	_ =	shalt  }
0x78: {  	_ =	shalt  }
0x79: {  	_ =	shalt  }
0x7a: {  	_ =	shalt  }
0x7b: {  	_ =	shalt  }
0x7c: {  	_ =	shalt  }
0x7d: {  	_ =	shalt  }
0x7e: {  	_ =	shalt  }
0x7f: {  	_ =	shalt  }
0x80: {  	_ =	shalt  }
0x81: {  	_ =	shalt  }
0x82: {  	_ =	shalt  }
0x83: {  	_ =	shalt  }
0x84: {  	_ =	shalt  }
0x85: {  	_ =	shalt  }
0x86: {  	_ =	shalt  }
0x87: {  	_ =	shalt  }
.Lfunc_end0:
.L_simem_size_0:
called_computation.2_lowered:
.L_overlay_start_0:
0x88: {  	s2 =	sld [smem:$0x3FD9]  }
0x89: {  	s3 =	sld [smem:$0x3FFE];
	_ =	sdelay $0x1  }
0x8a: {  	s1 =	srdreg.scid  }
0x8b: {  	s0 =	sand.u32 $0x1, s1  }
0x8c: {  	s16 =	sshll.u32 s0, $0xA;
	s2 =	sadd.s32 s3, s2  }
0x8d: {  	s2 =	sadd.s32 s2, s16  }
0x8e: {  	[smem:$0x3FB8] =	sst s2  }
0x8f: {  	_ = 	snop  }
0x90: {  	(tm) =	ssettm $0x1  }
0x91: {  	s17 =	sld [smem:$0x3FFB];
	_ =	sdelay $0x3  }
0x92: {  	_ =	strace s17  }
0x93: {  	s2 =	sld [smem:$0x3FFC];
	_ =	sdelay $0x3  }
0x94: {  	_ =	strace s2  }
0x95: {  	s2 =	sld [smem:$0x3FFD];
	_ =	sdelay $0x3  }
0x96: {  	_ =	strace s2  }
0x97: {  	_ =	strace $0x8FFFFFFF  }
0x98: {  	s18 =	sld [smem:$0x3FDB];
	_ =	sdelay $0x1  }
0x99: {  	s19 =	simm.s32 $_scs_section_size  }
0x9a: {  	s4 =	simm.s32 $_size__tile_overlayer_lowered;
	s5 =	simm.s32 $_tile_overlayer_lowered  }
0x9b: {  	s22 =	simm.s32 $0x1BFF;
	s21 =	sshll.u32 s5, $0x1;
	s2 =	sadd.s32 s19, s18  }
0x9c: {  	s6 =	simm.s32 $0x0;
	s20 =	sshll.u32 s4, $0x1;
	s4 =	sadd.s32 s21, s2  }
0x9d: {  	[timem:s6], [sflag:s22] =	dma.local [hbm:s4], s20  }
0x9e: {  	_ =	swait.ge [sflag:s22], s20  }
0x9f: {  	s3 =	ssub.s32 $0x0, s20;
	[sflag:s22] =	ssyncset.done $0x0  }
0xa0: {  	[sflag:s22] =	ssyncadd.s32 s3;
	_ =	sdelay $0x1  }
0xa1: {  	s23 =	simm.s32 $0x1B8B  }
0xa2: {  	_ =	swait.ge [sflag:s23], $0x1  }
0xa3: {  	[sflag:s23] =	ssyncset.done $0x0  }
0xa4: {  	s25 =	simm.s32 $0x1B8E;
	s24 =	sld [smem:$0x3FFE];
	[sflag:s23] =	ssyncadd.s32 $0xFFFFFFFF  }
0xa5: {  	s26 =	simm.s32 $execute0_lowered;
	[smem:$0x3FD2] =	sst s25  }
0xa6: {  	s4 =	sshll.u32 s26, $0x1;
	_ =	strace $0x8000004C;
	[dreg:$0x1] =	wrdreg $0xFFFFFFFF  }
0xa7: {  	s28 =	simm.s32 $_size_execute0_lowered;
	s2 =	sadd.s32 s2, s4;
	[dreg:$0x0] =	wrdreg $0x0  }
0xa8: {  	s4 =	sshll.u32 s28, $0x1;
	[dreg:$0x2] =	wrdreg s2  }
0xa9: {  	[dreg:$0x3] =	wrdreg s4  }
0xaa: {  	[dreg:$0x4] =	wrdreg $0xC0  }
0xab: {  	_ =	task [dreg:s6], $0x5FFFF  }
0xac: {  	[dreg:$0x1] =	wrdreg $0xFFFFFFFF  }
0xad: {  	[dreg:$0x0] =	wrdreg $0x60  }
0xae: {  	[dreg:$0x2] =	wrdreg s24  }
0xaf: {  	[dreg:$0x3] =	wrdreg $0xA4000  }
0xb0: {  	[dreg:$0x4] =	wrdreg $0x9  }
0xb1: {  	_ =	task.clear_ibuf [dreg:s6], $0x5FFFF;
	_ =	strace $0x9000004C  }
0xb2: {  	s29 =	simm.s32 $0x9;
	_ =	strace $0x8000004E  }
0xb3: {  	_ =	swait.ge [sflag:s29], $0x1  }
0xb4: {  	[sflag:s29] =	ssyncadd.s32 $0xFFFFFFFF  }
0xb5: {  	_ =	strace $0x9000004E  }
0xb6: {  	_ =	sfence  }
0xb7: {  	s30 =	sld [smem:$0x0];
	_ =	sdelay $0x2  }
0xb8: {  	s31 =	sshll.u32 s1, $0xD;
	s1 =	sshrl.u32 s1, $0x2  }
0xb9: {  	s3 =	sand.u32 $0x4000, s31;
	s1 =	sadd.s32 s1, s30  }
0xba: {  	s0 =	sor.u32 s3, s0;
	s1 =	sshll.u32 s1, $0x11  }
0xbb: {  	s0 =	sor.u32 s1, s0  }
0xbc: {  	s0 =	sadd.s32 $0x8F2B, s0  }
0xbd: {  	[sflag:s0] =	ssyncadd.remote.s32 $0x1  }
0xbe: {  	_ =	sfence.sel $0xFFFF  }
0xbf: {  	[dreg:$0x0] =	wrdreg $0xFFFFFFFF;
	(pc) =	sbr.abs _section_cstart, $3  }
0xc0: {  	[dreg:$0x1] =	wrdreg $0xFFFFFFFF  }
0xc1: {  	_ =	task.clear_ibuf [dreg:s6], $0x2FFFF;
	_ =	strace $0x9FFFFFFF  }
0xc2: {  	(tm) =	ssettm $0x7FFFFFFF  }
0xc3: {  	_ =	shalt  }
tec
execute0_lowered:
.L_overlay_start_1:
0x0: {  	(tag) =	ssettag $0x1  }
0x1: {  	s0 =	rddreg [dreg:$0x0]  }
0x2: {  	s1 =	rddreg [dreg:$0x1];
	s3 =	simm.s32 $0x0  }
0x3: {  	s14 =	stileid.u32;
	s7 =	srdreg.scid;
	s31 =	simm.s32 $0x200  }
0x4: {  	s29 =	simm.s32 $0x6;
	[smem:$0x7FF] =	sst s3;
	s2 =	smul.u32 $0x2800, s14  }
0x5: {  	s4 =	sadd.s32 $0x3E200, s0;
	s5 =	sadd.s32 $0xD200, s0;
	s8 =	smul.u32 $0x50000, s14  }
0x6: {  	s6 =	sadd.s32 $0x3400, s0;
	s7 =	sand.u32 $0x1, s7;
	s12 =	smul.u32 $0x2710, s14  }
0x7: {  	s13 =	sadd.s32 $0xDB000, s0;
	s24 =	sadd.s32 $0x12C000, s1;
	s16 =	smul.u32 $0x14000, s14  }
0x8: {  	p0 =	seq.s32 s14, $0xF;
	s14 =	simm.s32 $0x7;
	_ =	strace $0x8000004D  }
0x9: {  	s9 =	ssub.s32 $0x2, s7;
	s10 =	smul.u32 $0x27100, s7;
	[dreg:$0x5] =	wrdreg s24  }
0xa: {  	s26 =	smul.u32 $0x138800, s7;
	s2 =	sadd.s32 s2, s0;
	s11 =	sshrl.u32 s9, $0x1  }
0xb: {  	s8 =	sshrl.u32 s8, $0x2;
	s0 =	sadd.s32 $0x3C800, s0;
	s9 =	ssub.s32 s9, s11  }
0xc: {  	s8 =	sadd.s32 s8, s1;
	s2 =	sadd.s32 $0x17000, s2;
	[dreg:$0x6] =	wrdreg s0  }
0xd: {  	s10 =	sadd.s32 s12, s10;
	s19 =	sadd.s32 s16, s26;
	[dreg:$0x3] =	wrdreg s8  }
0xe: {  	s16 =	simm.s32 $0x9;
	s11 =	simm.s32 $0xE;
	[dreg:$0x4] =	wrdreg s2  }
0xf: {  	s25 =	sshrl.u32 s10, $0x3;
	s2 =	sshrl.u32 s26, $0x3;
	s22 =	smax.u32 s9, $0x1  }
0x10: {  	s23 =	sadd.s32 $0x1E0, s10;
	s24 =	sadd.s32 $0x190, s10;
	s8 =	simm.s32 $0x50  }
0x11: {  	s9 =	simm.s32 $0x400;
	s28 =	sadd.s32 $0xA, s25;
	s30 =	sadd.s32 $0x14, s25  }
0x12: {  	s17 =	sadd.s32 s5, s25;
	s0 =	sadd.s32 s6, s25;
	[dreg:$0x10] =	wrdreg s22  }
0x13: {  	s21 =	sadd.s32 s13, s2;
	s25 =	sadd.s32 $0x230, s10;
	[dreg:$0x7] =	wrdreg s17  }
0x14: {  	s26 =	sshrl.u32 s24, $0x3;
	s15 =	sadd.s32 s5, s28;
	[dreg:$0xb] =	wrdreg s0  }
0x15: {  	s18 =	sadd.s32 s5, s30;
	s12 =	sadd.s32 $0x1E, s17;
	[dreg:$0x8] =	wrdreg s15  }
0x16: {  	s7 =	sadd.s32 s6, s28;
	s0 =	sshrl.u32 s19, $0x3;
	[dreg:$0x9] =	wrdreg s18  }
0x17: {  	s20 =	sadd.s32 s6, s30;
	s28 =	sshrl.u32 s25, $0x3;
	[dreg:$0xa] =	wrdreg s12  }
0x18: {  	s24 =	sadd.s32 s26, s5;
	s30 =	sadd.s32 $0x140, s10;
	[dreg:$0xc] =	wrdreg s7  }
0x19: {  	s17 =	simm.s32 $0x4;
	s19 =	simm.s32 $0x5;
	[dreg:$0xd] =	wrdreg s20  }
.Ltmp0:
0x1a: {  	s0 =	sadd.s32 s13, s0;
	s25 =	sadd.s32 s28, s5;
	(pc) =	sbr.rel .LBB2_1-.Ltmp0, $4  }
0x1b: {  	[dreg:$0x11] =	wrdreg s30;
	s7 =	simm.s32 $0x1;
	s20 =	simm.s32 $0xA  }
0x1c: {  	s12 =	simm.s32 $0x0;
	[dreg:$0xe] =	wrdreg s0;
	s0 =	sadd.s32 $0x25800, s21  }
0x1d: {  	s21 =	simm.s32 $0xD;
	[dreg:$0xf] =	wrdreg s0;
	s0 =	sshrl.u32 s23, $0x3  }
0x1e: {  	s23 =	sadd.s32 s26, s6;
	s26 =	simm.s32 $0xB;
	s22 =	sadd.s32 s0, s5  }
.LBB2_12:
0x1f: {  	[bflag:$0x0] =	sbarrier.arrive $0xFFFF  }
0x20: {  	s2 =	rddreg [dreg:$0xf]  }
0x21: {  	s0 =	simm.s32 @p0 $0x1FD1;
	s12 =	rddreg [dreg:$0x13]  }
0x22: {  	[hbm:s2], [sflag:s0] =	dma.local @p0 [spmem:s12], $0x1900  }
0x23: {  	s0 =	simm.s32 @p0 $0x11  }
0x24: {  	_ =	swait.ge @p0 [sflag:s0], $0x1900  }
0x25: {  	s2 =	rddreg [dreg:$0x14]  }
0x26: {  	[sflag:s0] =	ssyncset.done @p0 $0x0;
	s12 =	rddreg [dreg:$0x15]  }
0x27: {  	[sflag:s0] =	ssyncadd.s32 @p0 $0xFFFFE700;
	s0 =	rddreg [dreg:$0xe]  }
0x28: {  	[hbm:s0], [sflag:s2] =	dma.local @!p0 [spmem:s12], $0x2800  }
0x29: {  	s0 =	simm.s32 @!p0 $0x11  }
0x2a: {  	_ =	swait.ge @!p0 [sflag:s0], $0x2800  }
0x2b: {  	s28 =	rddreg [dreg:$0x12]  }
0x2c: {  	s30 =	rddreg [dreg:$0x10];
	s12 =	sadd.s32 $0x1, s28  }
0x2d: {  	p1 =	sne.s32 s12, s30  }
.Ltmp1:
0x2e: {  	_ = 	snop;
	(pc) =	sbr.rel @!p1 .LBB2_13-.Ltmp1, $3  }
0x2f: {  	_ =	sdelay $0x1  }
0x30: {  	[sflag:s0] =	ssyncset.done @!p0 $0x0  }
0x31: {  	[sflag:s0] =	ssyncadd.s32 @!p0 $0xFFFFD800  }
.LBB2_1:
0x32: {  	[dreg:$0x12] =	wrdreg s12  }
0x33: {  	s0 =	rddreg [dreg:$0x5]  }
0x34: {  	s2 =	rddreg [dreg:$0x6];
	s12 =	sshrl.u32 @p0 s0, $0x3  }
0x35: {  	s0 =	simm.s32 @p0 $0x1FD1;
	[dreg:$0x13] =	wrdreg s12  }
0x36: {  	[spmem:s12], [sflag:s0] =	dma.local @p0 [hbm:s2], $0x1900  }
0x37: {  	s0 =	simm.s32 @p0 $0x11  }
0x38: {  	s2 =	stileid.u32;
	_ =	swait.ge @p0 [sflag:s0], $0x1900  }
0x39: {  	s2 =	sshll.u32 @!p0 s2, $0x6;
	[sflag:s0] =	ssyncset.done @p0 $0x0  }
0x3a: {  	s2 =	sor.u32 @!p0 $0x1C11, s2;
	[sflag:s0] =	ssyncadd.s32 @p0 $0xFFFFE700;
	s0 =	rddreg [dreg:$0x3]  }
0x3b: {  	[dreg:$0x14] =	wrdreg s2  }
0x3c: {  	s12 =	sshrl.u32 @!p0 s0, $0x3;
	s0 =	rddreg [dreg:$0x4]  }
0x3d: {  	[dreg:$0x15] =	wrdreg s12  }
0x3e: {  	[spmem:s12], [sflag:s2] =	dma.local @!p0 [hbm:s0], $0x2800  }
0x3f: {  	s0 =	simm.s32 @!p0 $0x11  }
0x40: {  	_ =	swait.ge @!p0 [sflag:s0], $0x2800  }
0x41: {  	[sflag:s0] =	ssyncset.done @!p0 $0x0  }
0x42: {  	[sflag:s0] =	ssyncadd.s32 @!p0 $0xFFFFD800  }
0x43: {  	[bflag:$0x0] =	sbarrier.arrive $0xFFFF  }
0x44: {  	s12 =	rddreg [dreg:$0x7]  }
0x45: {  	[tilespmem:s3], [sflag:$0x1] =	stream.linear.gather [hbm4b:s12+s3], $0x50, $0x38;
	[tilespmem:$0x1DC80] =	vst v63  }
0x46: {  	s2 =	simm.s32 $0x80;
	s13 =	rddreg [dreg:$0x8]  }
0x47: {  	[tilespmem:s2], [sflag:$0x2] =	stream.linear.gather [hbm4b:s13+s3], $0x50, $0x38;
	[tilespmem:$0x1DC80] =	vst v63  }
0x48: {  	s15 =	rddreg [dreg:$0x9];
	s12 =	simm.s32 $0x100  }
0x49: {  	[tilespmem:s12], [sflag:$0x3] =	stream.linear.gather [hbm4b:s15+s3], $0x50, $0x38;
	[tilespmem:$0x1DC80] =	vst v63  }
0x4a: {  	s18 =	rddreg [dreg:$0xa];
	s13 =	simm.s32 $0x180  }
0x4b: {  	[tilespmem:s13], [sflag:$0x4] =	stream.linear.gather [hbm4b:s18+s3], $0x50, $0x38;
	[tilespmem:$0x1DC80] =	vst v63  }
0x4c: {  	s13 =	rddreg [dreg:$0xb]  }
0x4d: {  	[tilespmem:s31], [sflag:$0x5] =	stream.linear.gather [hbm4b:s13+s3], $0x50, $0x38;
	[tilespmem:$0x1DC80] =	vst v63  }
0x4e: {  	s15 =	rddreg [dreg:$0xc];
	s18 =	simm.s32 $0x280  }
0x4f: {  	[tilespmem:s18], [sflag:$0x6] =	stream.linear.gather [hbm4b:s15+s3], $0x50, $0x38;
	[tilespmem:$0x1DC80] =	vst v63  }
0x50: {  	s13 =	rddreg [dreg:$0xd];
	s15 =	simm.s32 $0x300  }
0x51: {  	[tilespmem:s15], [sflag:$0x7] =	stream.linear.gather [hbm4b:s13+s3], $0x50, $0x38;
	[tilespmem:$0x1DC80] =	vst v63  }
0x52: {  	_ =	swait.ge [sflag:s7], $0x50  }
0x53: {  	[sflag:s7] =	ssyncset.done $0x0  }
0x54: {  	s18 =	simm.s32 $0x2;
	[sflag:s7] =	ssyncadd.s32 $0xFFFFFFB0  }
0x55: {  	[tilespmem:s9], [sflag:$0x9] =	stream.indirect.gather [hbm4b:s4+s8], $0x80, s3, s8, $0xb8;
	[tilespmem:$0x1DC80] =	vst v63  }
0x56: {  	_ =	swait.ge [sflag:s18], $0x50  }
0x57: {  	[sflag:s18] =	ssyncset.done $0x0  }
0x58: {  	s13 =	simm.s32 $0x2C00;
	s15 =	simm.s32 $0x3;
	[sflag:s18] =	ssyncadd.s32 $0xFFFFFFB0  }
0x59: {  	[tilespmem:s13], [sflag:$0xA] =	stream.indirect.gather [hbm4b:s4+s8], $0x80, s2, s8, $0xb8;
	[tilespmem:$0x1DC80] =	vst v63  }
.Ltmp2:
0x5a: {  	_ =	swait.ge [sflag:s15], $0x50;
	(pc) =	sbr.rel .LBB2_2-.Ltmp2, $4  }
0x5b: {  	[sflag:s15] =	ssyncset.done $0x0  }
0x5c: {  	s30 =	simm.s32 $0x0;
	s18 =	simm.s32 $0x5400;
	[sflag:s15] =	ssyncadd.s32 $0xFFFFFFB0  }
0x5d: {  	[tilespmem:s18], [sflag:$0xB] =	stream.indirect.gather [hbm4b:s4+s8], $0x80, s12, s8, $0xb8;
	[tilespmem:$0x1DC80] =	vst v63  }
0x5e: {  	s28 =	rddreg [dreg:$0x11];
	s12 =	simm.s32 $0x6;
	s18 =	simm.s32 $0x0  }
.LBB2_14:
0x5f: {  	s2 =	sshll.u32 s30, $0x2  }
0x60: {  	p2 =	por $0x0, $0x0;
	s2 =	sadd.s32 $0x6, s2  }
.LBB2_11:
0x61: {  	s13 =	simm.s32 @p1 $0xC  }
0x62: {  	_ =	swait.ge @p1 [sflag:s13], $0x2800  }
0x63: {  	p3 =	sgt.u32 s0, $0x7D;
	[sflag:s13] =	ssyncset.done @p1 $0x0  }
0x64: {  	s0 =	simm.s32 @!p3 $0xF;
	[sflag:s13] =	ssyncadd.s32 @p1 $0xFFFFD800  }
0x65: {  	_ =	swait.ge @!p3 [sflag:s0], $0x2800  }
0x66: {  	[sflag:s0] =	ssyncset.done @!p3 $0x0  }
0x67: {  	[sflag:s0] =	ssyncadd.s32 @!p3 $0xFFFFD800;
	s0 =	simm.s32 @p2 $0x3  }
0x68: {  	_ =	swait.ge @p2 [sflag:s0], $0x50  }
0x69: {  	s15 =	simm.s32 @p2 $0x5400;
	s2 =	smul.u32 @p2 $0x50, s2;
	[sflag:s0] =	ssyncset.done @p2 $0x0  }
0x6a: {  	s13 =	simm.s32 @p2 $0x100;
	[sflag:s0] =	ssyncadd.s32 @p2 $0xFFFFFFB0;
	s0 =	simm.s32 @p2 $0x50  }
0x6b: {  	[tilespmem:s15], [sflag:$0xB] =	stream.indirect.gather @p2 [hbm4b:s4+s0], $0x80, s13, s0, $0xb8;
	[tilespmem:$0x1DC80] =	vst v63  }
0x6c: {  	s0 =	sadd.s32 @p2 s10, s2  }
0x6d: {  	s0 =	sshrl.u32 @p2 s0, $0x3  }
0x6e: {  	s2 =	simm.s32 @p2 $0x0;
	s13 =	simm.s32 @p2 $0x300;
	s0 =	sadd.s32 @p2 s6, s0  }
0x6f: {  	[tilespmem:s13], [sflag:$0x7] =	stream.linear.gather @p2 [hbm4b:s0+s2], $0x50, $0x38;
	[tilespmem:$0x1DC80] =	vst v63  }
0x70: {  	s0 =	sadd.s32 @p2 s18, s25;
	s13 =	simm.s32 @p2 $0x180  }
0x71: {  	[tilespmem:s13], [sflag:$0x4] =	stream.linear.gather @p2 [hbm4b:s0+s2], $0x50, $0x38;
	[tilespmem:$0x1DC80] =	vst v63  }
0x72: {  	s0 =	simm.s32 @p1 $0x8  }
0x73: {  	_ =	swait.ge @p1 [sflag:s0], $0x50  }
0x74: {  	s18 =	sadd.s32 $0x28, s18;
	s2 =	simm.s32 @p1 $0x380;
	[sflag:s0] =	ssyncset.done @p1 $0x0  }
0x75: {  	s13 =	simm.s32 @p1 $0x7C00;
	[sflag:s0] =	ssyncadd.s32 @p1 $0xFFFFFFB0;
	s0 =	simm.s32 @p1 $0x50  }
0x76: {  	[spmem:s1] =	stream.indirect.scatter.add.f32 @p1 [tilespmem:s13], [sflag:$0x10], $0x80, s2, s0, $0xb8;
	[tilespmem:$0x1DC80] =	vst v63  }
0x77: {  	p1 =	sne.s32 s18, $0x500  }
.Ltmp3:
0x78: {  	_ = 	snop;
	(pc) =	sbr.rel @!p1 .LBB2_12-.Ltmp3, $2  }
0x79: {  	_ =	sdelay $0x2  }
0x7a: {  	s30 =	sadd.s32 $0x1, s30;
	s12 =	sadd.s32 $0x4, s12;
	s28 =	sadd.s32 $0x140, s28  }
.LBB2_2:
0x7b: {  	s0 =	sadd.s32 $0xFFFFFFF9, s12  }
0x7c: {  	p2 =	sgt.u32 s0, $0x7C  }
0x7d: {  	s0 =	sadd.s32 @!p2 $0xFFFFFFFD, s12  }
0x7e: {  	p1 =	sgt.u32 @!p2 s0, $0x7C  }
0x7f: {  	_ =	swait.ge [sflag:s16], $0x2800;
	p3 =	por p2, !p1  }
.Ltmp4:
0x80: {  	[sflag:s16] =	ssyncset.done $0x0;
	(pc) =	sbr.rel @!p3 .LBB2_4-.Ltmp4, $4  }
0x81: {  	[sflag:s16] =	ssyncadd.s32 $0xFFFFD800;
	s2 =	simm.s32 @!p2 $0x10  }
0x82: {  	_ =	swait.ge @!p2 [sflag:s2], $0x2800  }
0x83: {  	[sflag:s2] =	ssyncset.done @!p2 $0x0  }
0x84: {  	p1 =	por @!p2 $0x0, $0x0;
	[sflag:s2] =	ssyncadd.s32 @!p2 $0xFFFFD800  }
0x85: {  	_ =	swait.ge [sflag:s17], $0x50  }
0x86: {  	s0 =	simm.s32 @p2 $0x3;
	s13 =	simm.s32 $0x180;
	[sflag:s17] =	ssyncset.done $0x0  }
0x87: {  	s15 =	simm.s32 $0x7C00;
	s2 =	smul.u32 $0x50, s0;
	[sflag:s17] =	ssyncadd.s32 $0xFFFFFFB0  }
0x88: {  	[tilespmem:s15], [sflag:$0xC] =	stream.indirect.gather [hbm4b:s4+s8], $0x80, s13, s8, $0xb8;
	[tilespmem:$0x1DC80] =	vst v63  }
0x89: {  	s2 =	sadd.s32 s10, s2  }
0x8a: {  	s2 =	sshrl.u32 s2, $0x3  }
0x8b: {  	p1 =	por $0x1, $0x1;
	s15 =	simm.s32 $0x380;
	s2 =	sadd.s32 s6, s2  }
0x8c: {  	[tilespmem:s15], [sflag:$0x8] =	stream.linear.gather [hbm4b:s2+s3], $0x50, $0x38;
	[tilespmem:$0x1DC80] =	vst v63  }
.LBB2_4:
0x8d: {  	p2 =	seq.s32 s18, $0x4D8  }
0x8e: {  	s2 =	sshrl.u32 @!p2 s28, $0x3  }
0x8f: {  	p3 =	sgt.u32 s30, $0x1E;
	s13 =	simm.s32 @!p2 $0x0;
	s2 =	sadd.s32 @!p2 s5, s2  }
0x90: {  	[tilespmem:s13], [sflag:$0x1] =	stream.linear.gather @!p2 [hbm4b:s2+s13], $0x50, $0x38;
	[tilespmem:$0x1DC80] =	vst v63  }
.Ltmp5:
0x91: {  	_ = 	snop;
	(pc) =	sbr.rel @p3 .LBB2_6-.Ltmp5, $4  }
0x92: {  	_ =	swait.ge [sflag:s19], $0x50  }
0x93: {  	[sflag:s19] =	ssyncset.done $0x0  }
0x94: {  	[sflag:s19] =	ssyncadd.s32 $0xFFFFFFB0  }
0x95: {  	[spmem:s1] =	stream.indirect.scatter.add.f32 [tilespmem:s9], [sflag:$0xD], $0x80, s31, s8, $0xb8;
	[tilespmem:$0x1DC80] =	vst v63  }
0x96: {  	_ =	swait.ge [sflag:s20], $0x2800  }
.Ltmp6:
0x97: {  	[sflag:s20] =	ssyncset.done $0x0;
	(pc) =	sbr.rel .LBB2_7-.Ltmp6, $4  }
0x98: {  	[sflag:s20] =	ssyncadd.s32 $0xFFFFD800  }
0x99: {  	_ =	swait.ge [sflag:s21], $0x2800  }
0x9a: {  	[sflag:s21] =	ssyncset.done $0x0  }
0x9b: {  	[sflag:s21] =	ssyncadd.s32 $0xFFFFD800  }
.LBB2_6:
.Ltmp7:
0x9c: {  	(pc) =	sbr.rel @p2 .LBB2_14-.Ltmp7, $4  }
0x9d: {  	_ = 	snop  }
0x9e: {  	_ =	swait.ge [sflag:s21], $0x2800  }
0x9f: {  	[sflag:s21] =	ssyncset.done $0x0  }
0xa0: {  	[sflag:s21] =	ssyncadd.s32 $0xFFFFD800  }
.LBB2_7:
0xa1: {  	_ =	swait.ge [sflag:s7], $0x50;
	p2 =	sgt.u32 s30, $0x1D  }
.Ltmp8:
0xa2: {  	[sflag:s7] =	ssyncset.done $0x0;
	(pc) =	sbr.rel @p2 .LBB2_9-.Ltmp8, $4  }
0xa3: {  	s2 =	sshrl.u32 s28, $0x3;
	[sflag:s7] =	ssyncadd.s32 $0xFFFFFFB0  }
0xa4: {  	[tilespmem:s9], [sflag:$0x9] =	stream.indirect.gather [hbm4b:s4+s8], $0x80, s3, s8, $0xb8;
	[tilespmem:$0x1DC80] =	vst v63  }
0xa5: {  	s2 =	sadd.s32 s6, s2  }
0xa6: {  	[tilespmem:s31], [sflag:$0x5] =	stream.linear.gather [hbm4b:s2+s3], $0x50, $0x38;
	[tilespmem:$0x1DC80] =	vst v63  }
.Ltmp9:
0xa7: {  	(pc) =	sbr.rel .LBB2_10-.Ltmp9, $3  }
0xa8: {  	_ =	sdelay $0x1  }
0xa9: {  	s2 =	sadd.s32 s18, s24;
	s13 =	simm.s32 $0x80  }
0xaa: {  	[tilespmem:s13], [sflag:$0x2] =	stream.linear.gather [hbm4b:s2+s3], $0x50, $0x38;
	[tilespmem:$0x1DC80] =	vst v63  }
.LBB2_9:
.Ltmp10:
0xab: {  	(pc) =	sbr.rel @p3 .LBB2_14-.Ltmp10, $1  }
0xac: {  	_ =	sdelay $0x3  }
.LBB2_10:
0xad: {  	_ =	swait.ge [sflag:s29], $0x50  }
0xae: {  	[sflag:s29] =	ssyncset.done $0x0  }
0xaf: {  	s2 =	simm.s32 $0x280;
	s13 =	simm.s32 $0x2C00;
	[sflag:s29] =	ssyncadd.s32 $0xFFFFFFB0  }
0xb0: {  	[spmem:s1] =	stream.indirect.scatter.add.f32 [tilespmem:s13], [sflag:$0xE], $0x80, s2, s8, $0xb8;
	[tilespmem:$0x1DC80] =	vst v63  }
0xb1: {  	_ =	swait.ge [sflag:s26], $0x2800  }
0xb2: {  	[sflag:s26] =	ssyncset.done $0x0  }
0xb3: {  	[sflag:s26] =	ssyncadd.s32 $0xFFFFD800  }
0xb4: {  	_ =	swait.ge [sflag:s11], $0x2800  }
0xb5: {  	[sflag:s11] =	ssyncset.done $0x0  }
0xb6: {  	s2 =	simm.s32 @!p2 $0x2;
	[sflag:s11] =	ssyncadd.s32 $0xFFFFD800  }
0xb7: {  	_ =	swait.ge @!p2 [sflag:s2], $0x50  }
0xb8: {  	s15 =	simm.s32 @!p2 $0x2C00;
	[sflag:s2] =	ssyncset.done @!p2 $0x0  }
0xb9: {  	s13 =	simm.s32 @!p2 $0x80;
	[sflag:s2] =	ssyncadd.s32 @!p2 $0xFFFFFFB0;
	s2 =	simm.s32 @!p2 $0x50  }
0xba: {  	[tilespmem:s15], [sflag:$0xA] =	stream.indirect.gather @!p2 [hbm4b:s4+s2], $0x80, s13, s2, $0xb8;
	[tilespmem:$0x1DC80] =	vst v63  }
0xbb: {  	s2 =	sadd.s32 @!p2 s18, s23;
	s13 =	simm.s32 @!p2 $0x0;
	s15 =	simm.s32 @!p2 $0x280  }
0xbc: {  	[tilespmem:s15], [sflag:$0x6] =	stream.linear.gather @!p2 [hbm4b:s2+s13], $0x50, $0x38;
	[tilespmem:$0x1DC80] =	vst v63  }
0xbd: {  	s2 =	sadd.s32 @!p2 s18, s22;
	s15 =	simm.s32 @!p2 $0x100  }
0xbe: {  	[tilespmem:s15], [sflag:$0x3] =	stream.linear.gather @!p2 [hbm4b:s2+s13], $0x50, $0x38;
	[tilespmem:$0x1DC80] =	vst v63  }
.Ltmp11:
0xbf: {  	_ = 	snop;
	(pc) =	sbr.rel .LBB2_11-.Ltmp11, $4  }
0xc0: {  	_ =	swait.ge [sflag:s14], $0x50  }
0xc1: {  	p2 =	slt.u32 s30, $0x1E;
	s13 =	simm.s32 $0x300;
	[sflag:s14] =	ssyncset.done $0x0  }
0xc2: {  	s15 =	simm.s32 $0x5400;
	s2 =	smov.u32 s12;
	[sflag:s14] =	ssyncadd.s32 $0xFFFFFFB0  }
0xc3: {  	[spmem:s1] =	stream.indirect.scatter.add.f32 [tilespmem:s15], [sflag:$0xF], $0x80, s13, s8, $0xb8;
	[tilespmem:$0x1DC80] =	vst v63  }
.LBB2_13:
0xc4: {  	_ =	sfence.sel $0x180000  }
0xc5: {  	[bflag:$0x0] =	sbarrier.arrive $0xFFFF  }
0xc6: {  	_ =	strace $0x9000004D  }
0xc7: {  	s0 =	stileid.u32;
	[bflag:$0x2] =	sbarrier.arrive $0xFFFF  }
0xc8: {  	p0 =	sne.s32 s0, $0x0;
	s0 =	rddreg [dreg:$0x2]  }
0xc9: {  	s0 =	sadd.s32 @!p0 $0x100000, s0  }
0xca: {  	[sflag:s0] =	ssyncadd.tile.s32 @!p0 $0x1;
	_ =	shalt  }
.Lfunc_end2:
_tile_overlayer_lowered:
.L_overlay_start_2:
0xcb: {  	(tag) =	ssettag $0x2  }
0xcc: {  	s0 =	rddreg [dreg:$0x0];
	s2 =	stileid.u32  }
0xcd: {  	s1 =	rddreg [dreg:$0x1];
	p0 =	sne.s32 s2, $0x0  }
0xce: {  	s3 =	rddreg [dreg:$0x2];
	[bflag:$0x3] =	sbarrier.arrive $0xFFFF;
	s2 =	simm.s32 @!p0 $0x1C11  }
0xcf: {  	[timem:s3], [sflag:s2] =	dma.local @!p0 [hbm:s0], s1  }
0xd0: {  	s0 =	simm.s32 @!p0 $0x11  }
0xd1: {  	_ =	swait.ge @!p0 [sflag:s0], s1  }
0xd2: {  	s1 =	ssub.s32 @!p0 $0x0, s1;
	[sflag:s0] =	ssyncset.done @!p0 $0x0  }
0xd3: {  	[sflag:s0] =	ssyncadd.s32 @!p0 s1  }
0xd4: {  	[bflag:$0x3] =	sbarrier.arrive $0xFFFF  }
0xd5: {  	_ =	shalt  }

// kernel: kernel.8.cloned.1.call-start
scs
__scs_entry_jumppad:
0x0: {  	(pc) =	sbr.rel $0x88, $3  }
0x1: {  	(tag) =	ssettag $0x0;
	lr =	simm.s32 $0x1  }
0x2: {  	[smem:$0x3F91] =	sst lr;
	_ =	strace $0xD0000000  }
0x3: {  	_ = 	snop  }
0x4: {  	_ = 	snop  }
0x5: {  	_ = 	snop  }
0x6: {  	_ = 	snop  }
0x7: {  	_ = 	snop  }
__scs_overlays_trampoline_lowered:
0x8: {  	[smem:$0x3FA0] =	sst s0  }
0x9: {  	[smem:$0x3FA1] =	sst s1  }
0xa: {  	[smem:$0x3FA2] =	sst s2  }
0xb: {  	[smem:$0x3FA3] =	sst s3  }
0xc: {  	[smem:$0x3FA4] =	sst s4  }
0xd: {  	[smem:$0x3FA5] =	sst s5  }
0xe: {  	[smem:$0x3FA6] =	sst s6  }
0xf: {  	[smem:$0x3FA7] =	sst s7  }
0x10: {  	[smem:$0x3FA8] =	sst s8  }
0x11: {  	[smem:$0x3FA9] =	sst s9;
	s0 =	simm.s32 @!p0 $0x0  }
0x12: {  	s1 =	sld [smem:$0x3F8F];
	s0 =	simm.s32 @p0 $0x1  }
0x13: {  	[smem:$0x3FAA] =	sst s0;
	s0 =	simm.s32 @!p1 $0x0  }
0x14: {  	s2 =	sld [smem:$0x3F8E];
	s0 =	simm.s32 @p1 $0x1  }
0x15: {  	[smem:$0x3FAB] =	sst s0;
	s0 =	simm.s32 @!p2 $0x0  }
0x16: {  	s3 =	sld [smem:$0x3FDB];
	s0 =	simm.s32 @p2 $0x1  }
0x17: {  	s4 =	simm.s32 $0x1BF5;
	[smem:$0x3FAD] =	sst s0  }
0x18: {  	s0 =	sld [smem:$0x3F90];
	_ =	swait.ge [sflag:s4], $0x0  }
0x19: {  	s7 =	sld [smem:$0x3F91]  }
0x1a: {  	s8 =	sadd.s32 $0xFFFFE003, lr  }
0x1b: {  	s9 =	sadd.s32 $0xFFFFFEF7, lr;
	s5 =	simm.s32 $0xFFFFFFFF;
	p2 =	slt.u32 s8, $0xFFFFF086  }
0x1c: {  	p1 =	slt.u32 s9, $0xF7A;
	s5 =	simm.s32 @!p2 $0x0  }
0x1d: {  	s5 =	simm.s32 @p1 $0x1;
	p0 =	seq.s32 s7, s2  }
0x1e: {  	s7 =	smul.u32 @!p0 $0xF7A, s2;
	p2 =	seq.s32 @!p0 s5, $0x0  }
0x1f: {  	s9 =	smul.u32 $0xF7A, s1;
	s8 =	simm.s32 @!p0 $0x1BF5;
	p2 =	por !p2, p0  }
0x20: {  	[sflag:s8] =	ssyncset.s32 @!p0 $0xFFFFF086;
	s6 =	sadd.s32 @!p0 s3, s7;
	s7 =	simm.s32 @!p0 $0x108  }
0x21: {  	s3 =	sadd.s32 s3, s9;
	s6 =	sadd.s32 @!p0 $0x88, s6;
	s7 =	simm.s32 @p2 $0x1082  }
0x22: {  	[simem:s7], [sflag:s8] =	dma.local @!p0 [hbm:s6], $0xF7A  }
0x23: {  	s9 =	sor.u32 $0xD0000000, s2;
	s6 =	simm.s32 $0x108;
	_ =	swait.ge @!p0 [sflag:s8], $0x0  }
0x24: {  	s3 =	sadd.s32 $0x88, s3;
	s6 =	simm.s32 @!p1 $0x1082;
	[sflag:s4] =	ssyncset.s32 $0xFFFFF086  }
0x25: {  	[simem:s6], [sflag:s4] =	dma.local [hbm:s3], $0xF7A  }
0x26: {  	[smem:$0x3F91] =	sst s1;
	(tag) =	ssettag s2;
	_ =	strace s9  }
0x27: {  	s1 =	sld [smem:$0x3FA1]  }
0x28: {  	s2 =	sld [smem:$0x3FA2]  }
0x29: {  	s4 =	sld [smem:$0x3FA4]  }
0x2a: {  	p0 =	seq.s32 s5, $0x0;
	s5 =	sld [smem:$0x3FA5]  }
0x2b: {  	s6 =	sld [smem:$0x3FA6]  }
0x2c: {  	s7 =	sld [smem:$0x3FA7]  }
0x2d: {  	s3 =	simm.s32 $0x108;
	s8 =	sld [smem:$0x3FA8]  }
0x2e: {  	s3 =	simm.s32 @!p0 $0x1082;
	s9 =	sld [smem:$0x3FA9]  }
0x2f: {  	lr =	sadd.s32 s0, s3;
	s0 =	sld [smem:$0x3FA0]  }
0x30: {  	s3 =	sld [smem:$0x3FA3]  }
0x31: {  	[smem:$0x3FAC] =	sst s10  }
0x32: {  	s10 =	sld [smem:$0x3FAA];
	_ =	sdelay $0x3  }
0x33: {  	p0 =	seq.s32 s10, $0x1;
	s10 =	sld [smem:$0x3FAC];
	_ =	sdelay $0x3  }
0x34: {  	[smem:$0x3FAC] =	sst s10  }
0x35: {  	s10 =	sld [smem:$0x3FAB];
	_ =	sdelay $0x3  }
0x36: {  	p1 =	seq.s32 s10, $0x1;
	s10 =	sld [smem:$0x3FAC];
	_ =	sdelay $0x3  }
0x37: {  	[smem:$0x3FAC] =	sst s10  }
0x38: {  	s10 =	sld [smem:$0x3FAD]  }
0x39: {  	_ = 	snop;
	(pc) =	sbr.ind lr, $3  }
0x3a: {  	_ = 	snop  }
0x3b: {  	_ = 	snop  }
0x3c: {  	p2 =	seq.s32 s10, $0x1;
	s10 =	sld [smem:$0x3FAC]  }
0x3d: {  	_ =	shalt  }
0x3e: {  	_ =	shalt  }
0x3f: {  	_ =	shalt  }
0x40: {  	_ =	shalt  }
0x41: {  	_ =	shalt  }
0x42: {  	_ =	shalt  }
0x43: {  	_ =	shalt  }
0x44: {  	_ =	shalt  }
0x45: {  	_ =	shalt  }
0x46: {  	_ =	shalt  }
0x47: {  	_ =	shalt  }
0x48: {  	_ =	shalt  }
0x49: {  	_ =	shalt  }
0x4a: {  	_ =	shalt  }
0x4b: {  	_ =	shalt  }
0x4c: {  	_ =	shalt  }
0x4d: {  	_ =	shalt  }
0x4e: {  	_ =	shalt  }
0x4f: {  	_ =	shalt  }
0x50: {  	_ =	shalt  }
0x51: {  	_ =	shalt  }
0x52: {  	_ =	shalt  }
0x53: {  	_ =	shalt  }
0x54: {  	_ =	shalt  }
0x55: {  	_ =	shalt  }
0x56: {  	_ =	shalt  }
0x57: {  	_ =	shalt  }
0x58: {  	_ =	shalt  }
0x59: {  	_ =	shalt  }
0x5a: {  	_ =	shalt  }
0x5b: {  	_ =	shalt  }
0x5c: {  	_ =	shalt  }
0x5d: {  	_ =	shalt  }
0x5e: {  	_ =	shalt  }
0x5f: {  	_ =	shalt  }
0x60: {  	_ =	shalt  }
0x61: {  	_ =	shalt  }
0x62: {  	_ =	shalt  }
0x63: {  	_ =	shalt  }
0x64: {  	_ =	shalt  }
0x65: {  	_ =	shalt  }
0x66: {  	_ =	shalt  }
0x67: {  	_ =	shalt  }
0x68: {  	_ =	shalt  }
0x69: {  	_ =	shalt  }
0x6a: {  	_ =	shalt  }
0x6b: {  	_ =	shalt  }
0x6c: {  	_ =	shalt  }
0x6d: {  	_ =	shalt  }
0x6e: {  	_ =	shalt  }
0x6f: {  	_ =	shalt  }
0x70: {  	_ =	shalt  }
0x71: {  	_ =	shalt  }
0x72: {  	_ =	shalt  }
0x73: {  	_ =	shalt  }
0x74: {  	_ =	shalt  }
0x75: {  	_ =	shalt  }
0x76: {  	_ =	shalt  }
0x77: {  	_ =	shalt  }
0x78: {  	_ =	shalt  }
0x79: {  	_ =	shalt  }
0x7a: {  	_ =	shalt  }
0x7b: {  	_ =	shalt  }
0x7c: {  	_ =	shalt  }
0x7d: {  	_ =	shalt  }
0x7e: {  	_ =	shalt  }
0x7f: {  	_ =	shalt  }
0x80: {  	_ =	shalt  }
0x81: {  	_ =	shalt  }
0x82: {  	_ =	shalt  }
0x83: {  	_ =	shalt  }
0x84: {  	_ =	shalt  }
0x85: {  	_ =	shalt  }
0x86: {  	_ =	shalt  }
0x87: {  	_ =	shalt  }
.Lfunc_end0:
.L_simem_size_0:
called_computation_lowered:
.L_overlay_start_0:
0x88: {  	s2 =	sld [smem:$0x3FD9]  }
0x89: {  	s3 =	sld [smem:$0x3FFE];
	_ =	sdelay $0x1  }
0x8a: {  	s1 =	srdreg.scid  }
0x8b: {  	s0 =	sand.u32 $0x1, s1  }
0x8c: {  	s17 =	sshll.u32 s0, $0xA;
	s2 =	sadd.s32 s3, s2  }
0x8d: {  	s2 =	sadd.s32 s2, s17  }
0x8e: {  	[smem:$0x3FB8] =	sst s2  }
0x8f: {  	_ = 	snop  }
0x90: {  	s2 =	sld [smem:$0x3FC9];
	(tm) =	ssettm $0x1  }
0x91: {  	s18 =	sld [smem:$0x3FFB];
	_ =	sdelay $0x3  }
0x92: {  	_ =	strace s18  }
0x93: {  	s3 =	sld [smem:$0x3FFC];
	_ =	sdelay $0x3  }
0x94: {  	_ =	strace s3  }
0x95: {  	s3 =	sld [smem:$0x3FFD];
	_ =	sdelay $0x3  }
0x96: {  	_ =	strace s3  }
0x97: {  	_ =	strace $0x8FFFFFFF  }
0x98: {  	s19 =	sld [smem:$0x3FDB];
	_ =	sdelay $0x1  }
0x99: {  	s4 =	simm.s32 $_scs_section_size  }
0x9a: {  	s5 =	simm.s32 $_size__tile_overlayer_lowered;
	s6 =	simm.s32 $_tile_overlayer_lowered  }
0x9b: {  	s22 =	simm.s32 $0x1BFF;
	s21 =	sshll.u32 s6, $0x1;
	s3 =	sadd.s32 s4, s19  }
0x9c: {  	s7 =	simm.s32 $0x0;
	s20 =	sshll.u32 s5, $0x1;
	s5 =	sadd.s32 s21, s3  }
0x9d: {  	[timem:s7], [sflag:s22] =	dma.local [hbm:s5], s20  }
0x9e: {  	_ =	swait.ge [sflag:s22], s20  }
0x9f: {  	s4 =	ssub.s32 $0x0, s20;
	[sflag:s22] =	ssyncset.done $0x0  }
0xa0: {  	[sflag:s22] =	ssyncadd.s32 s4;
	_ =	sdelay $0x1  }
0xa1: {  	s23 =	simm.s32 $0x1B8B  }
0xa2: {  	_ =	swait.ge [sflag:s23], $0x1  }
0xa3: {  	[sflag:s23] =	ssyncset.done $0x0  }
0xa4: {  	s25 =	simm.s32 $0x1B8E;
	s24 =	sld [smem:$0x3FFE];
	[sflag:s23] =	ssyncadd.s32 $0xFFFFFFFF  }
0xa5: {  	s26 =	simm.s32 $execute0_lowered;
	[smem:$0x3FD2] =	sst s25  }
0xa6: {  	s5 =	sshll.u32 s26, $0x1;
	_ =	strace $0x80000046;
	[dreg:$0x1] =	wrdreg $0xFFFFFFFF  }
0xa7: {  	s28 =	simm.s32 $_size_execute0_lowered;
	s3 =	sadd.s32 s3, s5;
	[dreg:$0x0] =	wrdreg $0x0  }
0xa8: {  	s5 =	sshll.u32 s28, $0x1;
	[dreg:$0x2] =	wrdreg s3  }
0xa9: {  	[dreg:$0x3] =	wrdreg s5  }
0xaa: {  	[dreg:$0x4] =	wrdreg $0xC0  }
0xab: {  	_ =	task [dreg:s7], $0x5FFFF  }
0xac: {  	[dreg:$0x1] =	wrdreg $0xFFFFFFFF  }
0xad: {  	[dreg:$0x0] =	wrdreg $0x60  }
0xae: {  	[dreg:$0x2] =	wrdreg s2  }
0xaf: {  	[dreg:$0x3] =	wrdreg s24  }
0xb0: {  	[dreg:$0x4] =	wrdreg $0xA7000  }
0xb1: {  	[dreg:$0x5] =	wrdreg $0x1DF800  }
0xb2: {  	[dreg:$0x6] =	wrdreg $0x9  }
0xb3: {  	_ =	task.clear_ibuf [dreg:s7], $0x7FFFF;
	_ =	strace $0x90000046  }
0xb4: {  	s29 =	simm.s32 $0x9;
	_ =	strace $0x80000048  }
0xb5: {  	_ =	swait.ge [sflag:s29], $0x1  }
0xb6: {  	[sflag:s29] =	ssyncadd.s32 $0xFFFFFFFF  }
0xb7: {  	_ =	strace $0x90000048  }
0xb8: {  	_ =	sfence  }
0xb9: {  	s30 =	sld [smem:$0x0];
	_ =	sdelay $0x2  }
0xba: {  	s31 =	sshll.u32 s1, $0xD;
	s1 =	sshrl.u32 s1, $0x2  }
0xbb: {  	s3 =	sand.u32 $0x4000, s31;
	s1 =	sadd.s32 s1, s30  }
0xbc: {  	s0 =	sor.u32 s3, s0;
	s1 =	sshll.u32 s1, $0x11  }
0xbd: {  	s0 =	sor.u32 s1, s0  }
0xbe: {  	s0 =	sadd.s32 $0x8F2B, s0  }
0xbf: {  	[sflag:s0] =	ssyncadd.remote.s32 $0x1  }
0xc0: {  	_ =	sfence.sel $0xFFFF  }
0xc1: {  	[dreg:$0x0] =	wrdreg $0xFFFFFFFF;
	(pc) =	sbr.abs _section_cstart, $3  }
0xc2: {  	[dreg:$0x1] =	wrdreg $0xFFFFFFFF  }
0xc3: {  	_ =	task.clear_ibuf [dreg:s7], $0x2FFFF;
	_ =	strace $0x9FFFFFFF  }
0xc4: {  	(tm) =	ssettm $0x7FFFFFFF  }
0xc5: {  	_ =	shalt  }
tec
execute0_lowered:
.L_overlay_start_1:
0x0: {  	(tag) =	ssettag $0x1  }
0x1: {  	s1 =	rddreg [dreg:$0x0]  }
0x2: {  	s0 =	rddreg [dreg:$0x1];
	s17 =	stileid.u32  }
0x3: {  	s2 =	rddreg [dreg:$0x2];
	s3 =	smul.u32 $0x2800, s17  }
0x4: {  	s4 =	rddreg [dreg:$0x3];
	s9 =	smul.u32 $0x50000, s17  }
0x5: {  	s5 =	simm.s32 $0x0;
	s8 =	srdreg.scid;
	s10 =	smul.u32 $0xA00, s17  }
0x6: {  	s30 =	simm.s32 $0x5;
	s31 =	simm.s32 $0xE;
	s15 =	smul.u32 $0x2710, s17  }
0x7: {  	[smem:$0x7FF] =	sst s5;
	s6 =	sadd.s32 $0xD200, s0;
	s24 =	smul.u32 $0x14000, s17  }
0x8: {  	s7 =	sadd.s32 $0x3400, s0;
	s8 =	sand.u32 $0x1, s8;
	s25 =	smul.u32 $0x280, s17  }
0x9: {  	s11 =	sadd.s32 $0x3EC00, s0;
	s16 =	sadd.s32 $0x3E200, s0;
	s13 =	smul.u32 $0x27100, s8  }
0xa: {  	p0 =	seq.s32 s17, $0xF;
	s17 =	simm.s32 $0x50;
	s21 =	smul.u32 $0x138800, s8  }
0xb: {  	_ =	strace $0x80000047;
	s12 =	ssub.s32 $0x2, s8;
	s8 =	smul.u32 $0x2710, s8  }
0xc: {  	s3 =	sadd.s32 s3, s0;
	s14 =	sshrl.u32 s12, $0x1;
	s9 =	sshrl.u32 s9, $0x2  }
0xd: {  	s18 =	sshrl.u32 s10, $0x2;
	s0 =	sadd.s32 $0x3C800, s0;
	s12 =	ssub.s32 s12, s14  }
0xe: {  	s9 =	sadd.s32 s9, s2;
	s3 =	sadd.s32 $0x17000, s3;
	[dreg:$0x8] =	wrdreg s0  }
0xf: {  	s10 =	sadd.s32 s15, s13;
	s26 =	sadd.s32 s24, s21;
	[dreg:$0x5] =	wrdreg s9  }
0x10: {  	[dreg:$0x6] =	wrdreg s3;
	s3 =	sadd.s32 s18, s4;
	s19 =	sshrl.u32 s10, $0x3  }
0x11: {  	s9 =	sshrl.u32 s21, $0x3;
	[dreg:$0x7] =	wrdreg s3;
	s0 =	sadd.s32 s7, s19  }
0x12: {  	s15 =	sadd.s32 s6, s19;
	s20 =	sadd.s32 $0xA, s19;
	[dreg:$0xc] =	wrdreg s0  }
0x13: {  	s23 =	sadd.s32 $0x14, s19;
	s22 =	sadd.s32 s6, s20;
	[dreg:$0x9] =	wrdreg s15  }
0x14: {  	s21 =	sadd.s32 $0x230, s10;
	s18 =	sadd.s32 s6, s23;
	[dreg:$0xa] =	wrdreg s22  }
0x15: {  	s28 =	sadd.s32 s11, s9;
	s3 =	sadd.s32 s7, s20;
	[dreg:$0xb] =	wrdreg s18  }
0x16: {  	s19 =	sadd.s32 $0x1E0, s10;
	s13 =	sadd.s32 s7, s23;
	[dreg:$0xd] =	wrdreg s3  }
0x17: {  	s0 =	sadd.s32 s25, s4;
	s14 =	sadd.s32 $0x25800, s28;
	[dreg:$0xe] =	wrdreg s13  }
0x18: {  	s20 =	sadd.s32 $0x190, s10;
	s23 =	sshrl.u32 s21, $0x3;
	[dreg:$0x10] =	wrdreg s0  }
0x19: {  	s28 =	sadd.s32 $0x140, s10;
	s3 =	sshrl.u32 s26, $0x3;
	[dreg:$0x12] =	wrdreg s14  }
0x1a: {  	s18 =	smax.u32 s12, $0x1;
	s22 =	sshrl.u32 s20, $0x3;
	s29 =	sadd.s32 s23, s6  }
0x1b: {  	s26 =	sadd.s32 $0x1E, s15;
	[dreg:$0x1b] =	wrdreg s28;
	s12 =	simm.s32 $0x200  }
0x1c: {  	s14 =	simm.s32 $0x280;
	s15 =	simm.s32 $0x300;
	s23 =	simm.s32 $0x4  }
0x1d: {  	s20 =	simm.s32 $0xB;
	s3 =	sadd.s32 s11, s3;
	[dreg:$0x14] =	wrdreg s18  }
0x1e: {  	s11 =	sadd.s32 s25, s8;
	s8 =	sshrl.u32 s8, $0x3;
	[dreg:$0x1a] =	wrdreg s26  }
0x1f: {  	s24 =	sadd.s32 s22, s7;
	s25 =	sadd.s32 $0x12C000, s2;
	[dreg:$0xf] =	wrdreg s3  }
0x20: {  	s18 =	simm.s32 $0x6;
	s13 =	sshrl.u32 s11, $0x3;
	[dreg:$0x16] =	wrdreg s24  }
0x21: {  	[dreg:$0x18] =	wrdreg s25;
	s24 =	sadd.s32 $0x2580, s4;
	s3 =	simm.s32 $0xD  }
0x22: {  	s0 =	sadd.s32 s16, s13;
	s16 =	sadd.s32 s16, s8;
	s13 =	simm.s32 $0x400  }
.Ltmp0:
0x23: {  	[dreg:$0x11] =	wrdreg s0;
	s0 =	sadd.s32 $0x4B0, s16;
	(pc) =	sbr.rel .LBB2_1-.Ltmp0, $4  }
0x24: {  	s8 =	simm.s32 $0x7;
	[dreg:$0x13] =	wrdreg s0;
	s0 =	sshrl.u32 s19, $0x3  }
0x25: {  	[dreg:$0x19] =	wrdreg s24;
	s16 =	simm.s32 $0x1;
	s0 =	sadd.s32 s0, s6  }
0x26: {  	s19 =	simm.s32 $0x0;
	[dreg:$0x15] =	wrdreg s0;
	s0 =	sadd.s32 s22, s6  }
0x27: {  	v0 =	vimm.f32 $0.0e+00;
	v1 =	vimm.f32 $1.000000000e+00;
	s22 =	simm.s32 $0x9;
	[dreg:$0x17] =	wrdreg s0;
	s0 =	simm.s32 $0xA400  }
.LBB2_10:
0x28: {  	[bflag:$0x0] =	sbarrier.arrive $0xFFFF  }
0x29: {  	s11 =	rddreg [dreg:$0x12]  }
0x2a: {  	s9 =	simm.s32 @p0 $0x1FD1;
	s19 =	rddreg [dreg:$0x1f]  }
0x2b: {  	[hbm:s11], [sflag:s9] =	dma.local @p0 [spmem:s19], $0x1900  }
0x2c: {  	s9 =	simm.s32 @p0 $0x11  }
0x2d: {  	_ =	swait.ge @p0 [sflag:s9], $0x1900  }
0x2e: {  	[sflag:s9] =	ssyncset.done @p0 $0x0  }
0x2f: {  	s11 =	simm.s32 @p0 $0xA480;
	s24 =	rddreg [dreg:$0x19];
	[sflag:s9] =	ssyncadd.s32 @p0 $0xFFFFE700  }
0x30: {  	[tilespmem:s11], [sflag:$0x11] =	stream.linear.gather @p0 [spmem:s24], $0x190, $0x38;
	[tilespmem:$0x1E1F8] =	vst v63  }
0x31: {  	_ =	swait.ge @p0 [sflag:s9], $0x190  }
0x32: {  	[sflag:s9] =	ssyncset.done @p0 $0x0  }
0x33: {  	s19 =	simm.s32 @p0 $0x0;
	s21 =	rddreg [dreg:$0x13];
	[sflag:s9] =	ssyncadd.s32 @p0 $0xFFFFFE70  }
0x34: {  	[hbm4b:s21+s19] =	stream.linear.scatter @p0 [tilespmem:s11], [sflag:$0x11], $0x190, $0x38;
	[tilespmem:$0x1E1F8] =	vst v63  }
0x35: {  	_ =	swait.ge @p0 [sflag:s9], $0x190  }
0x36: {  	s11 =	rddreg [dreg:$0x1d]  }
0x37: {  	[sflag:s9] =	ssyncset.done @p0 $0x0;
	s19 =	rddreg [dreg:$0x1e]  }
0x38: {  	[sflag:s9] =	ssyncadd.s32 @p0 $0xFFFFFE70;
	s9 =	rddreg [dreg:$0xf]  }
0x39: {  	[hbm:s9], [sflag:s11] =	dma.local @!p0 [spmem:s19], $0x2800  }
0x3a: {  	s9 =	simm.s32 @!p0 $0x11  }
0x3b: {  	_ =	swait.ge @!p0 [sflag:s9], $0x2800  }
0x3c: {  	[sflag:s9] =	ssyncset.done @!p0 $0x0  }
0x3d: {  	s11 =	simm.s32 @!p0 $0xA480;
	s19 =	rddreg [dreg:$0x10];
	[sflag:s9] =	ssyncadd.s32 @!p0 $0xFFFFD800  }
0x3e: {  	[tilespmem:s11], [sflag:$0x11] =	stream.linear.gather @!p0 [spmem:s19], $0x280, $0x38;
	[tilespmem:$0x1E1F8] =	vst v63  }
0x3f: {  	_ =	swait.ge @!p0 [sflag:s9], $0x280  }
0x40: {  	[sflag:s9] =	ssyncset.done @!p0 $0x0  }
0x41: {  	s19 =	simm.s32 @!p0 $0x0;
	s21 =	rddreg [dreg:$0x11];
	[sflag:s9] =	ssyncadd.s32 @!p0 $0xFFFFFD80  }
0x42: {  	[hbm4b:s21+s19] =	stream.linear.scatter @!p0 [tilespmem:s11], [sflag:$0x11], $0x280, $0x38;
	[tilespmem:$0x1E1F8] =	vst v63  }
0x43: {  	_ =	swait.ge @!p0 [sflag:s9], $0x280  }
0x44: {  	s26 =	rddreg [dreg:$0x1c]  }
0x45: {  	s28 =	rddreg [dreg:$0x14];
	s19 =	sadd.s32 $0x1, s26  }
0x46: {  	p1 =	sne.s32 s19, s28  }
.Ltmp1:
0x47: {  	_ = 	snop;
	(pc) =	sbr.rel @!p1 .LBB2_11-.Ltmp1, $3  }
0x48: {  	_ =	sdelay $0x1  }
0x49: {  	[sflag:s9] =	ssyncset.done @!p0 $0x0  }
0x4a: {  	[sflag:s9] =	ssyncadd.s32 @!p0 $0xFFFFFD80  }
.LBB2_1:
0x4b: {  	[tilespmem:$0xA480] =	vst v0  }
0x4c: {  	[tilespmem:$0xA490] =	vst v0  }
0x4d: {  	[tilespmem:$0xA4A0] =	vst v0  }
0x4e: {  	[tilespmem:$0xA4B0] =	vst v0  }
0x4f: {  	[tilespmem:$0xA4C0] =	vst v0  }
0x50: {  	[tilespmem:$0xA4D0] =	vst v0  }
0x51: {  	[tilespmem:$0xA4E0] =	vst v0  }
0x52: {  	[tilespmem:$0xA4F0] =	vst v0  }
0x53: {  	[tilespmem:$0xA500] =	vst v0  }
0x54: {  	[tilespmem:$0xA510] =	vst v0  }
0x55: {  	[tilespmem:$0xA520] =	vst v0  }
0x56: {  	[tilespmem:$0xA530] =	vst v0  }
0x57: {  	[tilespmem:$0xA540] =	vst v0  }
0x58: {  	[tilespmem:$0xA550] =	vst v0  }
0x59: {  	[tilespmem:$0xA560] =	vst v0  }
0x5a: {  	[tilespmem:$0xA570] =	vst v0  }
0x5b: {  	[tilespmem:$0xA580] =	vst v0  }
0x5c: {  	[tilespmem:$0xA590] =	vst v0  }
0x5d: {  	[tilespmem:$0xA5A0] =	vst v0  }
0x5e: {  	[tilespmem:$0xA5B0] =	vst v0  }
0x5f: {  	[tilespmem:$0xA5C0] =	vst v0  }
0x60: {  	[tilespmem:$0xA5D0] =	vst v0  }
0x61: {  	[tilespmem:$0xA5E0] =	vst v0  }
0x62: {  	[tilespmem:$0xA5F0] =	vst v0  }
0x63: {  	[tilespmem:$0xA600] =	vst v0  }
0x64: {  	[tilespmem:$0xA610] =	vst v0  }
0x65: {  	[tilespmem:$0xA620] =	vst v0  }
0x66: {  	[tilespmem:$0xA630] =	vst v0  }
0x67: {  	[tilespmem:$0xA640] =	vst v0  }
0x68: {  	[tilespmem:$0xA650] =	vst v0  }
0x69: {  	[tilespmem:$0xA660] =	vst v0  }
0x6a: {  	[tilespmem:$0xA670] =	vst v0  }
0x6b: {  	[tilespmem:$0xA680] =	vst v0  }
0x6c: {  	[tilespmem:$0xA690] =	vst v0  }
0x6d: {  	[tilespmem:$0xA6A0] =	vst v0  }
0x6e: {  	[tilespmem:$0xA6B0] =	vst v0  }
0x6f: {  	[tilespmem:$0xA6C0] =	vst v0  }
0x70: {  	[tilespmem:$0xA6D0] =	vst v0  }
0x71: {  	[tilespmem:$0xA6E0] =	vst v0  }
0x72: {  	[tilespmem:$0xA6F0] =	vst v0  }
0x73: {  	[tilespmem:$0xA400] =	vst v1  }
0x74: {  	[dreg:$0x1c] =	wrdreg s19;
	[tilespmem:$0xA410] =	vst v1  }
0x75: {  	[tilespmem:$0xA420] =	vst v1;
	s9 =	rddreg [dreg:$0x18]  }
0x76: {  	[tilespmem:$0xA430] =	vst v1;
	s11 =	rddreg [dreg:$0x8];
	s19 =	sshrl.u32 @p0 s9, $0x3  }
0x77: {  	[tilespmem:$0xA440] =	vst v1;
	s9 =	simm.s32 @p0 $0x1FD1;
	[dreg:$0x1f] =	wrdreg s19  }
0x78: {  	[spmem:s19], [sflag:s9] =	dma.local @p0 [hbm:s11], $0x1900  }
0x79: {  	s9 =	simm.s32 @p0 $0x11  }
0x7a: {  	_ =	swait.ge @p0 [sflag:s9], $0x1900  }
0x7b: {  	[sflag:s9] =	ssyncset.done @p0 $0x0  }
0x7c: {  	s11 =	simm.s32 @p0 $0xA480;
	[sflag:s9] =	ssyncadd.s32 @p0 $0xFFFFE700  }
0x7d: {  	[spmem:s24] =	stream.linear.scatter @p0 [tilespmem:s11], [sflag:$0x11], $0x190, $0x38;
	[tilespmem:$0x1E1F8] =	vst v63  }
0x7e: {  	s11 =	stileid.u32;
	_ =	swait.ge @p0 [sflag:s9], $0x190  }
0x7f: {  	s11 =	sshll.u32 @!p0 s11, $0x6;
	[sflag:s9] =	ssyncset.done @p0 $0x0  }
0x80: {  	s11 =	sor.u32 @!p0 $0x1C11, s11;
	[sflag:s9] =	ssyncadd.s32 @p0 $0xFFFFFE70;
	s9 =	rddreg [dreg:$0x5]  }
0x81: {  	[dreg:$0x1d] =	wrdreg s11  }
0x82: {  	s19 =	sshrl.u32 @!p0 s9, $0x3;
	s9 =	rddreg [dreg:$0x6]  }
0x83: {  	[dreg:$0x1e] =	wrdreg s19  }
0x84: {  	[spmem:s19], [sflag:s11] =	dma.local @!p0 [hbm:s9], $0x2800  }
0x85: {  	s9 =	simm.s32 @!p0 $0x11  }
0x86: {  	_ =	swait.ge @!p0 [sflag:s9], $0x2800  }
0x87: {  	[sflag:s9] =	ssyncset.done @!p0 $0x0  }
0x88: {  	s11 =	simm.s32 @!p0 $0xA480;
	s19 =	rddreg [dreg:$0x7];
	[sflag:s9] =	ssyncadd.s32 @!p0 $0xFFFFD800  }
0x89: {  	[spmem:s19] =	stream.linear.scatter @!p0 [tilespmem:s11], [sflag:$0x11], $0x280, $0x38;
	[tilespmem:$0x1E1F8] =	vst v63  }
0x8a: {  	_ =	swait.ge @!p0 [sflag:s9], $0x280  }
0x8b: {  	[sflag:s9] =	ssyncset.done @!p0 $0x0  }
0x8c: {  	[sflag:s9] =	ssyncadd.s32 @!p0 $0xFFFFFD80  }
0x8d: {  	[bflag:$0x0] =	sbarrier.arrive $0xFFFF  }
0x8e: {  	s21 =	rddreg [dreg:$0x9]  }
0x8f: {  	[tilespmem:s5], [sflag:$0x1] =	stream.linear.gather [hbm4b:s21+s5], $0x50, $0x38;
	[tilespmem:$0x1E1F8] =	vst v63  }
0x90: {  	s11 =	simm.s32 $0x80;
	s24 =	rddreg [dreg:$0xa]  }
0x91: {  	[tilespmem:s11], [sflag:$0x2] =	stream.linear.gather [hbm4b:s24+s5], $0x50, $0x38;
	[tilespmem:$0x1E1F8] =	vst v63  }
0x92: {  	s19 =	simm.s32 $0x100;
	s25 =	rddreg [dreg:$0xb]  }
0x93: {  	[tilespmem:s19], [sflag:$0x3] =	stream.linear.gather [hbm4b:s25+s5], $0x50, $0x38;
	[tilespmem:$0x1E1F8] =	vst v63  }
0x94: {  	s26 =	rddreg [dreg:$0x1a];
	s21 =	simm.s32 $0x180  }
0x95: {  	[tilespmem:s21], [sflag:$0x4] =	stream.linear.gather [hbm4b:s26+s5], $0x50, $0x38;
	[tilespmem:$0x1E1F8] =	vst v63  }
0x96: {  	s24 =	rddreg [dreg:$0xc]  }
0x97: {  	[tilespmem:s12], [sflag:$0x5] =	stream.linear.gather [hbm4b:s24+s5], $0x50, $0x38;
	[tilespmem:$0x1E1F8] =	vst v63  }
0x98: {  	s25 =	rddreg [dreg:$0xd]  }
0x99: {  	[tilespmem:s14], [sflag:$0x6] =	stream.linear.gather [hbm4b:s25+s5], $0x50, $0x38;
	[tilespmem:$0x1E1F8] =	vst v63  }
0x9a: {  	s26 =	rddreg [dreg:$0xe]  }
0x9b: {  	[tilespmem:s15], [sflag:$0x7] =	stream.linear.gather [hbm4b:s26+s5], $0x50, $0x38;
	[tilespmem:$0x1E1F8] =	vst v63  }
0x9c: {  	_ =	swait.ge [sflag:s16], $0x50  }
0x9d: {  	[sflag:s16] =	ssyncset.done $0x0  }
0x9e: {  	s21 =	simm.s32 $0x2;
	[sflag:s16] =	ssyncadd.s32 $0xFFFFFFB0  }
0x9f: {  	[tilespmem:s13], [sflag:$0x9] =	stream.indirect.gather [hbm4b:s1+s17], $0x80, s5, s17, $0xb8;
	[tilespmem:$0x1E1F8] =	vst v63  }
0xa0: {  	_ =	swait.ge [sflag:s21], $0x50  }
0xa1: {  	[sflag:s21] =	ssyncset.done $0x0  }
0xa2: {  	s24 =	simm.s32 $0x2C00;
	s25 =	simm.s32 $0x3;
	[sflag:s21] =	ssyncadd.s32 $0xFFFFFFB0  }
0xa3: {  	[tilespmem:s24], [sflag:$0xA] =	stream.indirect.gather [hbm4b:s1+s17], $0x80, s11, s17, $0xb8;
	[tilespmem:$0x1E1F8] =	vst v63  }
.Ltmp2:
0xa4: {  	_ =	swait.ge [sflag:s25], $0x50;
	(pc) =	sbr.rel .LBB2_2-.Ltmp2, $4  }
0xa5: {  	[sflag:s25] =	ssyncset.done $0x0  }
0xa6: {  	s28 =	simm.s32 $0x0;
	s26 =	simm.s32 $0x5400;
	[sflag:s25] =	ssyncadd.s32 $0xFFFFFFB0  }
0xa7: {  	[tilespmem:s26], [sflag:$0xB] =	stream.indirect.gather [hbm4b:s1+s17], $0x80, s19, s17, $0xb8;
	[tilespmem:$0x1E1F8] =	vst v63  }
0xa8: {  	s24 =	simm.s32 $0x0;
	s21 =	rddreg [dreg:$0x1b];
	s19 =	simm.s32 $0x6  }
.LBB2_12:
0xa9: {  	s11 =	sshll.u32 s24, $0x2  }
0xaa: {  	p2 =	por $0x0, $0x0;
	s11 =	sadd.s32 $0x6, s11  }
.LBB2_9:
0xab: {  	s25 =	simm.s32 @p1 $0xC  }
0xac: {  	_ =	swait.ge @p1 [sflag:s25], $0x2800  }
0xad: {  	p3 =	sgt.u32 s9, $0x7D;
	[sflag:s25] =	ssyncset.done @p1 $0x0  }
0xae: {  	s9 =	simm.s32 @!p3 $0xF;
	[sflag:s25] =	ssyncadd.s32 @p1 $0xFFFFD800  }
0xaf: {  	_ =	swait.ge @!p3 [sflag:s9], $0x2800  }
0xb0: {  	[sflag:s9] =	ssyncset.done @!p3 $0x0  }
0xb1: {  	[sflag:s9] =	ssyncadd.s32 @!p3 $0xFFFFD800  }
0xb2: {  	_ =	swait.ge @!p3 [sflag:s9], $0x50  }
0xb3: {  	[sflag:s9] =	ssyncset.done @!p3 $0x0  }
0xb4: {  	[sflag:s9] =	ssyncadd.s32 @!p3 $0xFFFFFFB0;
	s9 =	simm.s32 @p2 $0x3  }
0xb5: {  	_ =	swait.ge @p2 [sflag:s9], $0x50  }
0xb6: {  	s26 =	simm.s32 @p2 $0x5400;
	s11 =	smul.u32 @p2 $0x50, s11;
	[sflag:s9] =	ssyncset.done @p2 $0x0  }
0xb7: {  	s25 =	simm.s32 @p2 $0x100;
	[sflag:s9] =	ssyncadd.s32 @p2 $0xFFFFFFB0;
	s9 =	simm.s32 @p2 $0x50  }
0xb8: {  	[tilespmem:s26], [sflag:$0xB] =	stream.indirect.gather @p2 [hbm4b:s1+s9], $0x80, s25, s9, $0xb8;
	[tilespmem:$0x1E1F8] =	vst v63  }
0xb9: {  	s9 =	sadd.s32 @p2 s10, s11  }
0xba: {  	s9 =	sshrl.u32 @p2 s9, $0x3  }
0xbb: {  	s11 =	simm.s32 @p2 $0x0;
	s25 =	simm.s32 @p2 $0x300;
	s9 =	sadd.s32 @p2 s7, s9  }
0xbc: {  	[tilespmem:s25], [sflag:$0x7] =	stream.linear.gather @p2 [hbm4b:s9+s11], $0x50, $0x38;
	[tilespmem:$0x1E1F8] =	vst v63  }
0xbd: {  	s9 =	sadd.s32 @p2 s28, s29;
	s25 =	simm.s32 @p2 $0x180  }
0xbe: {  	[tilespmem:s25], [sflag:$0x4] =	stream.linear.gather @p2 [hbm4b:s9+s11], $0x50, $0x38;
	[tilespmem:$0x1E1F8] =	vst v63  }
0xbf: {  	s9 =	simm.s32 @p1 $0x8  }
0xc0: {  	_ =	swait.ge @p1 [sflag:s9], $0x50  }
0xc1: {  	s11 =	simm.s32 @p1 $0x380;
	[sflag:s9] =	ssyncset.done @p1 $0x0  }
0xc2: {  	s25 =	simm.s32 @p1 $0x7C00;
	[sflag:s9] =	ssyncadd.s32 @p1 $0xFFFFFFB0;
	s9 =	simm.s32 @p1 $0x50  }
0xc3: {  	[spmem:s2] =	stream.indirect.scatter.add.f32 @p1 [tilespmem:s25], [sflag:$0x10], $0x80, s11, s9, $0xb8;
	[tilespmem:$0x1E1F8] =	vst v63  }
0xc4: {  	s28 =	sadd.s32 $0x28, s28;
	s25 =	simm.s32 @p1 $0xA400  }
0xc5: {  	[spmem:s4] =	stream.indirect.scatter.add.f32 @p1 [tilespmem:s25], [sflag:$0x10], $0x1, s11, s9, $0xb8;
	[tilespmem:$0x1E1F8] =	vst v63  }
0xc6: {  	p1 =	sne.s32 s28, $0x500  }
.Ltmp3:
0xc7: {  	_ = 	snop;
	(pc) =	sbr.rel @!p1 .LBB2_10-.Ltmp3, $2  }
0xc8: {  	_ =	sdelay $0x2  }
0xc9: {  	s24 =	sadd.s32 $0x1, s24;
	s19 =	sadd.s32 $0x4, s19;
	s21 =	sadd.s32 $0x140, s21  }
.LBB2_2:
0xca: {  	s9 =	sadd.s32 $0xFFFFFFF9, s19  }
0xcb: {  	_ =	swait.ge [sflag:s22], $0x2800;
	p2 =	sgt.u32 s9, $0x7C  }
0xcc: {  	[sflag:s22] =	ssyncset.done $0x0;
	s9 =	sadd.s32 @!p2 $0xFFFFFFFD, s19  }
0xcd: {  	[sflag:s22] =	ssyncadd.s32 $0xFFFFD800;
	s11 =	simm.s32 @!p2 $0x10;
	p1 =	sgt.u32 @!p2 s9, $0x7C  }
0xce: {  	_ =	swait.ge @!p2 [sflag:s11], $0x2800;
	p3 =	por p2, !p1  }
.Ltmp4:
0xcf: {  	[sflag:s11] =	ssyncset.done @!p2 $0x0;
	(pc) =	sbr.rel @!p3 .LBB2_4-.Ltmp4, $4  }
0xd0: {  	[sflag:s11] =	ssyncadd.s32 @!p2 $0xFFFFD800  }
0xd1: {  	_ =	swait.ge @!p2 [sflag:s11], $0x50  }
0xd2: {  	[sflag:s11] =	ssyncset.done @!p2 $0x0  }
0xd3: {  	p1 =	por @!p2 $0x0, $0x0;
	[sflag:s11] =	ssyncadd.s32 @!p2 $0xFFFFFFB0  }
0xd4: {  	_ =	swait.ge [sflag:s23], $0x50  }
0xd5: {  	s9 =	simm.s32 @p2 $0x3;
	s25 =	simm.s32 $0x180;
	[sflag:s23] =	ssyncset.done $0x0  }
0xd6: {  	s26 =	simm.s32 $0x7C00;
	s11 =	smul.u32 $0x50, s9;
	[sflag:s23] =	ssyncadd.s32 $0xFFFFFFB0  }
0xd7: {  	[tilespmem:s26], [sflag:$0xC] =	stream.indirect.gather [hbm4b:s1+s17], $0x80, s25, s17, $0xb8;
	[tilespmem:$0x1E1F8] =	vst v63  }
0xd8: {  	s11 =	sadd.s32 s10, s11  }
0xd9: {  	s11 =	sshrl.u32 s11, $0x3  }
0xda: {  	p1 =	por $0x1, $0x1;
	s26 =	simm.s32 $0x380;
	s11 =	sadd.s32 s7, s11  }
0xdb: {  	[tilespmem:s26], [sflag:$0x8] =	stream.linear.gather [hbm4b:s11+s5], $0x50, $0x38;
	[tilespmem:$0x1E1F8] =	vst v63  }
.LBB2_4:
0xdc: {  	p2 =	seq.s32 s28, $0x4D8  }
0xdd: {  	s11 =	sshrl.u32 @!p2 s21, $0x3  }
0xde: {  	s25 =	simm.s32 @!p2 $0x0;
	s11 =	sadd.s32 @!p2 s6, s11  }
0xdf: {  	[tilespmem:s25], [sflag:$0x1] =	stream.linear.gather @!p2 [hbm4b:s11+s25], $0x50, $0x38;
	[tilespmem:$0x1E1F8] =	vst v63  }
0xe0: {  	_ =	swait.ge [sflag:s30], $0x50  }
0xe1: {  	[sflag:s30] =	ssyncset.done $0x0  }
0xe2: {  	p3 =	sgt.u32 s24, $0x1E;
	[sflag:s30] =	ssyncadd.s32 $0xFFFFFFB0  }
0xe3: {  	[spmem:s2] =	stream.indirect.scatter.add.f32 [tilespmem:s13], [sflag:$0xD], $0x80, s12, s17, $0xb8;
	[tilespmem:$0x1E1F8] =	vst v63  }
0xe4: {  	s11 =	simm.s32 @!p3 $0xA  }
0xe5: {  	[spmem:s4] =	stream.indirect.scatter.add.f32 [tilespmem:s0], [sflag:$0xD], $0x1, s12, s17, $0xb8;
	[tilespmem:$0x1E1F8] =	vst v63  }
0xe6: {  	_ =	swait.ge @!p3 [sflag:s11], $0x2800  }
0xe7: {  	[sflag:s11] =	ssyncset.done @!p3 $0x0  }
0xe8: {  	[sflag:s11] =	ssyncadd.s32 @!p3 $0xFFFFD800  }
0xe9: {  	_ =	swait.ge [sflag:s3], $0x2800  }
.Ltmp5:
0xea: {  	[sflag:s3] =	ssyncset.done $0x0;
	(pc) =	sbr.rel @p2 .LBB2_12-.Ltmp5, $4  }
0xeb: {  	[sflag:s3] =	ssyncadd.s32 $0xFFFFD800  }
0xec: {  	_ =	swait.ge [sflag:s3], $0x50  }
0xed: {  	[sflag:s3] =	ssyncset.done $0x0  }
0xee: {  	[sflag:s3] =	ssyncadd.s32 $0xFFFFFFB0  }
0xef: {  	_ =	swait.ge [sflag:s16], $0x50;
	p2 =	sgt.u32 s24, $0x1D  }
.Ltmp6:
0xf0: {  	[sflag:s16] =	ssyncset.done $0x0;
	(pc) =	sbr.rel @p2 .LBB2_7-.Ltmp6, $4  }
0xf1: {  	s11 =	sshrl.u32 s21, $0x3;
	[sflag:s16] =	ssyncadd.s32 $0xFFFFFFB0  }
0xf2: {  	[tilespmem:s13], [sflag:$0x9] =	stream.indirect.gather [hbm4b:s1+s17], $0x80, s5, s17, $0xb8;
	[tilespmem:$0x1E1F8] =	vst v63  }
0xf3: {  	s11 =	sadd.s32 s7, s11  }
0xf4: {  	[tilespmem:s12], [sflag:$0x5] =	stream.linear.gather [hbm4b:s11+s5], $0x50, $0x38;
	[tilespmem:$0x1E1F8] =	vst v63  }
.Ltmp7:
0xf5: {  	(pc) =	sbr.rel .LBB2_8-.Ltmp7, $4  }
0xf6: {  	_ = 	snop  }
0xf7: {  	s11 =	rddreg [dreg:$0x17]  }
0xf8: {  	s25 =	simm.s32 $0x80;
	s11 =	sadd.s32 s28, s11  }
0xf9: {  	[tilespmem:s25], [sflag:$0x2] =	stream.linear.gather [hbm4b:s11+s5], $0x50, $0x38;
	[tilespmem:$0x1E1F8] =	vst v63  }
.LBB2_7:
.Ltmp8:
0xfa: {  	(pc) =	sbr.rel @p3 .LBB2_12-.Ltmp8, $1  }
0xfb: {  	_ =	sdelay $0x3  }
.LBB2_8:
0xfc: {  	_ =	swait.ge [sflag:s18], $0x50  }
0xfd: {  	[sflag:s18] =	ssyncset.done $0x0  }
0xfe: {  	s11 =	simm.s32 $0x2C00;
	[sflag:s18] =	ssyncadd.s32 $0xFFFFFFB0  }
0xff: {  	[spmem:s2] =	stream.indirect.scatter.add.f32 [tilespmem:s11], [sflag:$0xE], $0x80, s14, s17, $0xb8;
	[tilespmem:$0x1E1F8] =	vst v63  }
0x100: {  	_ = 	snop  }
0x101: {  	[spmem:s4] =	stream.indirect.scatter.add.f32 [tilespmem:s0], [sflag:$0xE], $0x1, s14, s17, $0xb8;
	[tilespmem:$0x1E1F8] =	vst v63  }
0x102: {  	_ =	swait.ge [sflag:s20], $0x2800  }
0x103: {  	[sflag:s20] =	ssyncset.done $0x0  }
0x104: {  	[sflag:s20] =	ssyncadd.s32 $0xFFFFD800  }
0x105: {  	_ =	swait.ge [sflag:s31], $0x2800  }
0x106: {  	[sflag:s31] =	ssyncset.done $0x0  }
0x107: {  	[sflag:s31] =	ssyncadd.s32 $0xFFFFD800  }
0x108: {  	_ =	swait.ge [sflag:s31], $0x50  }
0x109: {  	[sflag:s31] =	ssyncset.done $0x0  }
0x10a: {  	s11 =	simm.s32 @!p2 $0x2;
	[sflag:s31] =	ssyncadd.s32 $0xFFFFFFB0  }
0x10b: {  	_ =	swait.ge @!p2 [sflag:s11], $0x50  }
0x10c: {  	s25 =	simm.s32 @!p2 $0x80;
	[sflag:s11] =	ssyncset.done @!p2 $0x0  }
0x10d: {  	s26 =	simm.s32 @!p2 $0x2C00;
	[sflag:s11] =	ssyncadd.s32 @!p2 $0xFFFFFFB0;
	s11 =	simm.s32 @!p2 $0x50  }
0x10e: {  	[tilespmem:s26], [sflag:$0xA] =	stream.indirect.gather @!p2 [hbm4b:s1+s11], $0x80, s25, s11, $0xb8;
	[tilespmem:$0x1E1F8] =	vst v63  }
0x10f: {  	s11 =	rddreg [dreg:$0x16]  }
0x110: {  	s25 =	simm.s32 @!p2 $0x0;
	s26 =	simm.s32 @!p2 $0x280;
	s11 =	sadd.s32 @!p2 s28, s11  }
0x111: {  	[tilespmem:s26], [sflag:$0x6] =	stream.linear.gather @!p2 [hbm4b:s11+s25], $0x50, $0x38;
	[tilespmem:$0x1E1F8] =	vst v63  }
0x112: {  	s11 =	rddreg [dreg:$0x15]  }
0x113: {  	s26 =	simm.s32 @!p2 $0x100;
	s11 =	sadd.s32 @!p2 s28, s11  }
0x114: {  	[tilespmem:s26], [sflag:$0x3] =	stream.linear.gather @!p2 [hbm4b:s11+s25], $0x50, $0x38;
	[tilespmem:$0x1E1F8] =	vst v63  }
0x115: {  	_ =	swait.ge [sflag:s8], $0x50  }
.Ltmp9:
0x116: {  	[sflag:s8] =	ssyncset.done $0x0;
	(pc) =	sbr.rel .LBB2_9-.Ltmp9, $4  }
0x117: {  	s26 =	simm.s32 $0x5400;
	[sflag:s8] =	ssyncadd.s32 $0xFFFFFFB0  }
0x118: {  	[spmem:s2] =	stream.indirect.scatter.add.f32 [tilespmem:s26], [sflag:$0xF], $0x80, s15, s17, $0xb8;
	[tilespmem:$0x1E1F8] =	vst v63  }
0x119: {  	p2 =	slt.u32 s24, $0x1E;
	s11 =	smov.u32 s19  }
0x11a: {  	[spmem:s4] =	stream.indirect.scatter.add.f32 [tilespmem:s0], [sflag:$0xF], $0x1, s15, s17, $0xb8;
	[tilespmem:$0x1E1F8] =	vst v63  }
.LBB2_11:
0x11b: {  	_ =	sfence.sel $0x180000  }
0x11c: {  	[bflag:$0x0] =	sbarrier.arrive $0xFFFF  }
0x11d: {  	_ =	strace $0x90000047  }
0x11e: {  	s0 =	stileid.u32;
	[bflag:$0x2] =	sbarrier.arrive $0xFFFF  }
0x11f: {  	p0 =	sne.s32 s0, $0x0;
	s0 =	rddreg [dreg:$0x4]  }
0x120: {  	s0 =	sadd.s32 @!p0 $0x100000, s0  }
0x121: {  	[sflag:s0] =	ssyncadd.tile.s32 @!p0 $0x1;
	_ =	shalt  }
.Lfunc_end2:
_tile_overlayer_lowered:
.L_overlay_start_2:
0x122: {  	(tag) =	ssettag $0x2  }
0x123: {  	s0 =	rddreg [dreg:$0x0];
	s2 =	stileid.u32  }
0x124: {  	s1 =	rddreg [dreg:$0x1];
	p0 =	sne.s32 s2, $0x0  }
0x125: {  	s3 =	rddreg [dreg:$0x2];
	[bflag:$0x3] =	sbarrier.arrive $0xFFFF;
	s2 =	simm.s32 @!p0 $0x1C11  }
0x126: {  	[timem:s3], [sflag:s2] =	dma.local @!p0 [hbm:s0], s1  }
0x127: {  	s0 =	simm.s32 @!p0 $0x11  }
0x128: {  	_ =	swait.ge @!p0 [sflag:s0], s1  }
0x129: {  	s1 =	ssub.s32 @!p0 $0x0, s1;
	[sflag:s0] =	ssyncset.done @!p0 $0x0  }
0x12a: {  	[sflag:s0] =	ssyncadd.s32 @!p0 s1  }
0x12b: {  	[bflag:$0x3] =	sbarrier.arrive $0xFFFF  }
0x12c: {  	_ =	shalt  }

</sc_bundles>
